<compile_context>
chip_gen: v7x
topology: tpu7x:2x2x1
jax: 0.10.2.dev20260603
libtpu: 0.0.44.dev20260713+nightly
codegen_flags: <defaults>
</compile_context>

<pallas_src>
import functools

import jax
import jax.numpy as jnp
from jax import lax
from jax.experimental import pallas as pl
from jax.experimental.pallas import tpu as pltpu
from jax.experimental.pallas import tpu_sc as plsc

ALPHA = 0.25
GAMMA = 2.0
COST_CLASS = 2.0
COST_BBOX = 5.0
COST_GIOU = 2.0
COST_DENSITY = 1.0

_NUM_WORKERS = 32
_QPAD = 960
_QPW = 240
_LANES = 16


def _sc_density_sample(cx_hbm, cy_hbm, dm_hbm, out_hbm,
                       cxv, cyv, idxv, valsv, sampv, sem):
    H = 256
    W = 256
    wid = lax.axis_index("s") * 2 + lax.axis_index("c")
    img = wid // 4
    qbase = wid * _QPW
    pltpu.sync_copy(cx_hbm.at[pl.ds(qbase, _QPW)], cxv)
    pltpu.sync_copy(cy_hbm.at[pl.ds(qbase, _QPW)], cyv)

    img_base = img * (H * W)

    for j in range(_QPW // _LANES):
        cx = cxv[pl.ds(j * _LANES, _LANES)]
        cy = cyv[pl.ds(j * _LANES, _LANES)]
        ix = (((cx * 2.0 - 1.0) + 1.0) * W - 1.0) / 2.0
        iy = (((cy * 2.0 - 1.0) + 1.0) * H - 1.0) / 2.0
        xt = ix.astype(jnp.int32)
        yt = iy.astype(jnp.int32)
        x0 = jnp.where(ix < xt.astype(jnp.float32), xt - 1, xt)
        y0 = jnp.where(iy < yt.astype(jnp.float32), yt - 1, yt)
        x0c = jnp.clip(x0, 0, W - 1)
        x1c = jnp.clip(x0 + 1, 0, W - 1)
        y0c = jnp.clip(y0, 0, H - 1)
        y1c = jnp.clip(y0 + 1, 0, H - 1)
        r0 = img_base + y0c * W
        r1 = img_base + y1c * W
        idxv[pl.ds(0 * _QPW + j * _LANES, _LANES)] = r0 + x0c
        idxv[pl.ds(1 * _QPW + j * _LANES, _LANES)] = r0 + x1c
        idxv[pl.ds(2 * _QPW + j * _LANES, _LANES)] = r1 + x0c
        idxv[pl.ds(3 * _QPW + j * _LANES, _LANES)] = r1 + x1c

    pltpu.async_copy(dm_hbm.at[idxv], valsv, sem).wait()

    for j in range(_QPW // _LANES):
        cx = cxv[pl.ds(j * _LANES, _LANES)]
        cy = cyv[pl.ds(j * _LANES, _LANES)]
        ix = (((cx * 2.0 - 1.0) + 1.0) * W - 1.0) / 2.0
        iy = (((cy * 2.0 - 1.0) + 1.0) * H - 1.0) / 2.0
        xt = ix.astype(jnp.int32)
        yt = iy.astype(jnp.int32)
        x0i = jnp.where(ix < xt.astype(jnp.float32), xt - 1, xt)
        y0i = jnp.where(iy < yt.astype(jnp.float32), yt - 1, yt)
        x0f = x0i.astype(jnp.float32)
        y0f = y0i.astype(jnp.float32)
        wx1 = ix - x0f
        wx0 = 1.0 - wx1
        wy1 = iy - y0f
        wy0 = 1.0 - wy1
        vx0 = x0i >= 0
        vx1 = x0i + 1 <= W - 1
        vy0 = y0i >= 0
        vy1 = y0i + 1 <= H - 1
        zero = jnp.zeros((_LANES,), jnp.float32)
        v00 = jnp.where(vx0 & vy0,
                        valsv[pl.ds(0 * _QPW + j * _LANES, _LANES)], zero)
        v01 = jnp.where(vx1 & vy0,
                        valsv[pl.ds(1 * _QPW + j * _LANES, _LANES)], zero)
        v10 = jnp.where(vx0 & vy1,
                        valsv[pl.ds(2 * _QPW + j * _LANES, _LANES)], zero)
        v11 = jnp.where(vx1 & vy1,
                        valsv[pl.ds(3 * _QPW + j * _LANES, _LANES)], zero)
        sampv[pl.ds(j * _LANES, _LANES)] = (v00 * wx0 * wy0 + v01 * wx1 * wy0
                                            + v10 * wx0 * wy1
                                            + v11 * wx1 * wy1)

    pltpu.sync_copy(sampv, out_hbm.at[pl.ds(qbase, _QPW)])


def _density_sample_sc(pred_boxes, density_map):
    B, Q, _ = pred_boxes.shape
    H, W = density_map.shape[2], density_map.shape[3]
    centers = jnp.pad(pred_boxes[:, :, :2], ((0, 0), (0, _QPAD - Q), (0, 0)),
                      constant_values=0.5)
    cx_flat = centers[:, :, 0].reshape(B * _QPAD)
    cy_flat = centers[:, :, 1].reshape(B * _QPAD)
    dm_flat = density_map.reshape(B * H * W)

    mesh = plsc.VectorSubcoreMesh(core_axis_name="c", subcore_axis_name="s")
    run = functools.partial(
        pl.kernel, mesh=mesh,
        out_type=jax.ShapeDtypeStruct((B * _QPAD,), jnp.float32),
        scratch_types=[
            pltpu.VMEM((_QPW,), jnp.float32),
            pltpu.VMEM((_QPW,), jnp.float32),
            pltpu.VMEM((_QPW * 4,), jnp.int32),
            pltpu.VMEM((_QPW * 4,), jnp.float32),
            pltpu.VMEM((_QPW,), jnp.float32),
            pltpu.SemaphoreType.DMA,
        ],
    )(_sc_density_sample)
    out = run(cx_flat, cy_flat, dm_flat)
    return out.reshape(B, _QPAD, 1)


def _matcher_body(logits_ref, pb_ref, lab_ref, tbT_ref, dm_ref, samp_ref,
                  match_ref, c_ref):
    b = pl.program_id(0)
    Q, NC = logits_ref.shape[1], logits_ref.shape[2]
    G = lab_ref.shape[1]

    logits = logits_ref[0]
    p = jax.nn.sigmoid(logits)
    one_m_p = 1.0 - p
    pos = ALPHA * (one_m_p * one_m_p) * (-jnp.log(p + 1e-08))
    neg = (1.0 - ALPHA) * (p * p) * (-jnp.log(1.0 - p + 1e-08))
    diff = pos - neg
    class_iota = jax.lax.broadcasted_iota(jnp.int32, (NC, G), 0)
    onehot = (class_iota == lab_ref[...]).astype(jnp.float32)
    c_class = jnp.dot(diff, onehot, preferred_element_type=jnp.float32,
                      precision=jax.lax.Precision.HIGHEST)

    pb = pb_ref[0]
    cx, cy = pb[:, 0:1], pb[:, 1:2]
    w, h = pb[:, 2:3], pb[:, 3:4]
    t_cx, t_cy = tbT_ref[0, 0:1, :], tbT_ref[0, 1:2, :]
    t_w, t_h = tbT_ref[0, 2:3, :], tbT_ref[0, 3:4, :]
    c_bbox = (jnp.abs(cx - t_cx) + jnp.abs(cy - t_cy)
              + jnp.abs(w - t_w) + jnp.abs(h - t_h))

    x0, y0 = cx - 0.5 * w, cy - 0.5 * h
    x1, y1 = cx + 0.5 * w, cy + 0.5 * h
    tx0, ty0 = t_cx - 0.5 * t_w, t_cy - 0.5 * t_h
    tx1, ty1 = t_cx + 0.5 * t_w, t_cy + 0.5 * t_h
    area1 = (x1 - x0) * (y1 - y0)
    area2 = (tx1 - tx0) * (ty1 - ty0)
    iw = jnp.clip(jnp.minimum(x1, tx1) - jnp.maximum(x0, tx0), 0.0)
    ih = jnp.clip(jnp.minimum(y1, ty1) - jnp.maximum(y0, ty0), 0.0)
    inter = iw * ih
    union = area1 + area2 - inter
    iou = inter / union
    ew = jnp.clip(jnp.maximum(x1, tx1) - jnp.minimum(x0, tx0), 0.0)
    eh = jnp.clip(jnp.maximum(y1, ty1) - jnp.minimum(y0, ty0), 0.0)
    earea = ew * eh
    c_giou = -(iou - (earea - union) / earea)

    denom = jnp.max(dm_ref[0]) + 1e-06
    sampled = samp_ref[0][0:Q, :] / denom

    C = (COST_BBOX * c_bbox + COST_CLASS * c_class
         + COST_GIOU * c_giou + COST_DENSITY * (-sampled))

    areas = tbT_ref[b, 2:3, :] * tbT_ref[b, 3:4, :]
    kvec = jnp.where(areas < 0.005, 6, 2)
    q_iota = jax.lax.broadcasted_iota(jnp.int32, (Q, G), 0)
    Cw = C
    mm = jnp.zeros((Q, G), dtype=jnp.float32)
    for s in range(6):
        mval = jnp.min(Cw, axis=0, keepdims=True)
        idx = jnp.min(jnp.where(Cw == mval, q_iota, Q), axis=0,
                      keepdims=True)
        sel = q_iota == idx
        mm = jnp.maximum(mm, jnp.where(jnp.logical_and(sel, s < kvec),
                                       1.0, 0.0))
        Cw = jnp.where(sel, jnp.inf, Cw)

    nmatch = jnp.sum(mm, axis=1, keepdims=True)
    conflict = nmatch > 1.5
    matched = mm > 0.5
    masked_C = jnp.where(matched, C, jnp.inf)
    mrow = jnp.min(masked_C, axis=1, keepdims=True)
    g_iota = jax.lax.broadcasted_iota(jnp.int32, (Q, G), 1)
    bidx = jnp.min(jnp.where(masked_C == mrow, g_iota, G), axis=1,
                   keepdims=True)
    mm = jnp.where(conflict, jnp.where(g_iota == bidx, 1.0, 0.0), mm)

    match_ref[0] = mm.astype(jnp.int8)
    c_ref[0] = C


@jax.jit
def kernel(pred_logits, pred_boxes, tgt_labels, tgt_boxes, density_map):
    B, Q, NC = pred_logits.shape
    G = tgt_labels.shape[1]
    H, W = density_map.shape[2], density_map.shape[3]

    labels0 = tgt_labels[0].reshape(1, G).astype(jnp.int32)
    tbT = tgt_boxes.transpose(0, 2, 1)
    dm = density_map.reshape(B, H, W)

    sampled = _density_sample_sc(pred_boxes, density_map)

    matching, c_all = pl.pallas_call(
        _matcher_body,
        grid=(B,),
        in_specs=[
            pl.BlockSpec((1, Q, NC), lambda b: (b, 0, 0)),
            pl.BlockSpec((1, Q, 4), lambda b: (b, 0, 0)),
            pl.BlockSpec((1, G), lambda b: (0, 0)),
            pl.BlockSpec((B, 4, G), lambda b: (0, 0, 0)),
            pl.BlockSpec((1, H, W), lambda b: (b, 0, 0)),
            pl.BlockSpec((1, _QPAD, 1), lambda b: (b, 0, 0)),
        ],
        out_specs=[
            pl.BlockSpec((1, Q, G), lambda b: (b, 0, 0)),
            pl.BlockSpec((1, Q, G), lambda b: (b, 0, 0)),
        ],
        out_shape=[
            jax.ShapeDtypeStruct((B, Q, G), jnp.int8),
            jax.ShapeDtypeStruct((B, Q, G), jnp.float32),
        ],
        compiler_params=pltpu.CompilerParams(
            dimension_semantics=("parallel",),
        ),
    )(pred_logits, pred_boxes, labels0, tbT, dm, sampled)
    return matching.astype(jnp.bool_), c_all

# --- scband reference (transcript-rebuilt; emitter-appended) ---
"""Pipeline reference for scband-density-guided-matcher-48610439856555 (READ-ONLY COPY).

The authoritative reference and input builder live on the scoring server;
editing this copy changes nothing except your own understanding.
"""

import jax, jax.numpy as jnp
import numpy as np

ALPHA = 0.25
GAMMA = 2.0
COST_CLASS = 2.0
COST_BBOX = 5.0
COST_GIOU = 2.0
COST_DENSITY = 1.0


def box_cxcywh_to_xyxy(b):
    cx, cy, w, h = b[..., 0], b[..., 1], b[..., 2], b[..., 3]
    return jnp.stack([cx - 0.5 * w, cy - 0.5 * h, cx + 0.5 * w, cy + 0.5 * h], axis=-1)


def generalized_box_iou(boxes1, boxes2):
    area1 = (boxes1[:, 2] - boxes1[:, 0]) * (boxes1[:, 3] - boxes1[:, 1])
    area2 = (boxes2[:, 2] - boxes2[:, 0]) * (boxes2[:, 3] - boxes2[:, 1])
    lt = jnp.maximum(boxes1[:, None, :2], boxes2[None, :, :2])
    rb = jnp.minimum(boxes1[:, None, 2:], boxes2[None, :, 2:])
    wh = jnp.clip(rb - lt, 0.0)
    inter = wh[..., 0] * wh[..., 1]
    union = area1[:, None] + area2[None, :] - inter
    iou = inter / union
    lt2 = jnp.minimum(boxes1[:, None, :2], boxes2[None, :, :2])
    rb2 = jnp.maximum(boxes1[:, None, 2:], boxes2[None, :, 2:])
    wh2 = jnp.clip(rb2 - lt2, 0.0)
    area = wh2[..., 0] * wh2[..., 1]
    return iou - (area - union) / area


def bilinear_sample(img, gx, gy):
    # grid_sample, bilinear, align_corners=False, zero padding; img [H, W]
    H, W = img.shape
    ix = ((gx + 1.0) * W - 1.0) / 2.0
    iy = ((gy + 1.0) * H - 1.0) / 2.0
    x0 = jnp.floor(ix)
    y0 = jnp.floor(iy)
    x1 = x0 + 1.0
    y1 = y0 + 1.0
    wx1 = ix - x0
    wx0 = 1.0 - wx1
    wy1 = iy - y0
    wy0 = 1.0 - wy1

    def fetch(xi, yi):
        valid = (xi >= 0) & (xi <= W - 1) & (yi >= 0) & (yi <= H - 1)
        xc = jnp.clip(xi, 0, W - 1).astype(jnp.int32)
        yc = jnp.clip(yi, 0, H - 1).astype(jnp.int32)
        return jnp.where(valid, img[yc, xc], 0.0)

    return (fetch(x0, y0) * wx0 * wy0 + fetch(x1, y0) * wx1 * wy0
            + fetch(x0, y1) * wx0 * wy1 + fetch(x1, y1) * wx1 * wy1)


def setup_inputs(seed: int = 0) -> dict:
    key = jax.random.key(seed)
    k1, k2, k3, k4, k5 = jax.random.split(key, 5)
    B, Q, NC, G, H, W = 8, 900, 91, 128, 256, 256
    return {
        "pred_logits": jax.random.normal(k1, (B, Q, NC), dtype=jnp.float32),
        "pred_boxes": jax.random.uniform(k2, (B, Q, 4), dtype=jnp.float32),
        "tgt_labels": jax.random.randint(k3, (B, G), 0, NC),
        "tgt_boxes": jax.random.uniform(k4, (B, G, 4), dtype=jnp.float32),
        "density_map": jax.random.uniform(k5, (B, 1, H, W), dtype=jnp.float32),
    }


def reference(pred_logits, pred_boxes, tgt_labels, tgt_boxes, density_map):
    B, Q, NC = pred_logits.shape
    G = tgt_labels.shape[1]
    out_prob = jax.nn.sigmoid(pred_logits.reshape(B * Q, NC))
    out_bbox = pred_boxes.reshape(B * Q, 4)
    tgt_ids = tgt_labels.reshape(-1)
    tgt_bbox = tgt_boxes.reshape(-1, 4)

    neg_cost_class = (1 - ALPHA) * out_prob ** GAMMA * (-jnp.log(1 - out_prob + 1e-08))
    pos_cost_class = ALPHA * (1 - out_prob) ** GAMMA * (-jnp.log(out_prob + 1e-08))
    cost_class = pos_cost_class[:, tgt_ids] - neg_cost_class[:, tgt_ids]
    cost_bbox = jnp.abs(out_bbox[:, None, :] - tgt_bbox[None, :, :]).sum(-1)
    cost_giou = -generalized_box_iou(box_cxcywh_to_xyxy(out_bbox), box_cxcywh_to_xyxy(tgt_bbox))

    max_vals = density_map.reshape(B, 1, -1).max(axis=2)[:, :, None, None]
    dnorm = density_map / (max_vals + 1e-06)

    mm_list = []
    C_list = []
    for i in range(B):
        # NOTE: faithful to the torch code, columns [:num_gt] of the
        # concatenated cost matrices are used for every image.
        c_class = cost_class[i * Q:(i + 1) * Q, :G]
        c_bbox = cost_bbox[i * Q:(i + 1) * Q, :G]
        c_giou = cost_giou[i * Q:(i + 1) * Q, :G]
        centers = pred_boxes[i, :, :2]
        gx = centers[:, 0] * 2.0 - 1.0
        gy = centers[:, 1] * 2.0 - 1.0
        sampled_density = bilinear_sample(dnorm[i, 0], gx, gy)
        c_density = -jnp.repeat(sampled_density[:, None], G, axis=1)
        C = COST_BBOX * c_bbox + COST_CLASS * c_class + COST_GIOU * c_giou + COST_DENSITY * c_density

        tgt_areas = tgt_boxes[i, :, 2] * tgt_boxes[i, :, 3]
        is_small = tgt_areas < 0.005
        kvec = jnp.where(is_small, 6, 2)
        _, idx = jax.lax.top_k(-C.T, 6)  # [G, 6] smallest-cost query indices per gt
        slot_mask = jnp.arange(6)[None, :] < kvec[:, None]
        rows = idx.reshape(-1)
        cols = jnp.broadcast_to(jnp.arange(G)[:, None], (G, 6)).reshape(-1)
        mm = jnp.zeros((Q, G), dtype=bool).at[rows, cols].max(slot_mask.reshape(-1))

        conflict = mm.sum(axis=1) > 1
        masked_C = jnp.where(mm, C, jnp.inf)
        best_gt = jnp.argmin(masked_C, axis=1)
        onehot = jnp.arange(G)[None, :] == best_gt[:, None]
        mm = jnp.where(conflict[:, None], onehot, mm)
        mm_list.append(mm)
        C_list.append(C)
    matching = jnp.stack(mm_list)  # [B, Q, G] bool; indices = where(matching)
    C_all = jnp.stack(C_list)
    return matching, C_all

if __name__ == "__main__":
    import jax
    _d = setup_inputs()
    print(jax.jit(kernel)(*tuple(_d.values())))

</pallas_src>

<mosaic_0001>
#map = affine_map<(d0, d1) -> (0)>
module attributes {stable_mosaic.version = 14 : i64} {
  func.func @_sc_density_sample(%arg0: i32, %arg1: i32, %arg2: memref<7680xf32, #tpu.memory_space<hbm>>, %arg3: memref<7680xf32, #tpu.memory_space<hbm>>, %arg4: memref<524288xf32, #tpu.memory_space<hbm>>, %arg5: memref<7680xf32, #tpu.memory_space<hbm>>, %arg6: memref<240xf32, #tpu.memory_space<vmem>>, %arg7: memref<240xf32, #tpu.memory_space<vmem>>, %arg8: memref<960xi32, #tpu.memory_space<vmem>>, %arg9: memref<960xf32, #tpu.memory_space<vmem>>, %arg10: memref<240xf32, #tpu.memory_space<vmem>>, %arg11: memref<!tpu.dma_semaphore, #tpu.memory_space<semaphore_mem>>) attributes {dimension_semantics = [#tpu.dimension_semantics<core_parallel>, #tpu.dimension_semantics<subcore_parallel>], iteration_bounds = array<i64: 2, 16>, scalar_prefetch = 0 : i64, scratch_operands = 6 : i64, tpu.core_type = #tpu.core_type<sc_vector_subcore>, window_params = [{transform_indices = #map}, {transform_indices = #map}, {transform_indices = #map}, {transform_indices = #map}]} {
    %mul3A = arith.constant 2 : i32
    %mul3A_0 = arith.muli %arg1, %mul3A : i32
    %add3A = arith.addi %mul3A_0, %arg0 : i32
    %jit3A = arith.constant 4 : i32
    %div3A = arith.divsi %add3A, %jit3A : i32
    %sign3A = arith.constant 0 : i32
    %sign3A_1 = arith.cmpi sgt, %add3A, %sign3A : i32
    %sign3A_2 = arith.extui %sign3A_1 : i1 to i32
    %sign3A_3 = arith.constant 0 : i32
    %sign3A_4 = arith.cmpi slt, %add3A, %sign3A_3 : i32
    %sign3A_5 = arith.extui %sign3A_4 : i1 to i32
    %sign3A_6 = arith.subi %sign3A_2, %sign3A_5 : i32
    %sign3A_7 = arith.constant 0 : i32
    %sign3A_8 = arith.cmpi sgt, %jit3A, %sign3A_7 : i32
    %sign3A_9 = arith.extui %sign3A_8 : i1 to i32
    %sign3A_10 = arith.constant 0 : i32
    %sign3A_11 = arith.cmpi slt, %jit3A, %sign3A_10 : i32
    %sign3A_12 = arith.extui %sign3A_11 : i1 to i32
    %sign3A_13 = arith.subi %sign3A_9, %sign3A_12 : i32
    %ne3A = arith.cmpi ne, %sign3A_6, %sign3A_13 : i32
    %rem3A = arith.remsi %add3A, %jit3A : i32
    %ne3A_14 = arith.constant 0 : i32
    %ne3A_15 = arith.cmpi ne, %rem3A, %ne3A_14 : i32
    %and3A = arith.andi %ne3A, %ne3A_15 : i1
    %sub3A = arith.constant 1 : i32
    %sub3A_16 = arith.subi %div3A, %sub3A : i32
    %select_n3A = arith.select %and3A, %sub3A_16, %div3A : i32
    %mul3A_17 = arith.constant 240 : i32
    %mul3A_18 = arith.muli %add3A, %mul3A_17 : i32
    "tpu.region"() ({
      %run_scoped3A = tpu.sem_alloc : memref<!tpu.dma_semaphore, #tpu.memory_space<semaphore_mem>>
      %dma_start3A_3569 = tpu.memref_slice %arg2[%mul3A_18] : memref<7680xf32, #tpu.memory_space<hbm>> -> memref<240xf32, #tpu.memory_space<hbm>>
      %dma_start3A_3570 = tpu.memref_slice %arg2[%mul3A_18] : memref<7680xf32, #tpu.memory_space<hbm>> -> memref<240xf32, #tpu.memory_space<hbm>>
      tpu.enqueue_dma source(%dma_start3A_3570 : memref<240xf32, #tpu.memory_space<hbm>>) target(%arg6 : memref<240xf32, #tpu.memory_space<vmem>>) target_semaphore(%run_scoped3A : memref<!tpu.dma_semaphore, #tpu.memory_space<semaphore_mem>>)
      %dma_wait3A_3571 = tpu.memref_slice %arg2[%mul3A_18] : memref<7680xf32, #tpu.memory_space<hbm>> -> memref<240xf32, #tpu.memory_space<hbm>>
      %dma_wait3A_3572 = tpu.memref_slice %arg2[%mul3A_18] : memref<7680xf32, #tpu.memory_space<hbm>> -> memref<240xf32, #tpu.memory_space<hbm>>
      tpu.wait_dma2 semaphore(%run_scoped3A : memref<!tpu.dma_semaphore, #tpu.memory_space<semaphore_mem>>) src(%dma_wait3A_3572 : memref<240xf32, #tpu.memory_space<hbm>>) dst(%arg6 : memref<240xf32, #tpu.memory_space<vmem>>)
      tpu.yield
    }) : () -> ()
    "tpu.region"() ({
      %run_scoped3A = tpu.sem_alloc : memref<!tpu.dma_semaphore, #tpu.memory_space<semaphore_mem>>
      %dma_start3A_3569 = tpu.memref_slice %arg3[%mul3A_18] : memref<7680xf32, #tpu.memory_space<hbm>> -> memref<240xf32, #tpu.memory_space<hbm>>
      %dma_start3A_3570 = tpu.memref_slice %arg3[%mul3A_18] : memref<7680xf32, #tpu.memory_space<hbm>> -> memref<240xf32, #tpu.memory_space<hbm>>
      tpu.enqueue_dma source(%dma_start3A_3570 : memref<240xf32, #tpu.memory_space<hbm>>) target(%arg7 : memref<240xf32, #tpu.memory_space<vmem>>) target_semaphore(%run_scoped3A : memref<!tpu.dma_semaphore, #tpu.memory_space<semaphore_mem>>)
      %dma_wait3A_3571 = tpu.memref_slice %arg3[%mul3A_18] : memref<7680xf32, #tpu.memory_space<hbm>> -> memref<240xf32, #tpu.memory_space<hbm>>
      %dma_wait3A_3572 = tpu.memref_slice %arg3[%mul3A_18] : memref<7680xf32, #tpu.memory_space<hbm>> -> memref<240xf32, #tpu.memory_space<hbm>>
      tpu.wait_dma2 semaphore(%run_scoped3A : memref<!tpu.dma_semaphore, #tpu.memory_space<semaphore_mem>>) src(%dma_wait3A_3572 : memref<240xf32, #tpu.memory_space<hbm>>) dst(%arg7 : memref<240xf32, #tpu.memory_space<vmem>>)
      tpu.yield
    }) : () -> ()
    %mul3A_19 = arith.constant 65536 : i32
    %mul3A_20 = arith.muli %select_n3A, %mul3A_19 : i32
    %get3A = arith.constant 0 : index
    %get3A_21 = tpu.vector_load %arg6[%get3A] {strides = array<i32>} : memref<240xf32, #tpu.memory_space<vmem>>, vector<16xf32>,
    %get3A_22 = vector.shape_cast %get3A_21 : vector<16xf32> to vector<16xf32>
    %get3A_23 = arith.constant 0 : index
    %get3A_24 = tpu.vector_load %arg7[%get3A_23] {strides = array<i32>} : memref<240xf32, #tpu.memory_space<vmem>>, vector<16xf32>,
    %get3A_25 = vector.shape_cast %get3A_24 : vector<16xf32> to vector<16xf32>
    %mul3A_26 = arith.constant 2.000000e+00 : f32
    %mul3A_27 = vector.broadcast %mul3A_26 : f32 to vector<16xf32>
    %mul3A_28 = arith.mulf %get3A_22, %mul3A_27 : vector<16xf32>
    %sub3A_29 = arith.constant 1.000000e+00 : f32
    %sub3A_30 = vector.broadcast %sub3A_29 : f32 to vector<16xf32>
    %sub3A_31 = arith.subf %mul3A_28, %sub3A_30 : vector<16xf32>
    %add3A_32 = arith.constant 1.000000e+00 : f32
    %add3A_33 = vector.broadcast %add3A_32 : f32 to vector<16xf32>
    %add3A_34 = arith.addf %sub3A_31, %add3A_33 : vector<16xf32>
    %mul3A_35 = arith.constant 2.560000e+02 : f32
    %mul3A_36 = vector.broadcast %mul3A_35 : f32 to vector<16xf32>
    %mul3A_37 = arith.mulf %add3A_34, %mul3A_36 : vector<16xf32>
    %sub3A_38 = arith.constant 1.000000e+00 : f32
    %sub3A_39 = vector.broadcast %sub3A_38 : f32 to vector<16xf32>
    %sub3A_40 = arith.subf %mul3A_37, %sub3A_39 : vector<16xf32>
    %div3A_41 = arith.constant 2.000000e+00 : f32
    %div3A_42 = vector.broadcast %div3A_41 : f32 to vector<16xf32>
    %div3A_43 = arith.divf %sub3A_40, %div3A_42 : vector<16xf32>
    %mul3A_44 = arith.constant 2.000000e+00 : f32
    %mul3A_45 = vector.broadcast %mul3A_44 : f32 to vector<16xf32>
    %mul3A_46 = arith.mulf %get3A_25, %mul3A_45 : vector<16xf32>
    %sub3A_47 = arith.constant 1.000000e+00 : f32
    %sub3A_48 = vector.broadcast %sub3A_47 : f32 to vector<16xf32>
    %sub3A_49 = arith.subf %mul3A_46, %sub3A_48 : vector<16xf32>
    %add3A_50 = arith.constant 1.000000e+00 : f32
    %add3A_51 = vector.broadcast %add3A_50 : f32 to vector<16xf32>
    %add3A_52 = arith.addf %sub3A_49, %add3A_51 : vector<16xf32>
    %mul3A_53 = arith.constant 2.560000e+02 : f32
    %mul3A_54 = vector.broadcast %mul3A_53 : f32 to vector<16xf32>
    %mul3A_55 = arith.mulf %add3A_52, %mul3A_54 : vector<16xf32>
    %sub3A_56 = arith.constant 1.000000e+00 : f32
    %sub3A_57 = vector.broadcast %sub3A_56 : f32 to vector<16xf32>
    %sub3A_58 = arith.subf %mul3A_55, %sub3A_57 : vector<16xf32>
    %div3A_59 = arith.constant 2.000000e+00 : f32
    %div3A_60 = vector.broadcast %div3A_59 : f32 to vector<16xf32>
    %div3A_61 = arith.divf %sub3A_58, %div3A_60 : vector<16xf32>
    %convert_element_type3A = arith.fptosi %div3A_43 : vector<16xf32> to vector<16xi32>
    %convert_element_type3A_62 = arith.fptosi %div3A_61 : vector<16xf32> to vector<16xi32>
    %convert_element_type3A_63 = arith.sitofp %convert_element_type3A : vector<16xi32> to vector<16xf32>
    %lt3A = arith.cmpf olt, %div3A_43, %convert_element_type3A_63 : vector<16xf32>
    %sub3A_64 = arith.constant 1 : i32
    %sub3A_65 = vector.broadcast %sub3A_64 : i32 to vector<16xi32>
    %sub3A_66 = arith.subi %convert_element_type3A, %sub3A_65 : vector<16xi32>
    %select_n3A_67 = arith.select %lt3A, %sub3A_66, %convert_element_type3A : vector<16xi1>, vector<16xi32>
    %convert_element_type3A_68 = arith.sitofp %convert_element_type3A_62 : vector<16xi32> to vector<16xf32>
    %lt3A_69 = arith.cmpf olt, %div3A_61, %convert_element_type3A_68 : vector<16xf32>
    %sub3A_70 = arith.constant 1 : i32
    %sub3A_71 = vector.broadcast %sub3A_70 : i32 to vector<16xi32>
    %sub3A_72 = arith.subi %convert_element_type3A_62, %sub3A_71 : vector<16xi32>
    %select_n3A_73 = arith.select %lt3A_69, %sub3A_72, %convert_element_type3A_62 : vector<16xi1>, vector<16xi32>
    %jit3A_74 = arith.constant 0 : i32
    %jit3A_75 = arith.constant 255 : i32
    %max3A = vector.broadcast %jit3A_74 : i32 to vector<16xi32>
    %max3A_76 = arith.maxsi %max3A, %select_n3A_67 : vector<16xi32>
    %min3A = vector.broadcast %jit3A_75 : i32 to vector<16xi32>
    %min3A_77 = arith.minsi %min3A, %max3A_76 : vector<16xi32>
    %add3A_78 = arith.constant 1 : i32
    %add3A_79 = vector.broadcast %add3A_78 : i32 to vector<16xi32>
    %add3A_80 = arith.addi %select_n3A_67, %add3A_79 : vector<16xi32>
    %jit3A_81 = arith.constant 0 : i32
    %jit3A_82 = arith.constant 255 : i32
    %max3A_83 = vector.broadcast %jit3A_81 : i32 to vector<16xi32>
    %max3A_84 = arith.maxsi %max3A_83, %add3A_80 : vector<16xi32>
    %min3A_85 = vector.broadcast %jit3A_82 : i32 to vector<16xi32>
    %min3A_86 = arith.minsi %min3A_85, %max3A_84 : vector<16xi32>
    %jit3A_87 = arith.constant 0 : i32
    %jit3A_88 = arith.constant 255 : i32
    %max3A_89 = vector.broadcast %jit3A_87 : i32 to vector<16xi32>
    %max3A_90 = arith.maxsi %max3A_89, %select_n3A_73 : vector<16xi32>
    %min3A_91 = vector.broadcast %jit3A_88 : i32 to vector<16xi32>
    %min3A_92 = arith.minsi %min3A_91, %max3A_90 : vector<16xi32>
    %add3A_93 = arith.constant 1 : i32
    %add3A_94 = vector.broadcast %add3A_93 : i32 to vector<16xi32>
    %add3A_95 = arith.addi %select_n3A_73, %add3A_94 : vector<16xi32>
    %jit3A_96 = arith.constant 0 : i32
    %jit3A_97 = arith.constant 255 : i32
    %max3A_98 = vector.broadcast %jit3A_96 : i32 to vector<16xi32>
    %max3A_99 = arith.maxsi %max3A_98, %add3A_95 : vector<16xi32>
    %min3A_100 = vector.broadcast %jit3A_97 : i32 to vector<16xi32>
    %min3A_101 = arith.minsi %min3A_100, %max3A_99 : vector<16xi32>
    %mul3A_102 = arith.constant 256 : i32
    %mul3A_103 = vector.broadcast %mul3A_102 : i32 to vector<16xi32>
    %mul3A_104 = arith.muli %min3A_92, %mul3A_103 : vector<16xi32>
    %add3A_105 = vector.broadcast %mul3A_20 : i32 to vector<16xi32>
    %add3A_106 = arith.addi %add3A_105, %mul3A_104 : vector<16xi32>
    %mul3A_107 = arith.constant 256 : i32
    %mul3A_108 = vector.broadcast %mul3A_107 : i32 to vector<16xi32>
    %mul3A_109 = arith.muli %min3A_101, %mul3A_108 : vector<16xi32>
    %add3A_110 = vector.broadcast %mul3A_20 : i32 to vector<16xi32>
    %add3A_111 = arith.addi %add3A_110, %mul3A_109 : vector<16xi32>
    %add3A_112 = arith.addi %add3A_106, %min3A_77 : vector<16xi32>
    %swap3A = arith.constant 0 : index
    %swap3A_113 = tpu.vector_load %arg8[%swap3A] {strides = array<i32>} : memref<960xi32, #tpu.memory_space<vmem>>, vector<16xi32>,
    %swap3A_114 = vector.shape_cast %swap3A_113 : vector<16xi32> to vector<16xi32>
    %swap3A_115 = vector.shape_cast %add3A_112 : vector<16xi32> to vector<16xi32>
    tpu.vector_store %arg8[%swap3A], %swap3A_115 {strides = array<i32>} : memref<960xi32, #tpu.memory_space<vmem>>, vector<16xi32>,
    %add3A_116 = arith.addi %add3A_106, %min3A_86 : vector<16xi32>
    %swap3A_117 = arith.constant 240 : index
    %swap3A_118 = tpu.vector_load %arg8[%swap3A_117] {strides = array<i32>} : memref<960xi32, #tpu.memory_space<vmem>>, vector<16xi32>,
    %swap3A_119 = vector.shape_cast %swap3A_118 : vector<16xi32> to vector<16xi32>
    %swap3A_120 = vector.shape_cast %add3A_116 : vector<16xi32> to vector<16xi32>
    tpu.vector_store %arg8[%swap3A_117], %swap3A_120 {strides = array<i32>} : memref<960xi32, #tpu.memory_space<vmem>>, vector<16xi32>,
    %add3A_121 = arith.addi %add3A_111, %min3A_77 : vector<16xi32>
    %swap3A_122 = arith.constant 480 : index
    %swap3A_123 = tpu.vector_load %arg8[%swap3A_122] {strides = array<i32>} : memref<960xi32, #tpu.memory_space<vmem>>, vector<16xi32>,
    %swap3A_124 = vector.shape_cast %swap3A_123 : vector<16xi32> to vector<16xi32>
    %swap3A_125 = vector.shape_cast %add3A_121 : vector<16xi32> to vector<16xi32>
    tpu.vector_store %arg8[%swap3A_122], %swap3A_125 {strides = array<i32>} : memref<960xi32, #tpu.memory_space<vmem>>, vector<16xi32>,
    %add3A_126 = arith.addi %add3A_111, %min3A_86 : vector<16xi32>
    %swap3A_127 = arith.constant 720 : index
    %swap3A_128 = tpu.vector_load %arg8[%swap3A_127] {strides = array<i32>} : memref<960xi32, #tpu.memory_space<vmem>>, vector<16xi32>,
    %swap3A_129 = vector.shape_cast %swap3A_128 : vector<16xi32> to vector<16xi32>
    %swap3A_130 = vector.shape_cast %add3A_126 : vector<16xi32> to vector<16xi32>
    tpu.vector_store %arg8[%swap3A_127], %swap3A_130 {strides = array<i32>} : memref<960xi32, #tpu.memory_space<vmem>>, vector<16xi32>,
    %get3A_131 = arith.constant 16 : index
    %get3A_132 = tpu.vector_load %arg6[%get3A_131] {strides = array<i32>} : memref<240xf32, #tpu.memory_space<vmem>>, vector<16xf32>,
    %get3A_133 = vector.shape_cast %get3A_132 : vector<16xf32> to vector<16xf32>
    %get3A_134 = arith.constant 16 : index
    %get3A_135 = tpu.vector_load %arg7[%get3A_134] {strides = array<i32>} : memref<240xf32, #tpu.memory_space<vmem>>, vector<16xf32>,
    %get3A_136 = vector.shape_cast %get3A_135 : vector<16xf32> to vector<16xf32>
    %mul3A_137 = arith.constant 2.000000e+00 : f32
    %mul3A_138 = vector.broadcast %mul3A_137 : f32 to vector<16xf32>
    %mul3A_139 = arith.mulf %get3A_133, %mul3A_138 : vector<16xf32>
    %sub3A_140 = arith.constant 1.000000e+00 : f32
    %sub3A_141 = vector.broadcast %sub3A_140 : f32 to vector<16xf32>
    %sub3A_142 = arith.subf %mul3A_139, %sub3A_141 : vector<16xf32>
    %add3A_143 = arith.constant 1.000000e+00 : f32
    %add3A_144 = vector.broadcast %add3A_143 : f32 to vector<16xf32>
    %add3A_145 = arith.addf %sub3A_142, %add3A_144 : vector<16xf32>
    %mul3A_146 = arith.constant 2.560000e+02 : f32
    %mul3A_147 = vector.broadcast %mul3A_146 : f32 to vector<16xf32>
    %mul3A_148 = arith.mulf %add3A_145, %mul3A_147 : vector<16xf32>
    %sub3A_149 = arith.constant 1.000000e+00 : f32
    %sub3A_150 = vector.broadcast %sub3A_149 : f32 to vector<16xf32>
    %sub3A_151 = arith.subf %mul3A_148, %sub3A_150 : vector<16xf32>
    %div3A_152 = arith.constant 2.000000e+00 : f32
    %div3A_153 = vector.broadcast %div3A_152 : f32 to vector<16xf32>
    %div3A_154 = arith.divf %sub3A_151, %div3A_153 : vector<16xf32>
    %mul3A_155 = arith.constant 2.000000e+00 : f32
    %mul3A_156 = vector.broadcast %mul3A_155 : f32 to vector<16xf32>
    %mul3A_157 = arith.mulf %get3A_136, %mul3A_156 : vector<16xf32>
    %sub3A_158 = arith.constant 1.000000e+00 : f32
    %sub3A_159 = vector.broadcast %sub3A_158 : f32 to vector<16xf32>
    %sub3A_160 = arith.subf %mul3A_157, %sub3A_159 : vector<16xf32>
    %add3A_161 = arith.constant 1.000000e+00 : f32
    %add3A_162 = vector.broadcast %add3A_161 : f32 to vector<16xf32>
    %add3A_163 = arith.addf %sub3A_160, %add3A_162 : vector<16xf32>
    %mul3A_164 = arith.constant 2.560000e+02 : f32
    %mul3A_165 = vector.broadcast %mul3A_164 : f32 to vector<16xf32>
    %mul3A_166 = arith.mulf %add3A_163, %mul3A_165 : vector<16xf32>
    %sub3A_167 = arith.constant 1.000000e+00 : f32
    %sub3A_168 = vector.broadcast %sub3A_167 : f32 to vector<16xf32>
    %sub3A_169 = arith.subf %mul3A_166, %sub3A_168 : vector<16xf32>
    %div3A_170 = arith.constant 2.000000e+00 : f32
    %div3A_171 = vector.broadcast %div3A_170 : f32 to vector<16xf32>
    %div3A_172 = arith.divf %sub3A_169, %div3A_171 : vector<16xf32>
    %convert_element_type3A_173 = arith.fptosi %div3A_154 : vector<16xf32> to vector<16xi32>
    %convert_element_type3A_174 = arith.fptosi %div3A_172 : vector<16xf32> to vector<16xi32>
    %convert_element_type3A_175 = arith.sitofp %convert_element_type3A_173 : vector<16xi32> to vector<16xf32>
    %lt3A_176 = arith.cmpf olt, %div3A_154, %convert_element_type3A_175 : vector<16xf32>
    %sub3A_177 = arith.constant 1 : i32
    %sub3A_178 = vector.broadcast %sub3A_177 : i32 to vector<16xi32>
    %sub3A_179 = arith.subi %convert_element_type3A_173, %sub3A_178 : vector<16xi32>
    %select_n3A_180 = arith.select %lt3A_176, %sub3A_179, %convert_element_type3A_173 : vector<16xi1>, vector<16xi32>
    %convert_element_type3A_181 = arith.sitofp %convert_element_type3A_174 : vector<16xi32> to vector<16xf32>
    %lt3A_182 = arith.cmpf olt, %div3A_172, %convert_element_type3A_181 : vector<16xf32>
    %sub3A_183 = arith.constant 1 : i32
    %sub3A_184 = vector.broadcast %sub3A_183 : i32 to vector<16xi32>
    %sub3A_185 = arith.subi %convert_element_type3A_174, %sub3A_184 : vector<16xi32>
    %select_n3A_186 = arith.select %lt3A_182, %sub3A_185, %convert_element_type3A_174 : vector<16xi1>, vector<16xi32>
    %jit3A_187 = arith.constant 0 : i32
    %jit3A_188 = arith.constant 255 : i32
    %max3A_189 = vector.broadcast %jit3A_187 : i32 to vector<16xi32>
    %max3A_190 = arith.maxsi %max3A_189, %select_n3A_180 : vector<16xi32>
    %min3A_191 = vector.broadcast %jit3A_188 : i32 to vector<16xi32>
    %min3A_192 = arith.minsi %min3A_191, %max3A_190 : vector<16xi32>
    %add3A_193 = arith.constant 1 : i32
    %add3A_194 = vector.broadcast %add3A_193 : i32 to vector<16xi32>
    %add3A_195 = arith.addi %select_n3A_180, %add3A_194 : vector<16xi32>
    %jit3A_196 = arith.constant 0 : i32
    %jit3A_197 = arith.constant 255 : i32
    %max3A_198 = vector.broadcast %jit3A_196 : i32 to vector<16xi32>
    %max3A_199 = arith.maxsi %max3A_198, %add3A_195 : vector<16xi32>
    %min3A_200 = vector.broadcast %jit3A_197 : i32 to vector<16xi32>
    %min3A_201 = arith.minsi %min3A_200, %max3A_199 : vector<16xi32>
    %jit3A_202 = arith.constant 0 : i32
    %jit3A_203 = arith.constant 255 : i32
    %max3A_204 = vector.broadcast %jit3A_202 : i32 to vector<16xi32>
    %max3A_205 = arith.maxsi %max3A_204, %select_n3A_186 : vector<16xi32>
    %min3A_206 = vector.broadcast %jit3A_203 : i32 to vector<16xi32>
    %min3A_207 = arith.minsi %min3A_206, %max3A_205 : vector<16xi32>
    %add3A_208 = arith.constant 1 : i32
    %add3A_209 = vector.broadcast %add3A_208 : i32 to vector<16xi32>
    %add3A_210 = arith.addi %select_n3A_186, %add3A_209 : vector<16xi32>
    %jit3A_211 = arith.constant 0 : i32
    %jit3A_212 = arith.constant 255 : i32
    %max3A_213 = vector.broadcast %jit3A_211 : i32 to vector<16xi32>
    %max3A_214 = arith.maxsi %max3A_213, %add3A_210 : vector<16xi32>
    %min3A_215 = vector.broadcast %jit3A_212 : i32 to vector<16xi32>
    %min3A_216 = arith.minsi %min3A_215, %max3A_214 : vector<16xi32>
    %mul3A_217 = arith.constant 256 : i32
    %mul3A_218 = vector.broadcast %mul3A_217 : i32 to vector<16xi32>
    %mul3A_219 = arith.muli %min3A_207, %mul3A_218 : vector<16xi32>
    %add3A_220 = vector.broadcast %mul3A_20 : i32 to vector<16xi32>
    %add3A_221 = arith.addi %add3A_220, %mul3A_219 : vector<16xi32>
    %mul3A_222 = arith.constant 256 : i32
    %mul3A_223 = vector.broadcast %mul3A_222 : i32 to vector<16xi32>
    %mul3A_224 = arith.muli %min3A_216, %mul3A_223 : vector<16xi32>
    %add3A_225 = vector.broadcast %mul3A_20 : i32 to vector<16xi32>
    %add3A_226 = arith.addi %add3A_225, %mul3A_224 : vector<16xi32>
    %add3A_227 = arith.addi %add3A_221, %min3A_192 : vector<16xi32>
    %swap3A_228 = arith.constant 16 : index
    %swap3A_229 = tpu.vector_load %arg8[%swap3A_228] {strides = array<i32>} : memref<960xi32, #tpu.memory_space<vmem>>, vector<16xi32>,
    %swap3A_230 = vector.shape_cast %swap3A_229 : vector<16xi32> to vector<16xi32>
    %swap3A_231 = vector.shape_cast %add3A_227 : vector<16xi32> to vector<16xi32>
    tpu.vector_store %arg8[%swap3A_228], %swap3A_231 {strides = array<i32>} : memref<960xi32, #tpu.memory_space<vmem>>, vector<16xi32>,
    %add3A_232 = arith.addi %add3A_221, %min3A_201 : vector<16xi32>
    %swap3A_233 = arith.constant 256 : index
    %swap3A_234 = tpu.vector_load %arg8[%swap3A_233] {strides = array<i32>} : memref<960xi32, #tpu.memory_space<vmem>>, vector<16xi32>,
    %swap3A_235 = vector.shape_cast %swap3A_234 : vector<16xi32> to vector<16xi32>
    %swap3A_236 = vector.shape_cast %add3A_232 : vector<16xi32> to vector<16xi32>
    tpu.vector_store %arg8[%swap3A_233], %swap3A_236 {strides = array<i32>} : memref<960xi32, #tpu.memory_space<vmem>>, vector<16xi32>,
    %add3A_237 = arith.addi %add3A_226, %min3A_192 : vector<16xi32>
    %swap3A_238 = arith.constant 496 : index
    %swap3A_239 = tpu.vector_load %arg8[%swap3A_238] {strides = array<i32>} : memref<960xi32, #tpu.memory_space<vmem>>, vector<16xi32>,
    %swap3A_240 = vector.shape_cast %swap3A_239 : vector<16xi32> to vector<16xi32>
    %swap3A_241 = vector.shape_cast %add3A_237 : vector<16xi32> to vector<16xi32>
    tpu.vector_store %arg8[%swap3A_238], %swap3A_241 {strides = array<i32>} : memref<960xi32, #tpu.memory_space<vmem>>, vector<16xi32>,
    %add3A_242 = arith.addi %add3A_226, %min3A_201 : vector<16xi32>
    %swap3A_243 = arith.constant 736 : index
    %swap3A_244 = tpu.vector_load %arg8[%swap3A_243] {strides = array<i32>} : memref<960xi32, #tpu.memory_space<vmem>>, vector<16xi32>,
    %swap3A_245 = vector.shape_cast %swap3A_244 : vector<16xi32> to vector<16xi32>
    %swap3A_246 = vector.shape_cast %add3A_242 : vector<16xi32> to vector<16xi32>
    tpu.vector_store %arg8[%swap3A_243], %swap3A_246 {strides = array<i32>} : memref<960xi32, #tpu.memory_space<vmem>>, vector<16xi32>,
    %get3A_247 = arith.constant 32 : index
    %get3A_248 = tpu.vector_load %arg6[%get3A_247] {strides = array<i32>} : memref<240xf32, #tpu.memory_space<vmem>>, vector<16xf32>,
    %get3A_249 = vector.shape_cast %get3A_248 : vector<16xf32> to vector<16xf32>
    %get3A_250 = arith.constant 32 : index
    %get3A_251 = tpu.vector_load %arg7[%get3A_250] {strides = array<i32>} : memref<240xf32, #tpu.memory_space<vmem>>, vector<16xf32>,
    %get3A_252 = vector.shape_cast %get3A_251 : vector<16xf32> to vector<16xf32>
    %mul3A_253 = arith.constant 2.000000e+00 : f32
    %mul3A_254 = vector.broadcast %mul3A_253 : f32 to vector<16xf32>
    %mul3A_255 = arith.mulf %get3A_249, %mul3A_254 : vector<16xf32>
    %sub3A_256 = arith.constant 1.000000e+00 : f32
    %sub3A_257 = vector.broadcast %sub3A_256 : f32 to vector<16xf32>
    %sub3A_258 = arith.subf %mul3A_255, %sub3A_257 : vector<16xf32>
    %add3A_259 = arith.constant 1.000000e+00 : f32
    %add3A_260 = vector.broadcast %add3A_259 : f32 to vector<16xf32>
    %add3A_261 = arith.addf %sub3A_258, %add3A_260 : vector<16xf32>
    %mul3A_262 = arith.constant 2.560000e+02 : f32
    %mul3A_263 = vector.broadcast %mul3A_262 : f32 to vector<16xf32>
    %mul3A_264 = arith.mulf %add3A_261, %mul3A_263 : vector<16xf32>
    %sub3A_265 = arith.constant 1.000000e+00 : f32
    %sub3A_266 = vector.broadcast %sub3A_265 : f32 to vector<16xf32>
    %sub3A_267 = arith.subf %mul3A_264, %sub3A_266 : vector<16xf32>
    %div3A_268 = arith.constant 2.000000e+00 : f32
    %div3A_269 = vector.broadcast %div3A_268 : f32 to vector<16xf32>
    %div3A_270 = arith.divf %sub3A_267, %div3A_269 : vector<16xf32>
    %mul3A_271 = arith.constant 2.000000e+00 : f32
    %mul3A_272 = vector.broadcast %mul3A_271 : f32 to vector<16xf32>
    %mul3A_273 = arith.mulf %get3A_252, %mul3A_272 : vector<16xf32>
    %sub3A_274 = arith.constant 1.000000e+00 : f32
    %sub3A_275 = vector.broadcast %sub3A_274 : f32 to vector<16xf32>
    %sub3A_276 = arith.subf %mul3A_273, %sub3A_275 : vector<16xf32>
    %add3A_277 = arith.constant 1.000000e+00 : f32
    %add3A_278 = vector.broadcast %add3A_277 : f32 to vector<16xf32>
    %add3A_279 = arith.addf %sub3A_276, %add3A_278 : vector<16xf32>
    %mul3A_280 = arith.constant 2.560000e+02 : f32
    %mul3A_281 = vector.broadcast %mul3A_280 : f32 to vector<16xf32>
    %mul3A_282 = arith.mulf %add3A_279, %mul3A_281 : vector<16xf32>
    %sub3A_283 = arith.constant 1.000000e+00 : f32
    %sub3A_284 = vector.broadcast %sub3A_283 : f32 to vector<16xf32>
    %sub3A_285 = arith.subf %mul3A_282, %sub3A_284 : vector<16xf32>
    %div3A_286 = arith.constant 2.000000e+00 : f32
    %div3A_287 = vector.broadcast %div3A_286 : f32 to vector<16xf32>
    %div3A_288 = arith.divf %sub3A_285, %div3A_287 : vector<16xf32>
    %convert_element_type3A_289 = arith.fptosi %div3A_270 : vector<16xf32> to vector<16xi32>
    %convert_element_type3A_290 = arith.fptosi %div3A_288 : vector<16xf32> to vector<16xi32>
    %convert_element_type3A_291 = arith.sitofp %convert_element_type3A_289 : vector<16xi32> to vector<16xf32>
    %lt3A_292 = arith.cmpf olt, %div3A_270, %convert_element_type3A_291 : vector<16xf32>
    %sub3A_293 = arith.constant 1 : i32
    %sub3A_294 = vector.broadcast %sub3A_293 : i32 to vector<16xi32>
    %sub3A_295 = arith.subi %convert_element_type3A_289, %sub3A_294 : vector<16xi32>
    %select_n3A_296 = arith.select %lt3A_292, %sub3A_295, %convert_element_type3A_289 : vector<16xi1>, vector<16xi32>
    %convert_element_type3A_297 = arith.sitofp %convert_element_type3A_290 : vector<16xi32> to vector<16xf32>
    %lt3A_298 = arith.cmpf olt, %div3A_288, %convert_element_type3A_297 : vector<16xf32>
    %sub3A_299 = arith.constant 1 : i32
    %sub3A_300 = vector.broadcast %sub3A_299 : i32 to vector<16xi32>
    %sub3A_301 = arith.subi %convert_element_type3A_290, %sub3A_300 : vector<16xi32>
    %select_n3A_302 = arith.select %lt3A_298, %sub3A_301, %convert_element_type3A_290 : vector<16xi1>, vector<16xi32>
    %jit3A_303 = arith.constant 0 : i32
    %jit3A_304 = arith.constant 255 : i32
    %max3A_305 = vector.broadcast %jit3A_303 : i32 to vector<16xi32>
    %max3A_306 = arith.maxsi %max3A_305, %select_n3A_296 : vector<16xi32>
    %min3A_307 = vector.broadcast %jit3A_304 : i32 to vector<16xi32>
    %min3A_308 = arith.minsi %min3A_307, %max3A_306 : vector<16xi32>
    %add3A_309 = arith.constant 1 : i32
    %add3A_310 = vector.broadcast %add3A_309 : i32 to vector<16xi32>
    %add3A_311 = arith.addi %select_n3A_296, %add3A_310 : vector<16xi32>
    %jit3A_312 = arith.constant 0 : i32
    %jit3A_313 = arith.constant 255 : i32
    %max3A_314 = vector.broadcast %jit3A_312 : i32 to vector<16xi32>
    %max3A_315 = arith.maxsi %max3A_314, %add3A_311 : vector<16xi32>
    %min3A_316 = vector.broadcast %jit3A_313 : i32 to vector<16xi32>
    %min3A_317 = arith.minsi %min3A_316, %max3A_315 : vector<16xi32>
    %jit3A_318 = arith.constant 0 : i32
    %jit3A_319 = arith.constant 255 : i32
    %max3A_320 = vector.broadcast %jit3A_318 : i32 to vector<16xi32>
    %max3A_321 = arith.maxsi %max3A_320, %select_n3A_302 : vector<16xi32>
    %min3A_322 = vector.broadcast %jit3A_319 : i32 to vector<16xi32>
    %min3A_323 = arith.minsi %min3A_322, %max3A_321 : vector<16xi32>
    %add3A_324 = arith.constant 1 : i32
    %add3A_325 = vector.broadcast %add3A_324 : i32 to vector<16xi32>
    %add3A_326 = arith.addi %select_n3A_302, %add3A_325 : vector<16xi32>
    %jit3A_327 = arith.constant 0 : i32
    %jit3A_328 = arith.constant 255 : i32
    %max3A_329 = vector.broadcast %jit3A_327 : i32 to vector<16xi32>
    %max3A_330 = arith.maxsi %max3A_329, %add3A_326 : vector<16xi32>
    %min3A_331 = vector.broadcast %jit3A_328 : i32 to vector<16xi32>
    %min3A_332 = arith.minsi %min3A_331, %max3A_330 : vector<16xi32>
    %mul3A_333 = arith.constant 256 : i32
    %mul3A_334 = vector.broadcast %mul3A_333 : i32 to vector<16xi32>
    %mul3A_335 = arith.muli %min3A_323, %mul3A_334 : vector<16xi32>
    %add3A_336 = vector.broadcast %mul3A_20 : i32 to vector<16xi32>
    %add3A_337 = arith.addi %add3A_336, %mul3A_335 : vector<16xi32>
    %mul3A_338 = arith.constant 256 : i32
    %mul3A_339 = vector.broadcast %mul3A_338 : i32 to vector<16xi32>
    %mul3A_340 = arith.muli %min3A_332, %mul3A_339 : vector<16xi32>
    %add3A_341 = vector.broadcast %mul3A_20 : i32 to vector<16xi32>
    %add3A_342 = arith.addi %add3A_341, %mul3A_340 : vector<16xi32>
    %add3A_343 = arith.addi %add3A_337, %min3A_308 : vector<16xi32>
    %swap3A_344 = arith.constant 32 : index
    %swap3A_345 = tpu.vector_load %arg8[%swap3A_344] {strides = array<i32>} : memref<960xi32, #tpu.memory_space<vmem>>, vector<16xi32>,
    %swap3A_346 = vector.shape_cast %swap3A_345 : vector<16xi32> to vector<16xi32>
    %swap3A_347 = vector.shape_cast %add3A_343 : vector<16xi32> to vector<16xi32>
    tpu.vector_store %arg8[%swap3A_344], %swap3A_347 {strides = array<i32>} : memref<960xi32, #tpu.memory_space<vmem>>, vector<16xi32>,
    %add3A_348 = arith.addi %add3A_337, %min3A_317 : vector<16xi32>
    %swap3A_349 = arith.constant 272 : index
    %swap3A_350 = tpu.vector_load %arg8[%swap3A_349] {strides = array<i32>} : memref<960xi32, #tpu.memory_space<vmem>>, vector<16xi32>,
    %swap3A_351 = vector.shape_cast %swap3A_350 : vector<16xi32> to vector<16xi32>
    %swap3A_352 = vector.shape_cast %add3A_348 : vector<16xi32> to vector<16xi32>
    tpu.vector_store %arg8[%swap3A_349], %swap3A_352 {strides = array<i32>} : memref<960xi32, #tpu.memory_space<vmem>>, vector<16xi32>,
    %add3A_353 = arith.addi %add3A_342, %min3A_308 : vector<16xi32>
    %swap3A_354 = arith.constant 512 : index
    %swap3A_355 = tpu.vector_load %arg8[%swap3A_354] {strides = array<i32>} : memref<960xi32, #tpu.memory_space<vmem>>, vector<16xi32>,
    %swap3A_356 = vector.shape_cast %swap3A_355 : vector<16xi32> to vector<16xi32>
    %swap3A_357 = vector.shape_cast %add3A_353 : vector<16xi32> to vector<16xi32>
    tpu.vector_store %arg8[%swap3A_354], %swap3A_357 {strides = array<i32>} : memref<960xi32, #tpu.memory_space<vmem>>, vector<16xi32>,
    %add3A_358 = arith.addi %add3A_342, %min3A_317 : vector<16xi32>
    %swap3A_359 = arith.constant 752 : index
    %swap3A_360 = tpu.vector_load %arg8[%swap3A_359] {strides = array<i32>} : memref<960xi32, #tpu.memory_space<vmem>>, vector<16xi32>,
    %swap3A_361 = vector.shape_cast %swap3A_360 : vector<16xi32> to vector<16xi32>
    %swap3A_362 = vector.shape_cast %add3A_358 : vector<16xi32> to vector<16xi32>
    tpu.vector_store %arg8[%swap3A_359], %swap3A_362 {strides = array<i32>} : memref<960xi32, #tpu.memory_space<vmem>>, vector<16xi32>,
    %get3A_363 = arith.constant 48 : index
    %get3A_364 = tpu.vector_load %arg6[%get3A_363] {strides = array<i32>} : memref<240xf32, #tpu.memory_space<vmem>>, vector<16xf32>,
    %get3A_365 = vector.shape_cast %get3A_364 : vector<16xf32> to vector<16xf32>
    %get3A_366 = arith.constant 48 : index
    %get3A_367 = tpu.vector_load %arg7[%get3A_366] {strides = array<i32>} : memref<240xf32, #tpu.memory_space<vmem>>, vector<16xf32>,
    %get3A_368 = vector.shape_cast %get3A_367 : vector<16xf32> to vector<16xf32>
    %mul3A_369 = arith.constant 2.000000e+00 : f32
    %mul3A_370 = vector.broadcast %mul3A_369 : f32 to vector<16xf32>
    %mul3A_371 = arith.mulf %get3A_365, %mul3A_370 : vector<16xf32>
    %sub3A_372 = arith.constant 1.000000e+00 : f32
    %sub3A_373 = vector.broadcast %sub3A_372 : f32 to vector<16xf32>
    %sub3A_374 = arith.subf %mul3A_371, %sub3A_373 : vector<16xf32>
    %add3A_375 = arith.constant 1.000000e+00 : f32
    %add3A_376 = vector.broadcast %add3A_375 : f32 to vector<16xf32>
    %add3A_377 = arith.addf %sub3A_374, %add3A_376 : vector<16xf32>
    %mul3A_378 = arith.constant 2.560000e+02 : f32
    %mul3A_379 = vector.broadcast %mul3A_378 : f32 to vector<16xf32>
    %mul3A_380 = arith.mulf %add3A_377, %mul3A_379 : vector<16xf32>
    %sub3A_381 = arith.constant 1.000000e+00 : f32
    %sub3A_382 = vector.broadcast %sub3A_381 : f32 to vector<16xf32>
    %sub3A_383 = arith.subf %mul3A_380, %sub3A_382 : vector<16xf32>
    %div3A_384 = arith.constant 2.000000e+00 : f32
    %div3A_385 = vector.broadcast %div3A_384 : f32 to vector<16xf32>
    %div3A_386 = arith.divf %sub3A_383, %div3A_385 : vector<16xf32>
    %mul3A_387 = arith.constant 2.000000e+00 : f32
    %mul3A_388 = vector.broadcast %mul3A_387 : f32 to vector<16xf32>
    %mul3A_389 = arith.mulf %get3A_368, %mul3A_388 : vector<16xf32>
    %sub3A_390 = arith.constant 1.000000e+00 : f32
    %sub3A_391 = vector.broadcast %sub3A_390 : f32 to vector<16xf32>
    %sub3A_392 = arith.subf %mul3A_389, %sub3A_391 : vector<16xf32>
    %add3A_393 = arith.constant 1.000000e+00 : f32
    %add3A_394 = vector.broadcast %add3A_393 : f32 to vector<16xf32>
    %add3A_395 = arith.addf %sub3A_392, %add3A_394 : vector<16xf32>
    %mul3A_396 = arith.constant 2.560000e+02 : f32
    %mul3A_397 = vector.broadcast %mul3A_396 : f32 to vector<16xf32>
    %mul3A_398 = arith.mulf %add3A_395, %mul3A_397 : vector<16xf32>
    %sub3A_399 = arith.constant 1.000000e+00 : f32
    %sub3A_400 = vector.broadcast %sub3A_399 : f32 to vector<16xf32>
    %sub3A_401 = arith.subf %mul3A_398, %sub3A_400 : vector<16xf32>
    %div3A_402 = arith.constant 2.000000e+00 : f32
    %div3A_403 = vector.broadcast %div3A_402 : f32 to vector<16xf32>
    %div3A_404 = arith.divf %sub3A_401, %div3A_403 : vector<16xf32>
    %convert_element_type3A_405 = arith.fptosi %div3A_386 : vector<16xf32> to vector<16xi32>
    %convert_element_type3A_406 = arith.fptosi %div3A_404 : vector<16xf32> to vector<16xi32>
    %convert_element_type3A_407 = arith.sitofp %convert_element_type3A_405 : vector<16xi32> to vector<16xf32>
    %lt3A_408 = arith.cmpf olt, %div3A_386, %convert_element_type3A_407 : vector<16xf32>
    %sub3A_409 = arith.constant 1 : i32
    %sub3A_410 = vector.broadcast %sub3A_409 : i32 to vector<16xi32>
    %sub3A_411 = arith.subi %convert_element_type3A_405, %sub3A_410 : vector<16xi32>
    %select_n3A_412 = arith.select %lt3A_408, %sub3A_411, %convert_element_type3A_405 : vector<16xi1>, vector<16xi32>
    %convert_element_type3A_413 = arith.sitofp %convert_element_type3A_406 : vector<16xi32> to vector<16xf32>
    %lt3A_414 = arith.cmpf olt, %div3A_404, %convert_element_type3A_413 : vector<16xf32>
    %sub3A_415 = arith.constant 1 : i32
    %sub3A_416 = vector.broadcast %sub3A_415 : i32 to vector<16xi32>
    %sub3A_417 = arith.subi %convert_element_type3A_406, %sub3A_416 : vector<16xi32>
    %select_n3A_418 = arith.select %lt3A_414, %sub3A_417, %convert_element_type3A_406 : vector<16xi1>, vector<16xi32>
    %jit3A_419 = arith.constant 0 : i32
    %jit3A_420 = arith.constant 255 : i32
    %max3A_421 = vector.broadcast %jit3A_419 : i32 to vector<16xi32>
    %max3A_422 = arith.maxsi %max3A_421, %select_n3A_412 : vector<16xi32>
    %min3A_423 = vector.broadcast %jit3A_420 : i32 to vector<16xi32>
    %min3A_424 = arith.minsi %min3A_423, %max3A_422 : vector<16xi32>
    %add3A_425 = arith.constant 1 : i32
    %add3A_426 = vector.broadcast %add3A_425 : i32 to vector<16xi32>
    %add3A_427 = arith.addi %select_n3A_412, %add3A_426 : vector<16xi32>
    %jit3A_428 = arith.constant 0 : i32
    %jit3A_429 = arith.constant 255 : i32
    %max3A_430 = vector.broadcast %jit3A_428 : i32 to vector<16xi32>
    %max3A_431 = arith.maxsi %max3A_430, %add3A_427 : vector<16xi32>
    %min3A_432 = vector.broadcast %jit3A_429 : i32 to vector<16xi32>
    %min3A_433 = arith.minsi %min3A_432, %max3A_431 : vector<16xi32>
    %jit3A_434 = arith.constant 0 : i32
    %jit3A_435 = arith.constant 255 : i32
    %max3A_436 = vector.broadcast %jit3A_434 : i32 to vector<16xi32>
    %max3A_437 = arith.maxsi %max3A_436, %select_n3A_418 : vector<16xi32>
    %min3A_438 = vector.broadcast %jit3A_435 : i32 to vector<16xi32>
    %min3A_439 = arith.minsi %min3A_438, %max3A_437 : vector<16xi32>
    %add3A_440 = arith.constant 1 : i32
    %add3A_441 = vector.broadcast %add3A_440 : i32 to vector<16xi32>
    %add3A_442 = arith.addi %select_n3A_418, %add3A_441 : vector<16xi32>
    %jit3A_443 = arith.constant 0 : i32
    %jit3A_444 = arith.constant 255 : i32
    %max3A_445 = vector.broadcast %jit3A_443 : i32 to vector<16xi32>
    %max3A_446 = arith.maxsi %max3A_445, %add3A_442 : vector<16xi32>
    %min3A_447 = vector.broadcast %jit3A_444 : i32 to vector<16xi32>
    %min3A_448 = arith.minsi %min3A_447, %max3A_446 : vector<16xi32>
    %mul3A_449 = arith.constant 256 : i32
    %mul3A_450 = vector.broadcast %mul3A_449 : i32 to vector<16xi32>
    %mul3A_451 = arith.muli %min3A_439, %mul3A_450 : vector<16xi32>
    %add3A_452 = vector.broadcast %mul3A_20 : i32 to vector<16xi32>
    %add3A_453 = arith.addi %add3A_452, %mul3A_451 : vector<16xi32>
    %mul3A_454 = arith.constant 256 : i32
    %mul3A_455 = vector.broadcast %mul3A_454 : i32 to vector<16xi32>
    %mul3A_456 = arith.muli %min3A_448, %mul3A_455 : vector<16xi32>
    %add3A_457 = vector.broadcast %mul3A_20 : i32 to vector<16xi32>
    %add3A_458 = arith.addi %add3A_457, %mul3A_456 : vector<16xi32>
    %add3A_459 = arith.addi %add3A_453, %min3A_424 : vector<16xi32>
    %swap3A_460 = arith.constant 48 : index
    %swap3A_461 = tpu.vector_load %arg8[%swap3A_460] {strides = array<i32>} : memref<960xi32, #tpu.memory_space<vmem>>, vector<16xi32>,
    %swap3A_462 = vector.shape_cast %swap3A_461 : vector<16xi32> to vector<16xi32>
    %swap3A_463 = vector.shape_cast %add3A_459 : vector<16xi32> to vector<16xi32>
    tpu.vector_store %arg8[%swap3A_460], %swap3A_463 {strides = array<i32>} : memref<960xi32, #tpu.memory_space<vmem>>, vector<16xi32>,
    %add3A_464 = arith.addi %add3A_453, %min3A_433 : vector<16xi32>
    %swap3A_465 = arith.constant 288 : index
    %swap3A_466 = tpu.vector_load %arg8[%swap3A_465] {strides = array<i32>} : memref<960xi32, #tpu.memory_space<vmem>>, vector<16xi32>,
    %swap3A_467 = vector.shape_cast %swap3A_466 : vector<16xi32> to vector<16xi32>
    %swap3A_468 = vector.shape_cast %add3A_464 : vector<16xi32> to vector<16xi32>
    tpu.vector_store %arg8[%swap3A_465], %swap3A_468 {strides = array<i32>} : memref<960xi32, #tpu.memory_space<vmem>>, vector<16xi32>,
    %add3A_469 = arith.addi %add3A_458, %min3A_424 : vector<16xi32>
    %swap3A_470 = arith.constant 528 : index
    %swap3A_471 = tpu.vector_load %arg8[%swap3A_470] {strides = array<i32>} : memref<960xi32, #tpu.memory_space<vmem>>, vector<16xi32>,
    %swap3A_472 = vector.shape_cast %swap3A_471 : vector<16xi32> to vector<16xi32>
    %swap3A_473 = vector.shape_cast %add3A_469 : vector<16xi32> to vector<16xi32>
    tpu.vector_store %arg8[%swap3A_470], %swap3A_473 {strides = array<i32>} : memref<960xi32, #tpu.memory_space<vmem>>, vector<16xi32>,
    %add3A_474 = arith.addi %add3A_458, %min3A_433 : vector<16xi32>
    %swap3A_475 = arith.constant 768 : index
    %swap3A_476 = tpu.vector_load %arg8[%swap3A_475] {strides = array<i32>} : memref<960xi32, #tpu.memory_space<vmem>>, vector<16xi32>,
    %swap3A_477 = vector.shape_cast %swap3A_476 : vector<16xi32> to vector<16xi32>
    %swap3A_478 = vector.shape_cast %add3A_474 : vector<16xi32> to vector<16xi32>
    tpu.vector_store %arg8[%swap3A_475], %swap3A_478 {strides = array<i32>} : memref<960xi32, #tpu.memory_space<vmem>>, vector<16xi32>,
    %get3A_479 = arith.constant 64 : index
    %get3A_480 = tpu.vector_load %arg6[%get3A_479] {strides = array<i32>} : memref<240xf32, #tpu.memory_space<vmem>>, vector<16xf32>,
    %get3A_481 = vector.shape_cast %get3A_480 : vector<16xf32> to vector<16xf32>
    %get3A_482 = arith.constant 64 : index
    %get3A_483 = tpu.vector_load %arg7[%get3A_482] {strides = array<i32>} : memref<240xf32, #tpu.memory_space<vmem>>, vector<16xf32>,
    %get3A_484 = vector.shape_cast %get3A_483 : vector<16xf32> to vector<16xf32>
    %mul3A_485 = arith.constant 2.000000e+00 : f32
    %mul3A_486 = vector.broadcast %mul3A_485 : f32 to vector<16xf32>
    %mul3A_487 = arith.mulf %get3A_481, %mul3A_486 : vector<16xf32>
    %sub3A_488 = arith.constant 1.000000e+00 : f32
    %sub3A_489 = vector.broadcast %sub3A_488 : f32 to vector<16xf32>
    %sub3A_490 = arith.subf %mul3A_487, %sub3A_489 : vector<16xf32>
    %add3A_491 = arith.constant 1.000000e+00 : f32
    %add3A_492 = vector.broadcast %add3A_491 : f32 to vector<16xf32>
    %add3A_493 = arith.addf %sub3A_490, %add3A_492 : vector<16xf32>
    %mul3A_494 = arith.constant 2.560000e+02 : f32
    %mul3A_495 = vector.broadcast %mul3A_494 : f32 to vector<16xf32>
    %mul3A_496 = arith.mulf %add3A_493, %mul3A_495 : vector<16xf32>
    %sub3A_497 = arith.constant 1.000000e+00 : f32
    %sub3A_498 = vector.broadcast %sub3A_497 : f32 to vector<16xf32>
    %sub3A_499 = arith.subf %mul3A_496, %sub3A_498 : vector<16xf32>
    %div3A_500 = arith.constant 2.000000e+00 : f32
    %div3A_501 = vector.broadcast %div3A_500 : f32 to vector<16xf32>
    %div3A_502 = arith.divf %sub3A_499, %div3A_501 : vector<16xf32>
    %mul3A_503 = arith.constant 2.000000e+00 : f32
    %mul3A_504 = vector.broadcast %mul3A_503 : f32 to vector<16xf32>
    %mul3A_505 = arith.mulf %get3A_484, %mul3A_504 : vector<16xf32>
    %sub3A_506 = arith.constant 1.000000e+00 : f32
    %sub3A_507 = vector.broadcast %sub3A_506 : f32 to vector<16xf32>
    %sub3A_508 = arith.subf %mul3A_505, %sub3A_507 : vector<16xf32>
    %add3A_509 = arith.constant 1.000000e+00 : f32
    %add3A_510 = vector.broadcast %add3A_509 : f32 to vector<16xf32>
    %add3A_511 = arith.addf %sub3A_508, %add3A_510 : vector<16xf32>
    %mul3A_512 = arith.constant 2.560000e+02 : f32
    %mul3A_513 = vector.broadcast %mul3A_512 : f32 to vector<16xf32>
    %mul3A_514 = arith.mulf %add3A_511, %mul3A_513 : vector<16xf32>
    %sub3A_515 = arith.constant 1.000000e+00 : f32
    %sub3A_516 = vector.broadcast %sub3A_515 : f32 to vector<16xf32>
    %sub3A_517 = arith.subf %mul3A_514, %sub3A_516 : vector<16xf32>
    %div3A_518 = arith.constant 2.000000e+00 : f32
    %div3A_519 = vector.broadcast %div3A_518 : f32 to vector<16xf32>
    %div3A_520 = arith.divf %sub3A_517, %div3A_519 : vector<16xf32>
    %convert_element_type3A_521 = arith.fptosi %div3A_502 : vector<16xf32> to vector<16xi32>
    %convert_element_type3A_522 = arith.fptosi %div3A_520 : vector<16xf32> to vector<16xi32>
    %convert_element_type3A_523 = arith.sitofp %convert_element_type3A_521 : vector<16xi32> to vector<16xf32>
    %lt3A_524 = arith.cmpf olt, %div3A_502, %convert_element_type3A_523 : vector<16xf32>
    %sub3A_525 = arith.constant 1 : i32
    %sub3A_526 = vector.broadcast %sub3A_525 : i32 to vector<16xi32>
    %sub3A_527 = arith.subi %convert_element_type3A_521, %sub3A_526 : vector<16xi32>
    %select_n3A_528 = arith.select %lt3A_524, %sub3A_527, %convert_element_type3A_521 : vector<16xi1>, vector<16xi32>
    %convert_element_type3A_529 = arith.sitofp %convert_element_type3A_522 : vector<16xi32> to vector<16xf32>
    %lt3A_530 = arith.cmpf olt, %div3A_520, %convert_element_type3A_529 : vector<16xf32>
    %sub3A_531 = arith.constant 1 : i32
    %sub3A_532 = vector.broadcast %sub3A_531 : i32 to vector<16xi32>
    %sub3A_533 = arith.subi %convert_element_type3A_522, %sub3A_532 : vector<16xi32>
    %select_n3A_534 = arith.select %lt3A_530, %sub3A_533, %convert_element_type3A_522 : vector<16xi1>, vector<16xi32>
    %jit3A_535 = arith.constant 0 : i32
    %jit3A_536 = arith.constant 255 : i32
    %max3A_537 = vector.broadcast %jit3A_535 : i32 to vector<16xi32>
    %max3A_538 = arith.maxsi %max3A_537, %select_n3A_528 : vector<16xi32>
    %min3A_539 = vector.broadcast %jit3A_536 : i32 to vector<16xi32>
    %min3A_540 = arith.minsi %min3A_539, %max3A_538 : vector<16xi32>
    %add3A_541 = arith.constant 1 : i32
    %add3A_542 = vector.broadcast %add3A_541 : i32 to vector<16xi32>
    %add3A_543 = arith.addi %select_n3A_528, %add3A_542 : vector<16xi32>
    %jit3A_544 = arith.constant 0 : i32
    %jit3A_545 = arith.constant 255 : i32
    %max3A_546 = vector.broadcast %jit3A_544 : i32 to vector<16xi32>
    %max3A_547 = arith.maxsi %max3A_546, %add3A_543 : vector<16xi32>
    %min3A_548 = vector.broadcast %jit3A_545 : i32 to vector<16xi32>
    %min3A_549 = arith.minsi %min3A_548, %max3A_547 : vector<16xi32>
    %jit3A_550 = arith.constant 0 : i32
    %jit3A_551 = arith.constant 255 : i32
    %max3A_552 = vector.broadcast %jit3A_550 : i32 to vector<16xi32>
    %max3A_553 = arith.maxsi %max3A_552, %select_n3A_534 : vector<16xi32>
    %min3A_554 = vector.broadcast %jit3A_551 : i32 to vector<16xi32>
    %min3A_555 = arith.minsi %min3A_554, %max3A_553 : vector<16xi32>
    %add3A_556 = arith.constant 1 : i32
    %add3A_557 = vector.broadcast %add3A_556 : i32 to vector<16xi32>
    %add3A_558 = arith.addi %select_n3A_534, %add3A_557 : vector<16xi32>
    %jit3A_559 = arith.constant 0 : i32
    %jit3A_560 = arith.constant 255 : i32
    %max3A_561 = vector.broadcast %jit3A_559 : i32 to vector<16xi32>
    %max3A_562 = arith.maxsi %max3A_561, %add3A_558 : vector<16xi32>
    %min3A_563 = vector.broadcast %jit3A_560 : i32 to vector<16xi32>
    %min3A_564 = arith.minsi %min3A_563, %max3A_562 : vector<16xi32>
    %mul3A_565 = arith.constant 256 : i32
    %mul3A_566 = vector.broadcast %mul3A_565 : i32 to vector<16xi32>
    %mul3A_567 = arith.muli %min3A_555, %mul3A_566 : vector<16xi32>
    %add3A_568 = vector.broadcast %mul3A_20 : i32 to vector<16xi32>
    %add3A_569 = arith.addi %add3A_568, %mul3A_567 : vector<16xi32>
    %mul3A_570 = arith.constant 256 : i32
    %mul3A_571 = vector.broadcast %mul3A_570 : i32 to vector<16xi32>
    %mul3A_572 = arith.muli %min3A_564, %mul3A_571 : vector<16xi32>
    %add3A_573 = vector.broadcast %mul3A_20 : i32 to vector<16xi32>
    %add3A_574 = arith.addi %add3A_573, %mul3A_572 : vector<16xi32>
    %add3A_575 = arith.addi %add3A_569, %min3A_540 : vector<16xi32>
    %swap3A_576 = arith.constant 64 : index
    %swap3A_577 = tpu.vector_load %arg8[%swap3A_576] {strides = array<i32>} : memref<960xi32, #tpu.memory_space<vmem>>, vector<16xi32>,
    %swap3A_578 = vector.shape_cast %swap3A_577 : vector<16xi32> to vector<16xi32>
    %swap3A_579 = vector.shape_cast %add3A_575 : vector<16xi32> to vector<16xi32>
    tpu.vector_store %arg8[%swap3A_576], %swap3A_579 {strides = array<i32>} : memref<960xi32, #tpu.memory_space<vmem>>, vector<16xi32>,
    %add3A_580 = arith.addi %add3A_569, %min3A_549 : vector<16xi32>
    %swap3A_581 = arith.constant 304 : index
    %swap3A_582 = tpu.vector_load %arg8[%swap3A_581] {strides = array<i32>} : memref<960xi32, #tpu.memory_space<vmem>>, vector<16xi32>,
    %swap3A_583 = vector.shape_cast %swap3A_582 : vector<16xi32> to vector<16xi32>
    %swap3A_584 = vector.shape_cast %add3A_580 : vector<16xi32> to vector<16xi32>
    tpu.vector_store %arg8[%swap3A_581], %swap3A_584 {strides = array<i32>} : memref<960xi32, #tpu.memory_space<vmem>>, vector<16xi32>,
    %add3A_585 = arith.addi %add3A_574, %min3A_540 : vector<16xi32>
    %swap3A_586 = arith.constant 544 : index
    %swap3A_587 = tpu.vector_load %arg8[%swap3A_586] {strides = array<i32>} : memref<960xi32, #tpu.memory_space<vmem>>, vector<16xi32>,
    %swap3A_588 = vector.shape_cast %swap3A_587 : vector<16xi32> to vector<16xi32>
    %swap3A_589 = vector.shape_cast %add3A_585 : vector<16xi32> to vector<16xi32>
    tpu.vector_store %arg8[%swap3A_586], %swap3A_589 {strides = array<i32>} : memref<960xi32, #tpu.memory_space<vmem>>, vector<16xi32>,
    %add3A_590 = arith.addi %add3A_574, %min3A_549 : vector<16xi32>
    %swap3A_591 = arith.constant 784 : index
    %swap3A_592 = tpu.vector_load %arg8[%swap3A_591] {strides = array<i32>} : memref<960xi32, #tpu.memory_space<vmem>>, vector<16xi32>,
    %swap3A_593 = vector.shape_cast %swap3A_592 : vector<16xi32> to vector<16xi32>
    %swap3A_594 = vector.shape_cast %add3A_590 : vector<16xi32> to vector<16xi32>
    tpu.vector_store %arg8[%swap3A_591], %swap3A_594 {strides = array<i32>} : memref<960xi32, #tpu.memory_space<vmem>>, vector<16xi32>,
    %get3A_595 = arith.constant 80 : index
    %get3A_596 = tpu.vector_load %arg6[%get3A_595] {strides = array<i32>} : memref<240xf32, #tpu.memory_space<vmem>>, vector<16xf32>,
    %get3A_597 = vector.shape_cast %get3A_596 : vector<16xf32> to vector<16xf32>
    %get3A_598 = arith.constant 80 : index
    %get3A_599 = tpu.vector_load %arg7[%get3A_598] {strides = array<i32>} : memref<240xf32, #tpu.memory_space<vmem>>, vector<16xf32>,
    %get3A_600 = vector.shape_cast %get3A_599 : vector<16xf32> to vector<16xf32>
    %mul3A_601 = arith.constant 2.000000e+00 : f32
    %mul3A_602 = vector.broadcast %mul3A_601 : f32 to vector<16xf32>
    %mul3A_603 = arith.mulf %get3A_597, %mul3A_602 : vector<16xf32>
    %sub3A_604 = arith.constant 1.000000e+00 : f32
    %sub3A_605 = vector.broadcast %sub3A_604 : f32 to vector<16xf32>
    %sub3A_606 = arith.subf %mul3A_603, %sub3A_605 : vector<16xf32>
    %add3A_607 = arith.constant 1.000000e+00 : f32
    %add3A_608 = vector.broadcast %add3A_607 : f32 to vector<16xf32>
    %add3A_609 = arith.addf %sub3A_606, %add3A_608 : vector<16xf32>
    %mul3A_610 = arith.constant 2.560000e+02 : f32
    %mul3A_611 = vector.broadcast %mul3A_610 : f32 to vector<16xf32>
    %mul3A_612 = arith.mulf %add3A_609, %mul3A_611 : vector<16xf32>
    %sub3A_613 = arith.constant 1.000000e+00 : f32
    %sub3A_614 = vector.broadcast %sub3A_613 : f32 to vector<16xf32>
    %sub3A_615 = arith.subf %mul3A_612, %sub3A_614 : vector<16xf32>
    %div3A_616 = arith.constant 2.000000e+00 : f32
    %div3A_617 = vector.broadcast %div3A_616 : f32 to vector<16xf32>
    %div3A_618 = arith.divf %sub3A_615, %div3A_617 : vector<16xf32>
    %mul3A_619 = arith.constant 2.000000e+00 : f32
    %mul3A_620 = vector.broadcast %mul3A_619 : f32 to vector<16xf32>
    %mul3A_621 = arith.mulf %get3A_600, %mul3A_620 : vector<16xf32>
    %sub3A_622 = arith.constant 1.000000e+00 : f32
    %sub3A_623 = vector.broadcast %sub3A_622 : f32 to vector<16xf32>
    %sub3A_624 = arith.subf %mul3A_621, %sub3A_623 : vector<16xf32>
    %add3A_625 = arith.constant 1.000000e+00 : f32
    %add3A_626 = vector.broadcast %add3A_625 : f32 to vector<16xf32>
    %add3A_627 = arith.addf %sub3A_624, %add3A_626 : vector<16xf32>
    %mul3A_628 = arith.constant 2.560000e+02 : f32
    %mul3A_629 = vector.broadcast %mul3A_628 : f32 to vector<16xf32>
    %mul3A_630 = arith.mulf %add3A_627, %mul3A_629 : vector<16xf32>
    %sub3A_631 = arith.constant 1.000000e+00 : f32
    %sub3A_632 = vector.broadcast %sub3A_631 : f32 to vector<16xf32>
    %sub3A_633 = arith.subf %mul3A_630, %sub3A_632 : vector<16xf32>
    %div3A_634 = arith.constant 2.000000e+00 : f32
    %div3A_635 = vector.broadcast %div3A_634 : f32 to vector<16xf32>
    %div3A_636 = arith.divf %sub3A_633, %div3A_635 : vector<16xf32>
    %convert_element_type3A_637 = arith.fptosi %div3A_618 : vector<16xf32> to vector<16xi32>
    %convert_element_type3A_638 = arith.fptosi %div3A_636 : vector<16xf32> to vector<16xi32>
    %convert_element_type3A_639 = arith.sitofp %convert_element_type3A_637 : vector<16xi32> to vector<16xf32>
    %lt3A_640 = arith.cmpf olt, %div3A_618, %convert_element_type3A_639 : vector<16xf32>
    %sub3A_641 = arith.constant 1 : i32
    %sub3A_642 = vector.broadcast %sub3A_641 : i32 to vector<16xi32>
    %sub3A_643 = arith.subi %convert_element_type3A_637, %sub3A_642 : vector<16xi32>
    %select_n3A_644 = arith.select %lt3A_640, %sub3A_643, %convert_element_type3A_637 : vector<16xi1>, vector<16xi32>
    %convert_element_type3A_645 = arith.sitofp %convert_element_type3A_638 : vector<16xi32> to vector<16xf32>
    %lt3A_646 = arith.cmpf olt, %div3A_636, %convert_element_type3A_645 : vector<16xf32>
    %sub3A_647 = arith.constant 1 : i32
    %sub3A_648 = vector.broadcast %sub3A_647 : i32 to vector<16xi32>
    %sub3A_649 = arith.subi %convert_element_type3A_638, %sub3A_648 : vector<16xi32>
    %select_n3A_650 = arith.select %lt3A_646, %sub3A_649, %convert_element_type3A_638 : vector<16xi1>, vector<16xi32>
    %jit3A_651 = arith.constant 0 : i32
    %jit3A_652 = arith.constant 255 : i32
    %max3A_653 = vector.broadcast %jit3A_651 : i32 to vector<16xi32>
    %max3A_654 = arith.maxsi %max3A_653, %select_n3A_644 : vector<16xi32>
    %min3A_655 = vector.broadcast %jit3A_652 : i32 to vector<16xi32>
    %min3A_656 = arith.minsi %min3A_655, %max3A_654 : vector<16xi32>
    %add3A_657 = arith.constant 1 : i32
    %add3A_658 = vector.broadcast %add3A_657 : i32 to vector<16xi32>
    %add3A_659 = arith.addi %select_n3A_644, %add3A_658 : vector<16xi32>
    %jit3A_660 = arith.constant 0 : i32
    %jit3A_661 = arith.constant 255 : i32
    %max3A_662 = vector.broadcast %jit3A_660 : i32 to vector<16xi32>
    %max3A_663 = arith.maxsi %max3A_662, %add3A_659 : vector<16xi32>
    %min3A_664 = vector.broadcast %jit3A_661 : i32 to vector<16xi32>
    %min3A_665 = arith.minsi %min3A_664, %max3A_663 : vector<16xi32>
    %jit3A_666 = arith.constant 0 : i32
    %jit3A_667 = arith.constant 255 : i32
    %max3A_668 = vector.broadcast %jit3A_666 : i32 to vector<16xi32>
    %max3A_669 = arith.maxsi %max3A_668, %select_n3A_650 : vector<16xi32>
    %min3A_670 = vector.broadcast %jit3A_667 : i32 to vector<16xi32>
    %min3A_671 = arith.minsi %min3A_670, %max3A_669 : vector<16xi32>
    %add3A_672 = arith.constant 1 : i32
    %add3A_673 = vector.broadcast %add3A_672 : i32 to vector<16xi32>
    %add3A_674 = arith.addi %select_n3A_650, %add3A_673 : vector<16xi32>
    %jit3A_675 = arith.constant 0 : i32
    %jit3A_676 = arith.constant 255 : i32
    %max3A_677 = vector.broadcast %jit3A_675 : i32 to vector<16xi32>
    %max3A_678 = arith.maxsi %max3A_677, %add3A_674 : vector<16xi32>
    %min3A_679 = vector.broadcast %jit3A_676 : i32 to vector<16xi32>
    %min3A_680 = arith.minsi %min3A_679, %max3A_678 : vector<16xi32>
    %mul3A_681 = arith.constant 256 : i32
    %mul3A_682 = vector.broadcast %mul3A_681 : i32 to vector<16xi32>
    %mul3A_683 = arith.muli %min3A_671, %mul3A_682 : vector<16xi32>
    %add3A_684 = vector.broadcast %mul3A_20 : i32 to vector<16xi32>
    %add3A_685 = arith.addi %add3A_684, %mul3A_683 : vector<16xi32>
    %mul3A_686 = arith.constant 256 : i32
    %mul3A_687 = vector.broadcast %mul3A_686 : i32 to vector<16xi32>
    %mul3A_688 = arith.muli %min3A_680, %mul3A_687 : vector<16xi32>
    %add3A_689 = vector.broadcast %mul3A_20 : i32 to vector<16xi32>
    %add3A_690 = arith.addi %add3A_689, %mul3A_688 : vector<16xi32>
    %add3A_691 = arith.addi %add3A_685, %min3A_656 : vector<16xi32>
    %swap3A_692 = arith.constant 80 : index
    %swap3A_693 = tpu.vector_load %arg8[%swap3A_692] {strides = array<i32>} : memref<960xi32, #tpu.memory_space<vmem>>, vector<16xi32>,
    %swap3A_694 = vector.shape_cast %swap3A_693 : vector<16xi32> to vector<16xi32>
    %swap3A_695 = vector.shape_cast %add3A_691 : vector<16xi32> to vector<16xi32>
    tpu.vector_store %arg8[%swap3A_692], %swap3A_695 {strides = array<i32>} : memref<960xi32, #tpu.memory_space<vmem>>, vector<16xi32>,
    %add3A_696 = arith.addi %add3A_685, %min3A_665 : vector<16xi32>
    %swap3A_697 = arith.constant 320 : index
    %swap3A_698 = tpu.vector_load %arg8[%swap3A_697] {strides = array<i32>} : memref<960xi32, #tpu.memory_space<vmem>>, vector<16xi32>,
    %swap3A_699 = vector.shape_cast %swap3A_698 : vector<16xi32> to vector<16xi32>
    %swap3A_700 = vector.shape_cast %add3A_696 : vector<16xi32> to vector<16xi32>
    tpu.vector_store %arg8[%swap3A_697], %swap3A_700 {strides = array<i32>} : memref<960xi32, #tpu.memory_space<vmem>>, vector<16xi32>,
    %add3A_701 = arith.addi %add3A_690, %min3A_656 : vector<16xi32>
    %swap3A_702 = arith.constant 560 : index
    %swap3A_703 = tpu.vector_load %arg8[%swap3A_702] {strides = array<i32>} : memref<960xi32, #tpu.memory_space<vmem>>, vector<16xi32>,
    %swap3A_704 = vector.shape_cast %swap3A_703 : vector<16xi32> to vector<16xi32>
    %swap3A_705 = vector.shape_cast %add3A_701 : vector<16xi32> to vector<16xi32>
    tpu.vector_store %arg8[%swap3A_702], %swap3A_705 {strides = array<i32>} : memref<960xi32, #tpu.memory_space<vmem>>, vector<16xi32>,
    %add3A_706 = arith.addi %add3A_690, %min3A_665 : vector<16xi32>
    %swap3A_707 = arith.constant 800 : index
    %swap3A_708 = tpu.vector_load %arg8[%swap3A_707] {strides = array<i32>} : memref<960xi32, #tpu.memory_space<vmem>>, vector<16xi32>,
    %swap3A_709 = vector.shape_cast %swap3A_708 : vector<16xi32> to vector<16xi32>
    %swap3A_710 = vector.shape_cast %add3A_706 : vector<16xi32> to vector<16xi32>
    tpu.vector_store %arg8[%swap3A_707], %swap3A_710 {strides = array<i32>} : memref<960xi32, #tpu.memory_space<vmem>>, vector<16xi32>,
    %get3A_711 = arith.constant 96 : index
    %get3A_712 = tpu.vector_load %arg6[%get3A_711] {strides = array<i32>} : memref<240xf32, #tpu.memory_space<vmem>>, vector<16xf32>,
    %get3A_713 = vector.shape_cast %get3A_712 : vector<16xf32> to vector<16xf32>
    %get3A_714 = arith.constant 96 : index
    %get3A_715 = tpu.vector_load %arg7[%get3A_714] {strides = array<i32>} : memref<240xf32, #tpu.memory_space<vmem>>, vector<16xf32>,
    %get3A_716 = vector.shape_cast %get3A_715 : vector<16xf32> to vector<16xf32>
    %mul3A_717 = arith.constant 2.000000e+00 : f32
    %mul3A_718 = vector.broadcast %mul3A_717 : f32 to vector<16xf32>
    %mul3A_719 = arith.mulf %get3A_713, %mul3A_718 : vector<16xf32>
    %sub3A_720 = arith.constant 1.000000e+00 : f32
    %sub3A_721 = vector.broadcast %sub3A_720 : f32 to vector<16xf32>
    %sub3A_722 = arith.subf %mul3A_719, %sub3A_721 : vector<16xf32>
    %add3A_723 = arith.constant 1.000000e+00 : f32
    %add3A_724 = vector.broadcast %add3A_723 : f32 to vector<16xf32>
    %add3A_725 = arith.addf %sub3A_722, %add3A_724 : vector<16xf32>
    %mul3A_726 = arith.constant 2.560000e+02 : f32
    %mul3A_727 = vector.broadcast %mul3A_726 : f32 to vector<16xf32>
    %mul3A_728 = arith.mulf %add3A_725, %mul3A_727 : vector<16xf32>
    %sub3A_729 = arith.constant 1.000000e+00 : f32
    %sub3A_730 = vector.broadcast %sub3A_729 : f32 to vector<16xf32>
    %sub3A_731 = arith.subf %mul3A_728, %sub3A_730 : vector<16xf32>
    %div3A_732 = arith.constant 2.000000e+00 : f32
    %div3A_733 = vector.broadcast %div3A_732 : f32 to vector<16xf32>
    %div3A_734 = arith.divf %sub3A_731, %div3A_733 : vector<16xf32>
    %mul3A_735 = arith.constant 2.000000e+00 : f32
    %mul3A_736 = vector.broadcast %mul3A_735 : f32 to vector<16xf32>
    %mul3A_737 = arith.mulf %get3A_716, %mul3A_736 : vector<16xf32>
    %sub3A_738 = arith.constant 1.000000e+00 : f32
    %sub3A_739 = vector.broadcast %sub3A_738 : f32 to vector<16xf32>
    %sub3A_740 = arith.subf %mul3A_737, %sub3A_739 : vector<16xf32>
    %add3A_741 = arith.constant 1.000000e+00 : f32
    %add3A_742 = vector.broadcast %add3A_741 : f32 to vector<16xf32>
    %add3A_743 = arith.addf %sub3A_740, %add3A_742 : vector<16xf32>
    %mul3A_744 = arith.constant 2.560000e+02 : f32
    %mul3A_745 = vector.broadcast %mul3A_744 : f32 to vector<16xf32>
    %mul3A_746 = arith.mulf %add3A_743, %mul3A_745 : vector<16xf32>
    %sub3A_747 = arith.constant 1.000000e+00 : f32
    %sub3A_748 = vector.broadcast %sub3A_747 : f32 to vector<16xf32>
    %sub3A_749 = arith.subf %mul3A_746, %sub3A_748 : vector<16xf32>
    %div3A_750 = arith.constant 2.000000e+00 : f32
    %div3A_751 = vector.broadcast %div3A_750 : f32 to vector<16xf32>
    %div3A_752 = arith.divf %sub3A_749, %div3A_751 : vector<16xf32>
    %convert_element_type3A_753 = arith.fptosi %div3A_734 : vector<16xf32> to vector<16xi32>
    %convert_element_type3A_754 = arith.fptosi %div3A_752 : vector<16xf32> to vector<16xi32>
    %convert_element_type3A_755 = arith.sitofp %convert_element_type3A_753 : vector<16xi32> to vector<16xf32>
    %lt3A_756 = arith.cmpf olt, %div3A_734, %convert_element_type3A_755 : vector<16xf32>
    %sub3A_757 = arith.constant 1 : i32
    %sub3A_758 = vector.broadcast %sub3A_757 : i32 to vector<16xi32>
    %sub3A_759 = arith.subi %convert_element_type3A_753, %sub3A_758 : vector<16xi32>
    %select_n3A_760 = arith.select %lt3A_756, %sub3A_759, %convert_element_type3A_753 : vector<16xi1>, vector<16xi32>
    %convert_element_type3A_761 = arith.sitofp %convert_element_type3A_754 : vector<16xi32> to vector<16xf32>
    %lt3A_762 = arith.cmpf olt, %div3A_752, %convert_element_type3A_761 : vector<16xf32>
    %sub3A_763 = arith.constant 1 : i32
    %sub3A_764 = vector.broadcast %sub3A_763 : i32 to vector<16xi32>
    %sub3A_765 = arith.subi %convert_element_type3A_754, %sub3A_764 : vector<16xi32>
    %select_n3A_766 = arith.select %lt3A_762, %sub3A_765, %convert_element_type3A_754 : vector<16xi1>, vector<16xi32>
    %jit3A_767 = arith.constant 0 : i32
    %jit3A_768 = arith.constant 255 : i32
    %max3A_769 = vector.broadcast %jit3A_767 : i32 to vector<16xi32>
    %max3A_770 = arith.maxsi %max3A_769, %select_n3A_760 : vector<16xi32>
    %min3A_771 = vector.broadcast %jit3A_768 : i32 to vector<16xi32>
    %min3A_772 = arith.minsi %min3A_771, %max3A_770 : vector<16xi32>
    %add3A_773 = arith.constant 1 : i32
    %add3A_774 = vector.broadcast %add3A_773 : i32 to vector<16xi32>
    %add3A_775 = arith.addi %select_n3A_760, %add3A_774 : vector<16xi32>
    %jit3A_776 = arith.constant 0 : i32
    %jit3A_777 = arith.constant 255 : i32
    %max3A_778 = vector.broadcast %jit3A_776 : i32 to vector<16xi32>
    %max3A_779 = arith.maxsi %max3A_778, %add3A_775 : vector<16xi32>
    %min3A_780 = vector.broadcast %jit3A_777 : i32 to vector<16xi32>
    %min3A_781 = arith.minsi %min3A_780, %max3A_779 : vector<16xi32>
    %jit3A_782 = arith.constant 0 : i32
    %jit3A_783 = arith.constant 255 : i32
    %max3A_784 = vector.broadcast %jit3A_782 : i32 to vector<16xi32>
    %max3A_785 = arith.maxsi %max3A_784, %select_n3A_766 : vector<16xi32>
    %min3A_786 = vector.broadcast %jit3A_783 : i32 to vector<16xi32>
    %min3A_787 = arith.minsi %min3A_786, %max3A_785 : vector<16xi32>
    %add3A_788 = arith.constant 1 : i32
    %add3A_789 = vector.broadcast %add3A_788 : i32 to vector<16xi32>
    %add3A_790 = arith.addi %select_n3A_766, %add3A_789 : vector<16xi32>
    %jit3A_791 = arith.constant 0 : i32
    %jit3A_792 = arith.constant 255 : i32
    %max3A_793 = vector.broadcast %jit3A_791 : i32 to vector<16xi32>
    %max3A_794 = arith.maxsi %max3A_793, %add3A_790 : vector<16xi32>
    %min3A_795 = vector.broadcast %jit3A_792 : i32 to vector<16xi32>
    %min3A_796 = arith.minsi %min3A_795, %max3A_794 : vector<16xi32>
    %mul3A_797 = arith.constant 256 : i32
    %mul3A_798 = vector.broadcast %mul3A_797 : i32 to vector<16xi32>
    %mul3A_799 = arith.muli %min3A_787, %mul3A_798 : vector<16xi32>
    %add3A_800 = vector.broadcast %mul3A_20 : i32 to vector<16xi32>
    %add3A_801 = arith.addi %add3A_800, %mul3A_799 : vector<16xi32>
    %mul3A_802 = arith.constant 256 : i32
    %mul3A_803 = vector.broadcast %mul3A_802 : i32 to vector<16xi32>
    %mul3A_804 = arith.muli %min3A_796, %mul3A_803 : vector<16xi32>
    %add3A_805 = vector.broadcast %mul3A_20 : i32 to vector<16xi32>
    %add3A_806 = arith.addi %add3A_805, %mul3A_804 : vector<16xi32>
    %add3A_807 = arith.addi %add3A_801, %min3A_772 : vector<16xi32>
    %swap3A_808 = arith.constant 96 : index
    %swap3A_809 = tpu.vector_load %arg8[%swap3A_808] {strides = array<i32>} : memref<960xi32, #tpu.memory_space<vmem>>, vector<16xi32>,
    %swap3A_810 = vector.shape_cast %swap3A_809 : vector<16xi32> to vector<16xi32>
    %swap3A_811 = vector.shape_cast %add3A_807 : vector<16xi32> to vector<16xi32>
    tpu.vector_store %arg8[%swap3A_808], %swap3A_811 {strides = array<i32>} : memref<960xi32, #tpu.memory_space<vmem>>, vector<16xi32>,
    %add3A_812 = arith.addi %add3A_801, %min3A_781 : vector<16xi32>
    %swap3A_813 = arith.constant 336 : index
    %swap3A_814 = tpu.vector_load %arg8[%swap3A_813] {strides = array<i32>} : memref<960xi32, #tpu.memory_space<vmem>>, vector<16xi32>,
    %swap3A_815 = vector.shape_cast %swap3A_814 : vector<16xi32> to vector<16xi32>
    %swap3A_816 = vector.shape_cast %add3A_812 : vector<16xi32> to vector<16xi32>
    tpu.vector_store %arg8[%swap3A_813], %swap3A_816 {strides = array<i32>} : memref<960xi32, #tpu.memory_space<vmem>>, vector<16xi32>,
    %add3A_817 = arith.addi %add3A_806, %min3A_772 : vector<16xi32>
    %swap3A_818 = arith.constant 576 : index
    %swap3A_819 = tpu.vector_load %arg8[%swap3A_818] {strides = array<i32>} : memref<960xi32, #tpu.memory_space<vmem>>, vector<16xi32>,
    %swap3A_820 = vector.shape_cast %swap3A_819 : vector<16xi32> to vector<16xi32>
    %swap3A_821 = vector.shape_cast %add3A_817 : vector<16xi32> to vector<16xi32>
    tpu.vector_store %arg8[%swap3A_818], %swap3A_821 {strides = array<i32>} : memref<960xi32, #tpu.memory_space<vmem>>, vector<16xi32>,
    %add3A_822 = arith.addi %add3A_806, %min3A_781 : vector<16xi32>
    %swap3A_823 = arith.constant 816 : index
    %swap3A_824 = tpu.vector_load %arg8[%swap3A_823] {strides = array<i32>} : memref<960xi32, #tpu.memory_space<vmem>>, vector<16xi32>,
    %swap3A_825 = vector.shape_cast %swap3A_824 : vector<16xi32> to vector<16xi32>
    %swap3A_826 = vector.shape_cast %add3A_822 : vector<16xi32> to vector<16xi32>
    tpu.vector_store %arg8[%swap3A_823], %swap3A_826 {strides = array<i32>} : memref<960xi32, #tpu.memory_space<vmem>>, vector<16xi32>,
    %get3A_827 = arith.constant 112 : index
    %get3A_828 = tpu.vector_load %arg6[%get3A_827] {strides = array<i32>} : memref<240xf32, #tpu.memory_space<vmem>>, vector<16xf32>,
    %get3A_829 = vector.shape_cast %get3A_828 : vector<16xf32> to vector<16xf32>
    %get3A_830 = arith.constant 112 : index
    %get3A_831 = tpu.vector_load %arg7[%get3A_830] {strides = array<i32>} : memref<240xf32, #tpu.memory_space<vmem>>, vector<16xf32>,
    %get3A_832 = vector.shape_cast %get3A_831 : vector<16xf32> to vector<16xf32>
    %mul3A_833 = arith.constant 2.000000e+00 : f32
    %mul3A_834 = vector.broadcast %mul3A_833 : f32 to vector<16xf32>
    %mul3A_835 = arith.mulf %get3A_829, %mul3A_834 : vector<16xf32>
    %sub3A_836 = arith.constant 1.000000e+00 : f32
    %sub3A_837 = vector.broadcast %sub3A_836 : f32 to vector<16xf32>
    %sub3A_838 = arith.subf %mul3A_835, %sub3A_837 : vector<16xf32>
    %add3A_839 = arith.constant 1.000000e+00 : f32
    %add3A_840 = vector.broadcast %add3A_839 : f32 to vector<16xf32>
    %add3A_841 = arith.addf %sub3A_838, %add3A_840 : vector<16xf32>
    %mul3A_842 = arith.constant 2.560000e+02 : f32
    %mul3A_843 = vector.broadcast %mul3A_842 : f32 to vector<16xf32>
    %mul3A_844 = arith.mulf %add3A_841, %mul3A_843 : vector<16xf32>
    %sub3A_845 = arith.constant 1.000000e+00 : f32
    %sub3A_846 = vector.broadcast %sub3A_845 : f32 to vector<16xf32>
    %sub3A_847 = arith.subf %mul3A_844, %sub3A_846 : vector<16xf32>
    %div3A_848 = arith.constant 2.000000e+00 : f32
    %div3A_849 = vector.broadcast %div3A_848 : f32 to vector<16xf32>
    %div3A_850 = arith.divf %sub3A_847, %div3A_849 : vector<16xf32>
    %mul3A_851 = arith.constant 2.000000e+00 : f32
    %mul3A_852 = vector.broadcast %mul3A_851 : f32 to vector<16xf32>
    %mul3A_853 = arith.mulf %get3A_832, %mul3A_852 : vector<16xf32>
    %sub3A_854 = arith.constant 1.000000e+00 : f32
    %sub3A_855 = vector.broadcast %sub3A_854 : f32 to vector<16xf32>
    %sub3A_856 = arith.subf %mul3A_853, %sub3A_855 : vector<16xf32>
    %add3A_857 = arith.constant 1.000000e+00 : f32
    %add3A_858 = vector.broadcast %add3A_857 : f32 to vector<16xf32>
    %add3A_859 = arith.addf %sub3A_856, %add3A_858 : vector<16xf32>
    %mul3A_860 = arith.constant 2.560000e+02 : f32
    %mul3A_861 = vector.broadcast %mul3A_860 : f32 to vector<16xf32>
    %mul3A_862 = arith.mulf %add3A_859, %mul3A_861 : vector<16xf32>
    %sub3A_863 = arith.constant 1.000000e+00 : f32
    %sub3A_864 = vector.broadcast %sub3A_863 : f32 to vector<16xf32>
    %sub3A_865 = arith.subf %mul3A_862, %sub3A_864 : vector<16xf32>
    %div3A_866 = arith.constant 2.000000e+00 : f32
    %div3A_867 = vector.broadcast %div3A_866 : f32 to vector<16xf32>
    %div3A_868 = arith.divf %sub3A_865, %div3A_867 : vector<16xf32>
    %convert_element_type3A_869 = arith.fptosi %div3A_850 : vector<16xf32> to vector<16xi32>
    %convert_element_type3A_870 = arith.fptosi %div3A_868 : vector<16xf32> to vector<16xi32>
    %convert_element_type3A_871 = arith.sitofp %convert_element_type3A_869 : vector<16xi32> to vector<16xf32>
    %lt3A_872 = arith.cmpf olt, %div3A_850, %convert_element_type3A_871 : vector<16xf32>
    %sub3A_873 = arith.constant 1 : i32
    %sub3A_874 = vector.broadcast %sub3A_873 : i32 to vector<16xi32>
    %sub3A_875 = arith.subi %convert_element_type3A_869, %sub3A_874 : vector<16xi32>
    %select_n3A_876 = arith.select %lt3A_872, %sub3A_875, %convert_element_type3A_869 : vector<16xi1>, vector<16xi32>
    %convert_element_type3A_877 = arith.sitofp %convert_element_type3A_870 : vector<16xi32> to vector<16xf32>
    %lt3A_878 = arith.cmpf olt, %div3A_868, %convert_element_type3A_877 : vector<16xf32>
    %sub3A_879 = arith.constant 1 : i32
    %sub3A_880 = vector.broadcast %sub3A_879 : i32 to vector<16xi32>
    %sub3A_881 = arith.subi %convert_element_type3A_870, %sub3A_880 : vector<16xi32>
    %select_n3A_882 = arith.select %lt3A_878, %sub3A_881, %convert_element_type3A_870 : vector<16xi1>, vector<16xi32>
    %jit3A_883 = arith.constant 0 : i32
    %jit3A_884 = arith.constant 255 : i32
    %max3A_885 = vector.broadcast %jit3A_883 : i32 to vector<16xi32>
    %max3A_886 = arith.maxsi %max3A_885, %select_n3A_876 : vector<16xi32>
    %min3A_887 = vector.broadcast %jit3A_884 : i32 to vector<16xi32>
    %min3A_888 = arith.minsi %min3A_887, %max3A_886 : vector<16xi32>
    %add3A_889 = arith.constant 1 : i32
    %add3A_890 = vector.broadcast %add3A_889 : i32 to vector<16xi32>
    %add3A_891 = arith.addi %select_n3A_876, %add3A_890 : vector<16xi32>
    %jit3A_892 = arith.constant 0 : i32
    %jit3A_893 = arith.constant 255 : i32
    %max3A_894 = vector.broadcast %jit3A_892 : i32 to vector<16xi32>
    %max3A_895 = arith.maxsi %max3A_894, %add3A_891 : vector<16xi32>
    %min3A_896 = vector.broadcast %jit3A_893 : i32 to vector<16xi32>
    %min3A_897 = arith.minsi %min3A_896, %max3A_895 : vector<16xi32>
    %jit3A_898 = arith.constant 0 : i32
    %jit3A_899 = arith.constant 255 : i32
    %max3A_900 = vector.broadcast %jit3A_898 : i32 to vector<16xi32>
    %max3A_901 = arith.maxsi %max3A_900, %select_n3A_882 : vector<16xi32>
    %min3A_902 = vector.broadcast %jit3A_899 : i32 to vector<16xi32>
    %min3A_903 = arith.minsi %min3A_902, %max3A_901 : vector<16xi32>
    %add3A_904 = arith.constant 1 : i32
    %add3A_905 = vector.broadcast %add3A_904 : i32 to vector<16xi32>
    %add3A_906 = arith.addi %select_n3A_882, %add3A_905 : vector<16xi32>
    %jit3A_907 = arith.constant 0 : i32
    %jit3A_908 = arith.constant 255 : i32
    %max3A_909 = vector.broadcast %jit3A_907 : i32 to vector<16xi32>
    %max3A_910 = arith.maxsi %max3A_909, %add3A_906 : vector<16xi32>
    %min3A_911 = vector.broadcast %jit3A_908 : i32 to vector<16xi32>
    %min3A_912 = arith.minsi %min3A_911, %max3A_910 : vector<16xi32>
    %mul3A_913 = arith.constant 256 : i32
    %mul3A_914 = vector.broadcast %mul3A_913 : i32 to vector<16xi32>
    %mul3A_915 = arith.muli %min3A_903, %mul3A_914 : vector<16xi32>
    %add3A_916 = vector.broadcast %mul3A_20 : i32 to vector<16xi32>
    %add3A_917 = arith.addi %add3A_916, %mul3A_915 : vector<16xi32>
    %mul3A_918 = arith.constant 256 : i32
    %mul3A_919 = vector.broadcast %mul3A_918 : i32 to vector<16xi32>
    %mul3A_920 = arith.muli %min3A_912, %mul3A_919 : vector<16xi32>
    %add3A_921 = vector.broadcast %mul3A_20 : i32 to vector<16xi32>
    %add3A_922 = arith.addi %add3A_921, %mul3A_920 : vector<16xi32>
    %add3A_923 = arith.addi %add3A_917, %min3A_888 : vector<16xi32>
    %swap3A_924 = arith.constant 112 : index
    %swap3A_925 = tpu.vector_load %arg8[%swap3A_924] {strides = array<i32>} : memref<960xi32, #tpu.memory_space<vmem>>, vector<16xi32>,
    %swap3A_926 = vector.shape_cast %swap3A_925 : vector<16xi32> to vector<16xi32>
    %swap3A_927 = vector.shape_cast %add3A_923 : vector<16xi32> to vector<16xi32>
    tpu.vector_store %arg8[%swap3A_924], %swap3A_927 {strides = array<i32>} : memref<960xi32, #tpu.memory_space<vmem>>, vector<16xi32>,
    %add3A_928 = arith.addi %add3A_917, %min3A_897 : vector<16xi32>
    %swap3A_929 = arith.constant 352 : index
    %swap3A_930 = tpu.vector_load %arg8[%swap3A_929] {strides = array<i32>} : memref<960xi32, #tpu.memory_space<vmem>>, vector<16xi32>,
    %swap3A_931 = vector.shape_cast %swap3A_930 : vector<16xi32> to vector<16xi32>
    %swap3A_932 = vector.shape_cast %add3A_928 : vector<16xi32> to vector<16xi32>
    tpu.vector_store %arg8[%swap3A_929], %swap3A_932 {strides = array<i32>} : memref<960xi32, #tpu.memory_space<vmem>>, vector<16xi32>,
    %add3A_933 = arith.addi %add3A_922, %min3A_888 : vector<16xi32>
    %swap3A_934 = arith.constant 592 : index
    %swap3A_935 = tpu.vector_load %arg8[%swap3A_934] {strides = array<i32>} : memref<960xi32, #tpu.memory_space<vmem>>, vector<16xi32>,
    %swap3A_936 = vector.shape_cast %swap3A_935 : vector<16xi32> to vector<16xi32>
    %swap3A_937 = vector.shape_cast %add3A_933 : vector<16xi32> to vector<16xi32>
    tpu.vector_store %arg8[%swap3A_934], %swap3A_937 {strides = array<i32>} : memref<960xi32, #tpu.memory_space<vmem>>, vector<16xi32>,
    %add3A_938 = arith.addi %add3A_922, %min3A_897 : vector<16xi32>
    %swap3A_939 = arith.constant 832 : index
    %swap3A_940 = tpu.vector_load %arg8[%swap3A_939] {strides = array<i32>} : memref<960xi32, #tpu.memory_space<vmem>>, vector<16xi32>,
    %swap3A_941 = vector.shape_cast %swap3A_940 : vector<16xi32> to vector<16xi32>
    %swap3A_942 = vector.shape_cast %add3A_938 : vector<16xi32> to vector<16xi32>
    tpu.vector_store %arg8[%swap3A_939], %swap3A_942 {strides = array<i32>} : memref<960xi32, #tpu.memory_space<vmem>>, vector<16xi32>,
    %get3A_943 = arith.constant 128 : index
    %get3A_944 = tpu.vector_load %arg6[%get3A_943] {strides = array<i32>} : memref<240xf32, #tpu.memory_space<vmem>>, vector<16xf32>,
    %get3A_945 = vector.shape_cast %get3A_944 : vector<16xf32> to vector<16xf32>
    %get3A_946 = arith.constant 128 : index
    %get3A_947 = tpu.vector_load %arg7[%get3A_946] {strides = array<i32>} : memref<240xf32, #tpu.memory_space<vmem>>, vector<16xf32>,
    %get3A_948 = vector.shape_cast %get3A_947 : vector<16xf32> to vector<16xf32>
    %mul3A_949 = arith.constant 2.000000e+00 : f32
    %mul3A_950 = vector.broadcast %mul3A_949 : f32 to vector<16xf32>
    %mul3A_951 = arith.mulf %get3A_945, %mul3A_950 : vector<16xf32>
    %sub3A_952 = arith.constant 1.000000e+00 : f32
    %sub3A_953 = vector.broadcast %sub3A_952 : f32 to vector<16xf32>
    %sub3A_954 = arith.subf %mul3A_951, %sub3A_953 : vector<16xf32>
    %add3A_955 = arith.constant 1.000000e+00 : f32
    %add3A_956 = vector.broadcast %add3A_955 : f32 to vector<16xf32>
    %add3A_957 = arith.addf %sub3A_954, %add3A_956 : vector<16xf32>
    %mul3A_958 = arith.constant 2.560000e+02 : f32
    %mul3A_959 = vector.broadcast %mul3A_958 : f32 to vector<16xf32>
    %mul3A_960 = arith.mulf %add3A_957, %mul3A_959 : vector<16xf32>
    %sub3A_961 = arith.constant 1.000000e+00 : f32
    %sub3A_962 = vector.broadcast %sub3A_961 : f32 to vector<16xf32>
    %sub3A_963 = arith.subf %mul3A_960, %sub3A_962 : vector<16xf32>
    %div3A_964 = arith.constant 2.000000e+00 : f32
    %div3A_965 = vector.broadcast %div3A_964 : f32 to vector<16xf32>
    %div3A_966 = arith.divf %sub3A_963, %div3A_965 : vector<16xf32>
    %mul3A_967 = arith.constant 2.000000e+00 : f32
    %mul3A_968 = vector.broadcast %mul3A_967 : f32 to vector<16xf32>
    %mul3A_969 = arith.mulf %get3A_948, %mul3A_968 : vector<16xf32>
    %sub3A_970 = arith.constant 1.000000e+00 : f32
    %sub3A_971 = vector.broadcast %sub3A_970 : f32 to vector<16xf32>
    %sub3A_972 = arith.subf %mul3A_969, %sub3A_971 : vector<16xf32>
    %add3A_973 = arith.constant 1.000000e+00 : f32
    %add3A_974 = vector.broadcast %add3A_973 : f32 to vector<16xf32>
    %add3A_975 = arith.addf %sub3A_972, %add3A_974 : vector<16xf32>
    %mul3A_976 = arith.constant 2.560000e+02 : f32
    %mul3A_977 = vector.broadcast %mul3A_976 : f32 to vector<16xf32>
    %mul3A_978 = arith.mulf %add3A_975, %mul3A_977 : vector<16xf32>
    %sub3A_979 = arith.constant 1.000000e+00 : f32
    %sub3A_980 = vector.broadcast %sub3A_979 : f32 to vector<16xf32>
    %sub3A_981 = arith.subf %mul3A_978, %sub3A_980 : vector<16xf32>
    %div3A_982 = arith.constant 2.000000e+00 : f32
    %div3A_983 = vector.broadcast %div3A_982 : f32 to vector<16xf32>
    %div3A_984 = arith.divf %sub3A_981, %div3A_983 : vector<16xf32>
    %convert_element_type3A_985 = arith.fptosi %div3A_966 : vector<16xf32> to vector<16xi32>
    %convert_element_type3A_986 = arith.fptosi %div3A_984 : vector<16xf32> to vector<16xi32>
    %convert_element_type3A_987 = arith.sitofp %convert_element_type3A_985 : vector<16xi32> to vector<16xf32>
    %lt3A_988 = arith.cmpf olt, %div3A_966, %convert_element_type3A_987 : vector<16xf32>
    %sub3A_989 = arith.constant 1 : i32
    %sub3A_990 = vector.broadcast %sub3A_989 : i32 to vector<16xi32>
    %sub3A_991 = arith.subi %convert_element_type3A_985, %sub3A_990 : vector<16xi32>
    %select_n3A_992 = arith.select %lt3A_988, %sub3A_991, %convert_element_type3A_985 : vector<16xi1>, vector<16xi32>
    %convert_element_type3A_993 = arith.sitofp %convert_element_type3A_986 : vector<16xi32> to vector<16xf32>
    %lt3A_994 = arith.cmpf olt, %div3A_984, %convert_element_type3A_993 : vector<16xf32>
    %sub3A_995 = arith.constant 1 : i32
    %sub3A_996 = vector.broadcast %sub3A_995 : i32 to vector<16xi32>
    %sub3A_997 = arith.subi %convert_element_type3A_986, %sub3A_996 : vector<16xi32>
    %select_n3A_998 = arith.select %lt3A_994, %sub3A_997, %convert_element_type3A_986 : vector<16xi1>, vector<16xi32>
    %jit3A_999 = arith.constant 0 : i32
    %jit3A_1000 = arith.constant 255 : i32
    %max3A_1001 = vector.broadcast %jit3A_999 : i32 to vector<16xi32>
    %max3A_1002 = arith.maxsi %max3A_1001, %select_n3A_992 : vector<16xi32>
    %min3A_1003 = vector.broadcast %jit3A_1000 : i32 to vector<16xi32>
    %min3A_1004 = arith.minsi %min3A_1003, %max3A_1002 : vector<16xi32>
    %add3A_1005 = arith.constant 1 : i32
    %add3A_1006 = vector.broadcast %add3A_1005 : i32 to vector<16xi32>
    %add3A_1007 = arith.addi %select_n3A_992, %add3A_1006 : vector<16xi32>
    %jit3A_1008 = arith.constant 0 : i32
    %jit3A_1009 = arith.constant 255 : i32
    %max3A_1010 = vector.broadcast %jit3A_1008 : i32 to vector<16xi32>
    %max3A_1011 = arith.maxsi %max3A_1010, %add3A_1007 : vector<16xi32>
    %min3A_1012 = vector.broadcast %jit3A_1009 : i32 to vector<16xi32>
    %min3A_1013 = arith.minsi %min3A_1012, %max3A_1011 : vector<16xi32>
    %jit3A_1014 = arith.constant 0 : i32
    %jit3A_1015 = arith.constant 255 : i32
    %max3A_1016 = vector.broadcast %jit3A_1014 : i32 to vector<16xi32>
    %max3A_1017 = arith.maxsi %max3A_1016, %select_n3A_998 : vector<16xi32>
    %min3A_1018 = vector.broadcast %jit3A_1015 : i32 to vector<16xi32>
    %min3A_1019 = arith.minsi %min3A_1018, %max3A_1017 : vector<16xi32>
    %add3A_1020 = arith.constant 1 : i32
    %add3A_1021 = vector.broadcast %add3A_1020 : i32 to vector<16xi32>
    %add3A_1022 = arith.addi %select_n3A_998, %add3A_1021 : vector<16xi32>
    %jit3A_1023 = arith.constant 0 : i32
    %jit3A_1024 = arith.constant 255 : i32
    %max3A_1025 = vector.broadcast %jit3A_1023 : i32 to vector<16xi32>
    %max3A_1026 = arith.maxsi %max3A_1025, %add3A_1022 : vector<16xi32>
    %min3A_1027 = vector.broadcast %jit3A_1024 : i32 to vector<16xi32>
    %min3A_1028 = arith.minsi %min3A_1027, %max3A_1026 : vector<16xi32>
    %mul3A_1029 = arith.constant 256 : i32
    %mul3A_1030 = vector.broadcast %mul3A_1029 : i32 to vector<16xi32>
    %mul3A_1031 = arith.muli %min3A_1019, %mul3A_1030 : vector<16xi32>
    %add3A_1032 = vector.broadcast %mul3A_20 : i32 to vector<16xi32>
    %add3A_1033 = arith.addi %add3A_1032, %mul3A_1031 : vector<16xi32>
    %mul3A_1034 = arith.constant 256 : i32
    %mul3A_1035 = vector.broadcast %mul3A_1034 : i32 to vector<16xi32>
    %mul3A_1036 = arith.muli %min3A_1028, %mul3A_1035 : vector<16xi32>
    %add3A_1037 = vector.broadcast %mul3A_20 : i32 to vector<16xi32>
    %add3A_1038 = arith.addi %add3A_1037, %mul3A_1036 : vector<16xi32>
    %add3A_1039 = arith.addi %add3A_1033, %min3A_1004 : vector<16xi32>
    %swap3A_1040 = arith.constant 128 : index
    %swap3A_1041 = tpu.vector_load %arg8[%swap3A_1040] {strides = array<i32>} : memref<960xi32, #tpu.memory_space<vmem>>, vector<16xi32>,
    %swap3A_1042 = vector.shape_cast %swap3A_1041 : vector<16xi32> to vector<16xi32>
    %swap3A_1043 = vector.shape_cast %add3A_1039 : vector<16xi32> to vector<16xi32>
    tpu.vector_store %arg8[%swap3A_1040], %swap3A_1043 {strides = array<i32>} : memref<960xi32, #tpu.memory_space<vmem>>, vector<16xi32>,
    %add3A_1044 = arith.addi %add3A_1033, %min3A_1013 : vector<16xi32>
    %swap3A_1045 = arith.constant 368 : index
    %swap3A_1046 = tpu.vector_load %arg8[%swap3A_1045] {strides = array<i32>} : memref<960xi32, #tpu.memory_space<vmem>>, vector<16xi32>,
    %swap3A_1047 = vector.shape_cast %swap3A_1046 : vector<16xi32> to vector<16xi32>
    %swap3A_1048 = vector.shape_cast %add3A_1044 : vector<16xi32> to vector<16xi32>
    tpu.vector_store %arg8[%swap3A_1045], %swap3A_1048 {strides = array<i32>} : memref<960xi32, #tpu.memory_space<vmem>>, vector<16xi32>,
    %add3A_1049 = arith.addi %add3A_1038, %min3A_1004 : vector<16xi32>
    %swap3A_1050 = arith.constant 608 : index
    %swap3A_1051 = tpu.vector_load %arg8[%swap3A_1050] {strides = array<i32>} : memref<960xi32, #tpu.memory_space<vmem>>, vector<16xi32>,
    %swap3A_1052 = vector.shape_cast %swap3A_1051 : vector<16xi32> to vector<16xi32>
    %swap3A_1053 = vector.shape_cast %add3A_1049 : vector<16xi32> to vector<16xi32>
    tpu.vector_store %arg8[%swap3A_1050], %swap3A_1053 {strides = array<i32>} : memref<960xi32, #tpu.memory_space<vmem>>, vector<16xi32>,
    %add3A_1054 = arith.addi %add3A_1038, %min3A_1013 : vector<16xi32>
    %swap3A_1055 = arith.constant 848 : index
    %swap3A_1056 = tpu.vector_load %arg8[%swap3A_1055] {strides = array<i32>} : memref<960xi32, #tpu.memory_space<vmem>>, vector<16xi32>,
    %swap3A_1057 = vector.shape_cast %swap3A_1056 : vector<16xi32> to vector<16xi32>
    %swap3A_1058 = vector.shape_cast %add3A_1054 : vector<16xi32> to vector<16xi32>
    tpu.vector_store %arg8[%swap3A_1055], %swap3A_1058 {strides = array<i32>} : memref<960xi32, #tpu.memory_space<vmem>>, vector<16xi32>,
    %get3A_1059 = arith.constant 144 : index
    %get3A_1060 = tpu.vector_load %arg6[%get3A_1059] {strides = array<i32>} : memref<240xf32, #tpu.memory_space<vmem>>, vector<16xf32>,
    %get3A_1061 = vector.shape_cast %get3A_1060 : vector<16xf32> to vector<16xf32>
    %get3A_1062 = arith.constant 144 : index
    %get3A_1063 = tpu.vector_load %arg7[%get3A_1062] {strides = array<i32>} : memref<240xf32, #tpu.memory_space<vmem>>, vector<16xf32>,
    %get3A_1064 = vector.shape_cast %get3A_1063 : vector<16xf32> to vector<16xf32>
    %mul3A_1065 = arith.constant 2.000000e+00 : f32
    %mul3A_1066 = vector.broadcast %mul3A_1065 : f32 to vector<16xf32>
    %mul3A_1067 = arith.mulf %get3A_1061, %mul3A_1066 : vector<16xf32>
    %sub3A_1068 = arith.constant 1.000000e+00 : f32
    %sub3A_1069 = vector.broadcast %sub3A_1068 : f32 to vector<16xf32>
    %sub3A_1070 = arith.subf %mul3A_1067, %sub3A_1069 : vector<16xf32>
    %add3A_1071 = arith.constant 1.000000e+00 : f32
    %add3A_1072 = vector.broadcast %add3A_1071 : f32 to vector<16xf32>
    %add3A_1073 = arith.addf %sub3A_1070, %add3A_1072 : vector<16xf32>
    %mul3A_1074 = arith.constant 2.560000e+02 : f32
    %mul3A_1075 = vector.broadcast %mul3A_1074 : f32 to vector<16xf32>
    %mul3A_1076 = arith.mulf %add3A_1073, %mul3A_1075 : vector<16xf32>
    %sub3A_1077 = arith.constant 1.000000e+00 : f32
    %sub3A_1078 = vector.broadcast %sub3A_1077 : f32 to vector<16xf32>
    %sub3A_1079 = arith.subf %mul3A_1076, %sub3A_1078 : vector<16xf32>
    %div3A_1080 = arith.constant 2.000000e+00 : f32
    %div3A_1081 = vector.broadcast %div3A_1080 : f32 to vector<16xf32>
    %div3A_1082 = arith.divf %sub3A_1079, %div3A_1081 : vector<16xf32>
    %mul3A_1083 = arith.constant 2.000000e+00 : f32
    %mul3A_1084 = vector.broadcast %mul3A_1083 : f32 to vector<16xf32>
    %mul3A_1085 = arith.mulf %get3A_1064, %mul3A_1084 : vector<16xf32>
    %sub3A_1086 = arith.constant 1.000000e+00 : f32
    %sub3A_1087 = vector.broadcast %sub3A_1086 : f32 to vector<16xf32>
    %sub3A_1088 = arith.subf %mul3A_1085, %sub3A_1087 : vector<16xf32>
    %add3A_1089 = arith.constant 1.000000e+00 : f32
    %add3A_1090 = vector.broadcast %add3A_1089 : f32 to vector<16xf32>
    %add3A_1091 = arith.addf %sub3A_1088, %add3A_1090 : vector<16xf32>
    %mul3A_1092 = arith.constant 2.560000e+02 : f32
    %mul3A_1093 = vector.broadcast %mul3A_1092 : f32 to vector<16xf32>
    %mul3A_1094 = arith.mulf %add3A_1091, %mul3A_1093 : vector<16xf32>
    %sub3A_1095 = arith.constant 1.000000e+00 : f32
    %sub3A_1096 = vector.broadcast %sub3A_1095 : f32 to vector<16xf32>
    %sub3A_1097 = arith.subf %mul3A_1094, %sub3A_1096 : vector<16xf32>
    %div3A_1098 = arith.constant 2.000000e+00 : f32
    %div3A_1099 = vector.broadcast %div3A_1098 : f32 to vector<16xf32>
    %div3A_1100 = arith.divf %sub3A_1097, %div3A_1099 : vector<16xf32>
    %convert_element_type3A_1101 = arith.fptosi %div3A_1082 : vector<16xf32> to vector<16xi32>
    %convert_element_type3A_1102 = arith.fptosi %div3A_1100 : vector<16xf32> to vector<16xi32>
    %convert_element_type3A_1103 = arith.sitofp %convert_element_type3A_1101 : vector<16xi32> to vector<16xf32>
    %lt3A_1104 = arith.cmpf olt, %div3A_1082, %convert_element_type3A_1103 : vector<16xf32>
    %sub3A_1105 = arith.constant 1 : i32
    %sub3A_1106 = vector.broadcast %sub3A_1105 : i32 to vector<16xi32>
    %sub3A_1107 = arith.subi %convert_element_type3A_1101, %sub3A_1106 : vector<16xi32>
    %select_n3A_1108 = arith.select %lt3A_1104, %sub3A_1107, %convert_element_type3A_1101 : vector<16xi1>, vector<16xi32>
    %convert_element_type3A_1109 = arith.sitofp %convert_element_type3A_1102 : vector<16xi32> to vector<16xf32>
    %lt3A_1110 = arith.cmpf olt, %div3A_1100, %convert_element_type3A_1109 : vector<16xf32>
    %sub3A_1111 = arith.constant 1 : i32
    %sub3A_1112 = vector.broadcast %sub3A_1111 : i32 to vector<16xi32>
    %sub3A_1113 = arith.subi %convert_element_type3A_1102, %sub3A_1112 : vector<16xi32>
    %select_n3A_1114 = arith.select %lt3A_1110, %sub3A_1113, %convert_element_type3A_1102 : vector<16xi1>, vector<16xi32>
    %jit3A_1115 = arith.constant 0 : i32
    %jit3A_1116 = arith.constant 255 : i32
    %max3A_1117 = vector.broadcast %jit3A_1115 : i32 to vector<16xi32>
    %max3A_1118 = arith.maxsi %max3A_1117, %select_n3A_1108 : vector<16xi32>
    %min3A_1119 = vector.broadcast %jit3A_1116 : i32 to vector<16xi32>
    %min3A_1120 = arith.minsi %min3A_1119, %max3A_1118 : vector<16xi32>
    %add3A_1121 = arith.constant 1 : i32
    %add3A_1122 = vector.broadcast %add3A_1121 : i32 to vector<16xi32>
    %add3A_1123 = arith.addi %select_n3A_1108, %add3A_1122 : vector<16xi32>
    %jit3A_1124 = arith.constant 0 : i32
    %jit3A_1125 = arith.constant 255 : i32
    %max3A_1126 = vector.broadcast %jit3A_1124 : i32 to vector<16xi32>
    %max3A_1127 = arith.maxsi %max3A_1126, %add3A_1123 : vector<16xi32>
    %min3A_1128 = vector.broadcast %jit3A_1125 : i32 to vector<16xi32>
    %min3A_1129 = arith.minsi %min3A_1128, %max3A_1127 : vector<16xi32>
    %jit3A_1130 = arith.constant 0 : i32
    %jit3A_1131 = arith.constant 255 : i32
    %max3A_1132 = vector.broadcast %jit3A_1130 : i32 to vector<16xi32>
    %max3A_1133 = arith.maxsi %max3A_1132, %select_n3A_1114 : vector<16xi32>
    %min3A_1134 = vector.broadcast %jit3A_1131 : i32 to vector<16xi32>
    %min3A_1135 = arith.minsi %min3A_1134, %max3A_1133 : vector<16xi32>
    %add3A_1136 = arith.constant 1 : i32
    %add3A_1137 = vector.broadcast %add3A_1136 : i32 to vector<16xi32>
    %add3A_1138 = arith.addi %select_n3A_1114, %add3A_1137 : vector<16xi32>
    %jit3A_1139 = arith.constant 0 : i32
    %jit3A_1140 = arith.constant 255 : i32
    %max3A_1141 = vector.broadcast %jit3A_1139 : i32 to vector<16xi32>
    %max3A_1142 = arith.maxsi %max3A_1141, %add3A_1138 : vector<16xi32>
    %min3A_1143 = vector.broadcast %jit3A_1140 : i32 to vector<16xi32>
    %min3A_1144 = arith.minsi %min3A_1143, %max3A_1142 : vector<16xi32>
    %mul3A_1145 = arith.constant 256 : i32
    %mul3A_1146 = vector.broadcast %mul3A_1145 : i32 to vector<16xi32>
    %mul3A_1147 = arith.muli %min3A_1135, %mul3A_1146 : vector<16xi32>
    %add3A_1148 = vector.broadcast %mul3A_20 : i32 to vector<16xi32>
    %add3A_1149 = arith.addi %add3A_1148, %mul3A_1147 : vector<16xi32>
    %mul3A_1150 = arith.constant 256 : i32
    %mul3A_1151 = vector.broadcast %mul3A_1150 : i32 to vector<16xi32>
    %mul3A_1152 = arith.muli %min3A_1144, %mul3A_1151 : vector<16xi32>
    %add3A_1153 = vector.broadcast %mul3A_20 : i32 to vector<16xi32>
    %add3A_1154 = arith.addi %add3A_1153, %mul3A_1152 : vector<16xi32>
    %add3A_1155 = arith.addi %add3A_1149, %min3A_1120 : vector<16xi32>
    %swap3A_1156 = arith.constant 144 : index
    %swap3A_1157 = tpu.vector_load %arg8[%swap3A_1156] {strides = array<i32>} : memref<960xi32, #tpu.memory_space<vmem>>, vector<16xi32>,
    %swap3A_1158 = vector.shape_cast %swap3A_1157 : vector<16xi32> to vector<16xi32>
    %swap3A_1159 = vector.shape_cast %add3A_1155 : vector<16xi32> to vector<16xi32>
    tpu.vector_store %arg8[%swap3A_1156], %swap3A_1159 {strides = array<i32>} : memref<960xi32, #tpu.memory_space<vmem>>, vector<16xi32>,
    %add3A_1160 = arith.addi %add3A_1149, %min3A_1129 : vector<16xi32>
    %swap3A_1161 = arith.constant 384 : index
    %swap3A_1162 = tpu.vector_load %arg8[%swap3A_1161] {strides = array<i32>} : memref<960xi32, #tpu.memory_space<vmem>>, vector<16xi32>,
    %swap3A_1163 = vector.shape_cast %swap3A_1162 : vector<16xi32> to vector<16xi32>
    %swap3A_1164 = vector.shape_cast %add3A_1160 : vector<16xi32> to vector<16xi32>
    tpu.vector_store %arg8[%swap3A_1161], %swap3A_1164 {strides = array<i32>} : memref<960xi32, #tpu.memory_space<vmem>>, vector<16xi32>,
    %add3A_1165 = arith.addi %add3A_1154, %min3A_1120 : vector<16xi32>
    %swap3A_1166 = arith.constant 624 : index
    %swap3A_1167 = tpu.vector_load %arg8[%swap3A_1166] {strides = array<i32>} : memref<960xi32, #tpu.memory_space<vmem>>, vector<16xi32>,
    %swap3A_1168 = vector.shape_cast %swap3A_1167 : vector<16xi32> to vector<16xi32>
    %swap3A_1169 = vector.shape_cast %add3A_1165 : vector<16xi32> to vector<16xi32>
    tpu.vector_store %arg8[%swap3A_1166], %swap3A_1169 {strides = array<i32>} : memref<960xi32, #tpu.memory_space<vmem>>, vector<16xi32>,
    %add3A_1170 = arith.addi %add3A_1154, %min3A_1129 : vector<16xi32>
    %swap3A_1171 = arith.constant 864 : index
    %swap3A_1172 = tpu.vector_load %arg8[%swap3A_1171] {strides = array<i32>} : memref<960xi32, #tpu.memory_space<vmem>>, vector<16xi32>,
    %swap3A_1173 = vector.shape_cast %swap3A_1172 : vector<16xi32> to vector<16xi32>
    %swap3A_1174 = vector.shape_cast %add3A_1170 : vector<16xi32> to vector<16xi32>
    tpu.vector_store %arg8[%swap3A_1171], %swap3A_1174 {strides = array<i32>} : memref<960xi32, #tpu.memory_space<vmem>>, vector<16xi32>,
    %get3A_1175 = arith.constant 160 : index
    %get3A_1176 = tpu.vector_load %arg6[%get3A_1175] {strides = array<i32>} : memref<240xf32, #tpu.memory_space<vmem>>, vector<16xf32>,
    %get3A_1177 = vector.shape_cast %get3A_1176 : vector<16xf32> to vector<16xf32>
    %get3A_1178 = arith.constant 160 : index
    %get3A_1179 = tpu.vector_load %arg7[%get3A_1178] {strides = array<i32>} : memref<240xf32, #tpu.memory_space<vmem>>, vector<16xf32>,
    %get3A_1180 = vector.shape_cast %get3A_1179 : vector<16xf32> to vector<16xf32>
    %mul3A_1181 = arith.constant 2.000000e+00 : f32
    %mul3A_1182 = vector.broadcast %mul3A_1181 : f32 to vector<16xf32>
    %mul3A_1183 = arith.mulf %get3A_1177, %mul3A_1182 : vector<16xf32>
    %sub3A_1184 = arith.constant 1.000000e+00 : f32
    %sub3A_1185 = vector.broadcast %sub3A_1184 : f32 to vector<16xf32>
    %sub3A_1186 = arith.subf %mul3A_1183, %sub3A_1185 : vector<16xf32>
    %add3A_1187 = arith.constant 1.000000e+00 : f32
    %add3A_1188 = vector.broadcast %add3A_1187 : f32 to vector<16xf32>
    %add3A_1189 = arith.addf %sub3A_1186, %add3A_1188 : vector<16xf32>
    %mul3A_1190 = arith.constant 2.560000e+02 : f32
    %mul3A_1191 = vector.broadcast %mul3A_1190 : f32 to vector<16xf32>
    %mul3A_1192 = arith.mulf %add3A_1189, %mul3A_1191 : vector<16xf32>
    %sub3A_1193 = arith.constant 1.000000e+00 : f32
    %sub3A_1194 = vector.broadcast %sub3A_1193 : f32 to vector<16xf32>
    %sub3A_1195 = arith.subf %mul3A_1192, %sub3A_1194 : vector<16xf32>
    %div3A_1196 = arith.constant 2.000000e+00 : f32
    %div3A_1197 = vector.broadcast %div3A_1196 : f32 to vector<16xf32>
    %div3A_1198 = arith.divf %sub3A_1195, %div3A_1197 : vector<16xf32>
    %mul3A_1199 = arith.constant 2.000000e+00 : f32
    %mul3A_1200 = vector.broadcast %mul3A_1199 : f32 to vector<16xf32>
    %mul3A_1201 = arith.mulf %get3A_1180, %mul3A_1200 : vector<16xf32>
    %sub3A_1202 = arith.constant 1.000000e+00 : f32
    %sub3A_1203 = vector.broadcast %sub3A_1202 : f32 to vector<16xf32>
    %sub3A_1204 = arith.subf %mul3A_1201, %sub3A_1203 : vector<16xf32>
    %add3A_1205 = arith.constant 1.000000e+00 : f32
    %add3A_1206 = vector.broadcast %add3A_1205 : f32 to vector<16xf32>
    %add3A_1207 = arith.addf %sub3A_1204, %add3A_1206 : vector<16xf32>
    %mul3A_1208 = arith.constant 2.560000e+02 : f32
    %mul3A_1209 = vector.broadcast %mul3A_1208 : f32 to vector<16xf32>
    %mul3A_1210 = arith.mulf %add3A_1207, %mul3A_1209 : vector<16xf32>
    %sub3A_1211 = arith.constant 1.000000e+00 : f32
    %sub3A_1212 = vector.broadcast %sub3A_1211 : f32 to vector<16xf32>
    %sub3A_1213 = arith.subf %mul3A_1210, %sub3A_1212 : vector<16xf32>
    %div3A_1214 = arith.constant 2.000000e+00 : f32
    %div3A_1215 = vector.broadcast %div3A_1214 : f32 to vector<16xf32>
    %div3A_1216 = arith.divf %sub3A_1213, %div3A_1215 : vector<16xf32>
    %convert_element_type3A_1217 = arith.fptosi %div3A_1198 : vector<16xf32> to vector<16xi32>
    %convert_element_type3A_1218 = arith.fptosi %div3A_1216 : vector<16xf32> to vector<16xi32>
    %convert_element_type3A_1219 = arith.sitofp %convert_element_type3A_1217 : vector<16xi32> to vector<16xf32>
    %lt3A_1220 = arith.cmpf olt, %div3A_1198, %convert_element_type3A_1219 : vector<16xf32>
    %sub3A_1221 = arith.constant 1 : i32
    %sub3A_1222 = vector.broadcast %sub3A_1221 : i32 to vector<16xi32>
    %sub3A_1223 = arith.subi %convert_element_type3A_1217, %sub3A_1222 : vector<16xi32>
    %select_n3A_1224 = arith.select %lt3A_1220, %sub3A_1223, %convert_element_type3A_1217 : vector<16xi1>, vector<16xi32>
    %convert_element_type3A_1225 = arith.sitofp %convert_element_type3A_1218 : vector<16xi32> to vector<16xf32>
    %lt3A_1226 = arith.cmpf olt, %div3A_1216, %convert_element_type3A_1225 : vector<16xf32>
    %sub3A_1227 = arith.constant 1 : i32
    %sub3A_1228 = vector.broadcast %sub3A_1227 : i32 to vector<16xi32>
    %sub3A_1229 = arith.subi %convert_element_type3A_1218, %sub3A_1228 : vector<16xi32>
    %select_n3A_1230 = arith.select %lt3A_1226, %sub3A_1229, %convert_element_type3A_1218 : vector<16xi1>, vector<16xi32>
    %jit3A_1231 = arith.constant 0 : i32
    %jit3A_1232 = arith.constant 255 : i32
    %max3A_1233 = vector.broadcast %jit3A_1231 : i32 to vector<16xi32>
    %max3A_1234 = arith.maxsi %max3A_1233, %select_n3A_1224 : vector<16xi32>
    %min3A_1235 = vector.broadcast %jit3A_1232 : i32 to vector<16xi32>
    %min3A_1236 = arith.minsi %min3A_1235, %max3A_1234 : vector<16xi32>
    %add3A_1237 = arith.constant 1 : i32
    %add3A_1238 = vector.broadcast %add3A_1237 : i32 to vector<16xi32>
    %add3A_1239 = arith.addi %select_n3A_1224, %add3A_1238 : vector<16xi32>
    %jit3A_1240 = arith.constant 0 : i32
    %jit3A_1241 = arith.constant 255 : i32
    %max3A_1242 = vector.broadcast %jit3A_1240 : i32 to vector<16xi32>
    %max3A_1243 = arith.maxsi %max3A_1242, %add3A_1239 : vector<16xi32>
    %min3A_1244 = vector.broadcast %jit3A_1241 : i32 to vector<16xi32>
    %min3A_1245 = arith.minsi %min3A_1244, %max3A_1243 : vector<16xi32>
    %jit3A_1246 = arith.constant 0 : i32
    %jit3A_1247 = arith.constant 255 : i32
    %max3A_1248 = vector.broadcast %jit3A_1246 : i32 to vector<16xi32>
    %max3A_1249 = arith.maxsi %max3A_1248, %select_n3A_1230 : vector<16xi32>
    %min3A_1250 = vector.broadcast %jit3A_1247 : i32 to vector<16xi32>
    %min3A_1251 = arith.minsi %min3A_1250, %max3A_1249 : vector<16xi32>
    %add3A_1252 = arith.constant 1 : i32
    %add3A_1253 = vector.broadcast %add3A_1252 : i32 to vector<16xi32>
    %add3A_1254 = arith.addi %select_n3A_1230, %add3A_1253 : vector<16xi32>
    %jit3A_1255 = arith.constant 0 : i32
    %jit3A_1256 = arith.constant 255 : i32
    %max3A_1257 = vector.broadcast %jit3A_1255 : i32 to vector<16xi32>
    %max3A_1258 = arith.maxsi %max3A_1257, %add3A_1254 : vector<16xi32>
    %min3A_1259 = vector.broadcast %jit3A_1256 : i32 to vector<16xi32>
    %min3A_1260 = arith.minsi %min3A_1259, %max3A_1258 : vector<16xi32>
    %mul3A_1261 = arith.constant 256 : i32
    %mul3A_1262 = vector.broadcast %mul3A_1261 : i32 to vector<16xi32>
    %mul3A_1263 = arith.muli %min3A_1251, %mul3A_1262 : vector<16xi32>
    %add3A_1264 = vector.broadcast %mul3A_20 : i32 to vector<16xi32>
    %add3A_1265 = arith.addi %add3A_1264, %mul3A_1263 : vector<16xi32>
    %mul3A_1266 = arith.constant 256 : i32
    %mul3A_1267 = vector.broadcast %mul3A_1266 : i32 to vector<16xi32>
    %mul3A_1268 = arith.muli %min3A_1260, %mul3A_1267 : vector<16xi32>
    %add3A_1269 = vector.broadcast %mul3A_20 : i32 to vector<16xi32>
    %add3A_1270 = arith.addi %add3A_1269, %mul3A_1268 : vector<16xi32>
    %add3A_1271 = arith.addi %add3A_1265, %min3A_1236 : vector<16xi32>
    %swap3A_1272 = arith.constant 160 : index
    %swap3A_1273 = tpu.vector_load %arg8[%swap3A_1272] {strides = array<i32>} : memref<960xi32, #tpu.memory_space<vmem>>, vector<16xi32>,
    %swap3A_1274 = vector.shape_cast %swap3A_1273 : vector<16xi32> to vector<16xi32>
    %swap3A_1275 = vector.shape_cast %add3A_1271 : vector<16xi32> to vector<16xi32>
    tpu.vector_store %arg8[%swap3A_1272], %swap3A_1275 {strides = array<i32>} : memref<960xi32, #tpu.memory_space<vmem>>, vector<16xi32>,
    %add3A_1276 = arith.addi %add3A_1265, %min3A_1245 : vector<16xi32>
    %swap3A_1277 = arith.constant 400 : index
    %swap3A_1278 = tpu.vector_load %arg8[%swap3A_1277] {strides = array<i32>} : memref<960xi32, #tpu.memory_space<vmem>>, vector<16xi32>,
    %swap3A_1279 = vector.shape_cast %swap3A_1278 : vector<16xi32> to vector<16xi32>
    %swap3A_1280 = vector.shape_cast %add3A_1276 : vector<16xi32> to vector<16xi32>
    tpu.vector_store %arg8[%swap3A_1277], %swap3A_1280 {strides = array<i32>} : memref<960xi32, #tpu.memory_space<vmem>>, vector<16xi32>,
    %add3A_1281 = arith.addi %add3A_1270, %min3A_1236 : vector<16xi32>
    %swap3A_1282 = arith.constant 640 : index
    %swap3A_1283 = tpu.vector_load %arg8[%swap3A_1282] {strides = array<i32>} : memref<960xi32, #tpu.memory_space<vmem>>, vector<16xi32>,
    %swap3A_1284 = vector.shape_cast %swap3A_1283 : vector<16xi32> to vector<16xi32>
    %swap3A_1285 = vector.shape_cast %add3A_1281 : vector<16xi32> to vector<16xi32>
    tpu.vector_store %arg8[%swap3A_1282], %swap3A_1285 {strides = array<i32>} : memref<960xi32, #tpu.memory_space<vmem>>, vector<16xi32>,
    %add3A_1286 = arith.addi %add3A_1270, %min3A_1245 : vector<16xi32>
    %swap3A_1287 = arith.constant 880 : index
    %swap3A_1288 = tpu.vector_load %arg8[%swap3A_1287] {strides = array<i32>} : memref<960xi32, #tpu.memory_space<vmem>>, vector<16xi32>,
    %swap3A_1289 = vector.shape_cast %swap3A_1288 : vector<16xi32> to vector<16xi32>
    %swap3A_1290 = vector.shape_cast %add3A_1286 : vector<16xi32> to vector<16xi32>
    tpu.vector_store %arg8[%swap3A_1287], %swap3A_1290 {strides = array<i32>} : memref<960xi32, #tpu.memory_space<vmem>>, vector<16xi32>,
    %get3A_1291 = arith.constant 176 : index
    %get3A_1292 = tpu.vector_load %arg6[%get3A_1291] {strides = array<i32>} : memref<240xf32, #tpu.memory_space<vmem>>, vector<16xf32>,
    %get3A_1293 = vector.shape_cast %get3A_1292 : vector<16xf32> to vector<16xf32>
    %get3A_1294 = arith.constant 176 : index
    %get3A_1295 = tpu.vector_load %arg7[%get3A_1294] {strides = array<i32>} : memref<240xf32, #tpu.memory_space<vmem>>, vector<16xf32>,
    %get3A_1296 = vector.shape_cast %get3A_1295 : vector<16xf32> to vector<16xf32>
    %mul3A_1297 = arith.constant 2.000000e+00 : f32
    %mul3A_1298 = vector.broadcast %mul3A_1297 : f32 to vector<16xf32>
    %mul3A_1299 = arith.mulf %get3A_1293, %mul3A_1298 : vector<16xf32>
    %sub3A_1300 = arith.constant 1.000000e+00 : f32
    %sub3A_1301 = vector.broadcast %sub3A_1300 : f32 to vector<16xf32>
    %sub3A_1302 = arith.subf %mul3A_1299, %sub3A_1301 : vector<16xf32>
    %add3A_1303 = arith.constant 1.000000e+00 : f32
    %add3A_1304 = vector.broadcast %add3A_1303 : f32 to vector<16xf32>
    %add3A_1305 = arith.addf %sub3A_1302, %add3A_1304 : vector<16xf32>
    %mul3A_1306 = arith.constant 2.560000e+02 : f32
    %mul3A_1307 = vector.broadcast %mul3A_1306 : f32 to vector<16xf32>
    %mul3A_1308 = arith.mulf %add3A_1305, %mul3A_1307 : vector<16xf32>
    %sub3A_1309 = arith.constant 1.000000e+00 : f32
    %sub3A_1310 = vector.broadcast %sub3A_1309 : f32 to vector<16xf32>
    %sub3A_1311 = arith.subf %mul3A_1308, %sub3A_1310 : vector<16xf32>
    %div3A_1312 = arith.constant 2.000000e+00 : f32
    %div3A_1313 = vector.broadcast %div3A_1312 : f32 to vector<16xf32>
    %div3A_1314 = arith.divf %sub3A_1311, %div3A_1313 : vector<16xf32>
    %mul3A_1315 = arith.constant 2.000000e+00 : f32
    %mul3A_1316 = vector.broadcast %mul3A_1315 : f32 to vector<16xf32>
    %mul3A_1317 = arith.mulf %get3A_1296, %mul3A_1316 : vector<16xf32>
    %sub3A_1318 = arith.constant 1.000000e+00 : f32
    %sub3A_1319 = vector.broadcast %sub3A_1318 : f32 to vector<16xf32>
    %sub3A_1320 = arith.subf %mul3A_1317, %sub3A_1319 : vector<16xf32>
    %add3A_1321 = arith.constant 1.000000e+00 : f32
    %add3A_1322 = vector.broadcast %add3A_1321 : f32 to vector<16xf32>
    %add3A_1323 = arith.addf %sub3A_1320, %add3A_1322 : vector<16xf32>
    %mul3A_1324 = arith.constant 2.560000e+02 : f32
    %mul3A_1325 = vector.broadcast %mul3A_1324 : f32 to vector<16xf32>
    %mul3A_1326 = arith.mulf %add3A_1323, %mul3A_1325 : vector<16xf32>
    %sub3A_1327 = arith.constant 1.000000e+00 : f32
    %sub3A_1328 = vector.broadcast %sub3A_1327 : f32 to vector<16xf32>
    %sub3A_1329 = arith.subf %mul3A_1326, %sub3A_1328 : vector<16xf32>
    %div3A_1330 = arith.constant 2.000000e+00 : f32
    %div3A_1331 = vector.broadcast %div3A_1330 : f32 to vector<16xf32>
    %div3A_1332 = arith.divf %sub3A_1329, %div3A_1331 : vector<16xf32>
    %convert_element_type3A_1333 = arith.fptosi %div3A_1314 : vector<16xf32> to vector<16xi32>
    %convert_element_type3A_1334 = arith.fptosi %div3A_1332 : vector<16xf32> to vector<16xi32>
    %convert_element_type3A_1335 = arith.sitofp %convert_element_type3A_1333 : vector<16xi32> to vector<16xf32>
    %lt3A_1336 = arith.cmpf olt, %div3A_1314, %convert_element_type3A_1335 : vector<16xf32>
    %sub3A_1337 = arith.constant 1 : i32
    %sub3A_1338 = vector.broadcast %sub3A_1337 : i32 to vector<16xi32>
    %sub3A_1339 = arith.subi %convert_element_type3A_1333, %sub3A_1338 : vector<16xi32>
    %select_n3A_1340 = arith.select %lt3A_1336, %sub3A_1339, %convert_element_type3A_1333 : vector<16xi1>, vector<16xi32>
    %convert_element_type3A_1341 = arith.sitofp %convert_element_type3A_1334 : vector<16xi32> to vector<16xf32>
    %lt3A_1342 = arith.cmpf olt, %div3A_1332, %convert_element_type3A_1341 : vector<16xf32>
    %sub3A_1343 = arith.constant 1 : i32
    %sub3A_1344 = vector.broadcast %sub3A_1343 : i32 to vector<16xi32>
    %sub3A_1345 = arith.subi %convert_element_type3A_1334, %sub3A_1344 : vector<16xi32>
    %select_n3A_1346 = arith.select %lt3A_1342, %sub3A_1345, %convert_element_type3A_1334 : vector<16xi1>, vector<16xi32>
    %jit3A_1347 = arith.constant 0 : i32
    %jit3A_1348 = arith.constant 255 : i32
    %max3A_1349 = vector.broadcast %jit3A_1347 : i32 to vector<16xi32>
    %max3A_1350 = arith.maxsi %max3A_1349, %select_n3A_1340 : vector<16xi32>
    %min3A_1351 = vector.broadcast %jit3A_1348 : i32 to vector<16xi32>
    %min3A_1352 = arith.minsi %min3A_1351, %max3A_1350 : vector<16xi32>
    %add3A_1353 = arith.constant 1 : i32
    %add3A_1354 = vector.broadcast %add3A_1353 : i32 to vector<16xi32>
    %add3A_1355 = arith.addi %select_n3A_1340, %add3A_1354 : vector<16xi32>
    %jit3A_1356 = arith.constant 0 : i32
    %jit3A_1357 = arith.constant 255 : i32
    %max3A_1358 = vector.broadcast %jit3A_1356 : i32 to vector<16xi32>
    %max3A_1359 = arith.maxsi %max3A_1358, %add3A_1355 : vector<16xi32>
    %min3A_1360 = vector.broadcast %jit3A_1357 : i32 to vector<16xi32>
    %min3A_1361 = arith.minsi %min3A_1360, %max3A_1359 : vector<16xi32>
    %jit3A_1362 = arith.constant 0 : i32
    %jit3A_1363 = arith.constant 255 : i32
    %max3A_1364 = vector.broadcast %jit3A_1362 : i32 to vector<16xi32>
    %max3A_1365 = arith.maxsi %max3A_1364, %select_n3A_1346 : vector<16xi32>
    %min3A_1366 = vector.broadcast %jit3A_1363 : i32 to vector<16xi32>
    %min3A_1367 = arith.minsi %min3A_1366, %max3A_1365 : vector<16xi32>
    %add3A_1368 = arith.constant 1 : i32
    %add3A_1369 = vector.broadcast %add3A_1368 : i32 to vector<16xi32>
    %add3A_1370 = arith.addi %select_n3A_1346, %add3A_1369 : vector<16xi32>
    %jit3A_1371 = arith.constant 0 : i32
    %jit3A_1372 = arith.constant 255 : i32
    %max3A_1373 = vector.broadcast %jit3A_1371 : i32 to vector<16xi32>
    %max3A_1374 = arith.maxsi %max3A_1373, %add3A_1370 : vector<16xi32>
    %min3A_1375 = vector.broadcast %jit3A_1372 : i32 to vector<16xi32>
    %min3A_1376 = arith.minsi %min3A_1375, %max3A_1374 : vector<16xi32>
    %mul3A_1377 = arith.constant 256 : i32
    %mul3A_1378 = vector.broadcast %mul3A_1377 : i32 to vector<16xi32>
    %mul3A_1379 = arith.muli %min3A_1367, %mul3A_1378 : vector<16xi32>
    %add3A_1380 = vector.broadcast %mul3A_20 : i32 to vector<16xi32>
    %add3A_1381 = arith.addi %add3A_1380, %mul3A_1379 : vector<16xi32>
    %mul3A_1382 = arith.constant 256 : i32
    %mul3A_1383 = vector.broadcast %mul3A_1382 : i32 to vector<16xi32>
    %mul3A_1384 = arith.muli %min3A_1376, %mul3A_1383 : vector<16xi32>
    %add3A_1385 = vector.broadcast %mul3A_20 : i32 to vector<16xi32>
    %add3A_1386 = arith.addi %add3A_1385, %mul3A_1384 : vector<16xi32>
    %add3A_1387 = arith.addi %add3A_1381, %min3A_1352 : vector<16xi32>
    %swap3A_1388 = arith.constant 176 : index
    %swap3A_1389 = tpu.vector_load %arg8[%swap3A_1388] {strides = array<i32>} : memref<960xi32, #tpu.memory_space<vmem>>, vector<16xi32>,
    %swap3A_1390 = vector.shape_cast %swap3A_1389 : vector<16xi32> to vector<16xi32>
    %swap3A_1391 = vector.shape_cast %add3A_1387 : vector<16xi32> to vector<16xi32>
    tpu.vector_store %arg8[%swap3A_1388], %swap3A_1391 {strides = array<i32>} : memref<960xi32, #tpu.memory_space<vmem>>, vector<16xi32>,
    %add3A_1392 = arith.addi %add3A_1381, %min3A_1361 : vector<16xi32>
    %swap3A_1393 = arith.constant 416 : index
    %swap3A_1394 = tpu.vector_load %arg8[%swap3A_1393] {strides = array<i32>} : memref<960xi32, #tpu.memory_space<vmem>>, vector<16xi32>,
    %swap3A_1395 = vector.shape_cast %swap3A_1394 : vector<16xi32> to vector<16xi32>
    %swap3A_1396 = vector.shape_cast %add3A_1392 : vector<16xi32> to vector<16xi32>
    tpu.vector_store %arg8[%swap3A_1393], %swap3A_1396 {strides = array<i32>} : memref<960xi32, #tpu.memory_space<vmem>>, vector<16xi32>,
    %add3A_1397 = arith.addi %add3A_1386, %min3A_1352 : vector<16xi32>
    %swap3A_1398 = arith.constant 656 : index
    %swap3A_1399 = tpu.vector_load %arg8[%swap3A_1398] {strides = array<i32>} : memref<960xi32, #tpu.memory_space<vmem>>, vector<16xi32>,
    %swap3A_1400 = vector.shape_cast %swap3A_1399 : vector<16xi32> to vector<16xi32>
    %swap3A_1401 = vector.shape_cast %add3A_1397 : vector<16xi32> to vector<16xi32>
    tpu.vector_store %arg8[%swap3A_1398], %swap3A_1401 {strides = array<i32>} : memref<960xi32, #tpu.memory_space<vmem>>, vector<16xi32>,
    %add3A_1402 = arith.addi %add3A_1386, %min3A_1361 : vector<16xi32>
    %swap3A_1403 = arith.constant 896 : index
    %swap3A_1404 = tpu.vector_load %arg8[%swap3A_1403] {strides = array<i32>} : memref<960xi32, #tpu.memory_space<vmem>>, vector<16xi32>,
    %swap3A_1405 = vector.shape_cast %swap3A_1404 : vector<16xi32> to vector<16xi32>
    %swap3A_1406 = vector.shape_cast %add3A_1402 : vector<16xi32> to vector<16xi32>
    tpu.vector_store %arg8[%swap3A_1403], %swap3A_1406 {strides = array<i32>} : memref<960xi32, #tpu.memory_space<vmem>>, vector<16xi32>,
    %get3A_1407 = arith.constant 192 : index
    %get3A_1408 = tpu.vector_load %arg6[%get3A_1407] {strides = array<i32>} : memref<240xf32, #tpu.memory_space<vmem>>, vector<16xf32>,
    %get3A_1409 = vector.shape_cast %get3A_1408 : vector<16xf32> to vector<16xf32>
    %get3A_1410 = arith.constant 192 : index
    %get3A_1411 = tpu.vector_load %arg7[%get3A_1410] {strides = array<i32>} : memref<240xf32, #tpu.memory_space<vmem>>, vector<16xf32>,
    %get3A_1412 = vector.shape_cast %get3A_1411 : vector<16xf32> to vector<16xf32>
    %mul3A_1413 = arith.constant 2.000000e+00 : f32
    %mul3A_1414 = vector.broadcast %mul3A_1413 : f32 to vector<16xf32>
    %mul3A_1415 = arith.mulf %get3A_1409, %mul3A_1414 : vector<16xf32>
    %sub3A_1416 = arith.constant 1.000000e+00 : f32
    %sub3A_1417 = vector.broadcast %sub3A_1416 : f32 to vector<16xf32>
    %sub3A_1418 = arith.subf %mul3A_1415, %sub3A_1417 : vector<16xf32>
    %add3A_1419 = arith.constant 1.000000e+00 : f32
    %add3A_1420 = vector.broadcast %add3A_1419 : f32 to vector<16xf32>
    %add3A_1421 = arith.addf %sub3A_1418, %add3A_1420 : vector<16xf32>
    %mul3A_1422 = arith.constant 2.560000e+02 : f32
    %mul3A_1423 = vector.broadcast %mul3A_1422 : f32 to vector<16xf32>
    %mul3A_1424 = arith.mulf %add3A_1421, %mul3A_1423 : vector<16xf32>
    %sub3A_1425 = arith.constant 1.000000e+00 : f32
    %sub3A_1426 = vector.broadcast %sub3A_1425 : f32 to vector<16xf32>
    %sub3A_1427 = arith.subf %mul3A_1424, %sub3A_1426 : vector<16xf32>
    %div3A_1428 = arith.constant 2.000000e+00 : f32
    %div3A_1429 = vector.broadcast %div3A_1428 : f32 to vector<16xf32>
    %div3A_1430 = arith.divf %sub3A_1427, %div3A_1429 : vector<16xf32>
    %mul3A_1431 = arith.constant 2.000000e+00 : f32
    %mul3A_1432 = vector.broadcast %mul3A_1431 : f32 to vector<16xf32>
    %mul3A_1433 = arith.mulf %get3A_1412, %mul3A_1432 : vector<16xf32>
    %sub3A_1434 = arith.constant 1.000000e+00 : f32
    %sub3A_1435 = vector.broadcast %sub3A_1434 : f32 to vector<16xf32>
    %sub3A_1436 = arith.subf %mul3A_1433, %sub3A_1435 : vector<16xf32>
    %add3A_1437 = arith.constant 1.000000e+00 : f32
    %add3A_1438 = vector.broadcast %add3A_1437 : f32 to vector<16xf32>
    %add3A_1439 = arith.addf %sub3A_1436, %add3A_1438 : vector<16xf32>
    %mul3A_1440 = arith.constant 2.560000e+02 : f32
    %mul3A_1441 = vector.broadcast %mul3A_1440 : f32 to vector<16xf32>
    %mul3A_1442 = arith.mulf %add3A_1439, %mul3A_1441 : vector<16xf32>
    %sub3A_1443 = arith.constant 1.000000e+00 : f32
    %sub3A_1444 = vector.broadcast %sub3A_1443 : f32 to vector<16xf32>
    %sub3A_1445 = arith.subf %mul3A_1442, %sub3A_1444 : vector<16xf32>
    %div3A_1446 = arith.constant 2.000000e+00 : f32
    %div3A_1447 = vector.broadcast %div3A_1446 : f32 to vector<16xf32>
    %div3A_1448 = arith.divf %sub3A_1445, %div3A_1447 : vector<16xf32>
    %convert_element_type3A_1449 = arith.fptosi %div3A_1430 : vector<16xf32> to vector<16xi32>
    %convert_element_type3A_1450 = arith.fptosi %div3A_1448 : vector<16xf32> to vector<16xi32>
    %convert_element_type3A_1451 = arith.sitofp %convert_element_type3A_1449 : vector<16xi32> to vector<16xf32>
    %lt3A_1452 = arith.cmpf olt, %div3A_1430, %convert_element_type3A_1451 : vector<16xf32>
    %sub3A_1453 = arith.constant 1 : i32
    %sub3A_1454 = vector.broadcast %sub3A_1453 : i32 to vector<16xi32>
    %sub3A_1455 = arith.subi %convert_element_type3A_1449, %sub3A_1454 : vector<16xi32>
    %select_n3A_1456 = arith.select %lt3A_1452, %sub3A_1455, %convert_element_type3A_1449 : vector<16xi1>, vector<16xi32>
    %convert_element_type3A_1457 = arith.sitofp %convert_element_type3A_1450 : vector<16xi32> to vector<16xf32>
    %lt3A_1458 = arith.cmpf olt, %div3A_1448, %convert_element_type3A_1457 : vector<16xf32>
    %sub3A_1459 = arith.constant 1 : i32
    %sub3A_1460 = vector.broadcast %sub3A_1459 : i32 to vector<16xi32>
    %sub3A_1461 = arith.subi %convert_element_type3A_1450, %sub3A_1460 : vector<16xi32>
    %select_n3A_1462 = arith.select %lt3A_1458, %sub3A_1461, %convert_element_type3A_1450 : vector<16xi1>, vector<16xi32>
    %jit3A_1463 = arith.constant 0 : i32
    %jit3A_1464 = arith.constant 255 : i32
    %max3A_1465 = vector.broadcast %jit3A_1463 : i32 to vector<16xi32>
    %max3A_1466 = arith.maxsi %max3A_1465, %select_n3A_1456 : vector<16xi32>
    %min3A_1467 = vector.broadcast %jit3A_1464 : i32 to vector<16xi32>
    %min3A_1468 = arith.minsi %min3A_1467, %max3A_1466 : vector<16xi32>
    %add3A_1469 = arith.constant 1 : i32
    %add3A_1470 = vector.broadcast %add3A_1469 : i32 to vector<16xi32>
    %add3A_1471 = arith.addi %select_n3A_1456, %add3A_1470 : vector<16xi32>
    %jit3A_1472 = arith.constant 0 : i32
    %jit3A_1473 = arith.constant 255 : i32
    %max3A_1474 = vector.broadcast %jit3A_1472 : i32 to vector<16xi32>
    %max3A_1475 = arith.maxsi %max3A_1474, %add3A_1471 : vector<16xi32>
    %min3A_1476 = vector.broadcast %jit3A_1473 : i32 to vector<16xi32>
    %min3A_1477 = arith.minsi %min3A_1476, %max3A_1475 : vector<16xi32>
    %jit3A_1478 = arith.constant 0 : i32
    %jit3A_1479 = arith.constant 255 : i32
    %max3A_1480 = vector.broadcast %jit3A_1478 : i32 to vector<16xi32>
    %max3A_1481 = arith.maxsi %max3A_1480, %select_n3A_1462 : vector<16xi32>
    %min3A_1482 = vector.broadcast %jit3A_1479 : i32 to vector<16xi32>
    %min3A_1483 = arith.minsi %min3A_1482, %max3A_1481 : vector<16xi32>
    %add3A_1484 = arith.constant 1 : i32
    %add3A_1485 = vector.broadcast %add3A_1484 : i32 to vector<16xi32>
    %add3A_1486 = arith.addi %select_n3A_1462, %add3A_1485 : vector<16xi32>
    %jit3A_1487 = arith.constant 0 : i32
    %jit3A_1488 = arith.constant 255 : i32
    %max3A_1489 = vector.broadcast %jit3A_1487 : i32 to vector<16xi32>
    %max3A_1490 = arith.maxsi %max3A_1489, %add3A_1486 : vector<16xi32>
    %min3A_1491 = vector.broadcast %jit3A_1488 : i32 to vector<16xi32>
    %min3A_1492 = arith.minsi %min3A_1491, %max3A_1490 : vector<16xi32>
    %mul3A_1493 = arith.constant 256 : i32
    %mul3A_1494 = vector.broadcast %mul3A_1493 : i32 to vector<16xi32>
    %mul3A_1495 = arith.muli %min3A_1483, %mul3A_1494 : vector<16xi32>
    %add3A_1496 = vector.broadcast %mul3A_20 : i32 to vector<16xi32>
    %add3A_1497 = arith.addi %add3A_1496, %mul3A_1495 : vector<16xi32>
    %mul3A_1498 = arith.constant 256 : i32
    %mul3A_1499 = vector.broadcast %mul3A_1498 : i32 to vector<16xi32>
    %mul3A_1500 = arith.muli %min3A_1492, %mul3A_1499 : vector<16xi32>
    %add3A_1501 = vector.broadcast %mul3A_20 : i32 to vector<16xi32>
    %add3A_1502 = arith.addi %add3A_1501, %mul3A_1500 : vector<16xi32>
    %add3A_1503 = arith.addi %add3A_1497, %min3A_1468 : vector<16xi32>
    %swap3A_1504 = arith.constant 192 : index
    %swap3A_1505 = tpu.vector_load %arg8[%swap3A_1504] {strides = array<i32>} : memref<960xi32, #tpu.memory_space<vmem>>, vector<16xi32>,
    %swap3A_1506 = vector.shape_cast %swap3A_1505 : vector<16xi32> to vector<16xi32>
    %swap3A_1507 = vector.shape_cast %add3A_1503 : vector<16xi32> to vector<16xi32>
    tpu.vector_store %arg8[%swap3A_1504], %swap3A_1507 {strides = array<i32>} : memref<960xi32, #tpu.memory_space<vmem>>, vector<16xi32>,
    %add3A_1508 = arith.addi %add3A_1497, %min3A_1477 : vector<16xi32>
    %swap3A_1509 = arith.constant 432 : index
    %swap3A_1510 = tpu.vector_load %arg8[%swap3A_1509] {strides = array<i32>} : memref<960xi32, #tpu.memory_space<vmem>>, vector<16xi32>,
    %swap3A_1511 = vector.shape_cast %swap3A_1510 : vector<16xi32> to vector<16xi32>
    %swap3A_1512 = vector.shape_cast %add3A_1508 : vector<16xi32> to vector<16xi32>
    tpu.vector_store %arg8[%swap3A_1509], %swap3A_1512 {strides = array<i32>} : memref<960xi32, #tpu.memory_space<vmem>>, vector<16xi32>,
    %add3A_1513 = arith.addi %add3A_1502, %min3A_1468 : vector<16xi32>
    %swap3A_1514 = arith.constant 672 : index
    %swap3A_1515 = tpu.vector_load %arg8[%swap3A_1514] {strides = array<i32>} : memref<960xi32, #tpu.memory_space<vmem>>, vector<16xi32>,
    %swap3A_1516 = vector.shape_cast %swap3A_1515 : vector<16xi32> to vector<16xi32>
    %swap3A_1517 = vector.shape_cast %add3A_1513 : vector<16xi32> to vector<16xi32>
    tpu.vector_store %arg8[%swap3A_1514], %swap3A_1517 {strides = array<i32>} : memref<960xi32, #tpu.memory_space<vmem>>, vector<16xi32>,
    %add3A_1518 = arith.addi %add3A_1502, %min3A_1477 : vector<16xi32>
    %swap3A_1519 = arith.constant 912 : index
    %swap3A_1520 = tpu.vector_load %arg8[%swap3A_1519] {strides = array<i32>} : memref<960xi32, #tpu.memory_space<vmem>>, vector<16xi32>,
    %swap3A_1521 = vector.shape_cast %swap3A_1520 : vector<16xi32> to vector<16xi32>
    %swap3A_1522 = vector.shape_cast %add3A_1518 : vector<16xi32> to vector<16xi32>
    tpu.vector_store %arg8[%swap3A_1519], %swap3A_1522 {strides = array<i32>} : memref<960xi32, #tpu.memory_space<vmem>>, vector<16xi32>,
    %get3A_1523 = arith.constant 208 : index
    %get3A_1524 = tpu.vector_load %arg6[%get3A_1523] {strides = array<i32>} : memref<240xf32, #tpu.memory_space<vmem>>, vector<16xf32>,
    %get3A_1525 = vector.shape_cast %get3A_1524 : vector<16xf32> to vector<16xf32>
    %get3A_1526 = arith.constant 208 : index
    %get3A_1527 = tpu.vector_load %arg7[%get3A_1526] {strides = array<i32>} : memref<240xf32, #tpu.memory_space<vmem>>, vector<16xf32>,
    %get3A_1528 = vector.shape_cast %get3A_1527 : vector<16xf32> to vector<16xf32>
    %mul3A_1529 = arith.constant 2.000000e+00 : f32
    %mul3A_1530 = vector.broadcast %mul3A_1529 : f32 to vector<16xf32>
    %mul3A_1531 = arith.mulf %get3A_1525, %mul3A_1530 : vector<16xf32>
    %sub3A_1532 = arith.constant 1.000000e+00 : f32
    %sub3A_1533 = vector.broadcast %sub3A_1532 : f32 to vector<16xf32>
    %sub3A_1534 = arith.subf %mul3A_1531, %sub3A_1533 : vector<16xf32>
    %add3A_1535 = arith.constant 1.000000e+00 : f32
    %add3A_1536 = vector.broadcast %add3A_1535 : f32 to vector<16xf32>
    %add3A_1537 = arith.addf %sub3A_1534, %add3A_1536 : vector<16xf32>
    %mul3A_1538 = arith.constant 2.560000e+02 : f32
    %mul3A_1539 = vector.broadcast %mul3A_1538 : f32 to vector<16xf32>
    %mul3A_1540 = arith.mulf %add3A_1537, %mul3A_1539 : vector<16xf32>
    %sub3A_1541 = arith.constant 1.000000e+00 : f32
    %sub3A_1542 = vector.broadcast %sub3A_1541 : f32 to vector<16xf32>
    %sub3A_1543 = arith.subf %mul3A_1540, %sub3A_1542 : vector<16xf32>
    %div3A_1544 = arith.constant 2.000000e+00 : f32
    %div3A_1545 = vector.broadcast %div3A_1544 : f32 to vector<16xf32>
    %div3A_1546 = arith.divf %sub3A_1543, %div3A_1545 : vector<16xf32>
    %mul3A_1547 = arith.constant 2.000000e+00 : f32
    %mul3A_1548 = vector.broadcast %mul3A_1547 : f32 to vector<16xf32>
    %mul3A_1549 = arith.mulf %get3A_1528, %mul3A_1548 : vector<16xf32>
    %sub3A_1550 = arith.constant 1.000000e+00 : f32
    %sub3A_1551 = vector.broadcast %sub3A_1550 : f32 to vector<16xf32>
    %sub3A_1552 = arith.subf %mul3A_1549, %sub3A_1551 : vector<16xf32>
    %add3A_1553 = arith.constant 1.000000e+00 : f32
    %add3A_1554 = vector.broadcast %add3A_1553 : f32 to vector<16xf32>
    %add3A_1555 = arith.addf %sub3A_1552, %add3A_1554 : vector<16xf32>
    %mul3A_1556 = arith.constant 2.560000e+02 : f32
    %mul3A_1557 = vector.broadcast %mul3A_1556 : f32 to vector<16xf32>
    %mul3A_1558 = arith.mulf %add3A_1555, %mul3A_1557 : vector<16xf32>
    %sub3A_1559 = arith.constant 1.000000e+00 : f32
    %sub3A_1560 = vector.broadcast %sub3A_1559 : f32 to vector<16xf32>
    %sub3A_1561 = arith.subf %mul3A_1558, %sub3A_1560 : vector<16xf32>
    %div3A_1562 = arith.constant 2.000000e+00 : f32
    %div3A_1563 = vector.broadcast %div3A_1562 : f32 to vector<16xf32>
    %div3A_1564 = arith.divf %sub3A_1561, %div3A_1563 : vector<16xf32>
    %convert_element_type3A_1565 = arith.fptosi %div3A_1546 : vector<16xf32> to vector<16xi32>
    %convert_element_type3A_1566 = arith.fptosi %div3A_1564 : vector<16xf32> to vector<16xi32>
    %convert_element_type3A_1567 = arith.sitofp %convert_element_type3A_1565 : vector<16xi32> to vector<16xf32>
    %lt3A_1568 = arith.cmpf olt, %div3A_1546, %convert_element_type3A_1567 : vector<16xf32>
    %sub3A_1569 = arith.constant 1 : i32
    %sub3A_1570 = vector.broadcast %sub3A_1569 : i32 to vector<16xi32>
    %sub3A_1571 = arith.subi %convert_element_type3A_1565, %sub3A_1570 : vector<16xi32>
    %select_n3A_1572 = arith.select %lt3A_1568, %sub3A_1571, %convert_element_type3A_1565 : vector<16xi1>, vector<16xi32>
    %convert_element_type3A_1573 = arith.sitofp %convert_element_type3A_1566 : vector<16xi32> to vector<16xf32>
    %lt3A_1574 = arith.cmpf olt, %div3A_1564, %convert_element_type3A_1573 : vector<16xf32>
    %sub3A_1575 = arith.constant 1 : i32
    %sub3A_1576 = vector.broadcast %sub3A_1575 : i32 to vector<16xi32>
    %sub3A_1577 = arith.subi %convert_element_type3A_1566, %sub3A_1576 : vector<16xi32>
    %select_n3A_1578 = arith.select %lt3A_1574, %sub3A_1577, %convert_element_type3A_1566 : vector<16xi1>, vector<16xi32>
    %jit3A_1579 = arith.constant 0 : i32
    %jit3A_1580 = arith.constant 255 : i32
    %max3A_1581 = vector.broadcast %jit3A_1579 : i32 to vector<16xi32>
    %max3A_1582 = arith.maxsi %max3A_1581, %select_n3A_1572 : vector<16xi32>
    %min3A_1583 = vector.broadcast %jit3A_1580 : i32 to vector<16xi32>
    %min3A_1584 = arith.minsi %min3A_1583, %max3A_1582 : vector<16xi32>
    %add3A_1585 = arith.constant 1 : i32
    %add3A_1586 = vector.broadcast %add3A_1585 : i32 to vector<16xi32>
    %add3A_1587 = arith.addi %select_n3A_1572, %add3A_1586 : vector<16xi32>
    %jit3A_1588 = arith.constant 0 : i32
    %jit3A_1589 = arith.constant 255 : i32
    %max3A_1590 = vector.broadcast %jit3A_1588 : i32 to vector<16xi32>
    %max3A_1591 = arith.maxsi %max3A_1590, %add3A_1587 : vector<16xi32>
    %min3A_1592 = vector.broadcast %jit3A_1589 : i32 to vector<16xi32>
    %min3A_1593 = arith.minsi %min3A_1592, %max3A_1591 : vector<16xi32>
    %jit3A_1594 = arith.constant 0 : i32
    %jit3A_1595 = arith.constant 255 : i32
    %max3A_1596 = vector.broadcast %jit3A_1594 : i32 to vector<16xi32>
    %max3A_1597 = arith.maxsi %max3A_1596, %select_n3A_1578 : vector<16xi32>
    %min3A_1598 = vector.broadcast %jit3A_1595 : i32 to vector<16xi32>
    %min3A_1599 = arith.minsi %min3A_1598, %max3A_1597 : vector<16xi32>
    %add3A_1600 = arith.constant 1 : i32
    %add3A_1601 = vector.broadcast %add3A_1600 : i32 to vector<16xi32>
    %add3A_1602 = arith.addi %select_n3A_1578, %add3A_1601 : vector<16xi32>
    %jit3A_1603 = arith.constant 0 : i32
    %jit3A_1604 = arith.constant 255 : i32
    %max3A_1605 = vector.broadcast %jit3A_1603 : i32 to vector<16xi32>
    %max3A_1606 = arith.maxsi %max3A_1605, %add3A_1602 : vector<16xi32>
    %min3A_1607 = vector.broadcast %jit3A_1604 : i32 to vector<16xi32>
    %min3A_1608 = arith.minsi %min3A_1607, %max3A_1606 : vector<16xi32>
    %mul3A_1609 = arith.constant 256 : i32
    %mul3A_1610 = vector.broadcast %mul3A_1609 : i32 to vector<16xi32>
    %mul3A_1611 = arith.muli %min3A_1599, %mul3A_1610 : vector<16xi32>
    %add3A_1612 = vector.broadcast %mul3A_20 : i32 to vector<16xi32>
    %add3A_1613 = arith.addi %add3A_1612, %mul3A_1611 : vector<16xi32>
    %mul3A_1614 = arith.constant 256 : i32
    %mul3A_1615 = vector.broadcast %mul3A_1614 : i32 to vector<16xi32>
    %mul3A_1616 = arith.muli %min3A_1608, %mul3A_1615 : vector<16xi32>
    %add3A_1617 = vector.broadcast %mul3A_20 : i32 to vector<16xi32>
    %add3A_1618 = arith.addi %add3A_1617, %mul3A_1616 : vector<16xi32>
    %add3A_1619 = arith.addi %add3A_1613, %min3A_1584 : vector<16xi32>
    %swap3A_1620 = arith.constant 208 : index
    %swap3A_1621 = tpu.vector_load %arg8[%swap3A_1620] {strides = array<i32>} : memref<960xi32, #tpu.memory_space<vmem>>, vector<16xi32>,
    %swap3A_1622 = vector.shape_cast %swap3A_1621 : vector<16xi32> to vector<16xi32>
    %swap3A_1623 = vector.shape_cast %add3A_1619 : vector<16xi32> to vector<16xi32>
    tpu.vector_store %arg8[%swap3A_1620], %swap3A_1623 {strides = array<i32>} : memref<960xi32, #tpu.memory_space<vmem>>, vector<16xi32>,
    %add3A_1624 = arith.addi %add3A_1613, %min3A_1593 : vector<16xi32>
    %swap3A_1625 = arith.constant 448 : index
    %swap3A_1626 = tpu.vector_load %arg8[%swap3A_1625] {strides = array<i32>} : memref<960xi32, #tpu.memory_space<vmem>>, vector<16xi32>,
    %swap3A_1627 = vector.shape_cast %swap3A_1626 : vector<16xi32> to vector<16xi32>
    %swap3A_1628 = vector.shape_cast %add3A_1624 : vector<16xi32> to vector<16xi32>
    tpu.vector_store %arg8[%swap3A_1625], %swap3A_1628 {strides = array<i32>} : memref<960xi32, #tpu.memory_space<vmem>>, vector<16xi32>,
    %add3A_1629 = arith.addi %add3A_1618, %min3A_1584 : vector<16xi32>
    %swap3A_1630 = arith.constant 688 : index
    %swap3A_1631 = tpu.vector_load %arg8[%swap3A_1630] {strides = array<i32>} : memref<960xi32, #tpu.memory_space<vmem>>, vector<16xi32>,
    %swap3A_1632 = vector.shape_cast %swap3A_1631 : vector<16xi32> to vector<16xi32>
    %swap3A_1633 = vector.shape_cast %add3A_1629 : vector<16xi32> to vector<16xi32>
    tpu.vector_store %arg8[%swap3A_1630], %swap3A_1633 {strides = array<i32>} : memref<960xi32, #tpu.memory_space<vmem>>, vector<16xi32>,
    %add3A_1634 = arith.addi %add3A_1618, %min3A_1593 : vector<16xi32>
    %swap3A_1635 = arith.constant 928 : index
    %swap3A_1636 = tpu.vector_load %arg8[%swap3A_1635] {strides = array<i32>} : memref<960xi32, #tpu.memory_space<vmem>>, vector<16xi32>,
    %swap3A_1637 = vector.shape_cast %swap3A_1636 : vector<16xi32> to vector<16xi32>
    %swap3A_1638 = vector.shape_cast %add3A_1634 : vector<16xi32> to vector<16xi32>
    tpu.vector_store %arg8[%swap3A_1635], %swap3A_1638 {strides = array<i32>} : memref<960xi32, #tpu.memory_space<vmem>>, vector<16xi32>,
    %get3A_1639 = arith.constant 224 : index
    %get3A_1640 = tpu.vector_load %arg6[%get3A_1639] {strides = array<i32>} : memref<240xf32, #tpu.memory_space<vmem>>, vector<16xf32>,
    %get3A_1641 = vector.shape_cast %get3A_1640 : vector<16xf32> to vector<16xf32>
    %get3A_1642 = arith.constant 224 : index
    %get3A_1643 = tpu.vector_load %arg7[%get3A_1642] {strides = array<i32>} : memref<240xf32, #tpu.memory_space<vmem>>, vector<16xf32>,
    %get3A_1644 = vector.shape_cast %get3A_1643 : vector<16xf32> to vector<16xf32>
    %mul3A_1645 = arith.constant 2.000000e+00 : f32
    %mul3A_1646 = vector.broadcast %mul3A_1645 : f32 to vector<16xf32>
    %mul3A_1647 = arith.mulf %get3A_1641, %mul3A_1646 : vector<16xf32>
    %sub3A_1648 = arith.constant 1.000000e+00 : f32
    %sub3A_1649 = vector.broadcast %sub3A_1648 : f32 to vector<16xf32>
    %sub3A_1650 = arith.subf %mul3A_1647, %sub3A_1649 : vector<16xf32>
    %add3A_1651 = arith.constant 1.000000e+00 : f32
    %add3A_1652 = vector.broadcast %add3A_1651 : f32 to vector<16xf32>
    %add3A_1653 = arith.addf %sub3A_1650, %add3A_1652 : vector<16xf32>
    %mul3A_1654 = arith.constant 2.560000e+02 : f32
    %mul3A_1655 = vector.broadcast %mul3A_1654 : f32 to vector<16xf32>
    %mul3A_1656 = arith.mulf %add3A_1653, %mul3A_1655 : vector<16xf32>
    %sub3A_1657 = arith.constant 1.000000e+00 : f32
    %sub3A_1658 = vector.broadcast %sub3A_1657 : f32 to vector<16xf32>
    %sub3A_1659 = arith.subf %mul3A_1656, %sub3A_1658 : vector<16xf32>
    %div3A_1660 = arith.constant 2.000000e+00 : f32
    %div3A_1661 = vector.broadcast %div3A_1660 : f32 to vector<16xf32>
    %div3A_1662 = arith.divf %sub3A_1659, %div3A_1661 : vector<16xf32>
    %mul3A_1663 = arith.constant 2.000000e+00 : f32
    %mul3A_1664 = vector.broadcast %mul3A_1663 : f32 to vector<16xf32>
    %mul3A_1665 = arith.mulf %get3A_1644, %mul3A_1664 : vector<16xf32>
    %sub3A_1666 = arith.constant 1.000000e+00 : f32
    %sub3A_1667 = vector.broadcast %sub3A_1666 : f32 to vector<16xf32>
    %sub3A_1668 = arith.subf %mul3A_1665, %sub3A_1667 : vector<16xf32>
    %add3A_1669 = arith.constant 1.000000e+00 : f32
    %add3A_1670 = vector.broadcast %add3A_1669 : f32 to vector<16xf32>
    %add3A_1671 = arith.addf %sub3A_1668, %add3A_1670 : vector<16xf32>
    %mul3A_1672 = arith.constant 2.560000e+02 : f32
    %mul3A_1673 = vector.broadcast %mul3A_1672 : f32 to vector<16xf32>
    %mul3A_1674 = arith.mulf %add3A_1671, %mul3A_1673 : vector<16xf32>
    %sub3A_1675 = arith.constant 1.000000e+00 : f32
    %sub3A_1676 = vector.broadcast %sub3A_1675 : f32 to vector<16xf32>
    %sub3A_1677 = arith.subf %mul3A_1674, %sub3A_1676 : vector<16xf32>
    %div3A_1678 = arith.constant 2.000000e+00 : f32
    %div3A_1679 = vector.broadcast %div3A_1678 : f32 to vector<16xf32>
    %div3A_1680 = arith.divf %sub3A_1677, %div3A_1679 : vector<16xf32>
    %convert_element_type3A_1681 = arith.fptosi %div3A_1662 : vector<16xf32> to vector<16xi32>
    %convert_element_type3A_1682 = arith.fptosi %div3A_1680 : vector<16xf32> to vector<16xi32>
    %convert_element_type3A_1683 = arith.sitofp %convert_element_type3A_1681 : vector<16xi32> to vector<16xf32>
    %lt3A_1684 = arith.cmpf olt, %div3A_1662, %convert_element_type3A_1683 : vector<16xf32>
    %sub3A_1685 = arith.constant 1 : i32
    %sub3A_1686 = vector.broadcast %sub3A_1685 : i32 to vector<16xi32>
    %sub3A_1687 = arith.subi %convert_element_type3A_1681, %sub3A_1686 : vector<16xi32>
    %select_n3A_1688 = arith.select %lt3A_1684, %sub3A_1687, %convert_element_type3A_1681 : vector<16xi1>, vector<16xi32>
    %convert_element_type3A_1689 = arith.sitofp %convert_element_type3A_1682 : vector<16xi32> to vector<16xf32>
    %lt3A_1690 = arith.cmpf olt, %div3A_1680, %convert_element_type3A_1689 : vector<16xf32>
    %sub3A_1691 = arith.constant 1 : i32
    %sub3A_1692 = vector.broadcast %sub3A_1691 : i32 to vector<16xi32>
    %sub3A_1693 = arith.subi %convert_element_type3A_1682, %sub3A_1692 : vector<16xi32>
    %select_n3A_1694 = arith.select %lt3A_1690, %sub3A_1693, %convert_element_type3A_1682 : vector<16xi1>, vector<16xi32>
    %jit3A_1695 = arith.constant 0 : i32
    %jit3A_1696 = arith.constant 255 : i32
    %max3A_1697 = vector.broadcast %jit3A_1695 : i32 to vector<16xi32>
    %max3A_1698 = arith.maxsi %max3A_1697, %select_n3A_1688 : vector<16xi32>
    %min3A_1699 = vector.broadcast %jit3A_1696 : i32 to vector<16xi32>
    %min3A_1700 = arith.minsi %min3A_1699, %max3A_1698 : vector<16xi32>
    %add3A_1701 = arith.constant 1 : i32
    %add3A_1702 = vector.broadcast %add3A_1701 : i32 to vector<16xi32>
    %add3A_1703 = arith.addi %select_n3A_1688, %add3A_1702 : vector<16xi32>
    %jit3A_1704 = arith.constant 0 : i32
    %jit3A_1705 = arith.constant 255 : i32
    %max3A_1706 = vector.broadcast %jit3A_1704 : i32 to vector<16xi32>
    %max3A_1707 = arith.maxsi %max3A_1706, %add3A_1703 : vector<16xi32>
    %min3A_1708 = vector.broadcast %jit3A_1705 : i32 to vector<16xi32>
    %min3A_1709 = arith.minsi %min3A_1708, %max3A_1707 : vector<16xi32>
    %jit3A_1710 = arith.constant 0 : i32
    %jit3A_1711 = arith.constant 255 : i32
    %max3A_1712 = vector.broadcast %jit3A_1710 : i32 to vector<16xi32>
    %max3A_1713 = arith.maxsi %max3A_1712, %select_n3A_1694 : vector<16xi32>
    %min3A_1714 = vector.broadcast %jit3A_1711 : i32 to vector<16xi32>
    %min3A_1715 = arith.minsi %min3A_1714, %max3A_1713 : vector<16xi32>
    %add3A_1716 = arith.constant 1 : i32
    %add3A_1717 = vector.broadcast %add3A_1716 : i32 to vector<16xi32>
    %add3A_1718 = arith.addi %select_n3A_1694, %add3A_1717 : vector<16xi32>
    %jit3A_1719 = arith.constant 0 : i32
    %jit3A_1720 = arith.constant 255 : i32
    %max3A_1721 = vector.broadcast %jit3A_1719 : i32 to vector<16xi32>
    %max3A_1722 = arith.maxsi %max3A_1721, %add3A_1718 : vector<16xi32>
    %min3A_1723 = vector.broadcast %jit3A_1720 : i32 to vector<16xi32>
    %min3A_1724 = arith.minsi %min3A_1723, %max3A_1722 : vector<16xi32>
    %mul3A_1725 = arith.constant 256 : i32
    %mul3A_1726 = vector.broadcast %mul3A_1725 : i32 to vector<16xi32>
    %mul3A_1727 = arith.muli %min3A_1715, %mul3A_1726 : vector<16xi32>
    %add3A_1728 = vector.broadcast %mul3A_20 : i32 to vector<16xi32>
    %add3A_1729 = arith.addi %add3A_1728, %mul3A_1727 : vector<16xi32>
    %mul3A_1730 = arith.constant 256 : i32
    %mul3A_1731 = vector.broadcast %mul3A_1730 : i32 to vector<16xi32>
    %mul3A_1732 = arith.muli %min3A_1724, %mul3A_1731 : vector<16xi32>
    %add3A_1733 = vector.broadcast %mul3A_20 : i32 to vector<16xi32>
    %add3A_1734 = arith.addi %add3A_1733, %mul3A_1732 : vector<16xi32>
    %add3A_1735 = arith.addi %add3A_1729, %min3A_1700 : vector<16xi32>
    %swap3A_1736 = arith.constant 224 : index
    %swap3A_1737 = tpu.vector_load %arg8[%swap3A_1736] {strides = array<i32>} : memref<960xi32, #tpu.memory_space<vmem>>, vector<16xi32>,
    %swap3A_1738 = vector.shape_cast %swap3A_1737 : vector<16xi32> to vector<16xi32>
    %swap3A_1739 = vector.shape_cast %add3A_1735 : vector<16xi32> to vector<16xi32>
    tpu.vector_store %arg8[%swap3A_1736], %swap3A_1739 {strides = array<i32>} : memref<960xi32, #tpu.memory_space<vmem>>, vector<16xi32>,
    %add3A_1740 = arith.addi %add3A_1729, %min3A_1709 : vector<16xi32>
    %swap3A_1741 = arith.constant 464 : index
    %swap3A_1742 = tpu.vector_load %arg8[%swap3A_1741] {strides = array<i32>} : memref<960xi32, #tpu.memory_space<vmem>>, vector<16xi32>,
    %swap3A_1743 = vector.shape_cast %swap3A_1742 : vector<16xi32> to vector<16xi32>
    %swap3A_1744 = vector.shape_cast %add3A_1740 : vector<16xi32> to vector<16xi32>
    tpu.vector_store %arg8[%swap3A_1741], %swap3A_1744 {strides = array<i32>} : memref<960xi32, #tpu.memory_space<vmem>>, vector<16xi32>,
    %add3A_1745 = arith.addi %add3A_1734, %min3A_1700 : vector<16xi32>
    %swap3A_1746 = arith.constant 704 : index
    %swap3A_1747 = tpu.vector_load %arg8[%swap3A_1746] {strides = array<i32>} : memref<960xi32, #tpu.memory_space<vmem>>, vector<16xi32>,
    %swap3A_1748 = vector.shape_cast %swap3A_1747 : vector<16xi32> to vector<16xi32>
    %swap3A_1749 = vector.shape_cast %add3A_1745 : vector<16xi32> to vector<16xi32>
    tpu.vector_store %arg8[%swap3A_1746], %swap3A_1749 {strides = array<i32>} : memref<960xi32, #tpu.memory_space<vmem>>, vector<16xi32>,
    %add3A_1750 = arith.addi %add3A_1734, %min3A_1709 : vector<16xi32>
    %swap3A_1751 = arith.constant 944 : index
    %swap3A_1752 = tpu.vector_load %arg8[%swap3A_1751] {strides = array<i32>} : memref<960xi32, #tpu.memory_space<vmem>>, vector<16xi32>,
    %swap3A_1753 = vector.shape_cast %swap3A_1752 : vector<16xi32> to vector<16xi32>
    %swap3A_1754 = vector.shape_cast %add3A_1750 : vector<16xi32> to vector<16xi32>
    tpu.vector_store %arg8[%swap3A_1751], %swap3A_1754 {strides = array<i32>} : memref<960xi32, #tpu.memory_space<vmem>>, vector<16xi32>,
    %dma_start3A = arith.constant 0 : i32
    %dma_start3A_1755 = tpu.memref_slice %arg4[%dma_start3A] : memref<524288xf32, #tpu.memory_space<hbm>> -> memref<524288xf32, #tpu.memory_space<hbm>>
    tpu.enqueue_indirect_dma source(%dma_start3A_1755 : memref<524288xf32, #tpu.memory_space<hbm>>) target(%arg9 : memref<960xf32, #tpu.memory_space<vmem>>) offsets(%arg8 : memref<960xi32, #tpu.memory_space<vmem>>) semaphore(%arg11 : memref<!tpu.dma_semaphore, #tpu.memory_space<semaphore_mem>>)
    %dma_wait3A = arith.constant 0 : i32
    %dma_wait3A_1756 = tpu.memref_slice %arg4[%dma_wait3A] : memref<524288xf32, #tpu.memory_space<hbm>> -> memref<524288xf32, #tpu.memory_space<hbm>>
    tpu.wait_indirect_dma semaphore(%arg11 : memref<!tpu.dma_semaphore, #tpu.memory_space<semaphore_mem>>) src(%dma_wait3A_1756 : memref<524288xf32, #tpu.memory_space<hbm>>) dst(%arg9 : memref<960xf32, #tpu.memory_space<vmem>>)
    %get3A_1757 = arith.constant 0 : index
    %get3A_1758 = tpu.vector_load %arg6[%get3A_1757] {strides = array<i32>} : memref<240xf32, #tpu.memory_space<vmem>>, vector<16xf32>,
    %get3A_1759 = vector.shape_cast %get3A_1758 : vector<16xf32> to vector<16xf32>
    %get3A_1760 = arith.constant 0 : index
    %get3A_1761 = tpu.vector_load %arg7[%get3A_1760] {strides = array<i32>} : memref<240xf32, #tpu.memory_space<vmem>>, vector<16xf32>,
    %get3A_1762 = vector.shape_cast %get3A_1761 : vector<16xf32> to vector<16xf32>
    %mul3A_1763 = arith.constant 2.000000e+00 : f32
    %mul3A_1764 = vector.broadcast %mul3A_1763 : f32 to vector<16xf32>
    %mul3A_1765 = arith.mulf %get3A_1759, %mul3A_1764 : vector<16xf32>
    %sub3A_1766 = arith.constant 1.000000e+00 : f32
    %sub3A_1767 = vector.broadcast %sub3A_1766 : f32 to vector<16xf32>
    %sub3A_1768 = arith.subf %mul3A_1765, %sub3A_1767 : vector<16xf32>
    %add3A_1769 = arith.constant 1.000000e+00 : f32
    %add3A_1770 = vector.broadcast %add3A_1769 : f32 to vector<16xf32>
    %add3A_1771 = arith.addf %sub3A_1768, %add3A_1770 : vector<16xf32>
    %mul3A_1772 = arith.constant 2.560000e+02 : f32
    %mul3A_1773 = vector.broadcast %mul3A_1772 : f32 to vector<16xf32>
    %mul3A_1774 = arith.mulf %add3A_1771, %mul3A_1773 : vector<16xf32>
    %sub3A_1775 = arith.constant 1.000000e+00 : f32
    %sub3A_1776 = vector.broadcast %sub3A_1775 : f32 to vector<16xf32>
    %sub3A_1777 = arith.subf %mul3A_1774, %sub3A_1776 : vector<16xf32>
    %div3A_1778 = arith.constant 2.000000e+00 : f32
    %div3A_1779 = vector.broadcast %div3A_1778 : f32 to vector<16xf32>
    %div3A_1780 = arith.divf %sub3A_1777, %div3A_1779 : vector<16xf32>
    %mul3A_1781 = arith.constant 2.000000e+00 : f32
    %mul3A_1782 = vector.broadcast %mul3A_1781 : f32 to vector<16xf32>
    %mul3A_1783 = arith.mulf %get3A_1762, %mul3A_1782 : vector<16xf32>
    %sub3A_1784 = arith.constant 1.000000e+00 : f32
    %sub3A_1785 = vector.broadcast %sub3A_1784 : f32 to vector<16xf32>
    %sub3A_1786 = arith.subf %mul3A_1783, %sub3A_1785 : vector<16xf32>
    %add3A_1787 = arith.constant 1.000000e+00 : f32
    %add3A_1788 = vector.broadcast %add3A_1787 : f32 to vector<16xf32>
    %add3A_1789 = arith.addf %sub3A_1786, %add3A_1788 : vector<16xf32>
    %mul3A_1790 = arith.constant 2.560000e+02 : f32
    %mul3A_1791 = vector.broadcast %mul3A_1790 : f32 to vector<16xf32>
    %mul3A_1792 = arith.mulf %add3A_1789, %mul3A_1791 : vector<16xf32>
    %sub3A_1793 = arith.constant 1.000000e+00 : f32
    %sub3A_1794 = vector.broadcast %sub3A_1793 : f32 to vector<16xf32>
    %sub3A_1795 = arith.subf %mul3A_1792, %sub3A_1794 : vector<16xf32>
    %div3A_1796 = arith.constant 2.000000e+00 : f32
    %div3A_1797 = vector.broadcast %div3A_1796 : f32 to vector<16xf32>
    %div3A_1798 = arith.divf %sub3A_1795, %div3A_1797 : vector<16xf32>
    %convert_element_type3A_1799 = arith.fptosi %div3A_1780 : vector<16xf32> to vector<16xi32>
    %convert_element_type3A_1800 = arith.fptosi %div3A_1798 : vector<16xf32> to vector<16xi32>
    %convert_element_type3A_1801 = arith.sitofp %convert_element_type3A_1799 : vector<16xi32> to vector<16xf32>
    %lt3A_1802 = arith.cmpf olt, %div3A_1780, %convert_element_type3A_1801 : vector<16xf32>
    %sub3A_1803 = arith.constant 1 : i32
    %sub3A_1804 = vector.broadcast %sub3A_1803 : i32 to vector<16xi32>
    %sub3A_1805 = arith.subi %convert_element_type3A_1799, %sub3A_1804 : vector<16xi32>
    %select_n3A_1806 = arith.select %lt3A_1802, %sub3A_1805, %convert_element_type3A_1799 : vector<16xi1>, vector<16xi32>
    %convert_element_type3A_1807 = arith.sitofp %convert_element_type3A_1800 : vector<16xi32> to vector<16xf32>
    %lt3A_1808 = arith.cmpf olt, %div3A_1798, %convert_element_type3A_1807 : vector<16xf32>
    %sub3A_1809 = arith.constant 1 : i32
    %sub3A_1810 = vector.broadcast %sub3A_1809 : i32 to vector<16xi32>
    %sub3A_1811 = arith.subi %convert_element_type3A_1800, %sub3A_1810 : vector<16xi32>
    %select_n3A_1812 = arith.select %lt3A_1808, %sub3A_1811, %convert_element_type3A_1800 : vector<16xi1>, vector<16xi32>
    %convert_element_type3A_1813 = arith.sitofp %select_n3A_1806 : vector<16xi32> to vector<16xf32>
    %convert_element_type3A_1814 = arith.sitofp %select_n3A_1812 : vector<16xi32> to vector<16xf32>
    %sub3A_1815 = arith.subf %div3A_1780, %convert_element_type3A_1813 : vector<16xf32>
    %sub3A_1816 = arith.constant 1.000000e+00 : f32
    %sub3A_1817 = vector.broadcast %sub3A_1816 : f32 to vector<16xf32>
    %sub3A_1818 = arith.subf %sub3A_1817, %sub3A_1815 : vector<16xf32>
    %sub3A_1819 = arith.subf %div3A_1798, %convert_element_type3A_1814 : vector<16xf32>
    %sub3A_1820 = arith.constant 1.000000e+00 : f32
    %sub3A_1821 = vector.broadcast %sub3A_1820 : f32 to vector<16xf32>
    %sub3A_1822 = arith.subf %sub3A_1821, %sub3A_1819 : vector<16xf32>
    %ge3A = arith.constant 0 : i32
    %ge3A_1823 = vector.broadcast %ge3A : i32 to vector<16xi32>
    %ge3A_1824 = arith.cmpi sge, %select_n3A_1806, %ge3A_1823 : vector<16xi32>
    %add3A_1825 = arith.constant 1 : i32
    %add3A_1826 = vector.broadcast %add3A_1825 : i32 to vector<16xi32>
    %add3A_1827 = arith.addi %select_n3A_1806, %add3A_1826 : vector<16xi32>
    %le3A = arith.constant 255 : i32
    %le3A_1828 = vector.broadcast %le3A : i32 to vector<16xi32>
    %le3A_1829 = arith.cmpi sle, %add3A_1827, %le3A_1828 : vector<16xi32>
    %ge3A_1830 = arith.constant 0 : i32
    %ge3A_1831 = vector.broadcast %ge3A_1830 : i32 to vector<16xi32>
    %ge3A_1832 = arith.cmpi sge, %select_n3A_1812, %ge3A_1831 : vector<16xi32>
    %add3A_1833 = arith.constant 1 : i32
    %add3A_1834 = vector.broadcast %add3A_1833 : i32 to vector<16xi32>
    %add3A_1835 = arith.addi %select_n3A_1812, %add3A_1834 : vector<16xi32>
    %le3A_1836 = arith.constant 255 : i32
    %le3A_1837 = vector.broadcast %le3A_1836 : i32 to vector<16xi32>
    %le3A_1838 = arith.cmpi sle, %add3A_1835, %le3A_1837 : vector<16xi32>
    %broadcast_in_dim3A = arith.constant 0.000000e+00 : f32
    %broadcast_in_dim3A_1839 = vector.broadcast %broadcast_in_dim3A : f32 to vector<16xf32>
    %and3A_1840 = arith.andi %ge3A_1824, %ge3A_1832 : vector<16xi1>
    %get3A_1841 = arith.constant 0 : index
    %get3A_1842 = tpu.vector_load %arg9[%get3A_1841] {strides = array<i32>} : memref<960xf32, #tpu.memory_space<vmem>>, vector<16xf32>,
    %get3A_1843 = vector.shape_cast %get3A_1842 : vector<16xf32> to vector<16xf32>
    %select_n3A_1844 = arith.select %and3A_1840, %get3A_1843, %broadcast_in_dim3A_1839 : vector<16xi1>, vector<16xf32>
    %and3A_1845 = arith.andi %le3A_1829, %ge3A_1832 : vector<16xi1>
    %get3A_1846 = arith.constant 240 : index
    %get3A_1847 = tpu.vector_load %arg9[%get3A_1846] {strides = array<i32>} : memref<960xf32, #tpu.memory_space<vmem>>, vector<16xf32>,
    %get3A_1848 = vector.shape_cast %get3A_1847 : vector<16xf32> to vector<16xf32>
    %select_n3A_1849 = arith.select %and3A_1845, %get3A_1848, %broadcast_in_dim3A_1839 : vector<16xi1>, vector<16xf32>
    %and3A_1850 = arith.andi %ge3A_1824, %le3A_1838 : vector<16xi1>
    %get3A_1851 = arith.constant 480 : index
    %get3A_1852 = tpu.vector_load %arg9[%get3A_1851] {strides = array<i32>} : memref<960xf32, #tpu.memory_space<vmem>>, vector<16xf32>,
    %get3A_1853 = vector.shape_cast %get3A_1852 : vector<16xf32> to vector<16xf32>
    %select_n3A_1854 = arith.select %and3A_1850, %get3A_1853, %broadcast_in_dim3A_1839 : vector<16xi1>, vector<16xf32>
    %and3A_1855 = arith.andi %le3A_1829, %le3A_1838 : vector<16xi1>
    %get3A_1856 = arith.constant 720 : index
    %get3A_1857 = tpu.vector_load %arg9[%get3A_1856] {strides = array<i32>} : memref<960xf32, #tpu.memory_space<vmem>>, vector<16xf32>,
    %get3A_1858 = vector.shape_cast %get3A_1857 : vector<16xf32> to vector<16xf32>
    %select_n3A_1859 = arith.select %and3A_1855, %get3A_1858, %broadcast_in_dim3A_1839 : vector<16xi1>, vector<16xf32>
    %mul3A_1860 = arith.mulf %select_n3A_1844, %sub3A_1818 : vector<16xf32>
    %mul3A_1861 = arith.mulf %mul3A_1860, %sub3A_1822 : vector<16xf32>
    %mul3A_1862 = arith.mulf %select_n3A_1849, %sub3A_1815 : vector<16xf32>
    %mul3A_1863 = arith.mulf %mul3A_1862, %sub3A_1822 : vector<16xf32>
    %add3A_1864 = arith.addf %mul3A_1861, %mul3A_1863 : vector<16xf32>
    %mul3A_1865 = arith.mulf %select_n3A_1854, %sub3A_1818 : vector<16xf32>
    %mul3A_1866 = arith.mulf %mul3A_1865, %sub3A_1819 : vector<16xf32>
    %add3A_1867 = arith.addf %add3A_1864, %mul3A_1866 : vector<16xf32>
    %mul3A_1868 = arith.mulf %select_n3A_1859, %sub3A_1815 : vector<16xf32>
    %mul3A_1869 = arith.mulf %mul3A_1868, %sub3A_1819 : vector<16xf32>
    %add3A_1870 = arith.addf %add3A_1867, %mul3A_1869 : vector<16xf32>
    %swap3A_1871 = arith.constant 0 : index
    %swap3A_1872 = tpu.vector_load %arg10[%swap3A_1871] {strides = array<i32>} : memref<240xf32, #tpu.memory_space<vmem>>, vector<16xf32>,
    %swap3A_1873 = vector.shape_cast %swap3A_1872 : vector<16xf32> to vector<16xf32>
    %swap3A_1874 = vector.shape_cast %add3A_1870 : vector<16xf32> to vector<16xf32>
    tpu.vector_store %arg10[%swap3A_1871], %swap3A_1874 {strides = array<i32>} : memref<240xf32, #tpu.memory_space<vmem>>, vector<16xf32>,
    %get3A_1875 = arith.constant 16 : index
    %get3A_1876 = tpu.vector_load %arg6[%get3A_1875] {strides = array<i32>} : memref<240xf32, #tpu.memory_space<vmem>>, vector<16xf32>,
    %get3A_1877 = vector.shape_cast %get3A_1876 : vector<16xf32> to vector<16xf32>
    %get3A_1878 = arith.constant 16 : index
    %get3A_1879 = tpu.vector_load %arg7[%get3A_1878] {strides = array<i32>} : memref<240xf32, #tpu.memory_space<vmem>>, vector<16xf32>,
    %get3A_1880 = vector.shape_cast %get3A_1879 : vector<16xf32> to vector<16xf32>
    %mul3A_1881 = arith.constant 2.000000e+00 : f32
    %mul3A_1882 = vector.broadcast %mul3A_1881 : f32 to vector<16xf32>
    %mul3A_1883 = arith.mulf %get3A_1877, %mul3A_1882 : vector<16xf32>
    %sub3A_1884 = arith.constant 1.000000e+00 : f32
    %sub3A_1885 = vector.broadcast %sub3A_1884 : f32 to vector<16xf32>
    %sub3A_1886 = arith.subf %mul3A_1883, %sub3A_1885 : vector<16xf32>
    %add3A_1887 = arith.constant 1.000000e+00 : f32
    %add3A_1888 = vector.broadcast %add3A_1887 : f32 to vector<16xf32>
    %add3A_1889 = arith.addf %sub3A_1886, %add3A_1888 : vector<16xf32>
    %mul3A_1890 = arith.constant 2.560000e+02 : f32
    %mul3A_1891 = vector.broadcast %mul3A_1890 : f32 to vector<16xf32>
    %mul3A_1892 = arith.mulf %add3A_1889, %mul3A_1891 : vector<16xf32>
    %sub3A_1893 = arith.constant 1.000000e+00 : f32
    %sub3A_1894 = vector.broadcast %sub3A_1893 : f32 to vector<16xf32>
    %sub3A_1895 = arith.subf %mul3A_1892, %sub3A_1894 : vector<16xf32>
    %div3A_1896 = arith.constant 2.000000e+00 : f32
    %div3A_1897 = vector.broadcast %div3A_1896 : f32 to vector<16xf32>
    %div3A_1898 = arith.divf %sub3A_1895, %div3A_1897 : vector<16xf32>
    %mul3A_1899 = arith.constant 2.000000e+00 : f32
    %mul3A_1900 = vector.broadcast %mul3A_1899 : f32 to vector<16xf32>
    %mul3A_1901 = arith.mulf %get3A_1880, %mul3A_1900 : vector<16xf32>
    %sub3A_1902 = arith.constant 1.000000e+00 : f32
    %sub3A_1903 = vector.broadcast %sub3A_1902 : f32 to vector<16xf32>
    %sub3A_1904 = arith.subf %mul3A_1901, %sub3A_1903 : vector<16xf32>
    %add3A_1905 = arith.constant 1.000000e+00 : f32
    %add3A_1906 = vector.broadcast %add3A_1905 : f32 to vector<16xf32>
    %add3A_1907 = arith.addf %sub3A_1904, %add3A_1906 : vector<16xf32>
    %mul3A_1908 = arith.constant 2.560000e+02 : f32
    %mul3A_1909 = vector.broadcast %mul3A_1908 : f32 to vector<16xf32>
    %mul3A_1910 = arith.mulf %add3A_1907, %mul3A_1909 : vector<16xf32>
    %sub3A_1911 = arith.constant 1.000000e+00 : f32
    %sub3A_1912 = vector.broadcast %sub3A_1911 : f32 to vector<16xf32>
    %sub3A_1913 = arith.subf %mul3A_1910, %sub3A_1912 : vector<16xf32>
    %div3A_1914 = arith.constant 2.000000e+00 : f32
    %div3A_1915 = vector.broadcast %div3A_1914 : f32 to vector<16xf32>
    %div3A_1916 = arith.divf %sub3A_1913, %div3A_1915 : vector<16xf32>
    %convert_element_type3A_1917 = arith.fptosi %div3A_1898 : vector<16xf32> to vector<16xi32>
    %convert_element_type3A_1918 = arith.fptosi %div3A_1916 : vector<16xf32> to vector<16xi32>
    %convert_element_type3A_1919 = arith.sitofp %convert_element_type3A_1917 : vector<16xi32> to vector<16xf32>
    %lt3A_1920 = arith.cmpf olt, %div3A_1898, %convert_element_type3A_1919 : vector<16xf32>
    %sub3A_1921 = arith.constant 1 : i32
    %sub3A_1922 = vector.broadcast %sub3A_1921 : i32 to vector<16xi32>
    %sub3A_1923 = arith.subi %convert_element_type3A_1917, %sub3A_1922 : vector<16xi32>
    %select_n3A_1924 = arith.select %lt3A_1920, %sub3A_1923, %convert_element_type3A_1917 : vector<16xi1>, vector<16xi32>
    %convert_element_type3A_1925 = arith.sitofp %convert_element_type3A_1918 : vector<16xi32> to vector<16xf32>
    %lt3A_1926 = arith.cmpf olt, %div3A_1916, %convert_element_type3A_1925 : vector<16xf32>
    %sub3A_1927 = arith.constant 1 : i32
    %sub3A_1928 = vector.broadcast %sub3A_1927 : i32 to vector<16xi32>
    %sub3A_1929 = arith.subi %convert_element_type3A_1918, %sub3A_1928 : vector<16xi32>
    %select_n3A_1930 = arith.select %lt3A_1926, %sub3A_1929, %convert_element_type3A_1918 : vector<16xi1>, vector<16xi32>
    %convert_element_type3A_1931 = arith.sitofp %select_n3A_1924 : vector<16xi32> to vector<16xf32>
    %convert_element_type3A_1932 = arith.sitofp %select_n3A_1930 : vector<16xi32> to vector<16xf32>
    %sub3A_1933 = arith.subf %div3A_1898, %convert_element_type3A_1931 : vector<16xf32>
    %sub3A_1934 = arith.constant 1.000000e+00 : f32
    %sub3A_1935 = vector.broadcast %sub3A_1934 : f32 to vector<16xf32>
    %sub3A_1936 = arith.subf %sub3A_1935, %sub3A_1933 : vector<16xf32>
    %sub3A_1937 = arith.subf %div3A_1916, %convert_element_type3A_1932 : vector<16xf32>
    %sub3A_1938 = arith.constant 1.000000e+00 : f32
    %sub3A_1939 = vector.broadcast %sub3A_1938 : f32 to vector<16xf32>
    %sub3A_1940 = arith.subf %sub3A_1939, %sub3A_1937 : vector<16xf32>
    %ge3A_1941 = arith.constant 0 : i32
    %ge3A_1942 = vector.broadcast %ge3A_1941 : i32 to vector<16xi32>
    %ge3A_1943 = arith.cmpi sge, %select_n3A_1924, %ge3A_1942 : vector<16xi32>
    %add3A_1944 = arith.constant 1 : i32
    %add3A_1945 = vector.broadcast %add3A_1944 : i32 to vector<16xi32>
    %add3A_1946 = arith.addi %select_n3A_1924, %add3A_1945 : vector<16xi32>
    %le3A_1947 = arith.constant 255 : i32
    %le3A_1948 = vector.broadcast %le3A_1947 : i32 to vector<16xi32>
    %le3A_1949 = arith.cmpi sle, %add3A_1946, %le3A_1948 : vector<16xi32>
    %ge3A_1950 = arith.constant 0 : i32
    %ge3A_1951 = vector.broadcast %ge3A_1950 : i32 to vector<16xi32>
    %ge3A_1952 = arith.cmpi sge, %select_n3A_1930, %ge3A_1951 : vector<16xi32>
    %add3A_1953 = arith.constant 1 : i32
    %add3A_1954 = vector.broadcast %add3A_1953 : i32 to vector<16xi32>
    %add3A_1955 = arith.addi %select_n3A_1930, %add3A_1954 : vector<16xi32>
    %le3A_1956 = arith.constant 255 : i32
    %le3A_1957 = vector.broadcast %le3A_1956 : i32 to vector<16xi32>
    %le3A_1958 = arith.cmpi sle, %add3A_1955, %le3A_1957 : vector<16xi32>
    %broadcast_in_dim3A_1959 = arith.constant 0.000000e+00 : f32
    %broadcast_in_dim3A_1960 = vector.broadcast %broadcast_in_dim3A_1959 : f32 to vector<16xf32>
    %and3A_1961 = arith.andi %ge3A_1943, %ge3A_1952 : vector<16xi1>
    %get3A_1962 = arith.constant 16 : index
    %get3A_1963 = tpu.vector_load %arg9[%get3A_1962] {strides = array<i32>} : memref<960xf32, #tpu.memory_space<vmem>>, vector<16xf32>,
    %get3A_1964 = vector.shape_cast %get3A_1963 : vector<16xf32> to vector<16xf32>
    %select_n3A_1965 = arith.select %and3A_1961, %get3A_1964, %broadcast_in_dim3A_1960 : vector<16xi1>, vector<16xf32>
    %and3A_1966 = arith.andi %le3A_1949, %ge3A_1952 : vector<16xi1>
    %get3A_1967 = arith.constant 256 : index
    %get3A_1968 = tpu.vector_load %arg9[%get3A_1967] {strides = array<i32>} : memref<960xf32, #tpu.memory_space<vmem>>, vector<16xf32>,
    %get3A_1969 = vector.shape_cast %get3A_1968 : vector<16xf32> to vector<16xf32>
    %select_n3A_1970 = arith.select %and3A_1966, %get3A_1969, %broadcast_in_dim3A_1960 : vector<16xi1>, vector<16xf32>
    %and3A_1971 = arith.andi %ge3A_1943, %le3A_1958 : vector<16xi1>
    %get3A_1972 = arith.constant 496 : index
    %get3A_1973 = tpu.vector_load %arg9[%get3A_1972] {strides = array<i32>} : memref<960xf32, #tpu.memory_space<vmem>>, vector<16xf32>,
    %get3A_1974 = vector.shape_cast %get3A_1973 : vector<16xf32> to vector<16xf32>
    %select_n3A_1975 = arith.select %and3A_1971, %get3A_1974, %broadcast_in_dim3A_1960 : vector<16xi1>, vector<16xf32>
    %and3A_1976 = arith.andi %le3A_1949, %le3A_1958 : vector<16xi1>
    %get3A_1977 = arith.constant 736 : index
    %get3A_1978 = tpu.vector_load %arg9[%get3A_1977] {strides = array<i32>} : memref<960xf32, #tpu.memory_space<vmem>>, vector<16xf32>,
    %get3A_1979 = vector.shape_cast %get3A_1978 : vector<16xf32> to vector<16xf32>
    %select_n3A_1980 = arith.select %and3A_1976, %get3A_1979, %broadcast_in_dim3A_1960 : vector<16xi1>, vector<16xf32>
    %mul3A_1981 = arith.mulf %select_n3A_1965, %sub3A_1936 : vector<16xf32>
    %mul3A_1982 = arith.mulf %mul3A_1981, %sub3A_1940 : vector<16xf32>
    %mul3A_1983 = arith.mulf %select_n3A_1970, %sub3A_1933 : vector<16xf32>
    %mul3A_1984 = arith.mulf %mul3A_1983, %sub3A_1940 : vector<16xf32>
    %add3A_1985 = arith.addf %mul3A_1982, %mul3A_1984 : vector<16xf32>
    %mul3A_1986 = arith.mulf %select_n3A_1975, %sub3A_1936 : vector<16xf32>
    %mul3A_1987 = arith.mulf %mul3A_1986, %sub3A_1937 : vector<16xf32>
    %add3A_1988 = arith.addf %add3A_1985, %mul3A_1987 : vector<16xf32>
    %mul3A_1989 = arith.mulf %select_n3A_1980, %sub3A_1933 : vector<16xf32>
    %mul3A_1990 = arith.mulf %mul3A_1989, %sub3A_1937 : vector<16xf32>
    %add3A_1991 = arith.addf %add3A_1988, %mul3A_1990 : vector<16xf32>
    %swap3A_1992 = arith.constant 16 : index
    %swap3A_1993 = tpu.vector_load %arg10[%swap3A_1992] {strides = array<i32>} : memref<240xf32, #tpu.memory_space<vmem>>, vector<16xf32>,
    %swap3A_1994 = vector.shape_cast %swap3A_1993 : vector<16xf32> to vector<16xf32>
    %swap3A_1995 = vector.shape_cast %add3A_1991 : vector<16xf32> to vector<16xf32>
    tpu.vector_store %arg10[%swap3A_1992], %swap3A_1995 {strides = array<i32>} : memref<240xf32, #tpu.memory_space<vmem>>, vector<16xf32>,
    %get3A_1996 = arith.constant 32 : index
    %get3A_1997 = tpu.vector_load %arg6[%get3A_1996] {strides = array<i32>} : memref<240xf32, #tpu.memory_space<vmem>>, vector<16xf32>,
    %get3A_1998 = vector.shape_cast %get3A_1997 : vector<16xf32> to vector<16xf32>
    %get3A_1999 = arith.constant 32 : index
    %get3A_2000 = tpu.vector_load %arg7[%get3A_1999] {strides = array<i32>} : memref<240xf32, #tpu.memory_space<vmem>>, vector<16xf32>,
    %get3A_2001 = vector.shape_cast %get3A_2000 : vector<16xf32> to vector<16xf32>
    %mul3A_2002 = arith.constant 2.000000e+00 : f32
    %mul3A_2003 = vector.broadcast %mul3A_2002 : f32 to vector<16xf32>
    %mul3A_2004 = arith.mulf %get3A_1998, %mul3A_2003 : vector<16xf32>
    %sub3A_2005 = arith.constant 1.000000e+00 : f32
    %sub3A_2006 = vector.broadcast %sub3A_2005 : f32 to vector<16xf32>
    %sub3A_2007 = arith.subf %mul3A_2004, %sub3A_2006 : vector<16xf32>
    %add3A_2008 = arith.constant 1.000000e+00 : f32
    %add3A_2009 = vector.broadcast %add3A_2008 : f32 to vector<16xf32>
    %add3A_2010 = arith.addf %sub3A_2007, %add3A_2009 : vector<16xf32>
    %mul3A_2011 = arith.constant 2.560000e+02 : f32
    %mul3A_2012 = vector.broadcast %mul3A_2011 : f32 to vector<16xf32>
    %mul3A_2013 = arith.mulf %add3A_2010, %mul3A_2012 : vector<16xf32>
    %sub3A_2014 = arith.constant 1.000000e+00 : f32
    %sub3A_2015 = vector.broadcast %sub3A_2014 : f32 to vector<16xf32>
    %sub3A_2016 = arith.subf %mul3A_2013, %sub3A_2015 : vector<16xf32>
    %div3A_2017 = arith.constant 2.000000e+00 : f32
    %div3A_2018 = vector.broadcast %div3A_2017 : f32 to vector<16xf32>
    %div3A_2019 = arith.divf %sub3A_2016, %div3A_2018 : vector<16xf32>
    %mul3A_2020 = arith.constant 2.000000e+00 : f32
    %mul3A_2021 = vector.broadcast %mul3A_2020 : f32 to vector<16xf32>
    %mul3A_2022 = arith.mulf %get3A_2001, %mul3A_2021 : vector<16xf32>
    %sub3A_2023 = arith.constant 1.000000e+00 : f32
    %sub3A_2024 = vector.broadcast %sub3A_2023 : f32 to vector<16xf32>
    %sub3A_2025 = arith.subf %mul3A_2022, %sub3A_2024 : vector<16xf32>
    %add3A_2026 = arith.constant 1.000000e+00 : f32
    %add3A_2027 = vector.broadcast %add3A_2026 : f32 to vector<16xf32>
    %add3A_2028 = arith.addf %sub3A_2025, %add3A_2027 : vector<16xf32>
    %mul3A_2029 = arith.constant 2.560000e+02 : f32
    %mul3A_2030 = vector.broadcast %mul3A_2029 : f32 to vector<16xf32>
    %mul3A_2031 = arith.mulf %add3A_2028, %mul3A_2030 : vector<16xf32>
    %sub3A_2032 = arith.constant 1.000000e+00 : f32
    %sub3A_2033 = vector.broadcast %sub3A_2032 : f32 to vector<16xf32>
    %sub3A_2034 = arith.subf %mul3A_2031, %sub3A_2033 : vector<16xf32>
    %div3A_2035 = arith.constant 2.000000e+00 : f32
    %div3A_2036 = vector.broadcast %div3A_2035 : f32 to vector<16xf32>
    %div3A_2037 = arith.divf %sub3A_2034, %div3A_2036 : vector<16xf32>
    %convert_element_type3A_2038 = arith.fptosi %div3A_2019 : vector<16xf32> to vector<16xi32>
    %convert_element_type3A_2039 = arith.fptosi %div3A_2037 : vector<16xf32> to vector<16xi32>
    %convert_element_type3A_2040 = arith.sitofp %convert_element_type3A_2038 : vector<16xi32> to vector<16xf32>
    %lt3A_2041 = arith.cmpf olt, %div3A_2019, %convert_element_type3A_2040 : vector<16xf32>
    %sub3A_2042 = arith.constant 1 : i32
    %sub3A_2043 = vector.broadcast %sub3A_2042 : i32 to vector<16xi32>
    %sub3A_2044 = arith.subi %convert_element_type3A_2038, %sub3A_2043 : vector<16xi32>
    %select_n3A_2045 = arith.select %lt3A_2041, %sub3A_2044, %convert_element_type3A_2038 : vector<16xi1>, vector<16xi32>
    %convert_element_type3A_2046 = arith.sitofp %convert_element_type3A_2039 : vector<16xi32> to vector<16xf32>
    %lt3A_2047 = arith.cmpf olt, %div3A_2037, %convert_element_type3A_2046 : vector<16xf32>
    %sub3A_2048 = arith.constant 1 : i32
    %sub3A_2049 = vector.broadcast %sub3A_2048 : i32 to vector<16xi32>
    %sub3A_2050 = arith.subi %convert_element_type3A_2039, %sub3A_2049 : vector<16xi32>
    %select_n3A_2051 = arith.select %lt3A_2047, %sub3A_2050, %convert_element_type3A_2039 : vector<16xi1>, vector<16xi32>
    %convert_element_type3A_2052 = arith.sitofp %select_n3A_2045 : vector<16xi32> to vector<16xf32>
    %convert_element_type3A_2053 = arith.sitofp %select_n3A_2051 : vector<16xi32> to vector<16xf32>
    %sub3A_2054 = arith.subf %div3A_2019, %convert_element_type3A_2052 : vector<16xf32>
    %sub3A_2055 = arith.constant 1.000000e+00 : f32
    %sub3A_2056 = vector.broadcast %sub3A_2055 : f32 to vector<16xf32>
    %sub3A_2057 = arith.subf %sub3A_2056, %sub3A_2054 : vector<16xf32>
    %sub3A_2058 = arith.subf %div3A_2037, %convert_element_type3A_2053 : vector<16xf32>
    %sub3A_2059 = arith.constant 1.000000e+00 : f32
    %sub3A_2060 = vector.broadcast %sub3A_2059 : f32 to vector<16xf32>
    %sub3A_2061 = arith.subf %sub3A_2060, %sub3A_2058 : vector<16xf32>
    %ge3A_2062 = arith.constant 0 : i32
    %ge3A_2063 = vector.broadcast %ge3A_2062 : i32 to vector<16xi32>
    %ge3A_2064 = arith.cmpi sge, %select_n3A_2045, %ge3A_2063 : vector<16xi32>
    %add3A_2065 = arith.constant 1 : i32
    %add3A_2066 = vector.broadcast %add3A_2065 : i32 to vector<16xi32>
    %add3A_2067 = arith.addi %select_n3A_2045, %add3A_2066 : vector<16xi32>
    %le3A_2068 = arith.constant 255 : i32
    %le3A_2069 = vector.broadcast %le3A_2068 : i32 to vector<16xi32>
    %le3A_2070 = arith.cmpi sle, %add3A_2067, %le3A_2069 : vector<16xi32>
    %ge3A_2071 = arith.constant 0 : i32
    %ge3A_2072 = vector.broadcast %ge3A_2071 : i32 to vector<16xi32>
    %ge3A_2073 = arith.cmpi sge, %select_n3A_2051, %ge3A_2072 : vector<16xi32>
    %add3A_2074 = arith.constant 1 : i32
    %add3A_2075 = vector.broadcast %add3A_2074 : i32 to vector<16xi32>
    %add3A_2076 = arith.addi %select_n3A_2051, %add3A_2075 : vector<16xi32>
    %le3A_2077 = arith.constant 255 : i32
    %le3A_2078 = vector.broadcast %le3A_2077 : i32 to vector<16xi32>
    %le3A_2079 = arith.cmpi sle, %add3A_2076, %le3A_2078 : vector<16xi32>
    %broadcast_in_dim3A_2080 = arith.constant 0.000000e+00 : f32
    %broadcast_in_dim3A_2081 = vector.broadcast %broadcast_in_dim3A_2080 : f32 to vector<16xf32>
    %and3A_2082 = arith.andi %ge3A_2064, %ge3A_2073 : vector<16xi1>
    %get3A_2083 = arith.constant 32 : index
    %get3A_2084 = tpu.vector_load %arg9[%get3A_2083] {strides = array<i32>} : memref<960xf32, #tpu.memory_space<vmem>>, vector<16xf32>,
    %get3A_2085 = vector.shape_cast %get3A_2084 : vector<16xf32> to vector<16xf32>
    %select_n3A_2086 = arith.select %and3A_2082, %get3A_2085, %broadcast_in_dim3A_2081 : vector<16xi1>, vector<16xf32>
    %and3A_2087 = arith.andi %le3A_2070, %ge3A_2073 : vector<16xi1>
    %get3A_2088 = arith.constant 272 : index
    %get3A_2089 = tpu.vector_load %arg9[%get3A_2088] {strides = array<i32>} : memref<960xf32, #tpu.memory_space<vmem>>, vector<16xf32>,
    %get3A_2090 = vector.shape_cast %get3A_2089 : vector<16xf32> to vector<16xf32>
    %select_n3A_2091 = arith.select %and3A_2087, %get3A_2090, %broadcast_in_dim3A_2081 : vector<16xi1>, vector<16xf32>
    %and3A_2092 = arith.andi %ge3A_2064, %le3A_2079 : vector<16xi1>
    %get3A_2093 = arith.constant 512 : index
    %get3A_2094 = tpu.vector_load %arg9[%get3A_2093] {strides = array<i32>} : memref<960xf32, #tpu.memory_space<vmem>>, vector<16xf32>,
    %get3A_2095 = vector.shape_cast %get3A_2094 : vector<16xf32> to vector<16xf32>
    %select_n3A_2096 = arith.select %and3A_2092, %get3A_2095, %broadcast_in_dim3A_2081 : vector<16xi1>, vector<16xf32>
    %and3A_2097 = arith.andi %le3A_2070, %le3A_2079 : vector<16xi1>
    %get3A_2098 = arith.constant 752 : index
    %get3A_2099 = tpu.vector_load %arg9[%get3A_2098] {strides = array<i32>} : memref<960xf32, #tpu.memory_space<vmem>>, vector<16xf32>,
    %get3A_2100 = vector.shape_cast %get3A_2099 : vector<16xf32> to vector<16xf32>
    %select_n3A_2101 = arith.select %and3A_2097, %get3A_2100, %broadcast_in_dim3A_2081 : vector<16xi1>, vector<16xf32>
    %mul3A_2102 = arith.mulf %select_n3A_2086, %sub3A_2057 : vector<16xf32>
    %mul3A_2103 = arith.mulf %mul3A_2102, %sub3A_2061 : vector<16xf32>
    %mul3A_2104 = arith.mulf %select_n3A_2091, %sub3A_2054 : vector<16xf32>
    %mul3A_2105 = arith.mulf %mul3A_2104, %sub3A_2061 : vector<16xf32>
    %add3A_2106 = arith.addf %mul3A_2103, %mul3A_2105 : vector<16xf32>
    %mul3A_2107 = arith.mulf %select_n3A_2096, %sub3A_2057 : vector<16xf32>
    %mul3A_2108 = arith.mulf %mul3A_2107, %sub3A_2058 : vector<16xf32>
    %add3A_2109 = arith.addf %add3A_2106, %mul3A_2108 : vector<16xf32>
    %mul3A_2110 = arith.mulf %select_n3A_2101, %sub3A_2054 : vector<16xf32>
    %mul3A_2111 = arith.mulf %mul3A_2110, %sub3A_2058 : vector<16xf32>
    %add3A_2112 = arith.addf %add3A_2109, %mul3A_2111 : vector<16xf32>
    %swap3A_2113 = arith.constant 32 : index
    %swap3A_2114 = tpu.vector_load %arg10[%swap3A_2113] {strides = array<i32>} : memref<240xf32, #tpu.memory_space<vmem>>, vector<16xf32>,
    %swap3A_2115 = vector.shape_cast %swap3A_2114 : vector<16xf32> to vector<16xf32>
    %swap3A_2116 = vector.shape_cast %add3A_2112 : vector<16xf32> to vector<16xf32>
    tpu.vector_store %arg10[%swap3A_2113], %swap3A_2116 {strides = array<i32>} : memref<240xf32, #tpu.memory_space<vmem>>, vector<16xf32>,
    %get3A_2117 = arith.constant 48 : index
    %get3A_2118 = tpu.vector_load %arg6[%get3A_2117] {strides = array<i32>} : memref<240xf32, #tpu.memory_space<vmem>>, vector<16xf32>,
    %get3A_2119 = vector.shape_cast %get3A_2118 : vector<16xf32> to vector<16xf32>
    %get3A_2120 = arith.constant 48 : index
    %get3A_2121 = tpu.vector_load %arg7[%get3A_2120] {strides = array<i32>} : memref<240xf32, #tpu.memory_space<vmem>>, vector<16xf32>,
    %get3A_2122 = vector.shape_cast %get3A_2121 : vector<16xf32> to vector<16xf32>
    %mul3A_2123 = arith.constant 2.000000e+00 : f32
    %mul3A_2124 = vector.broadcast %mul3A_2123 : f32 to vector<16xf32>
    %mul3A_2125 = arith.mulf %get3A_2119, %mul3A_2124 : vector<16xf32>
    %sub3A_2126 = arith.constant 1.000000e+00 : f32
    %sub3A_2127 = vector.broadcast %sub3A_2126 : f32 to vector<16xf32>
    %sub3A_2128 = arith.subf %mul3A_2125, %sub3A_2127 : vector<16xf32>
    %add3A_2129 = arith.constant 1.000000e+00 : f32
    %add3A_2130 = vector.broadcast %add3A_2129 : f32 to vector<16xf32>
    %add3A_2131 = arith.addf %sub3A_2128, %add3A_2130 : vector<16xf32>
    %mul3A_2132 = arith.constant 2.560000e+02 : f32
    %mul3A_2133 = vector.broadcast %mul3A_2132 : f32 to vector<16xf32>
    %mul3A_2134 = arith.mulf %add3A_2131, %mul3A_2133 : vector<16xf32>
    %sub3A_2135 = arith.constant 1.000000e+00 : f32
    %sub3A_2136 = vector.broadcast %sub3A_2135 : f32 to vector<16xf32>
    %sub3A_2137 = arith.subf %mul3A_2134, %sub3A_2136 : vector<16xf32>
    %div3A_2138 = arith.constant 2.000000e+00 : f32
    %div3A_2139 = vector.broadcast %div3A_2138 : f32 to vector<16xf32>
    %div3A_2140 = arith.divf %sub3A_2137, %div3A_2139 : vector<16xf32>
    %mul3A_2141 = arith.constant 2.000000e+00 : f32
    %mul3A_2142 = vector.broadcast %mul3A_2141 : f32 to vector<16xf32>
    %mul3A_2143 = arith.mulf %get3A_2122, %mul3A_2142 : vector<16xf32>
    %sub3A_2144 = arith.constant 1.000000e+00 : f32
    %sub3A_2145 = vector.broadcast %sub3A_2144 : f32 to vector<16xf32>
    %sub3A_2146 = arith.subf %mul3A_2143, %sub3A_2145 : vector<16xf32>
    %add3A_2147 = arith.constant 1.000000e+00 : f32
    %add3A_2148 = vector.broadcast %add3A_2147 : f32 to vector<16xf32>
    %add3A_2149 = arith.addf %sub3A_2146, %add3A_2148 : vector<16xf32>
    %mul3A_2150 = arith.constant 2.560000e+02 : f32
    %mul3A_2151 = vector.broadcast %mul3A_2150 : f32 to vector<16xf32>
    %mul3A_2152 = arith.mulf %add3A_2149, %mul3A_2151 : vector<16xf32>
    %sub3A_2153 = arith.constant 1.000000e+00 : f32
    %sub3A_2154 = vector.broadcast %sub3A_2153 : f32 to vector<16xf32>
    %sub3A_2155 = arith.subf %mul3A_2152, %sub3A_2154 : vector<16xf32>
    %div3A_2156 = arith.constant 2.000000e+00 : f32
    %div3A_2157 = vector.broadcast %div3A_2156 : f32 to vector<16xf32>
    %div3A_2158 = arith.divf %sub3A_2155, %div3A_2157 : vector<16xf32>
    %convert_element_type3A_2159 = arith.fptosi %div3A_2140 : vector<16xf32> to vector<16xi32>
    %convert_element_type3A_2160 = arith.fptosi %div3A_2158 : vector<16xf32> to vector<16xi32>
    %convert_element_type3A_2161 = arith.sitofp %convert_element_type3A_2159 : vector<16xi32> to vector<16xf32>
    %lt3A_2162 = arith.cmpf olt, %div3A_2140, %convert_element_type3A_2161 : vector<16xf32>
    %sub3A_2163 = arith.constant 1 : i32
    %sub3A_2164 = vector.broadcast %sub3A_2163 : i32 to vector<16xi32>
    %sub3A_2165 = arith.subi %convert_element_type3A_2159, %sub3A_2164 : vector<16xi32>
    %select_n3A_2166 = arith.select %lt3A_2162, %sub3A_2165, %convert_element_type3A_2159 : vector<16xi1>, vector<16xi32>
    %convert_element_type3A_2167 = arith.sitofp %convert_element_type3A_2160 : vector<16xi32> to vector<16xf32>
    %lt3A_2168 = arith.cmpf olt, %div3A_2158, %convert_element_type3A_2167 : vector<16xf32>
    %sub3A_2169 = arith.constant 1 : i32
    %sub3A_2170 = vector.broadcast %sub3A_2169 : i32 to vector<16xi32>
    %sub3A_2171 = arith.subi %convert_element_type3A_2160, %sub3A_2170 : vector<16xi32>
    %select_n3A_2172 = arith.select %lt3A_2168, %sub3A_2171, %convert_element_type3A_2160 : vector<16xi1>, vector<16xi32>
    %convert_element_type3A_2173 = arith.sitofp %select_n3A_2166 : vector<16xi32> to vector<16xf32>
    %convert_element_type3A_2174 = arith.sitofp %select_n3A_2172 : vector<16xi32> to vector<16xf32>
    %sub3A_2175 = arith.subf %div3A_2140, %convert_element_type3A_2173 : vector<16xf32>
    %sub3A_2176 = arith.constant 1.000000e+00 : f32
    %sub3A_2177 = vector.broadcast %sub3A_2176 : f32 to vector<16xf32>
    %sub3A_2178 = arith.subf %sub3A_2177, %sub3A_2175 : vector<16xf32>
    %sub3A_2179 = arith.subf %div3A_2158, %convert_element_type3A_2174 : vector<16xf32>
    %sub3A_2180 = arith.constant 1.000000e+00 : f32
    %sub3A_2181 = vector.broadcast %sub3A_2180 : f32 to vector<16xf32>
    %sub3A_2182 = arith.subf %sub3A_2181, %sub3A_2179 : vector<16xf32>
    %ge3A_2183 = arith.constant 0 : i32
    %ge3A_2184 = vector.broadcast %ge3A_2183 : i32 to vector<16xi32>
    %ge3A_2185 = arith.cmpi sge, %select_n3A_2166, %ge3A_2184 : vector<16xi32>
    %add3A_2186 = arith.constant 1 : i32
    %add3A_2187 = vector.broadcast %add3A_2186 : i32 to vector<16xi32>
    %add3A_2188 = arith.addi %select_n3A_2166, %add3A_2187 : vector<16xi32>
    %le3A_2189 = arith.constant 255 : i32
    %le3A_2190 = vector.broadcast %le3A_2189 : i32 to vector<16xi32>
    %le3A_2191 = arith.cmpi sle, %add3A_2188, %le3A_2190 : vector<16xi32>
    %ge3A_2192 = arith.constant 0 : i32
    %ge3A_2193 = vector.broadcast %ge3A_2192 : i32 to vector<16xi32>
    %ge3A_2194 = arith.cmpi sge, %select_n3A_2172, %ge3A_2193 : vector<16xi32>
    %add3A_2195 = arith.constant 1 : i32
    %add3A_2196 = vector.broadcast %add3A_2195 : i32 to vector<16xi32>
    %add3A_2197 = arith.addi %select_n3A_2172, %add3A_2196 : vector<16xi32>
    %le3A_2198 = arith.constant 255 : i32
    %le3A_2199 = vector.broadcast %le3A_2198 : i32 to vector<16xi32>
    %le3A_2200 = arith.cmpi sle, %add3A_2197, %le3A_2199 : vector<16xi32>
    %broadcast_in_dim3A_2201 = arith.constant 0.000000e+00 : f32
    %broadcast_in_dim3A_2202 = vector.broadcast %broadcast_in_dim3A_2201 : f32 to vector<16xf32>
    %and3A_2203 = arith.andi %ge3A_2185, %ge3A_2194 : vector<16xi1>
    %get3A_2204 = arith.constant 48 : index
    %get3A_2205 = tpu.vector_load %arg9[%get3A_2204] {strides = array<i32>} : memref<960xf32, #tpu.memory_space<vmem>>, vector<16xf32>,
    %get3A_2206 = vector.shape_cast %get3A_2205 : vector<16xf32> to vector<16xf32>
    %select_n3A_2207 = arith.select %and3A_2203, %get3A_2206, %broadcast_in_dim3A_2202 : vector<16xi1>, vector<16xf32>
    %and3A_2208 = arith.andi %le3A_2191, %ge3A_2194 : vector<16xi1>
    %get3A_2209 = arith.constant 288 : index
    %get3A_2210 = tpu.vector_load %arg9[%get3A_2209] {strides = array<i32>} : memref<960xf32, #tpu.memory_space<vmem>>, vector<16xf32>,
    %get3A_2211 = vector.shape_cast %get3A_2210 : vector<16xf32> to vector<16xf32>
    %select_n3A_2212 = arith.select %and3A_2208, %get3A_2211, %broadcast_in_dim3A_2202 : vector<16xi1>, vector<16xf32>
    %and3A_2213 = arith.andi %ge3A_2185, %le3A_2200 : vector<16xi1>
    %get3A_2214 = arith.constant 528 : index
    %get3A_2215 = tpu.vector_load %arg9[%get3A_2214] {strides = array<i32>} : memref<960xf32, #tpu.memory_space<vmem>>, vector<16xf32>,
    %get3A_2216 = vector.shape_cast %get3A_2215 : vector<16xf32> to vector<16xf32>
    %select_n3A_2217 = arith.select %and3A_2213, %get3A_2216, %broadcast_in_dim3A_2202 : vector<16xi1>, vector<16xf32>
    %and3A_2218 = arith.andi %le3A_2191, %le3A_2200 : vector<16xi1>
    %get3A_2219 = arith.constant 768 : index
    %get3A_2220 = tpu.vector_load %arg9[%get3A_2219] {strides = array<i32>} : memref<960xf32, #tpu.memory_space<vmem>>, vector<16xf32>,
    %get3A_2221 = vector.shape_cast %get3A_2220 : vector<16xf32> to vector<16xf32>
    %select_n3A_2222 = arith.select %and3A_2218, %get3A_2221, %broadcast_in_dim3A_2202 : vector<16xi1>, vector<16xf32>
    %mul3A_2223 = arith.mulf %select_n3A_2207, %sub3A_2178 : vector<16xf32>
    %mul3A_2224 = arith.mulf %mul3A_2223, %sub3A_2182 : vector<16xf32>
    %mul3A_2225 = arith.mulf %select_n3A_2212, %sub3A_2175 : vector<16xf32>
    %mul3A_2226 = arith.mulf %mul3A_2225, %sub3A_2182 : vector<16xf32>
    %add3A_2227 = arith.addf %mul3A_2224, %mul3A_2226 : vector<16xf32>
    %mul3A_2228 = arith.mulf %select_n3A_2217, %sub3A_2178 : vector<16xf32>
    %mul3A_2229 = arith.mulf %mul3A_2228, %sub3A_2179 : vector<16xf32>
    %add3A_2230 = arith.addf %add3A_2227, %mul3A_2229 : vector<16xf32>
    %mul3A_2231 = arith.mulf %select_n3A_2222, %sub3A_2175 : vector<16xf32>
    %mul3A_2232 = arith.mulf %mul3A_2231, %sub3A_2179 : vector<16xf32>
    %add3A_2233 = arith.addf %add3A_2230, %mul3A_2232 : vector<16xf32>
    %swap3A_2234 = arith.constant 48 : index
    %swap3A_2235 = tpu.vector_load %arg10[%swap3A_2234] {strides = array<i32>} : memref<240xf32, #tpu.memory_space<vmem>>, vector<16xf32>,
    %swap3A_2236 = vector.shape_cast %swap3A_2235 : vector<16xf32> to vector<16xf32>
    %swap3A_2237 = vector.shape_cast %add3A_2233 : vector<16xf32> to vector<16xf32>
    tpu.vector_store %arg10[%swap3A_2234], %swap3A_2237 {strides = array<i32>} : memref<240xf32, #tpu.memory_space<vmem>>, vector<16xf32>,
    %get3A_2238 = arith.constant 64 : index
    %get3A_2239 = tpu.vector_load %arg6[%get3A_2238] {strides = array<i32>} : memref<240xf32, #tpu.memory_space<vmem>>, vector<16xf32>,
    %get3A_2240 = vector.shape_cast %get3A_2239 : vector<16xf32> to vector<16xf32>
    %get3A_2241 = arith.constant 64 : index
    %get3A_2242 = tpu.vector_load %arg7[%get3A_2241] {strides = array<i32>} : memref<240xf32, #tpu.memory_space<vmem>>, vector<16xf32>,
    %get3A_2243 = vector.shape_cast %get3A_2242 : vector<16xf32> to vector<16xf32>
    %mul3A_2244 = arith.constant 2.000000e+00 : f32
    %mul3A_2245 = vector.broadcast %mul3A_2244 : f32 to vector<16xf32>
    %mul3A_2246 = arith.mulf %get3A_2240, %mul3A_2245 : vector<16xf32>
    %sub3A_2247 = arith.constant 1.000000e+00 : f32
    %sub3A_2248 = vector.broadcast %sub3A_2247 : f32 to vector<16xf32>
    %sub3A_2249 = arith.subf %mul3A_2246, %sub3A_2248 : vector<16xf32>
    %add3A_2250 = arith.constant 1.000000e+00 : f32
    %add3A_2251 = vector.broadcast %add3A_2250 : f32 to vector<16xf32>
    %add3A_2252 = arith.addf %sub3A_2249, %add3A_2251 : vector<16xf32>
    %mul3A_2253 = arith.constant 2.560000e+02 : f32
    %mul3A_2254 = vector.broadcast %mul3A_2253 : f32 to vector<16xf32>
    %mul3A_2255 = arith.mulf %add3A_2252, %mul3A_2254 : vector<16xf32>
    %sub3A_2256 = arith.constant 1.000000e+00 : f32
    %sub3A_2257 = vector.broadcast %sub3A_2256 : f32 to vector<16xf32>
    %sub3A_2258 = arith.subf %mul3A_2255, %sub3A_2257 : vector<16xf32>
    %div3A_2259 = arith.constant 2.000000e+00 : f32
    %div3A_2260 = vector.broadcast %div3A_2259 : f32 to vector<16xf32>
    %div3A_2261 = arith.divf %sub3A_2258, %div3A_2260 : vector<16xf32>
    %mul3A_2262 = arith.constant 2.000000e+00 : f32
    %mul3A_2263 = vector.broadcast %mul3A_2262 : f32 to vector<16xf32>
    %mul3A_2264 = arith.mulf %get3A_2243, %mul3A_2263 : vector<16xf32>
    %sub3A_2265 = arith.constant 1.000000e+00 : f32
    %sub3A_2266 = vector.broadcast %sub3A_2265 : f32 to vector<16xf32>
    %sub3A_2267 = arith.subf %mul3A_2264, %sub3A_2266 : vector<16xf32>
    %add3A_2268 = arith.constant 1.000000e+00 : f32
    %add3A_2269 = vector.broadcast %add3A_2268 : f32 to vector<16xf32>
    %add3A_2270 = arith.addf %sub3A_2267, %add3A_2269 : vector<16xf32>
    %mul3A_2271 = arith.constant 2.560000e+02 : f32
    %mul3A_2272 = vector.broadcast %mul3A_2271 : f32 to vector<16xf32>
    %mul3A_2273 = arith.mulf %add3A_2270, %mul3A_2272 : vector<16xf32>
    %sub3A_2274 = arith.constant 1.000000e+00 : f32
    %sub3A_2275 = vector.broadcast %sub3A_2274 : f32 to vector<16xf32>
    %sub3A_2276 = arith.subf %mul3A_2273, %sub3A_2275 : vector<16xf32>
    %div3A_2277 = arith.constant 2.000000e+00 : f32
    %div3A_2278 = vector.broadcast %div3A_2277 : f32 to vector<16xf32>
    %div3A_2279 = arith.divf %sub3A_2276, %div3A_2278 : vector<16xf32>
    %convert_element_type3A_2280 = arith.fptosi %div3A_2261 : vector<16xf32> to vector<16xi32>
    %convert_element_type3A_2281 = arith.fptosi %div3A_2279 : vector<16xf32> to vector<16xi32>
    %convert_element_type3A_2282 = arith.sitofp %convert_element_type3A_2280 : vector<16xi32> to vector<16xf32>
    %lt3A_2283 = arith.cmpf olt, %div3A_2261, %convert_element_type3A_2282 : vector<16xf32>
    %sub3A_2284 = arith.constant 1 : i32
    %sub3A_2285 = vector.broadcast %sub3A_2284 : i32 to vector<16xi32>
    %sub3A_2286 = arith.subi %convert_element_type3A_2280, %sub3A_2285 : vector<16xi32>
    %select_n3A_2287 = arith.select %lt3A_2283, %sub3A_2286, %convert_element_type3A_2280 : vector<16xi1>, vector<16xi32>
    %convert_element_type3A_2288 = arith.sitofp %convert_element_type3A_2281 : vector<16xi32> to vector<16xf32>
    %lt3A_2289 = arith.cmpf olt, %div3A_2279, %convert_element_type3A_2288 : vector<16xf32>
    %sub3A_2290 = arith.constant 1 : i32
    %sub3A_2291 = vector.broadcast %sub3A_2290 : i32 to vector<16xi32>
    %sub3A_2292 = arith.subi %convert_element_type3A_2281, %sub3A_2291 : vector<16xi32>
    %select_n3A_2293 = arith.select %lt3A_2289, %sub3A_2292, %convert_element_type3A_2281 : vector<16xi1>, vector<16xi32>
    %convert_element_type3A_2294 = arith.sitofp %select_n3A_2287 : vector<16xi32> to vector<16xf32>
    %convert_element_type3A_2295 = arith.sitofp %select_n3A_2293 : vector<16xi32> to vector<16xf32>
    %sub3A_2296 = arith.subf %div3A_2261, %convert_element_type3A_2294 : vector<16xf32>
    %sub3A_2297 = arith.constant 1.000000e+00 : f32
    %sub3A_2298 = vector.broadcast %sub3A_2297 : f32 to vector<16xf32>
    %sub3A_2299 = arith.subf %sub3A_2298, %sub3A_2296 : vector<16xf32>
    %sub3A_2300 = arith.subf %div3A_2279, %convert_element_type3A_2295 : vector<16xf32>
    %sub3A_2301 = arith.constant 1.000000e+00 : f32
    %sub3A_2302 = vector.broadcast %sub3A_2301 : f32 to vector<16xf32>
    %sub3A_2303 = arith.subf %sub3A_2302, %sub3A_2300 : vector<16xf32>
    %ge3A_2304 = arith.constant 0 : i32
    %ge3A_2305 = vector.broadcast %ge3A_2304 : i32 to vector<16xi32>
    %ge3A_2306 = arith.cmpi sge, %select_n3A_2287, %ge3A_2305 : vector<16xi32>
    %add3A_2307 = arith.constant 1 : i32
    %add3A_2308 = vector.broadcast %add3A_2307 : i32 to vector<16xi32>
    %add3A_2309 = arith.addi %select_n3A_2287, %add3A_2308 : vector<16xi32>
    %le3A_2310 = arith.constant 255 : i32
    %le3A_2311 = vector.broadcast %le3A_2310 : i32 to vector<16xi32>
    %le3A_2312 = arith.cmpi sle, %add3A_2309, %le3A_2311 : vector<16xi32>
    %ge3A_2313 = arith.constant 0 : i32
    %ge3A_2314 = vector.broadcast %ge3A_2313 : i32 to vector<16xi32>
    %ge3A_2315 = arith.cmpi sge, %select_n3A_2293, %ge3A_2314 : vector<16xi32>
    %add3A_2316 = arith.constant 1 : i32
    %add3A_2317 = vector.broadcast %add3A_2316 : i32 to vector<16xi32>
    %add3A_2318 = arith.addi %select_n3A_2293, %add3A_2317 : vector<16xi32>
    %le3A_2319 = arith.constant 255 : i32
    %le3A_2320 = vector.broadcast %le3A_2319 : i32 to vector<16xi32>
    %le3A_2321 = arith.cmpi sle, %add3A_2318, %le3A_2320 : vector<16xi32>
    %broadcast_in_dim3A_2322 = arith.constant 0.000000e+00 : f32
    %broadcast_in_dim3A_2323 = vector.broadcast %broadcast_in_dim3A_2322 : f32 to vector<16xf32>
    %and3A_2324 = arith.andi %ge3A_2306, %ge3A_2315 : vector<16xi1>
    %get3A_2325 = arith.constant 64 : index
    %get3A_2326 = tpu.vector_load %arg9[%get3A_2325] {strides = array<i32>} : memref<960xf32, #tpu.memory_space<vmem>>, vector<16xf32>,
    %get3A_2327 = vector.shape_cast %get3A_2326 : vector<16xf32> to vector<16xf32>
    %select_n3A_2328 = arith.select %and3A_2324, %get3A_2327, %broadcast_in_dim3A_2323 : vector<16xi1>, vector<16xf32>
    %and3A_2329 = arith.andi %le3A_2312, %ge3A_2315 : vector<16xi1>
    %get3A_2330 = arith.constant 304 : index
    %get3A_2331 = tpu.vector_load %arg9[%get3A_2330] {strides = array<i32>} : memref<960xf32, #tpu.memory_space<vmem>>, vector<16xf32>,
    %get3A_2332 = vector.shape_cast %get3A_2331 : vector<16xf32> to vector<16xf32>
    %select_n3A_2333 = arith.select %and3A_2329, %get3A_2332, %broadcast_in_dim3A_2323 : vector<16xi1>, vector<16xf32>
    %and3A_2334 = arith.andi %ge3A_2306, %le3A_2321 : vector<16xi1>
    %get3A_2335 = arith.constant 544 : index
    %get3A_2336 = tpu.vector_load %arg9[%get3A_2335] {strides = array<i32>} : memref<960xf32, #tpu.memory_space<vmem>>, vector<16xf32>,
    %get3A_2337 = vector.shape_cast %get3A_2336 : vector<16xf32> to vector<16xf32>
    %select_n3A_2338 = arith.select %and3A_2334, %get3A_2337, %broadcast_in_dim3A_2323 : vector<16xi1>, vector<16xf32>
    %and3A_2339 = arith.andi %le3A_2312, %le3A_2321 : vector<16xi1>
    %get3A_2340 = arith.constant 784 : index
    %get3A_2341 = tpu.vector_load %arg9[%get3A_2340] {strides = array<i32>} : memref<960xf32, #tpu.memory_space<vmem>>, vector<16xf32>,
    %get3A_2342 = vector.shape_cast %get3A_2341 : vector<16xf32> to vector<16xf32>
    %select_n3A_2343 = arith.select %and3A_2339, %get3A_2342, %broadcast_in_dim3A_2323 : vector<16xi1>, vector<16xf32>
    %mul3A_2344 = arith.mulf %select_n3A_2328, %sub3A_2299 : vector<16xf32>
    %mul3A_2345 = arith.mulf %mul3A_2344, %sub3A_2303 : vector<16xf32>
    %mul3A_2346 = arith.mulf %select_n3A_2333, %sub3A_2296 : vector<16xf32>
    %mul3A_2347 = arith.mulf %mul3A_2346, %sub3A_2303 : vector<16xf32>
    %add3A_2348 = arith.addf %mul3A_2345, %mul3A_2347 : vector<16xf32>
    %mul3A_2349 = arith.mulf %select_n3A_2338, %sub3A_2299 : vector<16xf32>
    %mul3A_2350 = arith.mulf %mul3A_2349, %sub3A_2300 : vector<16xf32>
    %add3A_2351 = arith.addf %add3A_2348, %mul3A_2350 : vector<16xf32>
    %mul3A_2352 = arith.mulf %select_n3A_2343, %sub3A_2296 : vector<16xf32>
    %mul3A_2353 = arith.mulf %mul3A_2352, %sub3A_2300 : vector<16xf32>
    %add3A_2354 = arith.addf %add3A_2351, %mul3A_2353 : vector<16xf32>
    %swap3A_2355 = arith.constant 64 : index
    %swap3A_2356 = tpu.vector_load %arg10[%swap3A_2355] {strides = array<i32>} : memref<240xf32, #tpu.memory_space<vmem>>, vector<16xf32>,
    %swap3A_2357 = vector.shape_cast %swap3A_2356 : vector<16xf32> to vector<16xf32>
    %swap3A_2358 = vector.shape_cast %add3A_2354 : vector<16xf32> to vector<16xf32>
    tpu.vector_store %arg10[%swap3A_2355], %swap3A_2358 {strides = array<i32>} : memref<240xf32, #tpu.memory_space<vmem>>, vector<16xf32>,
    %get3A_2359 = arith.constant 80 : index
    %get3A_2360 = tpu.vector_load %arg6[%get3A_2359] {strides = array<i32>} : memref<240xf32, #tpu.memory_space<vmem>>, vector<16xf32>,
    %get3A_2361 = vector.shape_cast %get3A_2360 : vector<16xf32> to vector<16xf32>
    %get3A_2362 = arith.constant 80 : index
    %get3A_2363 = tpu.vector_load %arg7[%get3A_2362] {strides = array<i32>} : memref<240xf32, #tpu.memory_space<vmem>>, vector<16xf32>,
    %get3A_2364 = vector.shape_cast %get3A_2363 : vector<16xf32> to vector<16xf32>
    %mul3A_2365 = arith.constant 2.000000e+00 : f32
    %mul3A_2366 = vector.broadcast %mul3A_2365 : f32 to vector<16xf32>
    %mul3A_2367 = arith.mulf %get3A_2361, %mul3A_2366 : vector<16xf32>
    %sub3A_2368 = arith.constant 1.000000e+00 : f32
    %sub3A_2369 = vector.broadcast %sub3A_2368 : f32 to vector<16xf32>
    %sub3A_2370 = arith.subf %mul3A_2367, %sub3A_2369 : vector<16xf32>
    %add3A_2371 = arith.constant 1.000000e+00 : f32
    %add3A_2372 = vector.broadcast %add3A_2371 : f32 to vector<16xf32>
    %add3A_2373 = arith.addf %sub3A_2370, %add3A_2372 : vector<16xf32>
    %mul3A_2374 = arith.constant 2.560000e+02 : f32
    %mul3A_2375 = vector.broadcast %mul3A_2374 : f32 to vector<16xf32>
    %mul3A_2376 = arith.mulf %add3A_2373, %mul3A_2375 : vector<16xf32>
    %sub3A_2377 = arith.constant 1.000000e+00 : f32
    %sub3A_2378 = vector.broadcast %sub3A_2377 : f32 to vector<16xf32>
    %sub3A_2379 = arith.subf %mul3A_2376, %sub3A_2378 : vector<16xf32>
    %div3A_2380 = arith.constant 2.000000e+00 : f32
    %div3A_2381 = vector.broadcast %div3A_2380 : f32 to vector<16xf32>
    %div3A_2382 = arith.divf %sub3A_2379, %div3A_2381 : vector<16xf32>
    %mul3A_2383 = arith.constant 2.000000e+00 : f32
    %mul3A_2384 = vector.broadcast %mul3A_2383 : f32 to vector<16xf32>
    %mul3A_2385 = arith.mulf %get3A_2364, %mul3A_2384 : vector<16xf32>
    %sub3A_2386 = arith.constant 1.000000e+00 : f32
    %sub3A_2387 = vector.broadcast %sub3A_2386 : f32 to vector<16xf32>
    %sub3A_2388 = arith.subf %mul3A_2385, %sub3A_2387 : vector<16xf32>
    %add3A_2389 = arith.constant 1.000000e+00 : f32
    %add3A_2390 = vector.broadcast %add3A_2389 : f32 to vector<16xf32>
    %add3A_2391 = arith.addf %sub3A_2388, %add3A_2390 : vector<16xf32>
    %mul3A_2392 = arith.constant 2.560000e+02 : f32
    %mul3A_2393 = vector.broadcast %mul3A_2392 : f32 to vector<16xf32>
    %mul3A_2394 = arith.mulf %add3A_2391, %mul3A_2393 : vector<16xf32>
    %sub3A_2395 = arith.constant 1.000000e+00 : f32
    %sub3A_2396 = vector.broadcast %sub3A_2395 : f32 to vector<16xf32>
    %sub3A_2397 = arith.subf %mul3A_2394, %sub3A_2396 : vector<16xf32>
    %div3A_2398 = arith.constant 2.000000e+00 : f32
    %div3A_2399 = vector.broadcast %div3A_2398 : f32 to vector<16xf32>
    %div3A_2400 = arith.divf %sub3A_2397, %div3A_2399 : vector<16xf32>
    %convert_element_type3A_2401 = arith.fptosi %div3A_2382 : vector<16xf32> to vector<16xi32>
    %convert_element_type3A_2402 = arith.fptosi %div3A_2400 : vector<16xf32> to vector<16xi32>
    %convert_element_type3A_2403 = arith.sitofp %convert_element_type3A_2401 : vector<16xi32> to vector<16xf32>
    %lt3A_2404 = arith.cmpf olt, %div3A_2382, %convert_element_type3A_2403 : vector<16xf32>
    %sub3A_2405 = arith.constant 1 : i32
    %sub3A_2406 = vector.broadcast %sub3A_2405 : i32 to vector<16xi32>
    %sub3A_2407 = arith.subi %convert_element_type3A_2401, %sub3A_2406 : vector<16xi32>
    %select_n3A_2408 = arith.select %lt3A_2404, %sub3A_2407, %convert_element_type3A_2401 : vector<16xi1>, vector<16xi32>
    %convert_element_type3A_2409 = arith.sitofp %convert_element_type3A_2402 : vector<16xi32> to vector<16xf32>
    %lt3A_2410 = arith.cmpf olt, %div3A_2400, %convert_element_type3A_2409 : vector<16xf32>
    %sub3A_2411 = arith.constant 1 : i32
    %sub3A_2412 = vector.broadcast %sub3A_2411 : i32 to vector<16xi32>
    %sub3A_2413 = arith.subi %convert_element_type3A_2402, %sub3A_2412 : vector<16xi32>
    %select_n3A_2414 = arith.select %lt3A_2410, %sub3A_2413, %convert_element_type3A_2402 : vector<16xi1>, vector<16xi32>
    %convert_element_type3A_2415 = arith.sitofp %select_n3A_2408 : vector<16xi32> to vector<16xf32>
    %convert_element_type3A_2416 = arith.sitofp %select_n3A_2414 : vector<16xi32> to vector<16xf32>
    %sub3A_2417 = arith.subf %div3A_2382, %convert_element_type3A_2415 : vector<16xf32>
    %sub3A_2418 = arith.constant 1.000000e+00 : f32
    %sub3A_2419 = vector.broadcast %sub3A_2418 : f32 to vector<16xf32>
    %sub3A_2420 = arith.subf %sub3A_2419, %sub3A_2417 : vector<16xf32>
    %sub3A_2421 = arith.subf %div3A_2400, %convert_element_type3A_2416 : vector<16xf32>
    %sub3A_2422 = arith.constant 1.000000e+00 : f32
    %sub3A_2423 = vector.broadcast %sub3A_2422 : f32 to vector<16xf32>
    %sub3A_2424 = arith.subf %sub3A_2423, %sub3A_2421 : vector<16xf32>
    %ge3A_2425 = arith.constant 0 : i32
    %ge3A_2426 = vector.broadcast %ge3A_2425 : i32 to vector<16xi32>
    %ge3A_2427 = arith.cmpi sge, %select_n3A_2408, %ge3A_2426 : vector<16xi32>
    %add3A_2428 = arith.constant 1 : i32
    %add3A_2429 = vector.broadcast %add3A_2428 : i32 to vector<16xi32>
    %add3A_2430 = arith.addi %select_n3A_2408, %add3A_2429 : vector<16xi32>
    %le3A_2431 = arith.constant 255 : i32
    %le3A_2432 = vector.broadcast %le3A_2431 : i32 to vector<16xi32>
    %le3A_2433 = arith.cmpi sle, %add3A_2430, %le3A_2432 : vector<16xi32>
    %ge3A_2434 = arith.constant 0 : i32
    %ge3A_2435 = vector.broadcast %ge3A_2434 : i32 to vector<16xi32>
    %ge3A_2436 = arith.cmpi sge, %select_n3A_2414, %ge3A_2435 : vector<16xi32>
    %add3A_2437 = arith.constant 1 : i32
    %add3A_2438 = vector.broadcast %add3A_2437 : i32 to vector<16xi32>
    %add3A_2439 = arith.addi %select_n3A_2414, %add3A_2438 : vector<16xi32>
    %le3A_2440 = arith.constant 255 : i32
    %le3A_2441 = vector.broadcast %le3A_2440 : i32 to vector<16xi32>
    %le3A_2442 = arith.cmpi sle, %add3A_2439, %le3A_2441 : vector<16xi32>
    %broadcast_in_dim3A_2443 = arith.constant 0.000000e+00 : f32
    %broadcast_in_dim3A_2444 = vector.broadcast %broadcast_in_dim3A_2443 : f32 to vector<16xf32>
    %and3A_2445 = arith.andi %ge3A_2427, %ge3A_2436 : vector<16xi1>
    %get3A_2446 = arith.constant 80 : index
    %get3A_2447 = tpu.vector_load %arg9[%get3A_2446] {strides = array<i32>} : memref<960xf32, #tpu.memory_space<vmem>>, vector<16xf32>,
    %get3A_2448 = vector.shape_cast %get3A_2447 : vector<16xf32> to vector<16xf32>
    %select_n3A_2449 = arith.select %and3A_2445, %get3A_2448, %broadcast_in_dim3A_2444 : vector<16xi1>, vector<16xf32>
    %and3A_2450 = arith.andi %le3A_2433, %ge3A_2436 : vector<16xi1>
    %get3A_2451 = arith.constant 320 : index
    %get3A_2452 = tpu.vector_load %arg9[%get3A_2451] {strides = array<i32>} : memref<960xf32, #tpu.memory_space<vmem>>, vector<16xf32>,
    %get3A_2453 = vector.shape_cast %get3A_2452 : vector<16xf32> to vector<16xf32>
    %select_n3A_2454 = arith.select %and3A_2450, %get3A_2453, %broadcast_in_dim3A_2444 : vector<16xi1>, vector<16xf32>
    %and3A_2455 = arith.andi %ge3A_2427, %le3A_2442 : vector<16xi1>
    %get3A_2456 = arith.constant 560 : index
    %get3A_2457 = tpu.vector_load %arg9[%get3A_2456] {strides = array<i32>} : memref<960xf32, #tpu.memory_space<vmem>>, vector<16xf32>,
    %get3A_2458 = vector.shape_cast %get3A_2457 : vector<16xf32> to vector<16xf32>
    %select_n3A_2459 = arith.select %and3A_2455, %get3A_2458, %broadcast_in_dim3A_2444 : vector<16xi1>, vector<16xf32>
    %and3A_2460 = arith.andi %le3A_2433, %le3A_2442 : vector<16xi1>
    %get3A_2461 = arith.constant 800 : index
    %get3A_2462 = tpu.vector_load %arg9[%get3A_2461] {strides = array<i32>} : memref<960xf32, #tpu.memory_space<vmem>>, vector<16xf32>,
    %get3A_2463 = vector.shape_cast %get3A_2462 : vector<16xf32> to vector<16xf32>
    %select_n3A_2464 = arith.select %and3A_2460, %get3A_2463, %broadcast_in_dim3A_2444 : vector<16xi1>, vector<16xf32>
    %mul3A_2465 = arith.mulf %select_n3A_2449, %sub3A_2420 : vector<16xf32>
    %mul3A_2466 = arith.mulf %mul3A_2465, %sub3A_2424 : vector<16xf32>
    %mul3A_2467 = arith.mulf %select_n3A_2454, %sub3A_2417 : vector<16xf32>
    %mul3A_2468 = arith.mulf %mul3A_2467, %sub3A_2424 : vector<16xf32>
    %add3A_2469 = arith.addf %mul3A_2466, %mul3A_2468 : vector<16xf32>
    %mul3A_2470 = arith.mulf %select_n3A_2459, %sub3A_2420 : vector<16xf32>
    %mul3A_2471 = arith.mulf %mul3A_2470, %sub3A_2421 : vector<16xf32>
    %add3A_2472 = arith.addf %add3A_2469, %mul3A_2471 : vector<16xf32>
    %mul3A_2473 = arith.mulf %select_n3A_2464, %sub3A_2417 : vector<16xf32>
    %mul3A_2474 = arith.mulf %mul3A_2473, %sub3A_2421 : vector<16xf32>
    %add3A_2475 = arith.addf %add3A_2472, %mul3A_2474 : vector<16xf32>
    %swap3A_2476 = arith.constant 80 : index
    %swap3A_2477 = tpu.vector_load %arg10[%swap3A_2476] {strides = array<i32>} : memref<240xf32, #tpu.memory_space<vmem>>, vector<16xf32>,
    %swap3A_2478 = vector.shape_cast %swap3A_2477 : vector<16xf32> to vector<16xf32>
    %swap3A_2479 = vector.shape_cast %add3A_2475 : vector<16xf32> to vector<16xf32>
    tpu.vector_store %arg10[%swap3A_2476], %swap3A_2479 {strides = array<i32>} : memref<240xf32, #tpu.memory_space<vmem>>, vector<16xf32>,
    %get3A_2480 = arith.constant 96 : index
    %get3A_2481 = tpu.vector_load %arg6[%get3A_2480] {strides = array<i32>} : memref<240xf32, #tpu.memory_space<vmem>>, vector<16xf32>,
    %get3A_2482 = vector.shape_cast %get3A_2481 : vector<16xf32> to vector<16xf32>
    %get3A_2483 = arith.constant 96 : index
    %get3A_2484 = tpu.vector_load %arg7[%get3A_2483] {strides = array<i32>} : memref<240xf32, #tpu.memory_space<vmem>>, vector<16xf32>,
    %get3A_2485 = vector.shape_cast %get3A_2484 : vector<16xf32> to vector<16xf32>
    %mul3A_2486 = arith.constant 2.000000e+00 : f32
    %mul3A_2487 = vector.broadcast %mul3A_2486 : f32 to vector<16xf32>
    %mul3A_2488 = arith.mulf %get3A_2482, %mul3A_2487 : vector<16xf32>
    %sub3A_2489 = arith.constant 1.000000e+00 : f32
    %sub3A_2490 = vector.broadcast %sub3A_2489 : f32 to vector<16xf32>
    %sub3A_2491 = arith.subf %mul3A_2488, %sub3A_2490 : vector<16xf32>
    %add3A_2492 = arith.constant 1.000000e+00 : f32
    %add3A_2493 = vector.broadcast %add3A_2492 : f32 to vector<16xf32>
    %add3A_2494 = arith.addf %sub3A_2491, %add3A_2493 : vector<16xf32>
    %mul3A_2495 = arith.constant 2.560000e+02 : f32
    %mul3A_2496 = vector.broadcast %mul3A_2495 : f32 to vector<16xf32>
    %mul3A_2497 = arith.mulf %add3A_2494, %mul3A_2496 : vector<16xf32>
    %sub3A_2498 = arith.constant 1.000000e+00 : f32
    %sub3A_2499 = vector.broadcast %sub3A_2498 : f32 to vector<16xf32>
    %sub3A_2500 = arith.subf %mul3A_2497, %sub3A_2499 : vector<16xf32>
    %div3A_2501 = arith.constant 2.000000e+00 : f32
    %div3A_2502 = vector.broadcast %div3A_2501 : f32 to vector<16xf32>
    %div3A_2503 = arith.divf %sub3A_2500, %div3A_2502 : vector<16xf32>
    %mul3A_2504 = arith.constant 2.000000e+00 : f32
    %mul3A_2505 = vector.broadcast %mul3A_2504 : f32 to vector<16xf32>
    %mul3A_2506 = arith.mulf %get3A_2485, %mul3A_2505 : vector<16xf32>
    %sub3A_2507 = arith.constant 1.000000e+00 : f32
    %sub3A_2508 = vector.broadcast %sub3A_2507 : f32 to vector<16xf32>
    %sub3A_2509 = arith.subf %mul3A_2506, %sub3A_2508 : vector<16xf32>
    %add3A_2510 = arith.constant 1.000000e+00 : f32
    %add3A_2511 = vector.broadcast %add3A_2510 : f32 to vector<16xf32>
    %add3A_2512 = arith.addf %sub3A_2509, %add3A_2511 : vector<16xf32>
    %mul3A_2513 = arith.constant 2.560000e+02 : f32
    %mul3A_2514 = vector.broadcast %mul3A_2513 : f32 to vector<16xf32>
    %mul3A_2515 = arith.mulf %add3A_2512, %mul3A_2514 : vector<16xf32>
    %sub3A_2516 = arith.constant 1.000000e+00 : f32
    %sub3A_2517 = vector.broadcast %sub3A_2516 : f32 to vector<16xf32>
    %sub3A_2518 = arith.subf %mul3A_2515, %sub3A_2517 : vector<16xf32>
    %div3A_2519 = arith.constant 2.000000e+00 : f32
    %div3A_2520 = vector.broadcast %div3A_2519 : f32 to vector<16xf32>
    %div3A_2521 = arith.divf %sub3A_2518, %div3A_2520 : vector<16xf32>
    %convert_element_type3A_2522 = arith.fptosi %div3A_2503 : vector<16xf32> to vector<16xi32>
    %convert_element_type3A_2523 = arith.fptosi %div3A_2521 : vector<16xf32> to vector<16xi32>
    %convert_element_type3A_2524 = arith.sitofp %convert_element_type3A_2522 : vector<16xi32> to vector<16xf32>
    %lt3A_2525 = arith.cmpf olt, %div3A_2503, %convert_element_type3A_2524 : vector<16xf32>
    %sub3A_2526 = arith.constant 1 : i32
    %sub3A_2527 = vector.broadcast %sub3A_2526 : i32 to vector<16xi32>
    %sub3A_2528 = arith.subi %convert_element_type3A_2522, %sub3A_2527 : vector<16xi32>
    %select_n3A_2529 = arith.select %lt3A_2525, %sub3A_2528, %convert_element_type3A_2522 : vector<16xi1>, vector<16xi32>
    %convert_element_type3A_2530 = arith.sitofp %convert_element_type3A_2523 : vector<16xi32> to vector<16xf32>
    %lt3A_2531 = arith.cmpf olt, %div3A_2521, %convert_element_type3A_2530 : vector<16xf32>
    %sub3A_2532 = arith.constant 1 : i32
    %sub3A_2533 = vector.broadcast %sub3A_2532 : i32 to vector<16xi32>
    %sub3A_2534 = arith.subi %convert_element_type3A_2523, %sub3A_2533 : vector<16xi32>
    %select_n3A_2535 = arith.select %lt3A_2531, %sub3A_2534, %convert_element_type3A_2523 : vector<16xi1>, vector<16xi32>
    %convert_element_type3A_2536 = arith.sitofp %select_n3A_2529 : vector<16xi32> to vector<16xf32>
    %convert_element_type3A_2537 = arith.sitofp %select_n3A_2535 : vector<16xi32> to vector<16xf32>
    %sub3A_2538 = arith.subf %div3A_2503, %convert_element_type3A_2536 : vector<16xf32>
    %sub3A_2539 = arith.constant 1.000000e+00 : f32
    %sub3A_2540 = vector.broadcast %sub3A_2539 : f32 to vector<16xf32>
    %sub3A_2541 = arith.subf %sub3A_2540, %sub3A_2538 : vector<16xf32>
    %sub3A_2542 = arith.subf %div3A_2521, %convert_element_type3A_2537 : vector<16xf32>
    %sub3A_2543 = arith.constant 1.000000e+00 : f32
    %sub3A_2544 = vector.broadcast %sub3A_2543 : f32 to vector<16xf32>
    %sub3A_2545 = arith.subf %sub3A_2544, %sub3A_2542 : vector<16xf32>
    %ge3A_2546 = arith.constant 0 : i32
    %ge3A_2547 = vector.broadcast %ge3A_2546 : i32 to vector<16xi32>
    %ge3A_2548 = arith.cmpi sge, %select_n3A_2529, %ge3A_2547 : vector<16xi32>
    %add3A_2549 = arith.constant 1 : i32
    %add3A_2550 = vector.broadcast %add3A_2549 : i32 to vector<16xi32>
    %add3A_2551 = arith.addi %select_n3A_2529, %add3A_2550 : vector<16xi32>
    %le3A_2552 = arith.constant 255 : i32
    %le3A_2553 = vector.broadcast %le3A_2552 : i32 to vector<16xi32>
    %le3A_2554 = arith.cmpi sle, %add3A_2551, %le3A_2553 : vector<16xi32>
    %ge3A_2555 = arith.constant 0 : i32
    %ge3A_2556 = vector.broadcast %ge3A_2555 : i32 to vector<16xi32>
    %ge3A_2557 = arith.cmpi sge, %select_n3A_2535, %ge3A_2556 : vector<16xi32>
    %add3A_2558 = arith.constant 1 : i32
    %add3A_2559 = vector.broadcast %add3A_2558 : i32 to vector<16xi32>
    %add3A_2560 = arith.addi %select_n3A_2535, %add3A_2559 : vector<16xi32>
    %le3A_2561 = arith.constant 255 : i32
    %le3A_2562 = vector.broadcast %le3A_2561 : i32 to vector<16xi32>
    %le3A_2563 = arith.cmpi sle, %add3A_2560, %le3A_2562 : vector<16xi32>
    %broadcast_in_dim3A_2564 = arith.constant 0.000000e+00 : f32
    %broadcast_in_dim3A_2565 = vector.broadcast %broadcast_in_dim3A_2564 : f32 to vector<16xf32>
    %and3A_2566 = arith.andi %ge3A_2548, %ge3A_2557 : vector<16xi1>
    %get3A_2567 = arith.constant 96 : index
    %get3A_2568 = tpu.vector_load %arg9[%get3A_2567] {strides = array<i32>} : memref<960xf32, #tpu.memory_space<vmem>>, vector<16xf32>,
    %get3A_2569 = vector.shape_cast %get3A_2568 : vector<16xf32> to vector<16xf32>
    %select_n3A_2570 = arith.select %and3A_2566, %get3A_2569, %broadcast_in_dim3A_2565 : vector<16xi1>, vector<16xf32>
    %and3A_2571 = arith.andi %le3A_2554, %ge3A_2557 : vector<16xi1>
    %get3A_2572 = arith.constant 336 : index
    %get3A_2573 = tpu.vector_load %arg9[%get3A_2572] {strides = array<i32>} : memref<960xf32, #tpu.memory_space<vmem>>, vector<16xf32>,
    %get3A_2574 = vector.shape_cast %get3A_2573 : vector<16xf32> to vector<16xf32>
    %select_n3A_2575 = arith.select %and3A_2571, %get3A_2574, %broadcast_in_dim3A_2565 : vector<16xi1>, vector<16xf32>
    %and3A_2576 = arith.andi %ge3A_2548, %le3A_2563 : vector<16xi1>
    %get3A_2577 = arith.constant 576 : index
    %get3A_2578 = tpu.vector_load %arg9[%get3A_2577] {strides = array<i32>} : memref<960xf32, #tpu.memory_space<vmem>>, vector<16xf32>,
    %get3A_2579 = vector.shape_cast %get3A_2578 : vector<16xf32> to vector<16xf32>
    %select_n3A_2580 = arith.select %and3A_2576, %get3A_2579, %broadcast_in_dim3A_2565 : vector<16xi1>, vector<16xf32>
    %and3A_2581 = arith.andi %le3A_2554, %le3A_2563 : vector<16xi1>
    %get3A_2582 = arith.constant 816 : index
    %get3A_2583 = tpu.vector_load %arg9[%get3A_2582] {strides = array<i32>} : memref<960xf32, #tpu.memory_space<vmem>>, vector<16xf32>,
    %get3A_2584 = vector.shape_cast %get3A_2583 : vector<16xf32> to vector<16xf32>
    %select_n3A_2585 = arith.select %and3A_2581, %get3A_2584, %broadcast_in_dim3A_2565 : vector<16xi1>, vector<16xf32>
    %mul3A_2586 = arith.mulf %select_n3A_2570, %sub3A_2541 : vector<16xf32>
    %mul3A_2587 = arith.mulf %mul3A_2586, %sub3A_2545 : vector<16xf32>
    %mul3A_2588 = arith.mulf %select_n3A_2575, %sub3A_2538 : vector<16xf32>
    %mul3A_2589 = arith.mulf %mul3A_2588, %sub3A_2545 : vector<16xf32>
    %add3A_2590 = arith.addf %mul3A_2587, %mul3A_2589 : vector<16xf32>
    %mul3A_2591 = arith.mulf %select_n3A_2580, %sub3A_2541 : vector<16xf32>
    %mul3A_2592 = arith.mulf %mul3A_2591, %sub3A_2542 : vector<16xf32>
    %add3A_2593 = arith.addf %add3A_2590, %mul3A_2592 : vector<16xf32>
    %mul3A_2594 = arith.mulf %select_n3A_2585, %sub3A_2538 : vector<16xf32>
    %mul3A_2595 = arith.mulf %mul3A_2594, %sub3A_2542 : vector<16xf32>
    %add3A_2596 = arith.addf %add3A_2593, %mul3A_2595 : vector<16xf32>
    %swap3A_2597 = arith.constant 96 : index
    %swap3A_2598 = tpu.vector_load %arg10[%swap3A_2597] {strides = array<i32>} : memref<240xf32, #tpu.memory_space<vmem>>, vector<16xf32>,
    %swap3A_2599 = vector.shape_cast %swap3A_2598 : vector<16xf32> to vector<16xf32>
    %swap3A_2600 = vector.shape_cast %add3A_2596 : vector<16xf32> to vector<16xf32>
    tpu.vector_store %arg10[%swap3A_2597], %swap3A_2600 {strides = array<i32>} : memref<240xf32, #tpu.memory_space<vmem>>, vector<16xf32>,
    %get3A_2601 = arith.constant 112 : index
    %get3A_2602 = tpu.vector_load %arg6[%get3A_2601] {strides = array<i32>} : memref<240xf32, #tpu.memory_space<vmem>>, vector<16xf32>,
    %get3A_2603 = vector.shape_cast %get3A_2602 : vector<16xf32> to vector<16xf32>
    %get3A_2604 = arith.constant 112 : index
    %get3A_2605 = tpu.vector_load %arg7[%get3A_2604] {strides = array<i32>} : memref<240xf32, #tpu.memory_space<vmem>>, vector<16xf32>,
    %get3A_2606 = vector.shape_cast %get3A_2605 : vector<16xf32> to vector<16xf32>
    %mul3A_2607 = arith.constant 2.000000e+00 : f32
    %mul3A_2608 = vector.broadcast %mul3A_2607 : f32 to vector<16xf32>
    %mul3A_2609 = arith.mulf %get3A_2603, %mul3A_2608 : vector<16xf32>
    %sub3A_2610 = arith.constant 1.000000e+00 : f32
    %sub3A_2611 = vector.broadcast %sub3A_2610 : f32 to vector<16xf32>
    %sub3A_2612 = arith.subf %mul3A_2609, %sub3A_2611 : vector<16xf32>
    %add3A_2613 = arith.constant 1.000000e+00 : f32
    %add3A_2614 = vector.broadcast %add3A_2613 : f32 to vector<16xf32>
    %add3A_2615 = arith.addf %sub3A_2612, %add3A_2614 : vector<16xf32>
    %mul3A_2616 = arith.constant 2.560000e+02 : f32
    %mul3A_2617 = vector.broadcast %mul3A_2616 : f32 to vector<16xf32>
    %mul3A_2618 = arith.mulf %add3A_2615, %mul3A_2617 : vector<16xf32>
    %sub3A_2619 = arith.constant 1.000000e+00 : f32
    %sub3A_2620 = vector.broadcast %sub3A_2619 : f32 to vector<16xf32>
    %sub3A_2621 = arith.subf %mul3A_2618, %sub3A_2620 : vector<16xf32>
    %div3A_2622 = arith.constant 2.000000e+00 : f32
    %div3A_2623 = vector.broadcast %div3A_2622 : f32 to vector<16xf32>
    %div3A_2624 = arith.divf %sub3A_2621, %div3A_2623 : vector<16xf32>
    %mul3A_2625 = arith.constant 2.000000e+00 : f32
    %mul3A_2626 = vector.broadcast %mul3A_2625 : f32 to vector<16xf32>
    %mul3A_2627 = arith.mulf %get3A_2606, %mul3A_2626 : vector<16xf32>
    %sub3A_2628 = arith.constant 1.000000e+00 : f32
    %sub3A_2629 = vector.broadcast %sub3A_2628 : f32 to vector<16xf32>
    %sub3A_2630 = arith.subf %mul3A_2627, %sub3A_2629 : vector<16xf32>
    %add3A_2631 = arith.constant 1.000000e+00 : f32
    %add3A_2632 = vector.broadcast %add3A_2631 : f32 to vector<16xf32>
    %add3A_2633 = arith.addf %sub3A_2630, %add3A_2632 : vector<16xf32>
    %mul3A_2634 = arith.constant 2.560000e+02 : f32
    %mul3A_2635 = vector.broadcast %mul3A_2634 : f32 to vector<16xf32>
    %mul3A_2636 = arith.mulf %add3A_2633, %mul3A_2635 : vector<16xf32>
    %sub3A_2637 = arith.constant 1.000000e+00 : f32
    %sub3A_2638 = vector.broadcast %sub3A_2637 : f32 to vector<16xf32>
    %sub3A_2639 = arith.subf %mul3A_2636, %sub3A_2638 : vector<16xf32>
    %div3A_2640 = arith.constant 2.000000e+00 : f32
    %div3A_2641 = vector.broadcast %div3A_2640 : f32 to vector<16xf32>
    %div3A_2642 = arith.divf %sub3A_2639, %div3A_2641 : vector<16xf32>
    %convert_element_type3A_2643 = arith.fptosi %div3A_2624 : vector<16xf32> to vector<16xi32>
    %convert_element_type3A_2644 = arith.fptosi %div3A_2642 : vector<16xf32> to vector<16xi32>
    %convert_element_type3A_2645 = arith.sitofp %convert_element_type3A_2643 : vector<16xi32> to vector<16xf32>
    %lt3A_2646 = arith.cmpf olt, %div3A_2624, %convert_element_type3A_2645 : vector<16xf32>
    %sub3A_2647 = arith.constant 1 : i32
    %sub3A_2648 = vector.broadcast %sub3A_2647 : i32 to vector<16xi32>
    %sub3A_2649 = arith.subi %convert_element_type3A_2643, %sub3A_2648 : vector<16xi32>
    %select_n3A_2650 = arith.select %lt3A_2646, %sub3A_2649, %convert_element_type3A_2643 : vector<16xi1>, vector<16xi32>
    %convert_element_type3A_2651 = arith.sitofp %convert_element_type3A_2644 : vector<16xi32> to vector<16xf32>
    %lt3A_2652 = arith.cmpf olt, %div3A_2642, %convert_element_type3A_2651 : vector<16xf32>
    %sub3A_2653 = arith.constant 1 : i32
    %sub3A_2654 = vector.broadcast %sub3A_2653 : i32 to vector<16xi32>
    %sub3A_2655 = arith.subi %convert_element_type3A_2644, %sub3A_2654 : vector<16xi32>
    %select_n3A_2656 = arith.select %lt3A_2652, %sub3A_2655, %convert_element_type3A_2644 : vector<16xi1>, vector<16xi32>
    %convert_element_type3A_2657 = arith.sitofp %select_n3A_2650 : vector<16xi32> to vector<16xf32>
    %convert_element_type3A_2658 = arith.sitofp %select_n3A_2656 : vector<16xi32> to vector<16xf32>
    %sub3A_2659 = arith.subf %div3A_2624, %convert_element_type3A_2657 : vector<16xf32>
    %sub3A_2660 = arith.constant 1.000000e+00 : f32
    %sub3A_2661 = vector.broadcast %sub3A_2660 : f32 to vector<16xf32>
    %sub3A_2662 = arith.subf %sub3A_2661, %sub3A_2659 : vector<16xf32>
    %sub3A_2663 = arith.subf %div3A_2642, %convert_element_type3A_2658 : vector<16xf32>
    %sub3A_2664 = arith.constant 1.000000e+00 : f32
    %sub3A_2665 = vector.broadcast %sub3A_2664 : f32 to vector<16xf32>
    %sub3A_2666 = arith.subf %sub3A_2665, %sub3A_2663 : vector<16xf32>
    %ge3A_2667 = arith.constant 0 : i32
    %ge3A_2668 = vector.broadcast %ge3A_2667 : i32 to vector<16xi32>
    %ge3A_2669 = arith.cmpi sge, %select_n3A_2650, %ge3A_2668 : vector<16xi32>
    %add3A_2670 = arith.constant 1 : i32
    %add3A_2671 = vector.broadcast %add3A_2670 : i32 to vector<16xi32>
    %add3A_2672 = arith.addi %select_n3A_2650, %add3A_2671 : vector<16xi32>
    %le3A_2673 = arith.constant 255 : i32
    %le3A_2674 = vector.broadcast %le3A_2673 : i32 to vector<16xi32>
    %le3A_2675 = arith.cmpi sle, %add3A_2672, %le3A_2674 : vector<16xi32>
    %ge3A_2676 = arith.constant 0 : i32
    %ge3A_2677 = vector.broadcast %ge3A_2676 : i32 to vector<16xi32>
    %ge3A_2678 = arith.cmpi sge, %select_n3A_2656, %ge3A_2677 : vector<16xi32>
    %add3A_2679 = arith.constant 1 : i32
    %add3A_2680 = vector.broadcast %add3A_2679 : i32 to vector<16xi32>
    %add3A_2681 = arith.addi %select_n3A_2656, %add3A_2680 : vector<16xi32>
    %le3A_2682 = arith.constant 255 : i32
    %le3A_2683 = vector.broadcast %le3A_2682 : i32 to vector<16xi32>
    %le3A_2684 = arith.cmpi sle, %add3A_2681, %le3A_2683 : vector<16xi32>
    %broadcast_in_dim3A_2685 = arith.constant 0.000000e+00 : f32
    %broadcast_in_dim3A_2686 = vector.broadcast %broadcast_in_dim3A_2685 : f32 to vector<16xf32>
    %and3A_2687 = arith.andi %ge3A_2669, %ge3A_2678 : vector<16xi1>
    %get3A_2688 = arith.constant 112 : index
    %get3A_2689 = tpu.vector_load %arg9[%get3A_2688] {strides = array<i32>} : memref<960xf32, #tpu.memory_space<vmem>>, vector<16xf32>,
    %get3A_2690 = vector.shape_cast %get3A_2689 : vector<16xf32> to vector<16xf32>
    %select_n3A_2691 = arith.select %and3A_2687, %get3A_2690, %broadcast_in_dim3A_2686 : vector<16xi1>, vector<16xf32>
    %and3A_2692 = arith.andi %le3A_2675, %ge3A_2678 : vector<16xi1>
    %get3A_2693 = arith.constant 352 : index
    %get3A_2694 = tpu.vector_load %arg9[%get3A_2693] {strides = array<i32>} : memref<960xf32, #tpu.memory_space<vmem>>, vector<16xf32>,
    %get3A_2695 = vector.shape_cast %get3A_2694 : vector<16xf32> to vector<16xf32>
    %select_n3A_2696 = arith.select %and3A_2692, %get3A_2695, %broadcast_in_dim3A_2686 : vector<16xi1>, vector<16xf32>
    %and3A_2697 = arith.andi %ge3A_2669, %le3A_2684 : vector<16xi1>
    %get3A_2698 = arith.constant 592 : index
    %get3A_2699 = tpu.vector_load %arg9[%get3A_2698] {strides = array<i32>} : memref<960xf32, #tpu.memory_space<vmem>>, vector<16xf32>,
    %get3A_2700 = vector.shape_cast %get3A_2699 : vector<16xf32> to vector<16xf32>
    %select_n3A_2701 = arith.select %and3A_2697, %get3A_2700, %broadcast_in_dim3A_2686 : vector<16xi1>, vector<16xf32>
    %and3A_2702 = arith.andi %le3A_2675, %le3A_2684 : vector<16xi1>
    %get3A_2703 = arith.constant 832 : index
    %get3A_2704 = tpu.vector_load %arg9[%get3A_2703] {strides = array<i32>} : memref<960xf32, #tpu.memory_space<vmem>>, vector<16xf32>,
    %get3A_2705 = vector.shape_cast %get3A_2704 : vector<16xf32> to vector<16xf32>
    %select_n3A_2706 = arith.select %and3A_2702, %get3A_2705, %broadcast_in_dim3A_2686 : vector<16xi1>, vector<16xf32>
    %mul3A_2707 = arith.mulf %select_n3A_2691, %sub3A_2662 : vector<16xf32>
    %mul3A_2708 = arith.mulf %mul3A_2707, %sub3A_2666 : vector<16xf32>
    %mul3A_2709 = arith.mulf %select_n3A_2696, %sub3A_2659 : vector<16xf32>
    %mul3A_2710 = arith.mulf %mul3A_2709, %sub3A_2666 : vector<16xf32>
    %add3A_2711 = arith.addf %mul3A_2708, %mul3A_2710 : vector<16xf32>
    %mul3A_2712 = arith.mulf %select_n3A_2701, %sub3A_2662 : vector<16xf32>
    %mul3A_2713 = arith.mulf %mul3A_2712, %sub3A_2663 : vector<16xf32>
    %add3A_2714 = arith.addf %add3A_2711, %mul3A_2713 : vector<16xf32>
    %mul3A_2715 = arith.mulf %select_n3A_2706, %sub3A_2659 : vector<16xf32>
    %mul3A_2716 = arith.mulf %mul3A_2715, %sub3A_2663 : vector<16xf32>
    %add3A_2717 = arith.addf %add3A_2714, %mul3A_2716 : vector<16xf32>
    %swap3A_2718 = arith.constant 112 : index
    %swap3A_2719 = tpu.vector_load %arg10[%swap3A_2718] {strides = array<i32>} : memref<240xf32, #tpu.memory_space<vmem>>, vector<16xf32>,
    %swap3A_2720 = vector.shape_cast %swap3A_2719 : vector<16xf32> to vector<16xf32>
    %swap3A_2721 = vector.shape_cast %add3A_2717 : vector<16xf32> to vector<16xf32>
    tpu.vector_store %arg10[%swap3A_2718], %swap3A_2721 {strides = array<i32>} : memref<240xf32, #tpu.memory_space<vmem>>, vector<16xf32>,
    %get3A_2722 = arith.constant 128 : index
    %get3A_2723 = tpu.vector_load %arg6[%get3A_2722] {strides = array<i32>} : memref<240xf32, #tpu.memory_space<vmem>>, vector<16xf32>,
    %get3A_2724 = vector.shape_cast %get3A_2723 : vector<16xf32> to vector<16xf32>
    %get3A_2725 = arith.constant 128 : index
    %get3A_2726 = tpu.vector_load %arg7[%get3A_2725] {strides = array<i32>} : memref<240xf32, #tpu.memory_space<vmem>>, vector<16xf32>,
    %get3A_2727 = vector.shape_cast %get3A_2726 : vector<16xf32> to vector<16xf32>
    %mul3A_2728 = arith.constant 2.000000e+00 : f32
    %mul3A_2729 = vector.broadcast %mul3A_2728 : f32 to vector<16xf32>
    %mul3A_2730 = arith.mulf %get3A_2724, %mul3A_2729 : vector<16xf32>
    %sub3A_2731 = arith.constant 1.000000e+00 : f32
    %sub3A_2732 = vector.broadcast %sub3A_2731 : f32 to vector<16xf32>
    %sub3A_2733 = arith.subf %mul3A_2730, %sub3A_2732 : vector<16xf32>
    %add3A_2734 = arith.constant 1.000000e+00 : f32
    %add3A_2735 = vector.broadcast %add3A_2734 : f32 to vector<16xf32>
    %add3A_2736 = arith.addf %sub3A_2733, %add3A_2735 : vector<16xf32>
    %mul3A_2737 = arith.constant 2.560000e+02 : f32
    %mul3A_2738 = vector.broadcast %mul3A_2737 : f32 to vector<16xf32>
    %mul3A_2739 = arith.mulf %add3A_2736, %mul3A_2738 : vector<16xf32>
    %sub3A_2740 = arith.constant 1.000000e+00 : f32
    %sub3A_2741 = vector.broadcast %sub3A_2740 : f32 to vector<16xf32>
    %sub3A_2742 = arith.subf %mul3A_2739, %sub3A_2741 : vector<16xf32>
    %div3A_2743 = arith.constant 2.000000e+00 : f32
    %div3A_2744 = vector.broadcast %div3A_2743 : f32 to vector<16xf32>
    %div3A_2745 = arith.divf %sub3A_2742, %div3A_2744 : vector<16xf32>
    %mul3A_2746 = arith.constant 2.000000e+00 : f32
    %mul3A_2747 = vector.broadcast %mul3A_2746 : f32 to vector<16xf32>
    %mul3A_2748 = arith.mulf %get3A_2727, %mul3A_2747 : vector<16xf32>
    %sub3A_2749 = arith.constant 1.000000e+00 : f32
    %sub3A_2750 = vector.broadcast %sub3A_2749 : f32 to vector<16xf32>
    %sub3A_2751 = arith.subf %mul3A_2748, %sub3A_2750 : vector<16xf32>
    %add3A_2752 = arith.constant 1.000000e+00 : f32
    %add3A_2753 = vector.broadcast %add3A_2752 : f32 to vector<16xf32>
    %add3A_2754 = arith.addf %sub3A_2751, %add3A_2753 : vector<16xf32>
    %mul3A_2755 = arith.constant 2.560000e+02 : f32
    %mul3A_2756 = vector.broadcast %mul3A_2755 : f32 to vector<16xf32>
    %mul3A_2757 = arith.mulf %add3A_2754, %mul3A_2756 : vector<16xf32>
    %sub3A_2758 = arith.constant 1.000000e+00 : f32
    %sub3A_2759 = vector.broadcast %sub3A_2758 : f32 to vector<16xf32>
    %sub3A_2760 = arith.subf %mul3A_2757, %sub3A_2759 : vector<16xf32>
    %div3A_2761 = arith.constant 2.000000e+00 : f32
    %div3A_2762 = vector.broadcast %div3A_2761 : f32 to vector<16xf32>
    %div3A_2763 = arith.divf %sub3A_2760, %div3A_2762 : vector<16xf32>
    %convert_element_type3A_2764 = arith.fptosi %div3A_2745 : vector<16xf32> to vector<16xi32>
    %convert_element_type3A_2765 = arith.fptosi %div3A_2763 : vector<16xf32> to vector<16xi32>
    %convert_element_type3A_2766 = arith.sitofp %convert_element_type3A_2764 : vector<16xi32> to vector<16xf32>
    %lt3A_2767 = arith.cmpf olt, %div3A_2745, %convert_element_type3A_2766 : vector<16xf32>
    %sub3A_2768 = arith.constant 1 : i32
    %sub3A_2769 = vector.broadcast %sub3A_2768 : i32 to vector<16xi32>
    %sub3A_2770 = arith.subi %convert_element_type3A_2764, %sub3A_2769 : vector<16xi32>
    %select_n3A_2771 = arith.select %lt3A_2767, %sub3A_2770, %convert_element_type3A_2764 : vector<16xi1>, vector<16xi32>
    %convert_element_type3A_2772 = arith.sitofp %convert_element_type3A_2765 : vector<16xi32> to vector<16xf32>
    %lt3A_2773 = arith.cmpf olt, %div3A_2763, %convert_element_type3A_2772 : vector<16xf32>
    %sub3A_2774 = arith.constant 1 : i32
    %sub3A_2775 = vector.broadcast %sub3A_2774 : i32 to vector<16xi32>
    %sub3A_2776 = arith.subi %convert_element_type3A_2765, %sub3A_2775 : vector<16xi32>
    %select_n3A_2777 = arith.select %lt3A_2773, %sub3A_2776, %convert_element_type3A_2765 : vector<16xi1>, vector<16xi32>
    %convert_element_type3A_2778 = arith.sitofp %select_n3A_2771 : vector<16xi32> to vector<16xf32>
    %convert_element_type3A_2779 = arith.sitofp %select_n3A_2777 : vector<16xi32> to vector<16xf32>
    %sub3A_2780 = arith.subf %div3A_2745, %convert_element_type3A_2778 : vector<16xf32>
    %sub3A_2781 = arith.constant 1.000000e+00 : f32
    %sub3A_2782 = vector.broadcast %sub3A_2781 : f32 to vector<16xf32>
    %sub3A_2783 = arith.subf %sub3A_2782, %sub3A_2780 : vector<16xf32>
    %sub3A_2784 = arith.subf %div3A_2763, %convert_element_type3A_2779 : vector<16xf32>
    %sub3A_2785 = arith.constant 1.000000e+00 : f32
    %sub3A_2786 = vector.broadcast %sub3A_2785 : f32 to vector<16xf32>
    %sub3A_2787 = arith.subf %sub3A_2786, %sub3A_2784 : vector<16xf32>
    %ge3A_2788 = arith.constant 0 : i32
    %ge3A_2789 = vector.broadcast %ge3A_2788 : i32 to vector<16xi32>
    %ge3A_2790 = arith.cmpi sge, %select_n3A_2771, %ge3A_2789 : vector<16xi32>
    %add3A_2791 = arith.constant 1 : i32
    %add3A_2792 = vector.broadcast %add3A_2791 : i32 to vector<16xi32>
    %add3A_2793 = arith.addi %select_n3A_2771, %add3A_2792 : vector<16xi32>
    %le3A_2794 = arith.constant 255 : i32
    %le3A_2795 = vector.broadcast %le3A_2794 : i32 to vector<16xi32>
    %le3A_2796 = arith.cmpi sle, %add3A_2793, %le3A_2795 : vector<16xi32>
    %ge3A_2797 = arith.constant 0 : i32
    %ge3A_2798 = vector.broadcast %ge3A_2797 : i32 to vector<16xi32>
    %ge3A_2799 = arith.cmpi sge, %select_n3A_2777, %ge3A_2798 : vector<16xi32>
    %add3A_2800 = arith.constant 1 : i32
    %add3A_2801 = vector.broadcast %add3A_2800 : i32 to vector<16xi32>
    %add3A_2802 = arith.addi %select_n3A_2777, %add3A_2801 : vector<16xi32>
    %le3A_2803 = arith.constant 255 : i32
    %le3A_2804 = vector.broadcast %le3A_2803 : i32 to vector<16xi32>
    %le3A_2805 = arith.cmpi sle, %add3A_2802, %le3A_2804 : vector<16xi32>
    %broadcast_in_dim3A_2806 = arith.constant 0.000000e+00 : f32
    %broadcast_in_dim3A_2807 = vector.broadcast %broadcast_in_dim3A_2806 : f32 to vector<16xf32>
    %and3A_2808 = arith.andi %ge3A_2790, %ge3A_2799 : vector<16xi1>
    %get3A_2809 = arith.constant 128 : index
    %get3A_2810 = tpu.vector_load %arg9[%get3A_2809] {strides = array<i32>} : memref<960xf32, #tpu.memory_space<vmem>>, vector<16xf32>,
    %get3A_2811 = vector.shape_cast %get3A_2810 : vector<16xf32> to vector<16xf32>
    %select_n3A_2812 = arith.select %and3A_2808, %get3A_2811, %broadcast_in_dim3A_2807 : vector<16xi1>, vector<16xf32>
    %and3A_2813 = arith.andi %le3A_2796, %ge3A_2799 : vector<16xi1>
    %get3A_2814 = arith.constant 368 : index
    %get3A_2815 = tpu.vector_load %arg9[%get3A_2814] {strides = array<i32>} : memref<960xf32, #tpu.memory_space<vmem>>, vector<16xf32>,
    %get3A_2816 = vector.shape_cast %get3A_2815 : vector<16xf32> to vector<16xf32>
    %select_n3A_2817 = arith.select %and3A_2813, %get3A_2816, %broadcast_in_dim3A_2807 : vector<16xi1>, vector<16xf32>
    %and3A_2818 = arith.andi %ge3A_2790, %le3A_2805 : vector<16xi1>
    %get3A_2819 = arith.constant 608 : index
    %get3A_2820 = tpu.vector_load %arg9[%get3A_2819] {strides = array<i32>} : memref<960xf32, #tpu.memory_space<vmem>>, vector<16xf32>,
    %get3A_2821 = vector.shape_cast %get3A_2820 : vector<16xf32> to vector<16xf32>
    %select_n3A_2822 = arith.select %and3A_2818, %get3A_2821, %broadcast_in_dim3A_2807 : vector<16xi1>, vector<16xf32>
    %and3A_2823 = arith.andi %le3A_2796, %le3A_2805 : vector<16xi1>
    %get3A_2824 = arith.constant 848 : index
    %get3A_2825 = tpu.vector_load %arg9[%get3A_2824] {strides = array<i32>} : memref<960xf32, #tpu.memory_space<vmem>>, vector<16xf32>,
    %get3A_2826 = vector.shape_cast %get3A_2825 : vector<16xf32> to vector<16xf32>
    %select_n3A_2827 = arith.select %and3A_2823, %get3A_2826, %broadcast_in_dim3A_2807 : vector<16xi1>, vector<16xf32>
    %mul3A_2828 = arith.mulf %select_n3A_2812, %sub3A_2783 : vector<16xf32>
    %mul3A_2829 = arith.mulf %mul3A_2828, %sub3A_2787 : vector<16xf32>
    %mul3A_2830 = arith.mulf %select_n3A_2817, %sub3A_2780 : vector<16xf32>
    %mul3A_2831 = arith.mulf %mul3A_2830, %sub3A_2787 : vector<16xf32>
    %add3A_2832 = arith.addf %mul3A_2829, %mul3A_2831 : vector<16xf32>
    %mul3A_2833 = arith.mulf %select_n3A_2822, %sub3A_2783 : vector<16xf32>
    %mul3A_2834 = arith.mulf %mul3A_2833, %sub3A_2784 : vector<16xf32>
    %add3A_2835 = arith.addf %add3A_2832, %mul3A_2834 : vector<16xf32>
    %mul3A_2836 = arith.mulf %select_n3A_2827, %sub3A_2780 : vector<16xf32>
    %mul3A_2837 = arith.mulf %mul3A_2836, %sub3A_2784 : vector<16xf32>
    %add3A_2838 = arith.addf %add3A_2835, %mul3A_2837 : vector<16xf32>
    %swap3A_2839 = arith.constant 128 : index
    %swap3A_2840 = tpu.vector_load %arg10[%swap3A_2839] {strides = array<i32>} : memref<240xf32, #tpu.memory_space<vmem>>, vector<16xf32>,
    %swap3A_2841 = vector.shape_cast %swap3A_2840 : vector<16xf32> to vector<16xf32>
    %swap3A_2842 = vector.shape_cast %add3A_2838 : vector<16xf32> to vector<16xf32>
    tpu.vector_store %arg10[%swap3A_2839], %swap3A_2842 {strides = array<i32>} : memref<240xf32, #tpu.memory_space<vmem>>, vector<16xf32>,
    %get3A_2843 = arith.constant 144 : index
    %get3A_2844 = tpu.vector_load %arg6[%get3A_2843] {strides = array<i32>} : memref<240xf32, #tpu.memory_space<vmem>>, vector<16xf32>,
    %get3A_2845 = vector.shape_cast %get3A_2844 : vector<16xf32> to vector<16xf32>
    %get3A_2846 = arith.constant 144 : index
    %get3A_2847 = tpu.vector_load %arg7[%get3A_2846] {strides = array<i32>} : memref<240xf32, #tpu.memory_space<vmem>>, vector<16xf32>,
    %get3A_2848 = vector.shape_cast %get3A_2847 : vector<16xf32> to vector<16xf32>
    %mul3A_2849 = arith.constant 2.000000e+00 : f32
    %mul3A_2850 = vector.broadcast %mul3A_2849 : f32 to vector<16xf32>
    %mul3A_2851 = arith.mulf %get3A_2845, %mul3A_2850 : vector<16xf32>
    %sub3A_2852 = arith.constant 1.000000e+00 : f32
    %sub3A_2853 = vector.broadcast %sub3A_2852 : f32 to vector<16xf32>
    %sub3A_2854 = arith.subf %mul3A_2851, %sub3A_2853 : vector<16xf32>
    %add3A_2855 = arith.constant 1.000000e+00 : f32
    %add3A_2856 = vector.broadcast %add3A_2855 : f32 to vector<16xf32>
    %add3A_2857 = arith.addf %sub3A_2854, %add3A_2856 : vector<16xf32>
    %mul3A_2858 = arith.constant 2.560000e+02 : f32
    %mul3A_2859 = vector.broadcast %mul3A_2858 : f32 to vector<16xf32>
    %mul3A_2860 = arith.mulf %add3A_2857, %mul3A_2859 : vector<16xf32>
    %sub3A_2861 = arith.constant 1.000000e+00 : f32
    %sub3A_2862 = vector.broadcast %sub3A_2861 : f32 to vector<16xf32>
    %sub3A_2863 = arith.subf %mul3A_2860, %sub3A_2862 : vector<16xf32>
    %div3A_2864 = arith.constant 2.000000e+00 : f32
    %div3A_2865 = vector.broadcast %div3A_2864 : f32 to vector<16xf32>
    %div3A_2866 = arith.divf %sub3A_2863, %div3A_2865 : vector<16xf32>
    %mul3A_2867 = arith.constant 2.000000e+00 : f32
    %mul3A_2868 = vector.broadcast %mul3A_2867 : f32 to vector<16xf32>
    %mul3A_2869 = arith.mulf %get3A_2848, %mul3A_2868 : vector<16xf32>
    %sub3A_2870 = arith.constant 1.000000e+00 : f32
    %sub3A_2871 = vector.broadcast %sub3A_2870 : f32 to vector<16xf32>
    %sub3A_2872 = arith.subf %mul3A_2869, %sub3A_2871 : vector<16xf32>
    %add3A_2873 = arith.constant 1.000000e+00 : f32
    %add3A_2874 = vector.broadcast %add3A_2873 : f32 to vector<16xf32>
    %add3A_2875 = arith.addf %sub3A_2872, %add3A_2874 : vector<16xf32>
    %mul3A_2876 = arith.constant 2.560000e+02 : f32
    %mul3A_2877 = vector.broadcast %mul3A_2876 : f32 to vector<16xf32>
    %mul3A_2878 = arith.mulf %add3A_2875, %mul3A_2877 : vector<16xf32>
    %sub3A_2879 = arith.constant 1.000000e+00 : f32
    %sub3A_2880 = vector.broadcast %sub3A_2879 : f32 to vector<16xf32>
    %sub3A_2881 = arith.subf %mul3A_2878, %sub3A_2880 : vector<16xf32>
    %div3A_2882 = arith.constant 2.000000e+00 : f32
    %div3A_2883 = vector.broadcast %div3A_2882 : f32 to vector<16xf32>
    %div3A_2884 = arith.divf %sub3A_2881, %div3A_2883 : vector<16xf32>
    %convert_element_type3A_2885 = arith.fptosi %div3A_2866 : vector<16xf32> to vector<16xi32>
    %convert_element_type3A_2886 = arith.fptosi %div3A_2884 : vector<16xf32> to vector<16xi32>
    %convert_element_type3A_2887 = arith.sitofp %convert_element_type3A_2885 : vector<16xi32> to vector<16xf32>
    %lt3A_2888 = arith.cmpf olt, %div3A_2866, %convert_element_type3A_2887 : vector<16xf32>
    %sub3A_2889 = arith.constant 1 : i32
    %sub3A_2890 = vector.broadcast %sub3A_2889 : i32 to vector<16xi32>
    %sub3A_2891 = arith.subi %convert_element_type3A_2885, %sub3A_2890 : vector<16xi32>
    %select_n3A_2892 = arith.select %lt3A_2888, %sub3A_2891, %convert_element_type3A_2885 : vector<16xi1>, vector<16xi32>
    %convert_element_type3A_2893 = arith.sitofp %convert_element_type3A_2886 : vector<16xi32> to vector<16xf32>
    %lt3A_2894 = arith.cmpf olt, %div3A_2884, %convert_element_type3A_2893 : vector<16xf32>
    %sub3A_2895 = arith.constant 1 : i32
    %sub3A_2896 = vector.broadcast %sub3A_2895 : i32 to vector<16xi32>
    %sub3A_2897 = arith.subi %convert_element_type3A_2886, %sub3A_2896 : vector<16xi32>
    %select_n3A_2898 = arith.select %lt3A_2894, %sub3A_2897, %convert_element_type3A_2886 : vector<16xi1>, vector<16xi32>
    %convert_element_type3A_2899 = arith.sitofp %select_n3A_2892 : vector<16xi32> to vector<16xf32>
    %convert_element_type3A_2900 = arith.sitofp %select_n3A_2898 : vector<16xi32> to vector<16xf32>
    %sub3A_2901 = arith.subf %div3A_2866, %convert_element_type3A_2899 : vector<16xf32>
    %sub3A_2902 = arith.constant 1.000000e+00 : f32
    %sub3A_2903 = vector.broadcast %sub3A_2902 : f32 to vector<16xf32>
    %sub3A_2904 = arith.subf %sub3A_2903, %sub3A_2901 : vector<16xf32>
    %sub3A_2905 = arith.subf %div3A_2884, %convert_element_type3A_2900 : vector<16xf32>
    %sub3A_2906 = arith.constant 1.000000e+00 : f32
    %sub3A_2907 = vector.broadcast %sub3A_2906 : f32 to vector<16xf32>
    %sub3A_2908 = arith.subf %sub3A_2907, %sub3A_2905 : vector<16xf32>
    %ge3A_2909 = arith.constant 0 : i32
    %ge3A_2910 = vector.broadcast %ge3A_2909 : i32 to vector<16xi32>
    %ge3A_2911 = arith.cmpi sge, %select_n3A_2892, %ge3A_2910 : vector<16xi32>
    %add3A_2912 = arith.constant 1 : i32
    %add3A_2913 = vector.broadcast %add3A_2912 : i32 to vector<16xi32>
    %add3A_2914 = arith.addi %select_n3A_2892, %add3A_2913 : vector<16xi32>
    %le3A_2915 = arith.constant 255 : i32
    %le3A_2916 = vector.broadcast %le3A_2915 : i32 to vector<16xi32>
    %le3A_2917 = arith.cmpi sle, %add3A_2914, %le3A_2916 : vector<16xi32>
    %ge3A_2918 = arith.constant 0 : i32
    %ge3A_2919 = vector.broadcast %ge3A_2918 : i32 to vector<16xi32>
    %ge3A_2920 = arith.cmpi sge, %select_n3A_2898, %ge3A_2919 : vector<16xi32>
    %add3A_2921 = arith.constant 1 : i32
    %add3A_2922 = vector.broadcast %add3A_2921 : i32 to vector<16xi32>
    %add3A_2923 = arith.addi %select_n3A_2898, %add3A_2922 : vector<16xi32>
    %le3A_2924 = arith.constant 255 : i32
    %le3A_2925 = vector.broadcast %le3A_2924 : i32 to vector<16xi32>
    %le3A_2926 = arith.cmpi sle, %add3A_2923, %le3A_2925 : vector<16xi32>
    %broadcast_in_dim3A_2927 = arith.constant 0.000000e+00 : f32
    %broadcast_in_dim3A_2928 = vector.broadcast %broadcast_in_dim3A_2927 : f32 to vector<16xf32>
    %and3A_2929 = arith.andi %ge3A_2911, %ge3A_2920 : vector<16xi1>
    %get3A_2930 = arith.constant 144 : index
    %get3A_2931 = tpu.vector_load %arg9[%get3A_2930] {strides = array<i32>} : memref<960xf32, #tpu.memory_space<vmem>>, vector<16xf32>,
    %get3A_2932 = vector.shape_cast %get3A_2931 : vector<16xf32> to vector<16xf32>
    %select_n3A_2933 = arith.select %and3A_2929, %get3A_2932, %broadcast_in_dim3A_2928 : vector<16xi1>, vector<16xf32>
    %and3A_2934 = arith.andi %le3A_2917, %ge3A_2920 : vector<16xi1>
    %get3A_2935 = arith.constant 384 : index
    %get3A_2936 = tpu.vector_load %arg9[%get3A_2935] {strides = array<i32>} : memref<960xf32, #tpu.memory_space<vmem>>, vector<16xf32>,
    %get3A_2937 = vector.shape_cast %get3A_2936 : vector<16xf32> to vector<16xf32>
    %select_n3A_2938 = arith.select %and3A_2934, %get3A_2937, %broadcast_in_dim3A_2928 : vector<16xi1>, vector<16xf32>
    %and3A_2939 = arith.andi %ge3A_2911, %le3A_2926 : vector<16xi1>
    %get3A_2940 = arith.constant 624 : index
    %get3A_2941 = tpu.vector_load %arg9[%get3A_2940] {strides = array<i32>} : memref<960xf32, #tpu.memory_space<vmem>>, vector<16xf32>,
    %get3A_2942 = vector.shape_cast %get3A_2941 : vector<16xf32> to vector<16xf32>
    %select_n3A_2943 = arith.select %and3A_2939, %get3A_2942, %broadcast_in_dim3A_2928 : vector<16xi1>, vector<16xf32>
    %and3A_2944 = arith.andi %le3A_2917, %le3A_2926 : vector<16xi1>
    %get3A_2945 = arith.constant 864 : index
    %get3A_2946 = tpu.vector_load %arg9[%get3A_2945] {strides = array<i32>} : memref<960xf32, #tpu.memory_space<vmem>>, vector<16xf32>,
    %get3A_2947 = vector.shape_cast %get3A_2946 : vector<16xf32> to vector<16xf32>
    %select_n3A_2948 = arith.select %and3A_2944, %get3A_2947, %broadcast_in_dim3A_2928 : vector<16xi1>, vector<16xf32>
    %mul3A_2949 = arith.mulf %select_n3A_2933, %sub3A_2904 : vector<16xf32>
    %mul3A_2950 = arith.mulf %mul3A_2949, %sub3A_2908 : vector<16xf32>
    %mul3A_2951 = arith.mulf %select_n3A_2938, %sub3A_2901 : vector<16xf32>
    %mul3A_2952 = arith.mulf %mul3A_2951, %sub3A_2908 : vector<16xf32>
    %add3A_2953 = arith.addf %mul3A_2950, %mul3A_2952 : vector<16xf32>
    %mul3A_2954 = arith.mulf %select_n3A_2943, %sub3A_2904 : vector<16xf32>
    %mul3A_2955 = arith.mulf %mul3A_2954, %sub3A_2905 : vector<16xf32>
    %add3A_2956 = arith.addf %add3A_2953, %mul3A_2955 : vector<16xf32>
    %mul3A_2957 = arith.mulf %select_n3A_2948, %sub3A_2901 : vector<16xf32>
    %mul3A_2958 = arith.mulf %mul3A_2957, %sub3A_2905 : vector<16xf32>
    %add3A_2959 = arith.addf %add3A_2956, %mul3A_2958 : vector<16xf32>
    %swap3A_2960 = arith.constant 144 : index
    %swap3A_2961 = tpu.vector_load %arg10[%swap3A_2960] {strides = array<i32>} : memref<240xf32, #tpu.memory_space<vmem>>, vector<16xf32>,
    %swap3A_2962 = vector.shape_cast %swap3A_2961 : vector<16xf32> to vector<16xf32>
    %swap3A_2963 = vector.shape_cast %add3A_2959 : vector<16xf32> to vector<16xf32>
    tpu.vector_store %arg10[%swap3A_2960], %swap3A_2963 {strides = array<i32>} : memref<240xf32, #tpu.memory_space<vmem>>, vector<16xf32>,
    %get3A_2964 = arith.constant 160 : index
    %get3A_2965 = tpu.vector_load %arg6[%get3A_2964] {strides = array<i32>} : memref<240xf32, #tpu.memory_space<vmem>>, vector<16xf32>,
    %get3A_2966 = vector.shape_cast %get3A_2965 : vector<16xf32> to vector<16xf32>
    %get3A_2967 = arith.constant 160 : index
    %get3A_2968 = tpu.vector_load %arg7[%get3A_2967] {strides = array<i32>} : memref<240xf32, #tpu.memory_space<vmem>>, vector<16xf32>,
    %get3A_2969 = vector.shape_cast %get3A_2968 : vector<16xf32> to vector<16xf32>
    %mul3A_2970 = arith.constant 2.000000e+00 : f32
    %mul3A_2971 = vector.broadcast %mul3A_2970 : f32 to vector<16xf32>
    %mul3A_2972 = arith.mulf %get3A_2966, %mul3A_2971 : vector<16xf32>
    %sub3A_2973 = arith.constant 1.000000e+00 : f32
    %sub3A_2974 = vector.broadcast %sub3A_2973 : f32 to vector<16xf32>
    %sub3A_2975 = arith.subf %mul3A_2972, %sub3A_2974 : vector<16xf32>
    %add3A_2976 = arith.constant 1.000000e+00 : f32
    %add3A_2977 = vector.broadcast %add3A_2976 : f32 to vector<16xf32>
    %add3A_2978 = arith.addf %sub3A_2975, %add3A_2977 : vector<16xf32>
    %mul3A_2979 = arith.constant 2.560000e+02 : f32
    %mul3A_2980 = vector.broadcast %mul3A_2979 : f32 to vector<16xf32>
    %mul3A_2981 = arith.mulf %add3A_2978, %mul3A_2980 : vector<16xf32>
    %sub3A_2982 = arith.constant 1.000000e+00 : f32
    %sub3A_2983 = vector.broadcast %sub3A_2982 : f32 to vector<16xf32>
    %sub3A_2984 = arith.subf %mul3A_2981, %sub3A_2983 : vector<16xf32>
    %div3A_2985 = arith.constant 2.000000e+00 : f32
    %div3A_2986 = vector.broadcast %div3A_2985 : f32 to vector<16xf32>
    %div3A_2987 = arith.divf %sub3A_2984, %div3A_2986 : vector<16xf32>
    %mul3A_2988 = arith.constant 2.000000e+00 : f32
    %mul3A_2989 = vector.broadcast %mul3A_2988 : f32 to vector<16xf32>
    %mul3A_2990 = arith.mulf %get3A_2969, %mul3A_2989 : vector<16xf32>
    %sub3A_2991 = arith.constant 1.000000e+00 : f32
    %sub3A_2992 = vector.broadcast %sub3A_2991 : f32 to vector<16xf32>
    %sub3A_2993 = arith.subf %mul3A_2990, %sub3A_2992 : vector<16xf32>
    %add3A_2994 = arith.constant 1.000000e+00 : f32
    %add3A_2995 = vector.broadcast %add3A_2994 : f32 to vector<16xf32>
    %add3A_2996 = arith.addf %sub3A_2993, %add3A_2995 : vector<16xf32>
    %mul3A_2997 = arith.constant 2.560000e+02 : f32
    %mul3A_2998 = vector.broadcast %mul3A_2997 : f32 to vector<16xf32>
    %mul3A_2999 = arith.mulf %add3A_2996, %mul3A_2998 : vector<16xf32>
    %sub3A_3000 = arith.constant 1.000000e+00 : f32
    %sub3A_3001 = vector.broadcast %sub3A_3000 : f32 to vector<16xf32>
    %sub3A_3002 = arith.subf %mul3A_2999, %sub3A_3001 : vector<16xf32>
    %div3A_3003 = arith.constant 2.000000e+00 : f32
    %div3A_3004 = vector.broadcast %div3A_3003 : f32 to vector<16xf32>
    %div3A_3005 = arith.divf %sub3A_3002, %div3A_3004 : vector<16xf32>
    %convert_element_type3A_3006 = arith.fptosi %div3A_2987 : vector<16xf32> to vector<16xi32>
    %convert_element_type3A_3007 = arith.fptosi %div3A_3005 : vector<16xf32> to vector<16xi32>
    %convert_element_type3A_3008 = arith.sitofp %convert_element_type3A_3006 : vector<16xi32> to vector<16xf32>
    %lt3A_3009 = arith.cmpf olt, %div3A_2987, %convert_element_type3A_3008 : vector<16xf32>
    %sub3A_3010 = arith.constant 1 : i32
    %sub3A_3011 = vector.broadcast %sub3A_3010 : i32 to vector<16xi32>
    %sub3A_3012 = arith.subi %convert_element_type3A_3006, %sub3A_3011 : vector<16xi32>
    %select_n3A_3013 = arith.select %lt3A_3009, %sub3A_3012, %convert_element_type3A_3006 : vector<16xi1>, vector<16xi32>
    %convert_element_type3A_3014 = arith.sitofp %convert_element_type3A_3007 : vector<16xi32> to vector<16xf32>
    %lt3A_3015 = arith.cmpf olt, %div3A_3005, %convert_element_type3A_3014 : vector<16xf32>
    %sub3A_3016 = arith.constant 1 : i32
    %sub3A_3017 = vector.broadcast %sub3A_3016 : i32 to vector<16xi32>
    %sub3A_3018 = arith.subi %convert_element_type3A_3007, %sub3A_3017 : vector<16xi32>
    %select_n3A_3019 = arith.select %lt3A_3015, %sub3A_3018, %convert_element_type3A_3007 : vector<16xi1>, vector<16xi32>
    %convert_element_type3A_3020 = arith.sitofp %select_n3A_3013 : vector<16xi32> to vector<16xf32>
    %convert_element_type3A_3021 = arith.sitofp %select_n3A_3019 : vector<16xi32> to vector<16xf32>
    %sub3A_3022 = arith.subf %div3A_2987, %convert_element_type3A_3020 : vector<16xf32>
    %sub3A_3023 = arith.constant 1.000000e+00 : f32
    %sub3A_3024 = vector.broadcast %sub3A_3023 : f32 to vector<16xf32>
    %sub3A_3025 = arith.subf %sub3A_3024, %sub3A_3022 : vector<16xf32>
    %sub3A_3026 = arith.subf %div3A_3005, %convert_element_type3A_3021 : vector<16xf32>
    %sub3A_3027 = arith.constant 1.000000e+00 : f32
    %sub3A_3028 = vector.broadcast %sub3A_3027 : f32 to vector<16xf32>
    %sub3A_3029 = arith.subf %sub3A_3028, %sub3A_3026 : vector<16xf32>
    %ge3A_3030 = arith.constant 0 : i32
    %ge3A_3031 = vector.broadcast %ge3A_3030 : i32 to vector<16xi32>
    %ge3A_3032 = arith.cmpi sge, %select_n3A_3013, %ge3A_3031 : vector<16xi32>
    %add3A_3033 = arith.constant 1 : i32
    %add3A_3034 = vector.broadcast %add3A_3033 : i32 to vector<16xi32>
    %add3A_3035 = arith.addi %select_n3A_3013, %add3A_3034 : vector<16xi32>
    %le3A_3036 = arith.constant 255 : i32
    %le3A_3037 = vector.broadcast %le3A_3036 : i32 to vector<16xi32>
    %le3A_3038 = arith.cmpi sle, %add3A_3035, %le3A_3037 : vector<16xi32>
    %ge3A_3039 = arith.constant 0 : i32
    %ge3A_3040 = vector.broadcast %ge3A_3039 : i32 to vector<16xi32>
    %ge3A_3041 = arith.cmpi sge, %select_n3A_3019, %ge3A_3040 : vector<16xi32>
    %add3A_3042 = arith.constant 1 : i32
    %add3A_3043 = vector.broadcast %add3A_3042 : i32 to vector<16xi32>
    %add3A_3044 = arith.addi %select_n3A_3019, %add3A_3043 : vector<16xi32>
    %le3A_3045 = arith.constant 255 : i32
    %le3A_3046 = vector.broadcast %le3A_3045 : i32 to vector<16xi32>
    %le3A_3047 = arith.cmpi sle, %add3A_3044, %le3A_3046 : vector<16xi32>
    %broadcast_in_dim3A_3048 = arith.constant 0.000000e+00 : f32
    %broadcast_in_dim3A_3049 = vector.broadcast %broadcast_in_dim3A_3048 : f32 to vector<16xf32>
    %and3A_3050 = arith.andi %ge3A_3032, %ge3A_3041 : vector<16xi1>
    %get3A_3051 = arith.constant 160 : index
    %get3A_3052 = tpu.vector_load %arg9[%get3A_3051] {strides = array<i32>} : memref<960xf32, #tpu.memory_space<vmem>>, vector<16xf32>,
    %get3A_3053 = vector.shape_cast %get3A_3052 : vector<16xf32> to vector<16xf32>
    %select_n3A_3054 = arith.select %and3A_3050, %get3A_3053, %broadcast_in_dim3A_3049 : vector<16xi1>, vector<16xf32>
    %and3A_3055 = arith.andi %le3A_3038, %ge3A_3041 : vector<16xi1>
    %get3A_3056 = arith.constant 400 : index
    %get3A_3057 = tpu.vector_load %arg9[%get3A_3056] {strides = array<i32>} : memref<960xf32, #tpu.memory_space<vmem>>, vector<16xf32>,
    %get3A_3058 = vector.shape_cast %get3A_3057 : vector<16xf32> to vector<16xf32>
    %select_n3A_3059 = arith.select %and3A_3055, %get3A_3058, %broadcast_in_dim3A_3049 : vector<16xi1>, vector<16xf32>
    %and3A_3060 = arith.andi %ge3A_3032, %le3A_3047 : vector<16xi1>
    %get3A_3061 = arith.constant 640 : index
    %get3A_3062 = tpu.vector_load %arg9[%get3A_3061] {strides = array<i32>} : memref<960xf32, #tpu.memory_space<vmem>>, vector<16xf32>,
    %get3A_3063 = vector.shape_cast %get3A_3062 : vector<16xf32> to vector<16xf32>
    %select_n3A_3064 = arith.select %and3A_3060, %get3A_3063, %broadcast_in_dim3A_3049 : vector<16xi1>, vector<16xf32>
    %and3A_3065 = arith.andi %le3A_3038, %le3A_3047 : vector<16xi1>
    %get3A_3066 = arith.constant 880 : index
    %get3A_3067 = tpu.vector_load %arg9[%get3A_3066] {strides = array<i32>} : memref<960xf32, #tpu.memory_space<vmem>>, vector<16xf32>,
    %get3A_3068 = vector.shape_cast %get3A_3067 : vector<16xf32> to vector<16xf32>
    %select_n3A_3069 = arith.select %and3A_3065, %get3A_3068, %broadcast_in_dim3A_3049 : vector<16xi1>, vector<16xf32>
    %mul3A_3070 = arith.mulf %select_n3A_3054, %sub3A_3025 : vector<16xf32>
    %mul3A_3071 = arith.mulf %mul3A_3070, %sub3A_3029 : vector<16xf32>
    %mul3A_3072 = arith.mulf %select_n3A_3059, %sub3A_3022 : vector<16xf32>
    %mul3A_3073 = arith.mulf %mul3A_3072, %sub3A_3029 : vector<16xf32>
    %add3A_3074 = arith.addf %mul3A_3071, %mul3A_3073 : vector<16xf32>
    %mul3A_3075 = arith.mulf %select_n3A_3064, %sub3A_3025 : vector<16xf32>
    %mul3A_3076 = arith.mulf %mul3A_3075, %sub3A_3026 : vector<16xf32>
    %add3A_3077 = arith.addf %add3A_3074, %mul3A_3076 : vector<16xf32>
    %mul3A_3078 = arith.mulf %select_n3A_3069, %sub3A_3022 : vector<16xf32>
    %mul3A_3079 = arith.mulf %mul3A_3078, %sub3A_3026 : vector<16xf32>
    %add3A_3080 = arith.addf %add3A_3077, %mul3A_3079 : vector<16xf32>
    %swap3A_3081 = arith.constant 160 : index
    %swap3A_3082 = tpu.vector_load %arg10[%swap3A_3081] {strides = array<i32>} : memref<240xf32, #tpu.memory_space<vmem>>, vector<16xf32>,
    %swap3A_3083 = vector.shape_cast %swap3A_3082 : vector<16xf32> to vector<16xf32>
    %swap3A_3084 = vector.shape_cast %add3A_3080 : vector<16xf32> to vector<16xf32>
    tpu.vector_store %arg10[%swap3A_3081], %swap3A_3084 {strides = array<i32>} : memref<240xf32, #tpu.memory_space<vmem>>, vector<16xf32>,
    %get3A_3085 = arith.constant 176 : index
    %get3A_3086 = tpu.vector_load %arg6[%get3A_3085] {strides = array<i32>} : memref<240xf32, #tpu.memory_space<vmem>>, vector<16xf32>,
    %get3A_3087 = vector.shape_cast %get3A_3086 : vector<16xf32> to vector<16xf32>
    %get3A_3088 = arith.constant 176 : index
    %get3A_3089 = tpu.vector_load %arg7[%get3A_3088] {strides = array<i32>} : memref<240xf32, #tpu.memory_space<vmem>>, vector<16xf32>,
    %get3A_3090 = vector.shape_cast %get3A_3089 : vector<16xf32> to vector<16xf32>
    %mul3A_3091 = arith.constant 2.000000e+00 : f32
    %mul3A_3092 = vector.broadcast %mul3A_3091 : f32 to vector<16xf32>
    %mul3A_3093 = arith.mulf %get3A_3087, %mul3A_3092 : vector<16xf32>
    %sub3A_3094 = arith.constant 1.000000e+00 : f32
    %sub3A_3095 = vector.broadcast %sub3A_3094 : f32 to vector<16xf32>
    %sub3A_3096 = arith.subf %mul3A_3093, %sub3A_3095 : vector<16xf32>
    %add3A_3097 = arith.constant 1.000000e+00 : f32
    %add3A_3098 = vector.broadcast %add3A_3097 : f32 to vector<16xf32>
    %add3A_3099 = arith.addf %sub3A_3096, %add3A_3098 : vector<16xf32>
    %mul3A_3100 = arith.constant 2.560000e+02 : f32
    %mul3A_3101 = vector.broadcast %mul3A_3100 : f32 to vector<16xf32>
    %mul3A_3102 = arith.mulf %add3A_3099, %mul3A_3101 : vector<16xf32>
    %sub3A_3103 = arith.constant 1.000000e+00 : f32
    %sub3A_3104 = vector.broadcast %sub3A_3103 : f32 to vector<16xf32>
    %sub3A_3105 = arith.subf %mul3A_3102, %sub3A_3104 : vector<16xf32>
    %div3A_3106 = arith.constant 2.000000e+00 : f32
    %div3A_3107 = vector.broadcast %div3A_3106 : f32 to vector<16xf32>
    %div3A_3108 = arith.divf %sub3A_3105, %div3A_3107 : vector<16xf32>
    %mul3A_3109 = arith.constant 2.000000e+00 : f32
    %mul3A_3110 = vector.broadcast %mul3A_3109 : f32 to vector<16xf32>
    %mul3A_3111 = arith.mulf %get3A_3090, %mul3A_3110 : vector<16xf32>
    %sub3A_3112 = arith.constant 1.000000e+00 : f32
    %sub3A_3113 = vector.broadcast %sub3A_3112 : f32 to vector<16xf32>
    %sub3A_3114 = arith.subf %mul3A_3111, %sub3A_3113 : vector<16xf32>
    %add3A_3115 = arith.constant 1.000000e+00 : f32
    %add3A_3116 = vector.broadcast %add3A_3115 : f32 to vector<16xf32>
    %add3A_3117 = arith.addf %sub3A_3114, %add3A_3116 : vector<16xf32>
    %mul3A_3118 = arith.constant 2.560000e+02 : f32
    %mul3A_3119 = vector.broadcast %mul3A_3118 : f32 to vector<16xf32>
    %mul3A_3120 = arith.mulf %add3A_3117, %mul3A_3119 : vector<16xf32>
    %sub3A_3121 = arith.constant 1.000000e+00 : f32
    %sub3A_3122 = vector.broadcast %sub3A_3121 : f32 to vector<16xf32>
    %sub3A_3123 = arith.subf %mul3A_3120, %sub3A_3122 : vector<16xf32>
    %div3A_3124 = arith.constant 2.000000e+00 : f32
    %div3A_3125 = vector.broadcast %div3A_3124 : f32 to vector<16xf32>
    %div3A_3126 = arith.divf %sub3A_3123, %div3A_3125 : vector<16xf32>
    %convert_element_type3A_3127 = arith.fptosi %div3A_3108 : vector<16xf32> to vector<16xi32>
    %convert_element_type3A_3128 = arith.fptosi %div3A_3126 : vector<16xf32> to vector<16xi32>
    %convert_element_type3A_3129 = arith.sitofp %convert_element_type3A_3127 : vector<16xi32> to vector<16xf32>
    %lt3A_3130 = arith.cmpf olt, %div3A_3108, %convert_element_type3A_3129 : vector<16xf32>
    %sub3A_3131 = arith.constant 1 : i32
    %sub3A_3132 = vector.broadcast %sub3A_3131 : i32 to vector<16xi32>
    %sub3A_3133 = arith.subi %convert_element_type3A_3127, %sub3A_3132 : vector<16xi32>
    %select_n3A_3134 = arith.select %lt3A_3130, %sub3A_3133, %convert_element_type3A_3127 : vector<16xi1>, vector<16xi32>
    %convert_element_type3A_3135 = arith.sitofp %convert_element_type3A_3128 : vector<16xi32> to vector<16xf32>
    %lt3A_3136 = arith.cmpf olt, %div3A_3126, %convert_element_type3A_3135 : vector<16xf32>
    %sub3A_3137 = arith.constant 1 : i32
    %sub3A_3138 = vector.broadcast %sub3A_3137 : i32 to vector<16xi32>
    %sub3A_3139 = arith.subi %convert_element_type3A_3128, %sub3A_3138 : vector<16xi32>
    %select_n3A_3140 = arith.select %lt3A_3136, %sub3A_3139, %convert_element_type3A_3128 : vector<16xi1>, vector<16xi32>
    %convert_element_type3A_3141 = arith.sitofp %select_n3A_3134 : vector<16xi32> to vector<16xf32>
    %convert_element_type3A_3142 = arith.sitofp %select_n3A_3140 : vector<16xi32> to vector<16xf32>
    %sub3A_3143 = arith.subf %div3A_3108, %convert_element_type3A_3141 : vector<16xf32>
    %sub3A_3144 = arith.constant 1.000000e+00 : f32
    %sub3A_3145 = vector.broadcast %sub3A_3144 : f32 to vector<16xf32>
    %sub3A_3146 = arith.subf %sub3A_3145, %sub3A_3143 : vector<16xf32>
    %sub3A_3147 = arith.subf %div3A_3126, %convert_element_type3A_3142 : vector<16xf32>
    %sub3A_3148 = arith.constant 1.000000e+00 : f32
    %sub3A_3149 = vector.broadcast %sub3A_3148 : f32 to vector<16xf32>
    %sub3A_3150 = arith.subf %sub3A_3149, %sub3A_3147 : vector<16xf32>
    %ge3A_3151 = arith.constant 0 : i32
    %ge3A_3152 = vector.broadcast %ge3A_3151 : i32 to vector<16xi32>
    %ge3A_3153 = arith.cmpi sge, %select_n3A_3134, %ge3A_3152 : vector<16xi32>
    %add3A_3154 = arith.constant 1 : i32
    %add3A_3155 = vector.broadcast %add3A_3154 : i32 to vector<16xi32>
    %add3A_3156 = arith.addi %select_n3A_3134, %add3A_3155 : vector<16xi32>
    %le3A_3157 = arith.constant 255 : i32
    %le3A_3158 = vector.broadcast %le3A_3157 : i32 to vector<16xi32>
    %le3A_3159 = arith.cmpi sle, %add3A_3156, %le3A_3158 : vector<16xi32>
    %ge3A_3160 = arith.constant 0 : i32
    %ge3A_3161 = vector.broadcast %ge3A_3160 : i32 to vector<16xi32>
    %ge3A_3162 = arith.cmpi sge, %select_n3A_3140, %ge3A_3161 : vector<16xi32>
    %add3A_3163 = arith.constant 1 : i32
    %add3A_3164 = vector.broadcast %add3A_3163 : i32 to vector<16xi32>
    %add3A_3165 = arith.addi %select_n3A_3140, %add3A_3164 : vector<16xi32>
    %le3A_3166 = arith.constant 255 : i32
    %le3A_3167 = vector.broadcast %le3A_3166 : i32 to vector<16xi32>
    %le3A_3168 = arith.cmpi sle, %add3A_3165, %le3A_3167 : vector<16xi32>
    %broadcast_in_dim3A_3169 = arith.constant 0.000000e+00 : f32
    %broadcast_in_dim3A_3170 = vector.broadcast %broadcast_in_dim3A_3169 : f32 to vector<16xf32>
    %and3A_3171 = arith.andi %ge3A_3153, %ge3A_3162 : vector<16xi1>
    %get3A_3172 = arith.constant 176 : index
    %get3A_3173 = tpu.vector_load %arg9[%get3A_3172] {strides = array<i32>} : memref<960xf32, #tpu.memory_space<vmem>>, vector<16xf32>,
    %get3A_3174 = vector.shape_cast %get3A_3173 : vector<16xf32> to vector<16xf32>
    %select_n3A_3175 = arith.select %and3A_3171, %get3A_3174, %broadcast_in_dim3A_3170 : vector<16xi1>, vector<16xf32>
    %and3A_3176 = arith.andi %le3A_3159, %ge3A_3162 : vector<16xi1>
    %get3A_3177 = arith.constant 416 : index
    %get3A_3178 = tpu.vector_load %arg9[%get3A_3177] {strides = array<i32>} : memref<960xf32, #tpu.memory_space<vmem>>, vector<16xf32>,
    %get3A_3179 = vector.shape_cast %get3A_3178 : vector<16xf32> to vector<16xf32>
    %select_n3A_3180 = arith.select %and3A_3176, %get3A_3179, %broadcast_in_dim3A_3170 : vector<16xi1>, vector<16xf32>
    %and3A_3181 = arith.andi %ge3A_3153, %le3A_3168 : vector<16xi1>
    %get3A_3182 = arith.constant 656 : index
    %get3A_3183 = tpu.vector_load %arg9[%get3A_3182] {strides = array<i32>} : memref<960xf32, #tpu.memory_space<vmem>>, vector<16xf32>,
    %get3A_3184 = vector.shape_cast %get3A_3183 : vector<16xf32> to vector<16xf32>
    %select_n3A_3185 = arith.select %and3A_3181, %get3A_3184, %broadcast_in_dim3A_3170 : vector<16xi1>, vector<16xf32>
    %and3A_3186 = arith.andi %le3A_3159, %le3A_3168 : vector<16xi1>
    %get3A_3187 = arith.constant 896 : index
    %get3A_3188 = tpu.vector_load %arg9[%get3A_3187] {strides = array<i32>} : memref<960xf32, #tpu.memory_space<vmem>>, vector<16xf32>,
    %get3A_3189 = vector.shape_cast %get3A_3188 : vector<16xf32> to vector<16xf32>
    %select_n3A_3190 = arith.select %and3A_3186, %get3A_3189, %broadcast_in_dim3A_3170 : vector<16xi1>, vector<16xf32>
    %mul3A_3191 = arith.mulf %select_n3A_3175, %sub3A_3146 : vector<16xf32>
    %mul3A_3192 = arith.mulf %mul3A_3191, %sub3A_3150 : vector<16xf32>
    %mul3A_3193 = arith.mulf %select_n3A_3180, %sub3A_3143 : vector<16xf32>
    %mul3A_3194 = arith.mulf %mul3A_3193, %sub3A_3150 : vector<16xf32>
    %add3A_3195 = arith.addf %mul3A_3192, %mul3A_3194 : vector<16xf32>
    %mul3A_3196 = arith.mulf %select_n3A_3185, %sub3A_3146 : vector<16xf32>
    %mul3A_3197 = arith.mulf %mul3A_3196, %sub3A_3147 : vector<16xf32>
    %add3A_3198 = arith.addf %add3A_3195, %mul3A_3197 : vector<16xf32>
    %mul3A_3199 = arith.mulf %select_n3A_3190, %sub3A_3143 : vector<16xf32>
    %mul3A_3200 = arith.mulf %mul3A_3199, %sub3A_3147 : vector<16xf32>
    %add3A_3201 = arith.addf %add3A_3198, %mul3A_3200 : vector<16xf32>
    %swap3A_3202 = arith.constant 176 : index
    %swap3A_3203 = tpu.vector_load %arg10[%swap3A_3202] {strides = array<i32>} : memref<240xf32, #tpu.memory_space<vmem>>, vector<16xf32>,
    %swap3A_3204 = vector.shape_cast %swap3A_3203 : vector<16xf32> to vector<16xf32>
    %swap3A_3205 = vector.shape_cast %add3A_3201 : vector<16xf32> to vector<16xf32>
    tpu.vector_store %arg10[%swap3A_3202], %swap3A_3205 {strides = array<i32>} : memref<240xf32, #tpu.memory_space<vmem>>, vector<16xf32>,
    %get3A_3206 = arith.constant 192 : index
    %get3A_3207 = tpu.vector_load %arg6[%get3A_3206] {strides = array<i32>} : memref<240xf32, #tpu.memory_space<vmem>>, vector<16xf32>,
    %get3A_3208 = vector.shape_cast %get3A_3207 : vector<16xf32> to vector<16xf32>
    %get3A_3209 = arith.constant 192 : index
    %get3A_3210 = tpu.vector_load %arg7[%get3A_3209] {strides = array<i32>} : memref<240xf32, #tpu.memory_space<vmem>>, vector<16xf32>,
    %get3A_3211 = vector.shape_cast %get3A_3210 : vector<16xf32> to vector<16xf32>
    %mul3A_3212 = arith.constant 2.000000e+00 : f32
    %mul3A_3213 = vector.broadcast %mul3A_3212 : f32 to vector<16xf32>
    %mul3A_3214 = arith.mulf %get3A_3208, %mul3A_3213 : vector<16xf32>
    %sub3A_3215 = arith.constant 1.000000e+00 : f32
    %sub3A_3216 = vector.broadcast %sub3A_3215 : f32 to vector<16xf32>
    %sub3A_3217 = arith.subf %mul3A_3214, %sub3A_3216 : vector<16xf32>
    %add3A_3218 = arith.constant 1.000000e+00 : f32
    %add3A_3219 = vector.broadcast %add3A_3218 : f32 to vector<16xf32>
    %add3A_3220 = arith.addf %sub3A_3217, %add3A_3219 : vector<16xf32>
    %mul3A_3221 = arith.constant 2.560000e+02 : f32
    %mul3A_3222 = vector.broadcast %mul3A_3221 : f32 to vector<16xf32>
    %mul3A_3223 = arith.mulf %add3A_3220, %mul3A_3222 : vector<16xf32>
    %sub3A_3224 = arith.constant 1.000000e+00 : f32
    %sub3A_3225 = vector.broadcast %sub3A_3224 : f32 to vector<16xf32>
    %sub3A_3226 = arith.subf %mul3A_3223, %sub3A_3225 : vector<16xf32>
    %div3A_3227 = arith.constant 2.000000e+00 : f32
    %div3A_3228 = vector.broadcast %div3A_3227 : f32 to vector<16xf32>
    %div3A_3229 = arith.divf %sub3A_3226, %div3A_3228 : vector<16xf32>
    %mul3A_3230 = arith.constant 2.000000e+00 : f32
    %mul3A_3231 = vector.broadcast %mul3A_3230 : f32 to vector<16xf32>
    %mul3A_3232 = arith.mulf %get3A_3211, %mul3A_3231 : vector<16xf32>
    %sub3A_3233 = arith.constant 1.000000e+00 : f32
    %sub3A_3234 = vector.broadcast %sub3A_3233 : f32 to vector<16xf32>
    %sub3A_3235 = arith.subf %mul3A_3232, %sub3A_3234 : vector<16xf32>
    %add3A_3236 = arith.constant 1.000000e+00 : f32
    %add3A_3237 = vector.broadcast %add3A_3236 : f32 to vector<16xf32>
    %add3A_3238 = arith.addf %sub3A_3235, %add3A_3237 : vector<16xf32>
    %mul3A_3239 = arith.constant 2.560000e+02 : f32
    %mul3A_3240 = vector.broadcast %mul3A_3239 : f32 to vector<16xf32>
    %mul3A_3241 = arith.mulf %add3A_3238, %mul3A_3240 : vector<16xf32>
    %sub3A_3242 = arith.constant 1.000000e+00 : f32
    %sub3A_3243 = vector.broadcast %sub3A_3242 : f32 to vector<16xf32>
    %sub3A_3244 = arith.subf %mul3A_3241, %sub3A_3243 : vector<16xf32>
    %div3A_3245 = arith.constant 2.000000e+00 : f32
    %div3A_3246 = vector.broadcast %div3A_3245 : f32 to vector<16xf32>
    %div3A_3247 = arith.divf %sub3A_3244, %div3A_3246 : vector<16xf32>
    %convert_element_type3A_3248 = arith.fptosi %div3A_3229 : vector<16xf32> to vector<16xi32>
    %convert_element_type3A_3249 = arith.fptosi %div3A_3247 : vector<16xf32> to vector<16xi32>
    %convert_element_type3A_3250 = arith.sitofp %convert_element_type3A_3248 : vector<16xi32> to vector<16xf32>
    %lt3A_3251 = arith.cmpf olt, %div3A_3229, %convert_element_type3A_3250 : vector<16xf32>
    %sub3A_3252 = arith.constant 1 : i32
    %sub3A_3253 = vector.broadcast %sub3A_3252 : i32 to vector<16xi32>
    %sub3A_3254 = arith.subi %convert_element_type3A_3248, %sub3A_3253 : vector<16xi32>
    %select_n3A_3255 = arith.select %lt3A_3251, %sub3A_3254, %convert_element_type3A_3248 : vector<16xi1>, vector<16xi32>
    %convert_element_type3A_3256 = arith.sitofp %convert_element_type3A_3249 : vector<16xi32> to vector<16xf32>
    %lt3A_3257 = arith.cmpf olt, %div3A_3247, %convert_element_type3A_3256 : vector<16xf32>
    %sub3A_3258 = arith.constant 1 : i32
    %sub3A_3259 = vector.broadcast %sub3A_3258 : i32 to vector<16xi32>
    %sub3A_3260 = arith.subi %convert_element_type3A_3249, %sub3A_3259 : vector<16xi32>
    %select_n3A_3261 = arith.select %lt3A_3257, %sub3A_3260, %convert_element_type3A_3249 : vector<16xi1>, vector<16xi32>
    %convert_element_type3A_3262 = arith.sitofp %select_n3A_3255 : vector<16xi32> to vector<16xf32>
    %convert_element_type3A_3263 = arith.sitofp %select_n3A_3261 : vector<16xi32> to vector<16xf32>
    %sub3A_3264 = arith.subf %div3A_3229, %convert_element_type3A_3262 : vector<16xf32>
    %sub3A_3265 = arith.constant 1.000000e+00 : f32
    %sub3A_3266 = vector.broadcast %sub3A_3265 : f32 to vector<16xf32>
    %sub3A_3267 = arith.subf %sub3A_3266, %sub3A_3264 : vector<16xf32>
    %sub3A_3268 = arith.subf %div3A_3247, %convert_element_type3A_3263 : vector<16xf32>
    %sub3A_3269 = arith.constant 1.000000e+00 : f32
    %sub3A_3270 = vector.broadcast %sub3A_3269 : f32 to vector<16xf32>
    %sub3A_3271 = arith.subf %sub3A_3270, %sub3A_3268 : vector<16xf32>
    %ge3A_3272 = arith.constant 0 : i32
    %ge3A_3273 = vector.broadcast %ge3A_3272 : i32 to vector<16xi32>
    %ge3A_3274 = arith.cmpi sge, %select_n3A_3255, %ge3A_3273 : vector<16xi32>
    %add3A_3275 = arith.constant 1 : i32
    %add3A_3276 = vector.broadcast %add3A_3275 : i32 to vector<16xi32>
    %add3A_3277 = arith.addi %select_n3A_3255, %add3A_3276 : vector<16xi32>
    %le3A_3278 = arith.constant 255 : i32
    %le3A_3279 = vector.broadcast %le3A_3278 : i32 to vector<16xi32>
    %le3A_3280 = arith.cmpi sle, %add3A_3277, %le3A_3279 : vector<16xi32>
    %ge3A_3281 = arith.constant 0 : i32
    %ge3A_3282 = vector.broadcast %ge3A_3281 : i32 to vector<16xi32>
    %ge3A_3283 = arith.cmpi sge, %select_n3A_3261, %ge3A_3282 : vector<16xi32>
    %add3A_3284 = arith.constant 1 : i32
    %add3A_3285 = vector.broadcast %add3A_3284 : i32 to vector<16xi32>
    %add3A_3286 = arith.addi %select_n3A_3261, %add3A_3285 : vector<16xi32>
    %le3A_3287 = arith.constant 255 : i32
    %le3A_3288 = vector.broadcast %le3A_3287 : i32 to vector<16xi32>
    %le3A_3289 = arith.cmpi sle, %add3A_3286, %le3A_3288 : vector<16xi32>
    %broadcast_in_dim3A_3290 = arith.constant 0.000000e+00 : f32
    %broadcast_in_dim3A_3291 = vector.broadcast %broadcast_in_dim3A_3290 : f32 to vector<16xf32>
    %and3A_3292 = arith.andi %ge3A_3274, %ge3A_3283 : vector<16xi1>
    %get3A_3293 = arith.constant 192 : index
    %get3A_3294 = tpu.vector_load %arg9[%get3A_3293] {strides = array<i32>} : memref<960xf32, #tpu.memory_space<vmem>>, vector<16xf32>,
    %get3A_3295 = vector.shape_cast %get3A_3294 : vector<16xf32> to vector<16xf32>
    %select_n3A_3296 = arith.select %and3A_3292, %get3A_3295, %broadcast_in_dim3A_3291 : vector<16xi1>, vector<16xf32>
    %and3A_3297 = arith.andi %le3A_3280, %ge3A_3283 : vector<16xi1>
    %get3A_3298 = arith.constant 432 : index
    %get3A_3299 = tpu.vector_load %arg9[%get3A_3298] {strides = array<i32>} : memref<960xf32, #tpu.memory_space<vmem>>, vector<16xf32>,
    %get3A_3300 = vector.shape_cast %get3A_3299 : vector<16xf32> to vector<16xf32>
    %select_n3A_3301 = arith.select %and3A_3297, %get3A_3300, %broadcast_in_dim3A_3291 : vector<16xi1>, vector<16xf32>
    %and3A_3302 = arith.andi %ge3A_3274, %le3A_3289 : vector<16xi1>
    %get3A_3303 = arith.constant 672 : index
    %get3A_3304 = tpu.vector_load %arg9[%get3A_3303] {strides = array<i32>} : memref<960xf32, #tpu.memory_space<vmem>>, vector<16xf32>,
    %get3A_3305 = vector.shape_cast %get3A_3304 : vector<16xf32> to vector<16xf32>
    %select_n3A_3306 = arith.select %and3A_3302, %get3A_3305, %broadcast_in_dim3A_3291 : vector<16xi1>, vector<16xf32>
    %and3A_3307 = arith.andi %le3A_3280, %le3A_3289 : vector<16xi1>
    %get3A_3308 = arith.constant 912 : index
    %get3A_3309 = tpu.vector_load %arg9[%get3A_3308] {strides = array<i32>} : memref<960xf32, #tpu.memory_space<vmem>>, vector<16xf32>,
    %get3A_3310 = vector.shape_cast %get3A_3309 : vector<16xf32> to vector<16xf32>
    %select_n3A_3311 = arith.select %and3A_3307, %get3A_3310, %broadcast_in_dim3A_3291 : vector<16xi1>, vector<16xf32>
    %mul3A_3312 = arith.mulf %select_n3A_3296, %sub3A_3267 : vector<16xf32>
    %mul3A_3313 = arith.mulf %mul3A_3312, %sub3A_3271 : vector<16xf32>
    %mul3A_3314 = arith.mulf %select_n3A_3301, %sub3A_3264 : vector<16xf32>
    %mul3A_3315 = arith.mulf %mul3A_3314, %sub3A_3271 : vector<16xf32>
    %add3A_3316 = arith.addf %mul3A_3313, %mul3A_3315 : vector<16xf32>
    %mul3A_3317 = arith.mulf %select_n3A_3306, %sub3A_3267 : vector<16xf32>
    %mul3A_3318 = arith.mulf %mul3A_3317, %sub3A_3268 : vector<16xf32>
    %add3A_3319 = arith.addf %add3A_3316, %mul3A_3318 : vector<16xf32>
    %mul3A_3320 = arith.mulf %select_n3A_3311, %sub3A_3264 : vector<16xf32>
    %mul3A_3321 = arith.mulf %mul3A_3320, %sub3A_3268 : vector<16xf32>
    %add3A_3322 = arith.addf %add3A_3319, %mul3A_3321 : vector<16xf32>
    %swap3A_3323 = arith.constant 192 : index
    %swap3A_3324 = tpu.vector_load %arg10[%swap3A_3323] {strides = array<i32>} : memref<240xf32, #tpu.memory_space<vmem>>, vector<16xf32>,
    %swap3A_3325 = vector.shape_cast %swap3A_3324 : vector<16xf32> to vector<16xf32>
    %swap3A_3326 = vector.shape_cast %add3A_3322 : vector<16xf32> to vector<16xf32>
    tpu.vector_store %arg10[%swap3A_3323], %swap3A_3326 {strides = array<i32>} : memref<240xf32, #tpu.memory_space<vmem>>, vector<16xf32>,
    %get3A_3327 = arith.constant 208 : index
    %get3A_3328 = tpu.vector_load %arg6[%get3A_3327] {strides = array<i32>} : memref<240xf32, #tpu.memory_space<vmem>>, vector<16xf32>,
    %get3A_3329 = vector.shape_cast %get3A_3328 : vector<16xf32> to vector<16xf32>
    %get3A_3330 = arith.constant 208 : index
    %get3A_3331 = tpu.vector_load %arg7[%get3A_3330] {strides = array<i32>} : memref<240xf32, #tpu.memory_space<vmem>>, vector<16xf32>,
    %get3A_3332 = vector.shape_cast %get3A_3331 : vector<16xf32> to vector<16xf32>
    %mul3A_3333 = arith.constant 2.000000e+00 : f32
    %mul3A_3334 = vector.broadcast %mul3A_3333 : f32 to vector<16xf32>
    %mul3A_3335 = arith.mulf %get3A_3329, %mul3A_3334 : vector<16xf32>
    %sub3A_3336 = arith.constant 1.000000e+00 : f32
    %sub3A_3337 = vector.broadcast %sub3A_3336 : f32 to vector<16xf32>
    %sub3A_3338 = arith.subf %mul3A_3335, %sub3A_3337 : vector<16xf32>
    %add3A_3339 = arith.constant 1.000000e+00 : f32
    %add3A_3340 = vector.broadcast %add3A_3339 : f32 to vector<16xf32>
    %add3A_3341 = arith.addf %sub3A_3338, %add3A_3340 : vector<16xf32>
    %mul3A_3342 = arith.constant 2.560000e+02 : f32
    %mul3A_3343 = vector.broadcast %mul3A_3342 : f32 to vector<16xf32>
    %mul3A_3344 = arith.mulf %add3A_3341, %mul3A_3343 : vector<16xf32>
    %sub3A_3345 = arith.constant 1.000000e+00 : f32
    %sub3A_3346 = vector.broadcast %sub3A_3345 : f32 to vector<16xf32>
    %sub3A_3347 = arith.subf %mul3A_3344, %sub3A_3346 : vector<16xf32>
    %div3A_3348 = arith.constant 2.000000e+00 : f32
    %div3A_3349 = vector.broadcast %div3A_3348 : f32 to vector<16xf32>
    %div3A_3350 = arith.divf %sub3A_3347, %div3A_3349 : vector<16xf32>
    %mul3A_3351 = arith.constant 2.000000e+00 : f32
    %mul3A_3352 = vector.broadcast %mul3A_3351 : f32 to vector<16xf32>
    %mul3A_3353 = arith.mulf %get3A_3332, %mul3A_3352 : vector<16xf32>
    %sub3A_3354 = arith.constant 1.000000e+00 : f32
    %sub3A_3355 = vector.broadcast %sub3A_3354 : f32 to vector<16xf32>
    %sub3A_3356 = arith.subf %mul3A_3353, %sub3A_3355 : vector<16xf32>
    %add3A_3357 = arith.constant 1.000000e+00 : f32
    %add3A_3358 = vector.broadcast %add3A_3357 : f32 to vector<16xf32>
    %add3A_3359 = arith.addf %sub3A_3356, %add3A_3358 : vector<16xf32>
    %mul3A_3360 = arith.constant 2.560000e+02 : f32
    %mul3A_3361 = vector.broadcast %mul3A_3360 : f32 to vector<16xf32>
    %mul3A_3362 = arith.mulf %add3A_3359, %mul3A_3361 : vector<16xf32>
    %sub3A_3363 = arith.constant 1.000000e+00 : f32
    %sub3A_3364 = vector.broadcast %sub3A_3363 : f32 to vector<16xf32>
    %sub3A_3365 = arith.subf %mul3A_3362, %sub3A_3364 : vector<16xf32>
    %div3A_3366 = arith.constant 2.000000e+00 : f32
    %div3A_3367 = vector.broadcast %div3A_3366 : f32 to vector<16xf32>
    %div3A_3368 = arith.divf %sub3A_3365, %div3A_3367 : vector<16xf32>
    %convert_element_type3A_3369 = arith.fptosi %div3A_3350 : vector<16xf32> to vector<16xi32>
    %convert_element_type3A_3370 = arith.fptosi %div3A_3368 : vector<16xf32> to vector<16xi32>
    %convert_element_type3A_3371 = arith.sitofp %convert_element_type3A_3369 : vector<16xi32> to vector<16xf32>
    %lt3A_3372 = arith.cmpf olt, %div3A_3350, %convert_element_type3A_3371 : vector<16xf32>
    %sub3A_3373 = arith.constant 1 : i32
    %sub3A_3374 = vector.broadcast %sub3A_3373 : i32 to vector<16xi32>
    %sub3A_3375 = arith.subi %convert_element_type3A_3369, %sub3A_3374 : vector<16xi32>
    %select_n3A_3376 = arith.select %lt3A_3372, %sub3A_3375, %convert_element_type3A_3369 : vector<16xi1>, vector<16xi32>
    %convert_element_type3A_3377 = arith.sitofp %convert_element_type3A_3370 : vector<16xi32> to vector<16xf32>
    %lt3A_3378 = arith.cmpf olt, %div3A_3368, %convert_element_type3A_3377 : vector<16xf32>
    %sub3A_3379 = arith.constant 1 : i32
    %sub3A_3380 = vector.broadcast %sub3A_3379 : i32 to vector<16xi32>
    %sub3A_3381 = arith.subi %convert_element_type3A_3370, %sub3A_3380 : vector<16xi32>
    %select_n3A_3382 = arith.select %lt3A_3378, %sub3A_3381, %convert_element_type3A_3370 : vector<16xi1>, vector<16xi32>
    %convert_element_type3A_3383 = arith.sitofp %select_n3A_3376 : vector<16xi32> to vector<16xf32>
    %convert_element_type3A_3384 = arith.sitofp %select_n3A_3382 : vector<16xi32> to vector<16xf32>
    %sub3A_3385 = arith.subf %div3A_3350, %convert_element_type3A_3383 : vector<16xf32>
    %sub3A_3386 = arith.constant 1.000000e+00 : f32
    %sub3A_3387 = vector.broadcast %sub3A_3386 : f32 to vector<16xf32>
    %sub3A_3388 = arith.subf %sub3A_3387, %sub3A_3385 : vector<16xf32>
    %sub3A_3389 = arith.subf %div3A_3368, %convert_element_type3A_3384 : vector<16xf32>
    %sub3A_3390 = arith.constant 1.000000e+00 : f32
    %sub3A_3391 = vector.broadcast %sub3A_3390 : f32 to vector<16xf32>
    %sub3A_3392 = arith.subf %sub3A_3391, %sub3A_3389 : vector<16xf32>
    %ge3A_3393 = arith.constant 0 : i32
    %ge3A_3394 = vector.broadcast %ge3A_3393 : i32 to vector<16xi32>
    %ge3A_3395 = arith.cmpi sge, %select_n3A_3376, %ge3A_3394 : vector<16xi32>
    %add3A_3396 = arith.constant 1 : i32
    %add3A_3397 = vector.broadcast %add3A_3396 : i32 to vector<16xi32>
    %add3A_3398 = arith.addi %select_n3A_3376, %add3A_3397 : vector<16xi32>
    %le3A_3399 = arith.constant 255 : i32
    %le3A_3400 = vector.broadcast %le3A_3399 : i32 to vector<16xi32>
    %le3A_3401 = arith.cmpi sle, %add3A_3398, %le3A_3400 : vector<16xi32>
    %ge3A_3402 = arith.constant 0 : i32
    %ge3A_3403 = vector.broadcast %ge3A_3402 : i32 to vector<16xi32>
    %ge3A_3404 = arith.cmpi sge, %select_n3A_3382, %ge3A_3403 : vector<16xi32>
    %add3A_3405 = arith.constant 1 : i32
    %add3A_3406 = vector.broadcast %add3A_3405 : i32 to vector<16xi32>
    %add3A_3407 = arith.addi %select_n3A_3382, %add3A_3406 : vector<16xi32>
    %le3A_3408 = arith.constant 255 : i32
    %le3A_3409 = vector.broadcast %le3A_3408 : i32 to vector<16xi32>
    %le3A_3410 = arith.cmpi sle, %add3A_3407, %le3A_3409 : vector<16xi32>
    %broadcast_in_dim3A_3411 = arith.constant 0.000000e+00 : f32
    %broadcast_in_dim3A_3412 = vector.broadcast %broadcast_in_dim3A_3411 : f32 to vector<16xf32>
    %and3A_3413 = arith.andi %ge3A_3395, %ge3A_3404 : vector<16xi1>
    %get3A_3414 = arith.constant 208 : index
    %get3A_3415 = tpu.vector_load %arg9[%get3A_3414] {strides = array<i32>} : memref<960xf32, #tpu.memory_space<vmem>>, vector<16xf32>,
    %get3A_3416 = vector.shape_cast %get3A_3415 : vector<16xf32> to vector<16xf32>
    %select_n3A_3417 = arith.select %and3A_3413, %get3A_3416, %broadcast_in_dim3A_3412 : vector<16xi1>, vector<16xf32>
    %and3A_3418 = arith.andi %le3A_3401, %ge3A_3404 : vector<16xi1>
    %get3A_3419 = arith.constant 448 : index
    %get3A_3420 = tpu.vector_load %arg9[%get3A_3419] {strides = array<i32>} : memref<960xf32, #tpu.memory_space<vmem>>, vector<16xf32>,
    %get3A_3421 = vector.shape_cast %get3A_3420 : vector<16xf32> to vector<16xf32>
    %select_n3A_3422 = arith.select %and3A_3418, %get3A_3421, %broadcast_in_dim3A_3412 : vector<16xi1>, vector<16xf32>
    %and3A_3423 = arith.andi %ge3A_3395, %le3A_3410 : vector<16xi1>
    %get3A_3424 = arith.constant 688 : index
    %get3A_3425 = tpu.vector_load %arg9[%get3A_3424] {strides = array<i32>} : memref<960xf32, #tpu.memory_space<vmem>>, vector<16xf32>,
    %get3A_3426 = vector.shape_cast %get3A_3425 : vector<16xf32> to vector<16xf32>
    %select_n3A_3427 = arith.select %and3A_3423, %get3A_3426, %broadcast_in_dim3A_3412 : vector<16xi1>, vector<16xf32>
    %and3A_3428 = arith.andi %le3A_3401, %le3A_3410 : vector<16xi1>
    %get3A_3429 = arith.constant 928 : index
    %get3A_3430 = tpu.vector_load %arg9[%get3A_3429] {strides = array<i32>} : memref<960xf32, #tpu.memory_space<vmem>>, vector<16xf32>,
    %get3A_3431 = vector.shape_cast %get3A_3430 : vector<16xf32> to vector<16xf32>
    %select_n3A_3432 = arith.select %and3A_3428, %get3A_3431, %broadcast_in_dim3A_3412 : vector<16xi1>, vector<16xf32>
    %mul3A_3433 = arith.mulf %select_n3A_3417, %sub3A_3388 : vector<16xf32>
    %mul3A_3434 = arith.mulf %mul3A_3433, %sub3A_3392 : vector<16xf32>
    %mul3A_3435 = arith.mulf %select_n3A_3422, %sub3A_3385 : vector<16xf32>
    %mul3A_3436 = arith.mulf %mul3A_3435, %sub3A_3392 : vector<16xf32>
    %add3A_3437 = arith.addf %mul3A_3434, %mul3A_3436 : vector<16xf32>
    %mul3A_3438 = arith.mulf %select_n3A_3427, %sub3A_3388 : vector<16xf32>
    %mul3A_3439 = arith.mulf %mul3A_3438, %sub3A_3389 : vector<16xf32>
    %add3A_3440 = arith.addf %add3A_3437, %mul3A_3439 : vector<16xf32>
    %mul3A_3441 = arith.mulf %select_n3A_3432, %sub3A_3385 : vector<16xf32>
    %mul3A_3442 = arith.mulf %mul3A_3441, %sub3A_3389 : vector<16xf32>
    %add3A_3443 = arith.addf %add3A_3440, %mul3A_3442 : vector<16xf32>
    %swap3A_3444 = arith.constant 208 : index
    %swap3A_3445 = tpu.vector_load %arg10[%swap3A_3444] {strides = array<i32>} : memref<240xf32, #tpu.memory_space<vmem>>, vector<16xf32>,
    %swap3A_3446 = vector.shape_cast %swap3A_3445 : vector<16xf32> to vector<16xf32>
    %swap3A_3447 = vector.shape_cast %add3A_3443 : vector<16xf32> to vector<16xf32>
    tpu.vector_store %arg10[%swap3A_3444], %swap3A_3447 {strides = array<i32>} : memref<240xf32, #tpu.memory_space<vmem>>, vector<16xf32>,
    %get3A_3448 = arith.constant 224 : index
    %get3A_3449 = tpu.vector_load %arg6[%get3A_3448] {strides = array<i32>} : memref<240xf32, #tpu.memory_space<vmem>>, vector<16xf32>,
    %get3A_3450 = vector.shape_cast %get3A_3449 : vector<16xf32> to vector<16xf32>
    %get3A_3451 = arith.constant 224 : index
    %get3A_3452 = tpu.vector_load %arg7[%get3A_3451] {strides = array<i32>} : memref<240xf32, #tpu.memory_space<vmem>>, vector<16xf32>,
    %get3A_3453 = vector.shape_cast %get3A_3452 : vector<16xf32> to vector<16xf32>
    %mul3A_3454 = arith.constant 2.000000e+00 : f32
    %mul3A_3455 = vector.broadcast %mul3A_3454 : f32 to vector<16xf32>
    %mul3A_3456 = arith.mulf %get3A_3450, %mul3A_3455 : vector<16xf32>
    %sub3A_3457 = arith.constant 1.000000e+00 : f32
    %sub3A_3458 = vector.broadcast %sub3A_3457 : f32 to vector<16xf32>
    %sub3A_3459 = arith.subf %mul3A_3456, %sub3A_3458 : vector<16xf32>
    %add3A_3460 = arith.constant 1.000000e+00 : f32
    %add3A_3461 = vector.broadcast %add3A_3460 : f32 to vector<16xf32>
    %add3A_3462 = arith.addf %sub3A_3459, %add3A_3461 : vector<16xf32>
    %mul3A_3463 = arith.constant 2.560000e+02 : f32
    %mul3A_3464 = vector.broadcast %mul3A_3463 : f32 to vector<16xf32>
    %mul3A_3465 = arith.mulf %add3A_3462, %mul3A_3464 : vector<16xf32>
    %sub3A_3466 = arith.constant 1.000000e+00 : f32
    %sub3A_3467 = vector.broadcast %sub3A_3466 : f32 to vector<16xf32>
    %sub3A_3468 = arith.subf %mul3A_3465, %sub3A_3467 : vector<16xf32>
    %div3A_3469 = arith.constant 2.000000e+00 : f32
    %div3A_3470 = vector.broadcast %div3A_3469 : f32 to vector<16xf32>
    %div3A_3471 = arith.divf %sub3A_3468, %div3A_3470 : vector<16xf32>
    %mul3A_3472 = arith.constant 2.000000e+00 : f32
    %mul3A_3473 = vector.broadcast %mul3A_3472 : f32 to vector<16xf32>
    %mul3A_3474 = arith.mulf %get3A_3453, %mul3A_3473 : vector<16xf32>
    %sub3A_3475 = arith.constant 1.000000e+00 : f32
    %sub3A_3476 = vector.broadcast %sub3A_3475 : f32 to vector<16xf32>
    %sub3A_3477 = arith.subf %mul3A_3474, %sub3A_3476 : vector<16xf32>
    %add3A_3478 = arith.constant 1.000000e+00 : f32
    %add3A_3479 = vector.broadcast %add3A_3478 : f32 to vector<16xf32>
    %add3A_3480 = arith.addf %sub3A_3477, %add3A_3479 : vector<16xf32>
    %mul3A_3481 = arith.constant 2.560000e+02 : f32
    %mul3A_3482 = vector.broadcast %mul3A_3481 : f32 to vector<16xf32>
    %mul3A_3483 = arith.mulf %add3A_3480, %mul3A_3482 : vector<16xf32>
    %sub3A_3484 = arith.constant 1.000000e+00 : f32
    %sub3A_3485 = vector.broadcast %sub3A_3484 : f32 to vector<16xf32>
    %sub3A_3486 = arith.subf %mul3A_3483, %sub3A_3485 : vector<16xf32>
    %div3A_3487 = arith.constant 2.000000e+00 : f32
    %div3A_3488 = vector.broadcast %div3A_3487 : f32 to vector<16xf32>
    %div3A_3489 = arith.divf %sub3A_3486, %div3A_3488 : vector<16xf32>
    %convert_element_type3A_3490 = arith.fptosi %div3A_3471 : vector<16xf32> to vector<16xi32>
    %convert_element_type3A_3491 = arith.fptosi %div3A_3489 : vector<16xf32> to vector<16xi32>
    %convert_element_type3A_3492 = arith.sitofp %convert_element_type3A_3490 : vector<16xi32> to vector<16xf32>
    %lt3A_3493 = arith.cmpf olt, %div3A_3471, %convert_element_type3A_3492 : vector<16xf32>
    %sub3A_3494 = arith.constant 1 : i32
    %sub3A_3495 = vector.broadcast %sub3A_3494 : i32 to vector<16xi32>
    %sub3A_3496 = arith.subi %convert_element_type3A_3490, %sub3A_3495 : vector<16xi32>
    %select_n3A_3497 = arith.select %lt3A_3493, %sub3A_3496, %convert_element_type3A_3490 : vector<16xi1>, vector<16xi32>
    %convert_element_type3A_3498 = arith.sitofp %convert_element_type3A_3491 : vector<16xi32> to vector<16xf32>
    %lt3A_3499 = arith.cmpf olt, %div3A_3489, %convert_element_type3A_3498 : vector<16xf32>
    %sub3A_3500 = arith.constant 1 : i32
    %sub3A_3501 = vector.broadcast %sub3A_3500 : i32 to vector<16xi32>
    %sub3A_3502 = arith.subi %convert_element_type3A_3491, %sub3A_3501 : vector<16xi32>
    %select_n3A_3503 = arith.select %lt3A_3499, %sub3A_3502, %convert_element_type3A_3491 : vector<16xi1>, vector<16xi32>
    %convert_element_type3A_3504 = arith.sitofp %select_n3A_3497 : vector<16xi32> to vector<16xf32>
    %convert_element_type3A_3505 = arith.sitofp %select_n3A_3503 : vector<16xi32> to vector<16xf32>
    %sub3A_3506 = arith.subf %div3A_3471, %convert_element_type3A_3504 : vector<16xf32>
    %sub3A_3507 = arith.constant 1.000000e+00 : f32
    %sub3A_3508 = vector.broadcast %sub3A_3507 : f32 to vector<16xf32>
    %sub3A_3509 = arith.subf %sub3A_3508, %sub3A_3506 : vector<16xf32>
    %sub3A_3510 = arith.subf %div3A_3489, %convert_element_type3A_3505 : vector<16xf32>
    %sub3A_3511 = arith.constant 1.000000e+00 : f32
    %sub3A_3512 = vector.broadcast %sub3A_3511 : f32 to vector<16xf32>
    %sub3A_3513 = arith.subf %sub3A_3512, %sub3A_3510 : vector<16xf32>
    %ge3A_3514 = arith.constant 0 : i32
    %ge3A_3515 = vector.broadcast %ge3A_3514 : i32 to vector<16xi32>
    %ge3A_3516 = arith.cmpi sge, %select_n3A_3497, %ge3A_3515 : vector<16xi32>
    %add3A_3517 = arith.constant 1 : i32
    %add3A_3518 = vector.broadcast %add3A_3517 : i32 to vector<16xi32>
    %add3A_3519 = arith.addi %select_n3A_3497, %add3A_3518 : vector<16xi32>
    %le3A_3520 = arith.constant 255 : i32
    %le3A_3521 = vector.broadcast %le3A_3520 : i32 to vector<16xi32>
    %le3A_3522 = arith.cmpi sle, %add3A_3519, %le3A_3521 : vector<16xi32>
    %ge3A_3523 = arith.constant 0 : i32
    %ge3A_3524 = vector.broadcast %ge3A_3523 : i32 to vector<16xi32>
    %ge3A_3525 = arith.cmpi sge, %select_n3A_3503, %ge3A_3524 : vector<16xi32>
    %add3A_3526 = arith.constant 1 : i32
    %add3A_3527 = vector.broadcast %add3A_3526 : i32 to vector<16xi32>
    %add3A_3528 = arith.addi %select_n3A_3503, %add3A_3527 : vector<16xi32>
    %le3A_3529 = arith.constant 255 : i32
    %le3A_3530 = vector.broadcast %le3A_3529 : i32 to vector<16xi32>
    %le3A_3531 = arith.cmpi sle, %add3A_3528, %le3A_3530 : vector<16xi32>
    %broadcast_in_dim3A_3532 = arith.constant 0.000000e+00 : f32
    %broadcast_in_dim3A_3533 = vector.broadcast %broadcast_in_dim3A_3532 : f32 to vector<16xf32>
    %and3A_3534 = arith.andi %ge3A_3516, %ge3A_3525 : vector<16xi1>
    %get3A_3535 = arith.constant 224 : index
    %get3A_3536 = tpu.vector_load %arg9[%get3A_3535] {strides = array<i32>} : memref<960xf32, #tpu.memory_space<vmem>>, vector<16xf32>,
    %get3A_3537 = vector.shape_cast %get3A_3536 : vector<16xf32> to vector<16xf32>
    %select_n3A_3538 = arith.select %and3A_3534, %get3A_3537, %broadcast_in_dim3A_3533 : vector<16xi1>, vector<16xf32>
    %and3A_3539 = arith.andi %le3A_3522, %ge3A_3525 : vector<16xi1>
    %get3A_3540 = arith.constant 464 : index
    %get3A_3541 = tpu.vector_load %arg9[%get3A_3540] {strides = array<i32>} : memref<960xf32, #tpu.memory_space<vmem>>, vector<16xf32>,
    %get3A_3542 = vector.shape_cast %get3A_3541 : vector<16xf32> to vector<16xf32>
    %select_n3A_3543 = arith.select %and3A_3539, %get3A_3542, %broadcast_in_dim3A_3533 : vector<16xi1>, vector<16xf32>
    %and3A_3544 = arith.andi %ge3A_3516, %le3A_3531 : vector<16xi1>
    %get3A_3545 = arith.constant 704 : index
    %get3A_3546 = tpu.vector_load %arg9[%get3A_3545] {strides = array<i32>} : memref<960xf32, #tpu.memory_space<vmem>>, vector<16xf32>,
    %get3A_3547 = vector.shape_cast %get3A_3546 : vector<16xf32> to vector<16xf32>
    %select_n3A_3548 = arith.select %and3A_3544, %get3A_3547, %broadcast_in_dim3A_3533 : vector<16xi1>, vector<16xf32>
    %and3A_3549 = arith.andi %le3A_3522, %le3A_3531 : vector<16xi1>
    %get3A_3550 = arith.constant 944 : index
    %get3A_3551 = tpu.vector_load %arg9[%get3A_3550] {strides = array<i32>} : memref<960xf32, #tpu.memory_space<vmem>>, vector<16xf32>,
    %get3A_3552 = vector.shape_cast %get3A_3551 : vector<16xf32> to vector<16xf32>
    %select_n3A_3553 = arith.select %and3A_3549, %get3A_3552, %broadcast_in_dim3A_3533 : vector<16xi1>, vector<16xf32>
    %mul3A_3554 = arith.mulf %select_n3A_3538, %sub3A_3509 : vector<16xf32>
    %mul3A_3555 = arith.mulf %mul3A_3554, %sub3A_3513 : vector<16xf32>
    %mul3A_3556 = arith.mulf %select_n3A_3543, %sub3A_3506 : vector<16xf32>
    %mul3A_3557 = arith.mulf %mul3A_3556, %sub3A_3513 : vector<16xf32>
    %add3A_3558 = arith.addf %mul3A_3555, %mul3A_3557 : vector<16xf32>
    %mul3A_3559 = arith.mulf %select_n3A_3548, %sub3A_3509 : vector<16xf32>
    %mul3A_3560 = arith.mulf %mul3A_3559, %sub3A_3510 : vector<16xf32>
    %add3A_3561 = arith.addf %add3A_3558, %mul3A_3560 : vector<16xf32>
    %mul3A_3562 = arith.mulf %select_n3A_3553, %sub3A_3506 : vector<16xf32>
    %mul3A_3563 = arith.mulf %mul3A_3562, %sub3A_3510 : vector<16xf32>
    %add3A_3564 = arith.addf %add3A_3561, %mul3A_3563 : vector<16xf32>
    %swap3A_3565 = arith.constant 224 : index
    %swap3A_3566 = tpu.vector_load %arg10[%swap3A_3565] {strides = array<i32>} : memref<240xf32, #tpu.memory_space<vmem>>, vector<16xf32>,
    %swap3A_3567 = vector.shape_cast %swap3A_3566 : vector<16xf32> to vector<16xf32>
    %swap3A_3568 = vector.shape_cast %add3A_3564 : vector<16xf32> to vector<16xf32>
    tpu.vector_store %arg10[%swap3A_3565], %swap3A_3568 {strides = array<i32>} : memref<240xf32, #tpu.memory_space<vmem>>, vector<16xf32>,
    "tpu.region"() ({
      %run_scoped3A = tpu.sem_alloc : memref<!tpu.dma_semaphore, #tpu.memory_space<semaphore_mem>>
      %dma_start3A_3569 = tpu.memref_slice %arg5[%mul3A_18] : memref<7680xf32, #tpu.memory_space<hbm>> -> memref<240xf32, #tpu.memory_space<hbm>>
      %dma_start3A_3570 = tpu.memref_slice %arg5[%mul3A_18] : memref<7680xf32, #tpu.memory_space<hbm>> -> memref<240xf32, #tpu.memory_space<hbm>>
      tpu.enqueue_dma source(%arg10 : memref<240xf32, #tpu.memory_space<vmem>>) target(%dma_start3A_3570 : memref<240xf32, #tpu.memory_space<hbm>>) target_semaphore(%run_scoped3A : memref<!tpu.dma_semaphore, #tpu.memory_space<semaphore_mem>>)
      %dma_wait3A_3571 = tpu.memref_slice %arg5[%mul3A_18] : memref<7680xf32, #tpu.memory_space<hbm>> -> memref<240xf32, #tpu.memory_space<hbm>>
      %dma_wait3A_3572 = tpu.memref_slice %arg5[%mul3A_18] : memref<7680xf32, #tpu.memory_space<hbm>> -> memref<240xf32, #tpu.memory_space<hbm>>
      tpu.wait_dma2 semaphore(%run_scoped3A : memref<!tpu.dma_semaphore, #tpu.memory_space<semaphore_mem>>) src(%arg10 : memref<240xf32, #tpu.memory_space<vmem>>) dst(%dma_wait3A_3572 : memref<240xf32, #tpu.memory_space<hbm>>)
      tpu.yield
    }) : () -> ()
    return
  }
}

module attributes {stable_mosaic.version = 14 : i64} {
  func.func @_matcher_body(%arg0: i32, %arg1: memref<1x900x91xf32, #tpu.memory_space<vmem>>, %arg2: memref<1x900x4xf32, #tpu.memory_space<vmem>>, %arg3: memref<1x128xi32, #tpu.memory_space<vmem>>, %arg4: memref<8x4x128xf32, #tpu.memory_space<vmem>>, %arg5: memref<1x256x256xf32, #tpu.memory_space<vmem>>, %arg6: memref<1x960x1xf32, #tpu.memory_space<vmem>>, %arg7: memref<1x900x128xi8, #tpu.memory_space<vmem>>, %arg8: memref<1x900x128xf32, #tpu.memory_space<vmem>>) attributes {dimension_semantics = [#tpu.dimension_semantics<parallel>], iteration_bounds = array<i64: 8>, scalar_prefetch = 0 : i64, scratch_operands = 0 : i64, tpu.core_type = #tpu.core_type<tc>, window_params = [{transform_indices = @transform_0, window_bounds = array<i64: 1, 900, 91>}, {transform_indices = @transform_1, window_bounds = array<i64: 1, 900, 4>}, {pipeline_mode = #tpu.pipeline_mode<synchronous>, transform_indices = @transform_2, window_bounds = array<i64: 1, 128>}, {pipeline_mode = #tpu.pipeline_mode<synchronous>, transform_indices = @transform_3, window_bounds = array<i64: 8, 4, 128>}, {transform_indices = @transform_4, window_bounds = array<i64: 1, 256, 256>}, {transform_indices = @transform_5, window_bounds = array<i64: 1, 960, 1>}, {transform_indices = @transform_6, window_bounds = array<i64: 1, 900, 128>}, {transform_indices = @transform_7, window_bounds = array<i64: 1, 900, 128>}]} {
    %get3A = arith.constant 0 : index
    %get3A_0 = arith.constant 0 : index
    %get3A_1 = arith.constant 0 : index
    %get3A_2 = vector.load %arg1[%get3A, %get3A_0, %get3A_1] : memref<1x900x91xf32, #tpu.memory_space<vmem>>, vector<1x900x91xf32>
    %get3A_3 = vector.shape_cast %get3A_2 : vector<1x900x91xf32> to vector<900x91xf32>
    %logistic3A = arith.negf %get3A_3 : vector<900x91xf32>
    %logistic3A_4 = math.exp %logistic3A : vector<900x91xf32>
    %logistic3A_5 = arith.constant 1.000000e+00 : f32
    %logistic3A_6 = vector.broadcast %logistic3A_5 : f32 to vector<900x91xf32>
    %logistic3A_7 = arith.addf %logistic3A_6, %logistic3A_4 : vector<900x91xf32>
    %logistic3A_8 = arith.divf %logistic3A_6, %logistic3A_7 : vector<900x91xf32>
    %sub3A = arith.constant 1.000000e+00 : f32
    %sub3A_9 = vector.broadcast %sub3A : f32 to vector<900x91xf32>
    %sub3A_10 = arith.subf %sub3A_9, %logistic3A_8 : vector<900x91xf32>
    %mul3A = arith.mulf %sub3A_10, %sub3A_10 : vector<900x91xf32>
    %mul3A_11 = arith.constant 2.500000e-01 : f32
    %mul3A_12 = vector.broadcast %mul3A_11 : f32 to vector<900x91xf32>
    %mul3A_13 = arith.mulf %mul3A_12, %mul3A : vector<900x91xf32>
    %add3A = arith.constant 9.99999993E-9 : f32
    %add3A_14 = vector.broadcast %add3A : f32 to vector<900x91xf32>
    %add3A_15 = arith.addf %logistic3A_8, %add3A_14 : vector<900x91xf32>
    %log3A = math.log %add3A_15 : vector<900x91xf32>
    %neg3A = arith.constant 0.000000e+00 : f32
    %neg3A_16 = vector.broadcast %neg3A : f32 to vector<900x91xf32>
    %neg3A_17 = arith.subf %neg3A_16, %log3A : vector<900x91xf32>
    %mul3A_18 = arith.mulf %mul3A_13, %neg3A_17 : vector<900x91xf32>
    %mul3A_19 = arith.mulf %logistic3A_8, %logistic3A_8 : vector<900x91xf32>
    %mul3A_20 = arith.constant 7.500000e-01 : f32
    %mul3A_21 = vector.broadcast %mul3A_20 : f32 to vector<900x91xf32>
    %mul3A_22 = arith.mulf %mul3A_21, %mul3A_19 : vector<900x91xf32>
    %sub3A_23 = arith.constant 1.000000e+00 : f32
    %sub3A_24 = vector.broadcast %sub3A_23 : f32 to vector<900x91xf32>
    %sub3A_25 = arith.subf %sub3A_24, %logistic3A_8 : vector<900x91xf32>
    %add3A_26 = arith.constant 9.99999993E-9 : f32
    %add3A_27 = vector.broadcast %add3A_26 : f32 to vector<900x91xf32>
    %add3A_28 = arith.addf %sub3A_25, %add3A_27 : vector<900x91xf32>
    %log3A_29 = math.log %add3A_28 : vector<900x91xf32>
    %neg3A_30 = arith.constant 0.000000e+00 : f32
    %neg3A_31 = vector.broadcast %neg3A_30 : f32 to vector<900x91xf32>
    %neg3A_32 = arith.subf %neg3A_31, %log3A_29 : vector<900x91xf32>
    %mul3A_33 = arith.mulf %mul3A_22, %neg3A_32 : vector<900x91xf32>
    %sub3A_34 = arith.subf %mul3A_18, %mul3A_33 : vector<900x91xf32>
    %iota3A = tpu.iota {dimensions = array<i32: 0>} : vector<91x128xi32>
    %get3A_35 = arith.constant 0 : index
    %get3A_36 = arith.constant 0 : index
    %get3A_37 = vector.load %arg3[%get3A_35, %get3A_36] : memref<1x128xi32, #tpu.memory_space<vmem>>, vector<1x128xi32>
    %eq3A = vector.broadcast %get3A_37 : vector<1x128xi32> to vector<91x128xi32>
    %eq3A_38 = arith.cmpi eq, %iota3A, %eq3A : vector<91x128xi32>
    %convert_element_type3A = arith.extui %eq3A_38 : vector<91x128xi1> to vector<91x128xi32>
    %convert_element_type3A_39 = arith.sitofp %convert_element_type3A : vector<91x128xi32> to vector<91x128xf32>
    %dot_general3A = arith.constant dense<0.000000e+00> : vector<900x128xf32>
    %dot_general3A_40 = tpu.matmul %sub3A_34, %convert_element_type3A_39, %dot_general3A {dimension_numbers = #tpu.dot_dimension_numbers<[1], [0], [0], [1], [0, 0, 1, 1], [], []>, precision = #tpu.contract_precision<fp32>, transpose_lhs_hint = false} : vector<900x91xf32>, vector<91x128xf32>, vector<900x128xf32> -> vector<900x128xf32>
    %get3A_41 = arith.constant 0 : index
    %get3A_42 = arith.constant 0 : index
    %get3A_43 = arith.constant 0 : index
    %get3A_44 = vector.load %arg2[%get3A_41, %get3A_42, %get3A_43] : memref<1x900x4xf32, #tpu.memory_space<vmem>>, vector<1x900x4xf32>
    %get3A_45 = vector.shape_cast %get3A_44 : vector<1x900x4xf32> to vector<900x4xf32>
    %slice3A = vector.extract_strided_slice %get3A_45 {offsets = [0, 0], sizes = [900, 1], strides = [1, 1]} : vector<900x4xf32> to vector<900x1xf32>
    %slice3A_46 = vector.extract_strided_slice %get3A_45 {offsets = [0, 1], sizes = [900, 1], strides = [1, 1]} : vector<900x4xf32> to vector<900x1xf32>
    %slice3A_47 = vector.extract_strided_slice %get3A_45 {offsets = [0, 2], sizes = [900, 1], strides = [1, 1]} : vector<900x4xf32> to vector<900x1xf32>
    %slice3A_48 = vector.extract_strided_slice %get3A_45 {offsets = [0, 3], sizes = [900, 1], strides = [1, 1]} : vector<900x4xf32> to vector<900x1xf32>
    %get3A_49 = arith.constant 0 : index
    %get3A_50 = arith.constant 0 : index
    %get3A_51 = arith.constant 0 : index
    %get3A_52 = vector.load %arg4[%get3A_49, %get3A_50, %get3A_51] : memref<8x4x128xf32, #tpu.memory_space<vmem>>, vector<1x1x128xf32>
    %get3A_53 = vector.shape_cast %get3A_52 : vector<1x1x128xf32> to vector<1x128xf32>
    %get3A_54 = arith.constant 0 : index
    %get3A_55 = arith.constant 1 : index
    %get3A_56 = arith.constant 0 : index
    %get3A_57 = vector.load %arg4[%get3A_54, %get3A_55, %get3A_56] : memref<8x4x128xf32, #tpu.memory_space<vmem>>, vector<1x1x128xf32>
    %get3A_58 = vector.shape_cast %get3A_57 : vector<1x1x128xf32> to vector<1x128xf32>
    %get3A_59 = arith.constant 0 : index
    %get3A_60 = arith.constant 2 : index
    %get3A_61 = arith.constant 0 : index
    %get3A_62 = vector.load %arg4[%get3A_59, %get3A_60, %get3A_61] : memref<8x4x128xf32, #tpu.memory_space<vmem>>, vector<1x1x128xf32>
    %get3A_63 = vector.shape_cast %get3A_62 : vector<1x1x128xf32> to vector<1x128xf32>
    %get3A_64 = arith.constant 0 : index
    %get3A_65 = arith.constant 3 : index
    %get3A_66 = arith.constant 0 : index
    %get3A_67 = vector.load %arg4[%get3A_64, %get3A_65, %get3A_66] : memref<8x4x128xf32, #tpu.memory_space<vmem>>, vector<1x1x128xf32>
    %get3A_68 = vector.shape_cast %get3A_67 : vector<1x1x128xf32> to vector<1x128xf32>
    %sub3A_69 = vector.broadcast %slice3A : vector<900x1xf32> to vector<900x128xf32>
    %sub3A_70 = vector.broadcast %get3A_53 : vector<1x128xf32> to vector<900x128xf32>
    %sub3A_71 = arith.subf %sub3A_69, %sub3A_70 : vector<900x128xf32>
    %abs3A = math.absf %sub3A_71 : vector<900x128xf32>
    %sub3A_72 = vector.broadcast %slice3A_46 : vector<900x1xf32> to vector<900x128xf32>
    %sub3A_73 = vector.broadcast %get3A_58 : vector<1x128xf32> to vector<900x128xf32>
    %sub3A_74 = arith.subf %sub3A_72, %sub3A_73 : vector<900x128xf32>
    %abs3A_75 = math.absf %sub3A_74 : vector<900x128xf32>
    %add3A_76 = arith.addf %abs3A, %abs3A_75 : vector<900x128xf32>
    %sub3A_77 = vector.broadcast %slice3A_47 : vector<900x1xf32> to vector<900x128xf32>
    %sub3A_78 = vector.broadcast %get3A_63 : vector<1x128xf32> to vector<900x128xf32>
    %sub3A_79 = arith.subf %sub3A_77, %sub3A_78 : vector<900x128xf32>
    %abs3A_80 = math.absf %sub3A_79 : vector<900x128xf32>
    %add3A_81 = arith.addf %add3A_76, %abs3A_80 : vector<900x128xf32>
    %sub3A_82 = vector.broadcast %slice3A_48 : vector<900x1xf32> to vector<900x128xf32>
    %sub3A_83 = vector.broadcast %get3A_68 : vector<1x128xf32> to vector<900x128xf32>
    %sub3A_84 = arith.subf %sub3A_82, %sub3A_83 : vector<900x128xf32>
    %abs3A_85 = math.absf %sub3A_84 : vector<900x128xf32>
    %add3A_86 = arith.addf %add3A_81, %abs3A_85 : vector<900x128xf32>
    %mul3A_87 = arith.constant 5.000000e-01 : f32
    %mul3A_88 = vector.broadcast %mul3A_87 : f32 to vector<900x1xf32>
    %mul3A_89 = arith.mulf %mul3A_88, %slice3A_47 : vector<900x1xf32>
    %sub3A_90 = arith.subf %slice3A, %mul3A_89 : vector<900x1xf32>
    %mul3A_91 = arith.constant 5.000000e-01 : f32
    %mul3A_92 = vector.broadcast %mul3A_91 : f32 to vector<900x1xf32>
    %mul3A_93 = arith.mulf %mul3A_92, %slice3A_48 : vector<900x1xf32>
    %sub3A_94 = arith.subf %slice3A_46, %mul3A_93 : vector<900x1xf32>
    %mul3A_95 = arith.constant 5.000000e-01 : f32
    %mul3A_96 = vector.broadcast %mul3A_95 : f32 to vector<900x1xf32>
    %mul3A_97 = arith.mulf %mul3A_96, %slice3A_47 : vector<900x1xf32>
    %add3A_98 = arith.addf %slice3A, %mul3A_97 : vector<900x1xf32>
    %mul3A_99 = arith.constant 5.000000e-01 : f32
    %mul3A_100 = vector.broadcast %mul3A_99 : f32 to vector<900x1xf32>
    %mul3A_101 = arith.mulf %mul3A_100, %slice3A_48 : vector<900x1xf32>
    %add3A_102 = arith.addf %slice3A_46, %mul3A_101 : vector<900x1xf32>
    %mul3A_103 = arith.constant 5.000000e-01 : f32
    %mul3A_104 = vector.broadcast %mul3A_103 : f32 to vector<1x128xf32>
    %mul3A_105 = arith.mulf %mul3A_104, %get3A_63 : vector<1x128xf32>
    %sub3A_106 = arith.subf %get3A_53, %mul3A_105 : vector<1x128xf32>
    %mul3A_107 = arith.constant 5.000000e-01 : f32
    %mul3A_108 = vector.broadcast %mul3A_107 : f32 to vector<1x128xf32>
    %mul3A_109 = arith.mulf %mul3A_108, %get3A_68 : vector<1x128xf32>
    %sub3A_110 = arith.subf %get3A_58, %mul3A_109 : vector<1x128xf32>
    %mul3A_111 = arith.constant 5.000000e-01 : f32
    %mul3A_112 = vector.broadcast %mul3A_111 : f32 to vector<1x128xf32>
    %mul3A_113 = arith.mulf %mul3A_112, %get3A_63 : vector<1x128xf32>
    %add3A_114 = arith.addf %get3A_53, %mul3A_113 : vector<1x128xf32>
    %mul3A_115 = arith.constant 5.000000e-01 : f32
    %mul3A_116 = vector.broadcast %mul3A_115 : f32 to vector<1x128xf32>
    %mul3A_117 = arith.mulf %mul3A_116, %get3A_68 : vector<1x128xf32>
    %add3A_118 = arith.addf %get3A_58, %mul3A_117 : vector<1x128xf32>
    %sub3A_119 = arith.subf %add3A_98, %sub3A_90 : vector<900x1xf32>
    %sub3A_120 = arith.subf %add3A_102, %sub3A_94 : vector<900x1xf32>
    %mul3A_121 = arith.mulf %sub3A_119, %sub3A_120 : vector<900x1xf32>
    %sub3A_122 = arith.subf %add3A_114, %sub3A_106 : vector<1x128xf32>
    %sub3A_123 = arith.subf %add3A_118, %sub3A_110 : vector<1x128xf32>
    %mul3A_124 = arith.mulf %sub3A_122, %sub3A_123 : vector<1x128xf32>
    %min3A = vector.broadcast %add3A_98 : vector<900x1xf32> to vector<900x128xf32>
    %min3A_125 = vector.broadcast %add3A_114 : vector<1x128xf32> to vector<900x128xf32>
    %min3A_126 = arith.minimumf %min3A, %min3A_125 : vector<900x128xf32>
    %max3A = vector.broadcast %sub3A_90 : vector<900x1xf32> to vector<900x128xf32>
    %max3A_127 = vector.broadcast %sub3A_106 : vector<1x128xf32> to vector<900x128xf32>
    %max3A_128 = arith.maximumf %max3A, %max3A_127 : vector<900x128xf32>
    %sub3A_129 = arith.subf %min3A_126, %max3A_128 : vector<900x128xf32>
    %jit3A = arith.constant 0.000000e+00 : f32
    %max3A_130 = vector.broadcast %jit3A : f32 to vector<900x128xf32>
    %max3A_131 = arith.maximumf %max3A_130, %sub3A_129 : vector<900x128xf32>
    %min3A_132 = vector.broadcast %add3A_102 : vector<900x1xf32> to vector<900x128xf32>
    %min3A_133 = vector.broadcast %add3A_118 : vector<1x128xf32> to vector<900x128xf32>
    %min3A_134 = arith.minimumf %min3A_132, %min3A_133 : vector<900x128xf32>
    %max3A_135 = vector.broadcast %sub3A_94 : vector<900x1xf32> to vector<900x128xf32>
    %max3A_136 = vector.broadcast %sub3A_110 : vector<1x128xf32> to vector<900x128xf32>
    %max3A_137 = arith.maximumf %max3A_135, %max3A_136 : vector<900x128xf32>
    %sub3A_138 = arith.subf %min3A_134, %max3A_137 : vector<900x128xf32>
    %jit3A_139 = arith.constant 0.000000e+00 : f32
    %max3A_140 = vector.broadcast %jit3A_139 : f32 to vector<900x128xf32>
    %max3A_141 = arith.maximumf %max3A_140, %sub3A_138 : vector<900x128xf32>
    %mul3A_142 = arith.mulf %max3A_131, %max3A_141 : vector<900x128xf32>
    %add3A_143 = vector.broadcast %mul3A_121 : vector<900x1xf32> to vector<900x128xf32>
    %add3A_144 = vector.broadcast %mul3A_124 : vector<1x128xf32> to vector<900x128xf32>
    %add3A_145 = arith.addf %add3A_143, %add3A_144 : vector<900x128xf32>
    %sub3A_146 = arith.subf %add3A_145, %mul3A_142 : vector<900x128xf32>
    %div3A = arith.divf %mul3A_142, %sub3A_146 : vector<900x128xf32>
    %max3A_147 = vector.broadcast %add3A_98 : vector<900x1xf32> to vector<900x128xf32>
    %max3A_148 = vector.broadcast %add3A_114 : vector<1x128xf32> to vector<900x128xf32>
    %max3A_149 = arith.maximumf %max3A_147, %max3A_148 : vector<900x128xf32>
    %min3A_150 = vector.broadcast %sub3A_90 : vector<900x1xf32> to vector<900x128xf32>
    %min3A_151 = vector.broadcast %sub3A_106 : vector<1x128xf32> to vector<900x128xf32>
    %min3A_152 = arith.minimumf %min3A_150, %min3A_151 : vector<900x128xf32>
    %sub3A_153 = arith.subf %max3A_149, %min3A_152 : vector<900x128xf32>
    %jit3A_154 = arith.constant 0.000000e+00 : f32
    %max3A_155 = vector.broadcast %jit3A_154 : f32 to vector<900x128xf32>
    %max3A_156 = arith.maximumf %max3A_155, %sub3A_153 : vector<900x128xf32>
    %max3A_157 = vector.broadcast %add3A_102 : vector<900x1xf32> to vector<900x128xf32>
    %max3A_158 = vector.broadcast %add3A_118 : vector<1x128xf32> to vector<900x128xf32>
    %max3A_159 = arith.maximumf %max3A_157, %max3A_158 : vector<900x128xf32>
    %min3A_160 = vector.broadcast %sub3A_94 : vector<900x1xf32> to vector<900x128xf32>
    %min3A_161 = vector.broadcast %sub3A_110 : vector<1x128xf32> to vector<900x128xf32>
    %min3A_162 = arith.minimumf %min3A_160, %min3A_161 : vector<900x128xf32>
    %sub3A_163 = arith.subf %max3A_159, %min3A_162 : vector<900x128xf32>
    %jit3A_164 = arith.constant 0.000000e+00 : f32
    %max3A_165 = vector.broadcast %jit3A_164 : f32 to vector<900x128xf32>
    %max3A_166 = arith.maximumf %max3A_165, %sub3A_163 : vector<900x128xf32>
    %mul3A_167 = arith.mulf %max3A_156, %max3A_166 : vector<900x128xf32>
    %sub3A_168 = arith.subf %mul3A_167, %sub3A_146 : vector<900x128xf32>
    %div3A_169 = arith.divf %sub3A_168, %mul3A_167 : vector<900x128xf32>
    %sub3A_170 = arith.subf %div3A, %div3A_169 : vector<900x128xf32>
    %neg3A_171 = arith.constant 0.000000e+00 : f32
    %neg3A_172 = vector.broadcast %neg3A_171 : f32 to vector<900x128xf32>
    %neg3A_173 = arith.subf %neg3A_172, %sub3A_170 : vector<900x128xf32>
    %get3A_174 = arith.constant 0 : index
    %get3A_175 = arith.constant 0 : index
    %get3A_176 = arith.constant 0 : index
    %get3A_177 = vector.load %arg5[%get3A_174, %get3A_175, %get3A_176] : memref<1x256x256xf32, #tpu.memory_space<vmem>>, vector<1x256x256xf32>
    %get3A_178 = vector.shape_cast %get3A_177 : vector<1x256x256xf32> to vector<256x256xf32>
    %reduce_max3A = vector.shape_cast %get3A_178 : vector<256x256xf32> to vector<1x256x256xf32>
    %reduce_max3A_179 = arith.constant dense<0xFF800000> : vector<1xf32>
    %reduce_max3A_180 = vector.multi_reduction <maximumf>, %reduce_max3A, %reduce_max3A_179 [1, 2] : vector<1x256x256xf32> to vector<1xf32>
    %reduce_max3A_181 = vector.shape_cast %reduce_max3A_180 : vector<1xf32> to vector<1x1x1xf32>
    %reduce_max3A_182 = vector.extract %reduce_max3A_181[0, 0, 0] : f32 from vector<1x1x1xf32>
    %add3A_183 = arith.constant 9.99999997E-7 : f32
    %add3A_184 = arith.addf %reduce_max3A_182, %add3A_183 : f32
    %get3A_185 = arith.constant 0 : index
    %get3A_186 = arith.constant 0 : index
    %get3A_187 = arith.constant 0 : index
    %get3A_188 = vector.load %arg6[%get3A_185, %get3A_186, %get3A_187] : memref<1x960x1xf32, #tpu.memory_space<vmem>>, vector<1x960x1xf32>
    %get3A_189 = vector.shape_cast %get3A_188 : vector<1x960x1xf32> to vector<960x1xf32>
    %slice3A_190 = vector.extract_strided_slice %get3A_189 {offsets = [0, 0], sizes = [900, 1], strides = [1, 1]} : vector<960x1xf32> to vector<900x1xf32>
    %div3A_191 = vector.broadcast %add3A_184 : f32 to vector<900x1xf32>
    %div3A_192 = arith.divf %slice3A_190, %div3A_191 : vector<900x1xf32>
    %mul3A_193 = arith.constant 5.000000e+00 : f32
    %mul3A_194 = vector.broadcast %mul3A_193 : f32 to vector<900x128xf32>
    %mul3A_195 = arith.mulf %mul3A_194, %add3A_86 : vector<900x128xf32>
    %mul3A_196 = arith.constant 2.000000e+00 : f32
    %mul3A_197 = vector.broadcast %mul3A_196 : f32 to vector<900x128xf32>
    %mul3A_198 = arith.mulf %mul3A_197, %dot_general3A_40 : vector<900x128xf32>
    %add3A_199 = arith.addf %mul3A_195, %mul3A_198 : vector<900x128xf32>
    %mul3A_200 = arith.constant 2.000000e+00 : f32
    %mul3A_201 = vector.broadcast %mul3A_200 : f32 to vector<900x128xf32>
    %mul3A_202 = arith.mulf %mul3A_201, %neg3A_173 : vector<900x128xf32>
    %add3A_203 = arith.addf %add3A_199, %mul3A_202 : vector<900x128xf32>
    %neg3A_204 = arith.constant 0.000000e+00 : f32
    %neg3A_205 = vector.broadcast %neg3A_204 : f32 to vector<900x1xf32>
    %neg3A_206 = arith.subf %neg3A_205, %div3A_192 : vector<900x1xf32>
    %mul3A_207 = arith.constant 1.000000e+00 : f32
    %mul3A_208 = vector.broadcast %mul3A_207 : f32 to vector<900x1xf32>
    %mul3A_209 = arith.mulf %mul3A_208, %neg3A_206 : vector<900x1xf32>
    %add3A_210 = vector.broadcast %mul3A_209 : vector<900x1xf32> to vector<900x128xf32>
    %add3A_211 = arith.addf %add3A_203, %add3A_210 : vector<900x128xf32>
    %get3A_212 = arith.index_cast %arg0 : i32 to index
    %get3A_213 = arith.constant 2 : index
    %get3A_214 = arith.constant 0 : index
    %get3A_215 = vector.load %arg4[%get3A_212, %get3A_213, %get3A_214] : memref<8x4x128xf32, #tpu.memory_space<vmem>>, vector<1x1x128xf32>
    %get3A_216 = vector.shape_cast %get3A_215 : vector<1x1x128xf32> to vector<1x128xf32>
    %get3A_217 = arith.index_cast %arg0 : i32 to index
    %get3A_218 = arith.constant 3 : index
    %get3A_219 = arith.constant 0 : index
    %get3A_220 = vector.load %arg4[%get3A_217, %get3A_218, %get3A_219] : memref<8x4x128xf32, #tpu.memory_space<vmem>>, vector<1x1x128xf32>
    %get3A_221 = vector.shape_cast %get3A_220 : vector<1x1x128xf32> to vector<1x128xf32>
    %mul3A_222 = arith.mulf %get3A_216, %get3A_221 : vector<1x128xf32>
    %lt3A = arith.constant 5.000000e-03 : f32
    %lt3A_223 = vector.broadcast %lt3A : f32 to vector<1x128xf32>
    %lt3A_224 = arith.cmpf olt, %mul3A_222, %lt3A_223 : vector<1x128xf32>
    %jit3A_225 = arith.constant 6 : i32
    %jit3A_226 = arith.constant 2 : i32
    %broadcast_in_dim3A = vector.broadcast %jit3A_225 : i32 to vector<1x128xi32>
    %broadcast_in_dim3A_227 = vector.broadcast %jit3A_226 : i32 to vector<1x128xi32>
    %select_n3A = arith.select %lt3A_224, %broadcast_in_dim3A, %broadcast_in_dim3A_227 : vector<1x128xi1>, vector<1x128xi32>
    %iota3A_228 = tpu.iota {dimensions = array<i32: 0>} : vector<900x128xi32>
    %broadcast_in_dim3A_229 = arith.constant 0.000000e+00 : f32
    %broadcast_in_dim3A_230 = vector.broadcast %broadcast_in_dim3A_229 : f32 to vector<900x128xf32>
    %reduce_min3A = arith.constant dense<0x7F800000> : vector<128xf32>
    %reduce_min3A_231 = vector.multi_reduction <minimumf>, %add3A_211, %reduce_min3A [0] : vector<900x128xf32> to vector<128xf32>
    %broadcast_in_dim3A_232 = vector.shape_cast %reduce_min3A_231 : vector<128xf32> to vector<1x128xf32>
    %eq3A_233 = vector.broadcast %broadcast_in_dim3A_232 : vector<1x128xf32> to vector<900x128xf32>
    %eq3A_234 = arith.cmpf oeq, %add3A_211, %eq3A_233 : vector<900x128xf32>
    %jit3A_235 = arith.constant 900 : i32
    %broadcast_in_dim3A_236 = vector.broadcast %jit3A_235 : i32 to vector<900x128xi32>
    %select_n3A_237 = arith.select %eq3A_234, %iota3A_228, %broadcast_in_dim3A_236 : vector<900x128xi1>, vector<900x128xi32>
    %reduce_min3A_238 = arith.constant dense<2147483647> : vector<128xi32>
    %reduce_min3A_239 = vector.multi_reduction <minsi>, %select_n3A_237, %reduce_min3A_238 [0] : vector<900x128xi32> to vector<128xi32>
    %broadcast_in_dim3A_240 = vector.shape_cast %reduce_min3A_239 : vector<128xi32> to vector<1x128xi32>
    %eq3A_241 = vector.broadcast %broadcast_in_dim3A_240 : vector<1x128xi32> to vector<900x128xi32>
    %eq3A_242 = arith.cmpi eq, %iota3A_228, %eq3A_241 : vector<900x128xi32>
    %gt3A = arith.constant 0 : i32
    %gt3A_243 = vector.broadcast %gt3A : i32 to vector<1x128xi32>
    %gt3A_244 = arith.cmpi sgt, %select_n3A, %gt3A_243 : vector<1x128xi32>
    %and3A = vector.broadcast %gt3A_244 : vector<1x128xi1> to vector<900x128xi1>
    %and3A_245 = arith.andi %eq3A_242, %and3A : vector<900x128xi1>
    %jit3A_246 = arith.constant 1.000000e+00 : f32
    %jit3A_247 = arith.constant 0.000000e+00 : f32
    %broadcast_in_dim3A_248 = vector.broadcast %jit3A_246 : f32 to vector<900x128xf32>
    %broadcast_in_dim3A_249 = vector.broadcast %jit3A_247 : f32 to vector<900x128xf32>
    %select_n3A_250 = arith.select %and3A_245, %broadcast_in_dim3A_248, %broadcast_in_dim3A_249 : vector<900x128xi1>, vector<900x128xf32>
    %max3A_251 = arith.maximumf %broadcast_in_dim3A_230, %select_n3A_250 : vector<900x128xf32>
    %jit3A_252 = arith.constant 0x7F800000 : f32
    %broadcast_in_dim3A_253 = vector.broadcast %jit3A_252 : f32 to vector<900x128xf32>
    %select_n3A_254 = arith.select %eq3A_242, %broadcast_in_dim3A_253, %add3A_211 : vector<900x128xi1>, vector<900x128xf32>
    %reduce_min3A_255 = arith.constant dense<0x7F800000> : vector<128xf32>
    %reduce_min3A_256 = vector.multi_reduction <minimumf>, %select_n3A_254, %reduce_min3A_255 [0] : vector<900x128xf32> to vector<128xf32>
    %broadcast_in_dim3A_257 = vector.shape_cast %reduce_min3A_256 : vector<128xf32> to vector<1x128xf32>
    %eq3A_258 = vector.broadcast %broadcast_in_dim3A_257 : vector<1x128xf32> to vector<900x128xf32>
    %eq3A_259 = arith.cmpf oeq, %select_n3A_254, %eq3A_258 : vector<900x128xf32>
    %jit3A_260 = arith.constant 900 : i32
    %broadcast_in_dim3A_261 = vector.broadcast %jit3A_260 : i32 to vector<900x128xi32>
    %select_n3A_262 = arith.select %eq3A_259, %iota3A_228, %broadcast_in_dim3A_261 : vector<900x128xi1>, vector<900x128xi32>
    %reduce_min3A_263 = arith.constant dense<2147483647> : vector<128xi32>
    %reduce_min3A_264 = vector.multi_reduction <minsi>, %select_n3A_262, %reduce_min3A_263 [0] : vector<900x128xi32> to vector<128xi32>
    %broadcast_in_dim3A_265 = vector.shape_cast %reduce_min3A_264 : vector<128xi32> to vector<1x128xi32>
    %eq3A_266 = vector.broadcast %broadcast_in_dim3A_265 : vector<1x128xi32> to vector<900x128xi32>
    %eq3A_267 = arith.cmpi eq, %iota3A_228, %eq3A_266 : vector<900x128xi32>
    %gt3A_268 = arith.constant 1 : i32
    %gt3A_269 = vector.broadcast %gt3A_268 : i32 to vector<1x128xi32>
    %gt3A_270 = arith.cmpi sgt, %select_n3A, %gt3A_269 : vector<1x128xi32>
    %and3A_271 = vector.broadcast %gt3A_270 : vector<1x128xi1> to vector<900x128xi1>
    %and3A_272 = arith.andi %eq3A_267, %and3A_271 : vector<900x128xi1>
    %jit3A_273 = arith.constant 1.000000e+00 : f32
    %jit3A_274 = arith.constant 0.000000e+00 : f32
    %broadcast_in_dim3A_275 = vector.broadcast %jit3A_273 : f32 to vector<900x128xf32>
    %broadcast_in_dim3A_276 = vector.broadcast %jit3A_274 : f32 to vector<900x128xf32>
    %select_n3A_277 = arith.select %and3A_272, %broadcast_in_dim3A_275, %broadcast_in_dim3A_276 : vector<900x128xi1>, vector<900x128xf32>
    %max3A_278 = arith.maximumf %max3A_251, %select_n3A_277 : vector<900x128xf32>
    %jit3A_279 = arith.constant 0x7F800000 : f32
    %broadcast_in_dim3A_280 = vector.broadcast %jit3A_279 : f32 to vector<900x128xf32>
    %select_n3A_281 = arith.select %eq3A_267, %broadcast_in_dim3A_280, %select_n3A_254 : vector<900x128xi1>, vector<900x128xf32>
    %reduce_min3A_282 = arith.constant dense<0x7F800000> : vector<128xf32>
    %reduce_min3A_283 = vector.multi_reduction <minimumf>, %select_n3A_281, %reduce_min3A_282 [0] : vector<900x128xf32> to vector<128xf32>
    %broadcast_in_dim3A_284 = vector.shape_cast %reduce_min3A_283 : vector<128xf32> to vector<1x128xf32>
    %eq3A_285 = vector.broadcast %broadcast_in_dim3A_284 : vector<1x128xf32> to vector<900x128xf32>
    %eq3A_286 = arith.cmpf oeq, %select_n3A_281, %eq3A_285 : vector<900x128xf32>
    %jit3A_287 = arith.constant 900 : i32
    %broadcast_in_dim3A_288 = vector.broadcast %jit3A_287 : i32 to vector<900x128xi32>
    %select_n3A_289 = arith.select %eq3A_286, %iota3A_228, %broadcast_in_dim3A_288 : vector<900x128xi1>, vector<900x128xi32>
    %reduce_min3A_290 = arith.constant dense<2147483647> : vector<128xi32>
    %reduce_min3A_291 = vector.multi_reduction <minsi>, %select_n3A_289, %reduce_min3A_290 [0] : vector<900x128xi32> to vector<128xi32>
    %broadcast_in_dim3A_292 = vector.shape_cast %reduce_min3A_291 : vector<128xi32> to vector<1x128xi32>
    %eq3A_293 = vector.broadcast %broadcast_in_dim3A_292 : vector<1x128xi32> to vector<900x128xi32>
    %eq3A_294 = arith.cmpi eq, %iota3A_228, %eq3A_293 : vector<900x128xi32>
    %gt3A_295 = arith.constant 2 : i32
    %gt3A_296 = vector.broadcast %gt3A_295 : i32 to vector<1x128xi32>
    %gt3A_297 = arith.cmpi sgt, %select_n3A, %gt3A_296 : vector<1x128xi32>
    %and3A_298 = vector.broadcast %gt3A_297 : vector<1x128xi1> to vector<900x128xi1>
    %and3A_299 = arith.andi %eq3A_294, %and3A_298 : vector<900x128xi1>
    %jit3A_300 = arith.constant 1.000000e+00 : f32
    %jit3A_301 = arith.constant 0.000000e+00 : f32
    %broadcast_in_dim3A_302 = vector.broadcast %jit3A_300 : f32 to vector<900x128xf32>
    %broadcast_in_dim3A_303 = vector.broadcast %jit3A_301 : f32 to vector<900x128xf32>
    %select_n3A_304 = arith.select %and3A_299, %broadcast_in_dim3A_302, %broadcast_in_dim3A_303 : vector<900x128xi1>, vector<900x128xf32>
    %max3A_305 = arith.maximumf %max3A_278, %select_n3A_304 : vector<900x128xf32>
    %jit3A_306 = arith.constant 0x7F800000 : f32
    %broadcast_in_dim3A_307 = vector.broadcast %jit3A_306 : f32 to vector<900x128xf32>
    %select_n3A_308 = arith.select %eq3A_294, %broadcast_in_dim3A_307, %select_n3A_281 : vector<900x128xi1>, vector<900x128xf32>
    %reduce_min3A_309 = arith.constant dense<0x7F800000> : vector<128xf32>
    %reduce_min3A_310 = vector.multi_reduction <minimumf>, %select_n3A_308, %reduce_min3A_309 [0] : vector<900x128xf32> to vector<128xf32>
    %broadcast_in_dim3A_311 = vector.shape_cast %reduce_min3A_310 : vector<128xf32> to vector<1x128xf32>
    %eq3A_312 = vector.broadcast %broadcast_in_dim3A_311 : vector<1x128xf32> to vector<900x128xf32>
    %eq3A_313 = arith.cmpf oeq, %select_n3A_308, %eq3A_312 : vector<900x128xf32>
    %jit3A_314 = arith.constant 900 : i32
    %broadcast_in_dim3A_315 = vector.broadcast %jit3A_314 : i32 to vector<900x128xi32>
    %select_n3A_316 = arith.select %eq3A_313, %iota3A_228, %broadcast_in_dim3A_315 : vector<900x128xi1>, vector<900x128xi32>
    %reduce_min3A_317 = arith.constant dense<2147483647> : vector<128xi32>
    %reduce_min3A_318 = vector.multi_reduction <minsi>, %select_n3A_316, %reduce_min3A_317 [0] : vector<900x128xi32> to vector<128xi32>
    %broadcast_in_dim3A_319 = vector.shape_cast %reduce_min3A_318 : vector<128xi32> to vector<1x128xi32>
    %eq3A_320 = vector.broadcast %broadcast_in_dim3A_319 : vector<1x128xi32> to vector<900x128xi32>
    %eq3A_321 = arith.cmpi eq, %iota3A_228, %eq3A_320 : vector<900x128xi32>
    %gt3A_322 = arith.constant 3 : i32
    %gt3A_323 = vector.broadcast %gt3A_322 : i32 to vector<1x128xi32>
    %gt3A_324 = arith.cmpi sgt, %select_n3A, %gt3A_323 : vector<1x128xi32>
    %and3A_325 = vector.broadcast %gt3A_324 : vector<1x128xi1> to vector<900x128xi1>
    %and3A_326 = arith.andi %eq3A_321, %and3A_325 : vector<900x128xi1>
    %jit3A_327 = arith.constant 1.000000e+00 : f32
    %jit3A_328 = arith.constant 0.000000e+00 : f32
    %broadcast_in_dim3A_329 = vector.broadcast %jit3A_327 : f32 to vector<900x128xf32>
    %broadcast_in_dim3A_330 = vector.broadcast %jit3A_328 : f32 to vector<900x128xf32>
    %select_n3A_331 = arith.select %and3A_326, %broadcast_in_dim3A_329, %broadcast_in_dim3A_330 : vector<900x128xi1>, vector<900x128xf32>
    %max3A_332 = arith.maximumf %max3A_305, %select_n3A_331 : vector<900x128xf32>
    %jit3A_333 = arith.constant 0x7F800000 : f32
    %broadcast_in_dim3A_334 = vector.broadcast %jit3A_333 : f32 to vector<900x128xf32>
    %select_n3A_335 = arith.select %eq3A_321, %broadcast_in_dim3A_334, %select_n3A_308 : vector<900x128xi1>, vector<900x128xf32>
    %reduce_min3A_336 = arith.constant dense<0x7F800000> : vector<128xf32>
    %reduce_min3A_337 = vector.multi_reduction <minimumf>, %select_n3A_335, %reduce_min3A_336 [0] : vector<900x128xf32> to vector<128xf32>
    %broadcast_in_dim3A_338 = vector.shape_cast %reduce_min3A_337 : vector<128xf32> to vector<1x128xf32>
    %eq3A_339 = vector.broadcast %broadcast_in_dim3A_338 : vector<1x128xf32> to vector<900x128xf32>
    %eq3A_340 = arith.cmpf oeq, %select_n3A_335, %eq3A_339 : vector<900x128xf32>
    %jit3A_341 = arith.constant 900 : i32
    %broadcast_in_dim3A_342 = vector.broadcast %jit3A_341 : i32 to vector<900x128xi32>
    %select_n3A_343 = arith.select %eq3A_340, %iota3A_228, %broadcast_in_dim3A_342 : vector<900x128xi1>, vector<900x128xi32>
    %reduce_min3A_344 = arith.constant dense<2147483647> : vector<128xi32>
    %reduce_min3A_345 = vector.multi_reduction <minsi>, %select_n3A_343, %reduce_min3A_344 [0] : vector<900x128xi32> to vector<128xi32>
    %broadcast_in_dim3A_346 = vector.shape_cast %reduce_min3A_345 : vector<128xi32> to vector<1x128xi32>
    %eq3A_347 = vector.broadcast %broadcast_in_dim3A_346 : vector<1x128xi32> to vector<900x128xi32>
    %eq3A_348 = arith.cmpi eq, %iota3A_228, %eq3A_347 : vector<900x128xi32>
    %gt3A_349 = arith.constant 4 : i32
    %gt3A_350 = vector.broadcast %gt3A_349 : i32 to vector<1x128xi32>
    %gt3A_351 = arith.cmpi sgt, %select_n3A, %gt3A_350 : vector<1x128xi32>
    %and3A_352 = vector.broadcast %gt3A_351 : vector<1x128xi1> to vector<900x128xi1>
    %and3A_353 = arith.andi %eq3A_348, %and3A_352 : vector<900x128xi1>
    %jit3A_354 = arith.constant 1.000000e+00 : f32
    %jit3A_355 = arith.constant 0.000000e+00 : f32
    %broadcast_in_dim3A_356 = vector.broadcast %jit3A_354 : f32 to vector<900x128xf32>
    %broadcast_in_dim3A_357 = vector.broadcast %jit3A_355 : f32 to vector<900x128xf32>
    %select_n3A_358 = arith.select %and3A_353, %broadcast_in_dim3A_356, %broadcast_in_dim3A_357 : vector<900x128xi1>, vector<900x128xf32>
    %max3A_359 = arith.maximumf %max3A_332, %select_n3A_358 : vector<900x128xf32>
    %jit3A_360 = arith.constant 0x7F800000 : f32
    %broadcast_in_dim3A_361 = vector.broadcast %jit3A_360 : f32 to vector<900x128xf32>
    %select_n3A_362 = arith.select %eq3A_348, %broadcast_in_dim3A_361, %select_n3A_335 : vector<900x128xi1>, vector<900x128xf32>
    %reduce_min3A_363 = arith.constant dense<0x7F800000> : vector<128xf32>
    %reduce_min3A_364 = vector.multi_reduction <minimumf>, %select_n3A_362, %reduce_min3A_363 [0] : vector<900x128xf32> to vector<128xf32>
    %broadcast_in_dim3A_365 = vector.shape_cast %reduce_min3A_364 : vector<128xf32> to vector<1x128xf32>
    %eq3A_366 = vector.broadcast %broadcast_in_dim3A_365 : vector<1x128xf32> to vector<900x128xf32>
    %eq3A_367 = arith.cmpf oeq, %select_n3A_362, %eq3A_366 : vector<900x128xf32>
    %jit3A_368 = arith.constant 900 : i32
    %broadcast_in_dim3A_369 = vector.broadcast %jit3A_368 : i32 to vector<900x128xi32>
    %select_n3A_370 = arith.select %eq3A_367, %iota3A_228, %broadcast_in_dim3A_369 : vector<900x128xi1>, vector<900x128xi32>
    %reduce_min3A_371 = arith.constant dense<2147483647> : vector<128xi32>
    %reduce_min3A_372 = vector.multi_reduction <minsi>, %select_n3A_370, %reduce_min3A_371 [0] : vector<900x128xi32> to vector<128xi32>
    %broadcast_in_dim3A_373 = vector.shape_cast %reduce_min3A_372 : vector<128xi32> to vector<1x128xi32>
    %eq3A_374 = vector.broadcast %broadcast_in_dim3A_373 : vector<1x128xi32> to vector<900x128xi32>
    %eq3A_375 = arith.cmpi eq, %iota3A_228, %eq3A_374 : vector<900x128xi32>
    %gt3A_376 = arith.constant 5 : i32
    %gt3A_377 = vector.broadcast %gt3A_376 : i32 to vector<1x128xi32>
    %gt3A_378 = arith.cmpi sgt, %select_n3A, %gt3A_377 : vector<1x128xi32>
    %and3A_379 = vector.broadcast %gt3A_378 : vector<1x128xi1> to vector<900x128xi1>
    %and3A_380 = arith.andi %eq3A_375, %and3A_379 : vector<900x128xi1>
    %jit3A_381 = arith.constant 1.000000e+00 : f32
    %jit3A_382 = arith.constant 0.000000e+00 : f32
    %broadcast_in_dim3A_383 = vector.broadcast %jit3A_381 : f32 to vector<900x128xf32>
    %broadcast_in_dim3A_384 = vector.broadcast %jit3A_382 : f32 to vector<900x128xf32>
    %select_n3A_385 = arith.select %and3A_380, %broadcast_in_dim3A_383, %broadcast_in_dim3A_384 : vector<900x128xi1>, vector<900x128xf32>
    %max3A_386 = arith.maximumf %max3A_359, %select_n3A_385 : vector<900x128xf32>
    %reduce_sum3A = arith.constant dense<0.000000e+00> : vector<900xf32>
    %reduce_sum3A_387 = vector.multi_reduction <add>, %max3A_386, %reduce_sum3A [1] : vector<900x128xf32> to vector<900xf32>
    %broadcast_in_dim3A_388 = vector.shape_cast %reduce_sum3A_387 : vector<900xf32> to vector<900x1xf32>
    %gt3A_389 = arith.constant 1.500000e+00 : f32
    %gt3A_390 = vector.broadcast %gt3A_389 : f32 to vector<900x1xf32>
    %gt3A_391 = arith.cmpf ogt, %broadcast_in_dim3A_388, %gt3A_390 : vector<900x1xf32>
    %gt3A_392 = arith.constant 5.000000e-01 : f32
    %gt3A_393 = vector.broadcast %gt3A_392 : f32 to vector<900x128xf32>
    %gt3A_394 = arith.cmpf ogt, %max3A_386, %gt3A_393 : vector<900x128xf32>
    %jit3A_395 = arith.constant 0x7F800000 : f32
    %broadcast_in_dim3A_396 = vector.broadcast %jit3A_395 : f32 to vector<900x128xf32>
    %select_n3A_397 = arith.select %gt3A_394, %add3A_211, %broadcast_in_dim3A_396 : vector<900x128xi1>, vector<900x128xf32>
    %reduce_min3A_398 = arith.constant dense<0x7F800000> : vector<900xf32>
    %reduce_min3A_399 = vector.multi_reduction <minimumf>, %select_n3A_397, %reduce_min3A_398 [1] : vector<900x128xf32> to vector<900xf32>
    %broadcast_in_dim3A_400 = vector.shape_cast %reduce_min3A_399 : vector<900xf32> to vector<900x1xf32>
    %iota3A_401 = tpu.iota {dimensions = array<i32: 1>} : vector<900x128xi32>
    %eq3A_402 = vector.broadcast %broadcast_in_dim3A_400 : vector<900x1xf32> to vector<900x128xf32>
    %eq3A_403 = arith.cmpf oeq, %select_n3A_397, %eq3A_402 : vector<900x128xf32>
    %jit3A_404 = arith.constant 128 : i32
    %broadcast_in_dim3A_405 = vector.broadcast %jit3A_404 : i32 to vector<900x128xi32>
    %select_n3A_406 = arith.select %eq3A_403, %iota3A_401, %broadcast_in_dim3A_405 : vector<900x128xi1>, vector<900x128xi32>
    %reduce_min3A_407 = arith.constant dense<2147483647> : vector<900xi32>
    %reduce_min3A_408 = vector.multi_reduction <minsi>, %select_n3A_406, %reduce_min3A_407 [1] : vector<900x128xi32> to vector<900xi32>
    %broadcast_in_dim3A_409 = vector.shape_cast %reduce_min3A_408 : vector<900xi32> to vector<900x1xi32>
    %eq3A_410 = vector.broadcast %broadcast_in_dim3A_409 : vector<900x1xi32> to vector<900x128xi32>
    %eq3A_411 = arith.cmpi eq, %iota3A_401, %eq3A_410 : vector<900x128xi32>
    %jit3A_412 = arith.constant 1.000000e+00 : f32
    %jit3A_413 = arith.constant 0.000000e+00 : f32
    %broadcast_in_dim3A_414 = vector.broadcast %jit3A_412 : f32 to vector<900x128xf32>
    %broadcast_in_dim3A_415 = vector.broadcast %jit3A_413 : f32 to vector<900x128xf32>
    %select_n3A_416 = arith.select %eq3A_411, %broadcast_in_dim3A_414, %broadcast_in_dim3A_415 : vector<900x128xi1>, vector<900x128xf32>
    %broadcast_in_dim3A_417 = vector.shape_cast %gt3A_391 : vector<900x1xi1> to vector<900x1xi1>
    %broadcast_in_dim3A_418 = vector.broadcast %broadcast_in_dim3A_417 : vector<900x1xi1> to vector<900x128xi1>
    %select_n3A_419 = arith.select %broadcast_in_dim3A_418, %select_n3A_416, %max3A_386 : vector<900x128xi1>, vector<900x128xf32>
    %convert_element_type3A_420 = arith.fptosi %select_n3A_419 : vector<900x128xf32> to vector<900x128xi8>
    %swap3A = arith.constant 0 : index
    %swap3A_421 = arith.constant 0 : index
    %swap3A_422 = arith.constant 0 : index
    %swap3A_423 = vector.load %arg7[%swap3A, %swap3A_421, %swap3A_422] : memref<1x900x128xi8, #tpu.memory_space<vmem>>, vector<1x900x128xi8>
    %swap3A_424 = vector.shape_cast %swap3A_423 : vector<1x900x128xi8> to vector<900x128xi8>
    %swap3A_425 = vector.shape_cast %convert_element_type3A_420 : vector<900x128xi8> to vector<1x900x128xi8>
    tpu.vector_store %arg7[%swap3A, %swap3A_421, %swap3A_422], %swap3A_425 {strides = array<i32>} : memref<1x900x128xi8, #tpu.memory_space<vmem>>, vector<1x900x128xi8>,
    %swap3A_426 = arith.constant 0 : index
    %swap3A_427 = arith.constant 0 : index
    %swap3A_428 = arith.constant 0 : index
    %swap3A_429 = vector.load %arg8[%swap3A_426, %swap3A_427, %swap3A_428] : memref<1x900x128xf32, #tpu.memory_space<vmem>>, vector<1x900x128xf32>
    %swap3A_430 = vector.shape_cast %swap3A_429 : vector<1x900x128xf32> to vector<900x128xf32>
    %swap3A_431 = vector.shape_cast %add3A_211 : vector<900x128xf32> to vector<1x900x128xf32>
    tpu.vector_store %arg8[%swap3A_426, %swap3A_427, %swap3A_428], %swap3A_431 {strides = array<i32>} : memref<1x900x128xf32, #tpu.memory_space<vmem>>, vector<1x900x128xf32>,
    return
  }
  func.func @transform_0(%arg0: i32) -> (i32, i32, i32) {
    %c0_i32 = arith.constant 0 : i32
    %c0_i32_0 = arith.constant 0 : i32
    %c0_i32_1 = arith.constant 0 : i32
    return %arg0, %c0_i32, %c0_i32_0 : i32, i32, i32
  }
  func.func @transform_1(%arg0: i32) -> (i32, i32, i32) {
    %c0_i32 = arith.constant 0 : i32
    %c0_i32_0 = arith.constant 0 : i32
    %c0_i32_1 = arith.constant 0 : i32
    return %arg0, %c0_i32, %c0_i32_0 : i32, i32, i32
  }
  func.func @transform_2(%arg0: i32) -> (i32, i32) {
    %c0_i32 = arith.constant 0 : i32
    %c0_i32_0 = arith.constant 0 : i32
    %c0_i32_1 = arith.constant 0 : i32
    return %c0_i32, %c0_i32_0 : i32, i32
  }
  func.func @transform_3(%arg0: i32) -> (i32, i32, i32) {
    %c0_i32 = arith.constant 0 : i32
    %c0_i32_0 = arith.constant 0 : i32
    %c0_i32_1 = arith.constant 0 : i32
    %c0_i32_2 = arith.constant 0 : i32
    return %c0_i32, %c0_i32_0, %c0_i32_1 : i32, i32, i32
  }
  func.func @transform_4(%arg0: i32) -> (i32, i32, i32) {
    %c0_i32 = arith.constant 0 : i32
    %c0_i32_0 = arith.constant 0 : i32
    %c0_i32_1 = arith.constant 0 : i32
    return %arg0, %c0_i32, %c0_i32_0 : i32, i32, i32
  }
  func.func @transform_5(%arg0: i32) -> (i32, i32, i32) {
    %c0_i32 = arith.constant 0 : i32
    %c0_i32_0 = arith.constant 0 : i32
    %c0_i32_1 = arith.constant 0 : i32
    return %arg0, %c0_i32, %c0_i32_0 : i32, i32, i32
  }
  func.func @transform_6(%arg0: i32) -> (i32, i32, i32) {
    %c0_i32 = arith.constant 0 : i32
    %c0_i32_0 = arith.constant 0 : i32
    %c0_i32_1 = arith.constant 0 : i32
    return %arg0, %c0_i32, %c0_i32_0 : i32, i32, i32
  }
  func.func @transform_7(%arg0: i32) -> (i32, i32, i32) {
    %c0_i32 = arith.constant 0 : i32
    %c0_i32_0 = arith.constant 0 : i32
    %c0_i32_1 = arith.constant 0 : i32
    return %arg0, %c0_i32, %c0_i32_0 : i32, i32, i32
  }
}

</mosaic_0001>

<sc_bundles>
// kernel: kernel.4.cloned.1.call-start
scs
__scs_entry_jumppad:
0x0: {  	(pc) =	sbr.rel $0x88, $3  }
0x1: {  	(tag) =	ssettag $0x0;
	lr =	simm.s32 $0x1  }
0x2: {  	[smem:$0x3F9C] =	sst lr;
	_ =	strace $0xD0000000  }
0x3: {  	_ = 	snop  }
0x4: {  	_ = 	snop  }
0x5: {  	_ = 	snop  }
0x6: {  	_ = 	snop  }
0x7: {  	_ = 	snop  }
__scs_overlays_trampoline_lowered:
0x8: {  	[smem:$0x3FAB] =	sst s0  }
0x9: {  	[smem:$0x3FAC] =	sst s1  }
0xa: {  	[smem:$0x3FAD] =	sst s2  }
0xb: {  	[smem:$0x3FAE] =	sst s3  }
0xc: {  	[smem:$0x3FAF] =	sst s4  }
0xd: {  	[smem:$0x3FB0] =	sst s5  }
0xe: {  	[smem:$0x3FB1] =	sst s6  }
0xf: {  	[smem:$0x3FB2] =	sst s7  }
0x10: {  	[smem:$0x3FB3] =	sst s8  }
0x11: {  	[smem:$0x3FB4] =	sst s9;
	s0 =	simm.s32 @!p0 $0x0  }
0x12: {  	s1 =	sld [smem:$0x3F9A];
	s0 =	simm.s32 @p0 $0x1  }
0x13: {  	[smem:$0x3FB5] =	sst s0;
	s0 =	simm.s32 @!p1 $0x0  }
0x14: {  	s2 =	sld [smem:$0x3F99];
	s0 =	simm.s32 @p1 $0x1  }
0x15: {  	[smem:$0x3FB6] =	sst s0;
	s0 =	simm.s32 @!p2 $0x0  }
0x16: {  	s3 =	sld [smem:$0x3FDB];
	s0 =	simm.s32 @p2 $0x1  }
0x17: {  	s4 =	simm.s32 $0x1BF5;
	[smem:$0x3FB8] =	sst s0  }
0x18: {  	s0 =	sld [smem:$0x3F9B];
	_ =	swait.ge [sflag:s4], $0x0  }
0x19: {  	s7 =	sld [smem:$0x3F9C]  }
0x1a: {  	s8 =	sadd.s32 $0xFFFFE003, lr  }
0x1b: {  	s9 =	sadd.s32 $0xFFFFFEF7, lr;
	s5 =	simm.s32 $0xFFFFFFFF;
	p2 =	slt.u32 s8, $0xFFFFF086  }
0x1c: {  	p1 =	slt.u32 s9, $0xF7A;
	s5 =	simm.s32 @!p2 $0x0  }
0x1d: {  	s5 =	simm.s32 @p1 $0x1;
	p0 =	seq.s32 s7, s2  }
0x1e: {  	s7 =	smul.u32 @!p0 $0xF7A, s2;
	p2 =	seq.s32 @!p0 s5, $0x0  }
0x1f: {  	s9 =	smul.u32 $0xF7A, s1;
	s8 =	simm.s32 @!p0 $0x1BF5;
	p2 =	por !p2, p0  }
0x20: {  	[sflag:s8] =	ssyncset.s32 @!p0 $0xFFFFF086;
	s6 =	sadd.s32 @!p0 s3, s7;
	s7 =	simm.s32 @!p0 $0x108  }
0x21: {  	s3 =	sadd.s32 s3, s9;
	s6 =	sadd.s32 @!p0 $0x88, s6;
	s7 =	simm.s32 @p2 $0x1082  }
0x22: {  	[simem:s7], [sflag:s8] =	dma.local @!p0 [hbm:s6], $0xF7A  }
0x23: {  	s9 =	sor.u32 $0xD0000000, s2;
	s6 =	simm.s32 $0x108;
	_ =	swait.ge @!p0 [sflag:s8], $0x0  }
0x24: {  	s3 =	sadd.s32 $0x88, s3;
	s6 =	simm.s32 @!p1 $0x1082;
	[sflag:s4] =	ssyncset.s32 $0xFFFFF086  }
0x25: {  	[simem:s6], [sflag:s4] =	dma.local [hbm:s3], $0xF7A  }
0x26: {  	[smem:$0x3F9C] =	sst s1;
	(tag) =	ssettag s2;
	_ =	strace s9  }
0x27: {  	s1 =	sld [smem:$0x3FAC]  }
0x28: {  	s2 =	sld [smem:$0x3FAD]  }
0x29: {  	s4 =	sld [smem:$0x3FAF]  }
0x2a: {  	p0 =	seq.s32 s5, $0x0;
	s5 =	sld [smem:$0x3FB0]  }
0x2b: {  	s6 =	sld [smem:$0x3FB1]  }
0x2c: {  	s7 =	sld [smem:$0x3FB2]  }
0x2d: {  	s3 =	simm.s32 $0x108;
	s8 =	sld [smem:$0x3FB3]  }
0x2e: {  	s3 =	simm.s32 @!p0 $0x1082;
	s9 =	sld [smem:$0x3FB4]  }
0x2f: {  	lr =	sadd.s32 s0, s3;
	s0 =	sld [smem:$0x3FAB]  }
0x30: {  	s3 =	sld [smem:$0x3FAE]  }
0x31: {  	[smem:$0x3FB7] =	sst s10  }
0x32: {  	s10 =	sld [smem:$0x3FB5];
	_ =	sdelay $0x3  }
0x33: {  	p0 =	seq.s32 s10, $0x1;
	s10 =	sld [smem:$0x3FB7];
	_ =	sdelay $0x3  }
0x34: {  	[smem:$0x3FB7] =	sst s10  }
0x35: {  	s10 =	sld [smem:$0x3FB6];
	_ =	sdelay $0x3  }
0x36: {  	p1 =	seq.s32 s10, $0x1;
	s10 =	sld [smem:$0x3FB7];
	_ =	sdelay $0x3  }
0x37: {  	[smem:$0x3FB7] =	sst s10  }
0x38: {  	s10 =	sld [smem:$0x3FB8]  }
0x39: {  	_ = 	snop;
	(pc) =	sbr.ind lr, $3  }
0x3a: {  	_ = 	snop  }
0x3b: {  	_ = 	snop  }
0x3c: {  	p2 =	seq.s32 s10, $0x1;
	s10 =	sld [smem:$0x3FB7]  }
0x3d: {  	_ =	shalt  }
0x3e: {  	_ =	shalt  }
0x3f: {  	_ =	shalt  }
0x40: {  	_ =	shalt  }
0x41: {  	_ =	shalt  }
0x42: {  	_ =	shalt  }
0x43: {  	_ =	shalt  }
0x44: {  	_ =	shalt  }
0x45: {  	_ =	shalt  }
0x46: {  	_ =	shalt  }
0x47: {  	_ =	shalt  }
0x48: {  	_ =	shalt  }
0x49: {  	_ =	shalt  }
0x4a: {  	_ =	shalt  }
0x4b: {  	_ =	shalt  }
0x4c: {  	_ =	shalt  }
0x4d: {  	_ =	shalt  }
0x4e: {  	_ =	shalt  }
0x4f: {  	_ =	shalt  }
0x50: {  	_ =	shalt  }
0x51: {  	_ =	shalt  }
0x52: {  	_ =	shalt  }
0x53: {  	_ =	shalt  }
0x54: {  	_ =	shalt  }
0x55: {  	_ =	shalt  }
0x56: {  	_ =	shalt  }
0x57: {  	_ =	shalt  }
0x58: {  	_ =	shalt  }
0x59: {  	_ =	shalt  }
0x5a: {  	_ =	shalt  }
0x5b: {  	_ =	shalt  }
0x5c: {  	_ =	shalt  }
0x5d: {  	_ =	shalt  }
0x5e: {  	_ =	shalt  }
0x5f: {  	_ =	shalt  }
0x60: {  	_ =	shalt  }
0x61: {  	_ =	shalt  }
0x62: {  	_ =	shalt  }
0x63: {  	_ =	shalt  }
0x64: {  	_ =	shalt  }
0x65: {  	_ =	shalt  }
0x66: {  	_ =	shalt  }
0x67: {  	_ =	shalt  }
0x68: {  	_ =	shalt  }
0x69: {  	_ =	shalt  }
0x6a: {  	_ =	shalt  }
0x6b: {  	_ =	shalt  }
0x6c: {  	_ =	shalt  }
0x6d: {  	_ =	shalt  }
0x6e: {  	_ =	shalt  }
0x6f: {  	_ =	shalt  }
0x70: {  	_ =	shalt  }
0x71: {  	_ =	shalt  }
0x72: {  	_ =	shalt  }
0x73: {  	_ =	shalt  }
0x74: {  	_ =	shalt  }
0x75: {  	_ =	shalt  }
0x76: {  	_ =	shalt  }
0x77: {  	_ =	shalt  }
0x78: {  	_ =	shalt  }
0x79: {  	_ =	shalt  }
0x7a: {  	_ =	shalt  }
0x7b: {  	_ =	shalt  }
0x7c: {  	_ =	shalt  }
0x7d: {  	_ =	shalt  }
0x7e: {  	_ =	shalt  }
0x7f: {  	_ =	shalt  }
0x80: {  	_ =	shalt  }
0x81: {  	_ =	shalt  }
0x82: {  	_ =	shalt  }
0x83: {  	_ =	shalt  }
0x84: {  	_ =	shalt  }
0x85: {  	_ =	shalt  }
0x86: {  	_ =	shalt  }
0x87: {  	_ =	shalt  }
.Lfunc_end0:
.L_simem_size_0:
called_computation_lowered:
.L_overlay_start_0:
0x88: {  	s2 =	sld [smem:$0x3FD9]  }
0x89: {  	s3 =	sld [smem:$0x3FFE];
	_ =	sdelay $0x1  }
0x8a: {  	s1 =	srdreg.scid  }
0x8b: {  	s0 =	sand.u32 $0x1, s1  }
0x8c: {  	s14 =	sshll.u32 s0, $0xA;
	s2 =	sadd.s32 s3, s2  }
0x8d: {  	s2 =	sadd.s32 s2, s14  }
0x8e: {  	[smem:$0x3FC3] =	sst s2  }
0x8f: {  	_ = 	snop  }
0x90: {  	s2 =	sld [smem:$0x3FD0];
	_ =	sdelay $0x2  }
0x91: {  	s15 =	simm.s32 $0xA;
	s4 =	simm.s32 $0x10  }
0x92: {  	[smem:s4], [sflag:s15] =	dma.local [hbm:s2], $0x1  }
0x93: {  	_ =	swait.eq [sflag:s15], $0x1  }
0x94: {  	[sflag:s15] =	ssyncset.done $0x0  }
0x95: {  	s16 =	sld [smem:$0x10];
	[sflag:s15] =	ssyncadd.s32 $0xFFFFFFFF  }
0x96: {  	s17 =	sld [smem:$0x11];
	(tm) =	ssettm $0x1  }
0x97: {  	s18 =	sld [smem:$0x3FFB];
	_ =	sdelay $0x3  }
0x98: {  	_ =	strace s18  }
0x99: {  	s4 =	sld [smem:$0x3FFC];
	_ =	sdelay $0x3  }
0x9a: {  	_ =	strace s4  }
0x9b: {  	s4 =	sld [smem:$0x3FFD];
	_ =	sdelay $0x3  }
0x9c: {  	_ =	strace s4  }
0x9d: {  	_ =	strace $0x8FFFFFFF  }
0x9e: {  	s19 =	sld [smem:$0x3FDB];
	_ =	sdelay $0x1  }
0x9f: {  	s5 =	simm.s32 $_scs_section_size  }
0xa0: {  	s6 =	simm.s32 $_size__tile_overlayer_lowered;
	s7 =	simm.s32 $_tile_overlayer_lowered  }
0xa1: {  	s22 =	simm.s32 $0x1BFF;
	s21 =	sshll.u32 s7, $0x1;
	s4 =	sadd.s32 s5, s19  }
0xa2: {  	s8 =	simm.s32 $0x0;
	s20 =	sshll.u32 s6, $0x1;
	s6 =	sadd.s32 s21, s4  }
0xa3: {  	[timem:s8], [sflag:s22] =	dma.local [hbm:s6], s20  }
0xa4: {  	_ =	swait.ge [sflag:s22], s20  }
0xa5: {  	s5 =	ssub.s32 $0x0, s20;
	[sflag:s22] =	ssyncset.done $0x0  }
0xa6: {  	[sflag:s22] =	ssyncadd.s32 s5;
	_ =	sdelay $0x1  }
0xa7: {  	s23 =	simm.s32 $0x1B8B  }
0xa8: {  	_ =	swait.ge [sflag:s23], $0x1  }
0xa9: {  	[sflag:s23] =	ssyncset.done $0x0  }
0xaa: {  	s25 =	simm.s32 $0x1B8E;
	s24 =	sld [smem:$0x3FFE];
	[sflag:s23] =	ssyncadd.s32 $0xFFFFFFFF  }
0xab: {  	s26 =	simm.s32 $execute0_lowered;
	[smem:$0x3FD2] =	sst s25  }
0xac: {  	s6 =	sshll.u32 s26, $0x1;
	_ =	strace $0x80000046;
	[dreg:$0x1] =	wrdreg $0xFFFFFFFF  }
0xad: {  	s28 =	simm.s32 $_size_execute0_lowered;
	s4 =	sadd.s32 s4, s6;
	[dreg:$0x0] =	wrdreg $0x0  }
0xae: {  	s6 =	sshll.u32 s28, $0x1;
	[dreg:$0x2] =	wrdreg s4  }
0xaf: {  	[dreg:$0x3] =	wrdreg s6  }
0xb0: {  	[dreg:$0x4] =	wrdreg $0xC0  }
0xb1: {  	_ =	task [dreg:s8], $0x5FFFF  }
0xb2: {  	[dreg:$0x1] =	wrdreg $0xFFFFFFFF  }
0xb3: {  	[dreg:$0x0] =	wrdreg $0x60  }
0xb4: {  	[dreg:$0x2] =	wrdreg s16  }
0xb5: {  	[dreg:$0x3] =	wrdreg s24  }
0xb6: {  	[dreg:$0x4] =	wrdreg s17  }
0xb7: {  	[dreg:$0x5] =	wrdreg $0x9  }
0xb8: {  	_ =	task.clear_ibuf [dreg:s8], $0x6FFFF;
	_ =	strace $0x90000046  }
0xb9: {  	s29 =	simm.s32 $0x9;
	_ =	strace $0x80000048  }
0xba: {  	_ =	swait.ge [sflag:s29], $0x1  }
0xbb: {  	[sflag:s29] =	ssyncadd.s32 $0xFFFFFFFF  }
0xbc: {  	_ =	strace $0x90000048  }
0xbd: {  	_ =	sfence  }
0xbe: {  	s30 =	sld [smem:$0x0];
	_ =	sdelay $0x2  }
0xbf: {  	s31 =	sshll.u32 s1, $0xD;
	s1 =	sshrl.u32 s1, $0x2  }
0xc0: {  	s3 =	sand.u32 $0x4000, s31;
	s1 =	sadd.s32 s1, s30  }
0xc1: {  	s0 =	sor.u32 s3, s0;
	s1 =	sshll.u32 s1, $0x11  }
0xc2: {  	s0 =	sor.u32 s1, s0  }
0xc3: {  	s0 =	sadd.s32 $0x8F2B, s0  }
0xc4: {  	[sflag:s0] =	ssyncadd.remote.s32 $0x1  }
0xc5: {  	_ =	sfence.sel $0xFFFF  }
0xc6: {  	[dreg:$0x0] =	wrdreg $0xFFFFFFFF;
	(pc) =	sbr.abs _section_cstart, $3  }
0xc7: {  	[dreg:$0x1] =	wrdreg $0xFFFFFFFF  }
0xc8: {  	_ =	task.clear_ibuf [dreg:s8], $0x2FFFF;
	_ =	strace $0x9FFFFFFF  }
0xc9: {  	(tm) =	ssettm $0x7FFFFFFF  }
tec
execute0_lowered:
.L_overlay_start_1:
0x0: {  	(tag) =	ssettag $0x1  }
0x1: {  	s4 =	rddreg [dreg:$0x0]  }
0x2: {  	s5 =	rddreg [dreg:$0x1]  }
0x3: {  	s1 =	rddreg [dreg:$0x2];
	s2 =	simm.s32 $0x0  }
0x4: {  	[smem:$0x7FF] =	sst s2  }
0x5: {  	s0 =	rddreg [dreg:$0x3];
	v0 =	vimm.f32 $2.000000000e+00;
	_ =	strace $0x80000047  }
0x6: {  	(erf) = vrcp.f32 v0;
	_ =	sdelay $0x1  }
0x7: {  	s6 =	srdreg.scid;
	s3 =	stileid.u32  }
0x8: {  	s10 =	simm.s32 $0x3C0;
	s6 =	sand.u32 $0x1, s6;
	s7 =	sshll.u32 s3, $0x1  }
0x9: {  	s11 =	simm.s32 $0x200;
	s13 =	simm.s32 $0x1;
	s7 =	sor.u32 s6, s7  }
0xa: {  	s31 =	sshll.u32 s3, $0xF;
	s6 =	ssub.s32 $0x2, s6;
	s7 =	smul.u32 $0x1E, s7  }
0xb: {  	s14 =	simm.s32 $0xA00;
	s12 =	sand.u32 $0x70000, s31;
	s8 =	sshrl.u32 s6, $0x1  }
0xc: {  	v1 =	vmov s12;
	s12 =	simm.s32 $0x600;
	s8 =	ssub.s32 s6, s8;
	s9 =	sadd.s32 s7, s5  }
0xd: {  	s4 =	sadd.s32 s4, s7;
	s7 =	smax.u32 s8, $0x1;
	s8 =	simm.s32 $0x2  }
0xe: {  	v2 =	vimm.s32 $0x0;
	s5 =	sadd.s32 $0x600, s9;
	s6 =	sadd.s32 $0xA00, s9;
	s9 =	simm.s32 $0x100;
	v0 =	vpop (erf)  }
.LBB2_1:
0xf: {  	[tilespmem:s2], [sflag:$0x2] =	stream.linear.gather [hbm4b:s4+s2], $0xF0, $0x38;
	[tilespmem:$0xB00] =	vst v63  }
0x10: {  	_ =	swait.ge [sflag:s8], $0xF0  }
0x11: {  	[sflag:s8] =	ssyncset.done $0x0  }
0x12: {  	[sflag:s8] =	ssyncadd.s32 $0xFFFFFF10  }
0x13: {  	[tilespmem:s9], [sflag:$0x2] =	stream.linear.gather [hbm4b:s5+s2], $0xF0, $0x38;
	[tilespmem:$0xB00] =	vst v63  }
0x14: {  	_ =	swait.ge [sflag:s8], $0xF0  }
0x15: {  	[sflag:s8] =	ssyncset.done $0x0  }
0x16: {  	[sflag:s8] =	ssyncadd.s32 $0xFFFFFF10  }
0x17: {  	v3 =	vld [tilespmem:$0x0]  }
0x18: {  	v4 =	vld [tilespmem:$0x100]  }
0x19: {  	v6 =	vld [tilespmem:$0x110];
	_ =	sdelay $0x3  }
0x1a: {  	v3 =	vadd.f32 v3, v3  }
0x1b: {  	v4 =	vadd.f32 v4, v4;
	v6 =	vadd.f32 v6, v6  }
0x1c: {  	v5 =	vld [tilespmem:$0x10];
	v3 =	vadd.f32 $-1.000000000e+00, v3  }
0x1d: {  	v24 =	vld [tilespmem:$0x20];
	v4 =	vadd.f32 $-1.000000000e+00, v4;
	v6 =	vadd.f32 $-1.000000000e+00, v6  }
0x1e: {  	v12 =	vld [tilespmem:$0x120];
	v3 =	vadd.f32 $1.000000000e+00, v3  }
0x1f: {  	v16 =	vld [tilespmem:$0x130];
	v4 =	vadd.f32 $1.000000000e+00, v4;
	v6 =	vadd.f32 $1.000000000e+00, v6  }
0x20: {  	v51 =	vld [tilespmem:$0x40];
	v3 =	vmul.f32 $2.560000000e+02, v3  }
0x21: {  	v20 =	vadd.f32 v5, v5;
	v4 =	vmul.f32 $2.560000000e+02, v4;
	v6 =	vmul.f32 $2.560000000e+02, v6  }
0x22: {  	v29 =	vadd.f32 v24, v24;
	v3 =	vadd.f32 $-1.000000000e+00, v3  }
0x23: {  	v4 =	vadd.f32 $-1.000000000e+00, v4;
	v6 =	vadd.f32 $-1.000000000e+00, v6  }
0x24: {  	v12 =	vadd.f32 v12, v12;
	v16 =	vadd.f32 v16, v16;
	v3 =	vmul.f32 v3, v0  }
0x25: {  	v55 =	vadd.f32 v51, v51;
	v4 =	vmul.f32 v4, v0;
	v6 =	vmul.f32 v6, v0  }
0x26: {  	v32 =	vadd.f32 $-1.000000000e+00, v29;
	v36 =	vadd.f32 $-1.000000000e+00, v12;
	v7 =	vtrunc.f32 v3  }
0x27: {  	v46 =	vadd.f32 $-1.000000000e+00, v16;
	v8 =	vtrunc.f32 v4;
	v14 =	vtrunc.f32 v6  }
0x28: {  	v60 =	vld [tilespmem:$0x50];
	v35 =	vadd.f32 $1.000000000e+00, v32;
	v9 =	vcvt.f32.s32 v7;
	v10 =	vcvt.f32.s32 v8  }
0x29: {  	vm0 =	vlt.f32 v3, v7;
	vm15 =	vlt.f32 v4, v8;
	v4 =	vadd.f32 $-1.000000000e+00, v20  }
0x2a: {  	vm8 =	vlt.f32 v6, v14;
	v30 =	vcvt.f32.s32 v14;
	v3 =	vsel vm0, $0xFFFFFFFF, v2  }
0x2b: {  	v21 =	vsel vm15, $0xFFFFFFFF, v2;
	v31 =	vsel vm8, $0xFFFFFFFF, v2;
	v3 =	vadd.s32 v9, v3  }
0x2c: {  	v5 =	vadd.s32 v10, v21;
	v4 =	vadd.f32 $1.000000000e+00, v4;
	v33 =	vadd.s32 v30, v31  }
0x2d: {  	v10 =	vmul.f32 $2.560000000e+02, v35;
	v30 =	vadd.f32 v60, v60;
	v22 =	vadd.s32 $0x1, v3  }
0x2e: {  	vm4 =	vgt.s32 v3, $0x0;
	vm5 =	vgt.s32 v5, $0x0;
	v23 =	vadd.s32 $0x1, v5  }
0x2f: {  	vm10 =	vgt.s32 v33, $0x0;
	vm1 =	vgt.s32 v22, $0x0;
	v3 =	vnsel vm4, $0x0, v3  }
0x30: {  	v4 =	vmul.f32 $2.560000000e+02, v4;
	v5 =	vnsel vm5, $0x0, v5;
	vm6 =	vgt.s32 v23, $0x0  }
0x31: {  	v21 =	vld [tilespmem:$0x140];
	v38 =	vnsel vm10, $0x0, v33;
	v10 =	vadd.f32 $-1.000000000e+00, v10;
	v7 =	vnsel vm1, $0x0, v22  }
0x32: {  	v3 =	vmin.u32 v3, $0xFF;
	v5 =	vmin.u32 v5, $0xFF;
	v8 =	vnsel vm6, $0x0, v23  }
0x33: {  	v9 =	vmin.u32 v38, $0xFF;
	v7 =	vmin.u32 v7, $0xFF;
	v4 =	vadd.f32 $-1.000000000e+00, v4  }
0x34: {  	v8 =	vmin.u32 v8, $0xFF;
	v5 =	vshll.u32 v5, $0x8;
	v9 =	vshll.u32 v9, $0x8  }
0x35: {  	v10 =	vmul.f32 v10, v0;
	v25 =	vor.u32 v1, v5;
	v26 =	vshll.u32 v8, $0x8  }
0x36: {  	v41 =	vor.u32 v1, v9;
	v56 =	vadd.f32 v21, v21;
	v27 =	vmul.f32 v4, v0  }
0x37: {  	v11 =	vor.u32 v1, v26;
	v5 =	vor.u32 v3, v25;
	v4 =	vor.u32 v7, v25  }
0x38: {  	v42 =	vtrunc.f32 v10;
	v3 =	vor.u32 v3, v11;
	v6 =	vor.u32 v7, v11  }
0x39: {  	v7 =	vadd.s32 $0x1, v33;
	v11 =	vadd.f32 $1.000000000e+00, v36;
	v17 =	vcvt.f32.s32 v42  }
0x3a: {  	v39 =	vld [tilespmem:$0x30];
	vm13 =	vlt.f32 v10, v42;
	v28 =	vtrunc.f32 v27;
	vm12 =	vgt.s32 v7, $0x0  }
0x3b: {  	v25 =	vld [tilespmem:$0x150];
	v44 =	vsel vm13, $0xFFFFFFFF, v2;
	v13 =	vcvt.f32.s32 v28;
	vm7 =	vlt.f32 v27, v28  }
0x3c: {  	v7 =	vnsel vm12, $0x0, v7;
	v11 =	vmul.f32 $2.560000000e+02, v11;
	v12 =	vadd.s32 v17, v44  }
0x3d: {  	v8 =	vsel vm7, $0xFFFFFFFF, v2;
	v7 =	vmin.u32 v7, $0xFF;
	vm15 =	vgt.s32 v12, $0x0  }
0x3e: {  	v8 =	vadd.s32 v13, v8;
	v7 =	vshll.u32 v7, $0x8;
	v11 =	vadd.f32 $-1.000000000e+00, v11  }
0x3f: {  	v13 =	vadd.f32 v39, v39;
	v45 =	vnsel vm15, $0x0, v12;
	v12 =	vadd.s32 $0x1, v12  }
0x40: {  	v25 =	vadd.f32 v25, v25;
	vm9 =	vgt.s32 v8, $0x0;
	v15 =	vor.u32 v1, v7  }
0x41: {  	v47 =	vmin.u32 v45, $0xFF;
	vm5 =	vgt.s32 v12, $0x0;
	v34 =	vnsel vm9, $0x0, v8  }
0x42: {  	v39 =	vld [tilespmem:$0x60];
	v8 =	vadd.s32 $0x1, v8;
	v11 =	vmul.f32 v11, v0;
	v13 =	vadd.f32 $-1.000000000e+00, v13  }
0x43: {  	v12 =	vnsel vm5, $0x0, v12;
	v37 =	vmin.u32 v34, $0xFF;
	vm11 =	vgt.s32 v8, $0x0  }
0x44: {  	v49 =	vmin.u32 v12, $0xFF;
	v34 =	vadd.f32 $-1.000000000e+00, v25;
	v8 =	vnsel vm11, $0x0, v8  }
0x45: {  	v9 =	vor.u32 v37, v41;
	v7 =	vor.u32 v37, v15;
	v43 =	vtrunc.f32 v11  }
0x46: {  	v13 =	vadd.f32 $1.000000000e+00, v13;
	v40 =	vmin.u32 v8, $0xFF;
	v18 =	vcvt.f32.s32 v43  }
0x47: {  	vm14 =	vlt.f32 v11, v43;
	v44 =	vadd.f32 v39, v39;
	v8 =	vor.u32 v40, v41  }
0x48: {  	v11 =	vsel vm14, $0xFFFFFFFF, v2;
	v10 =	vor.u32 v40, v15;
	v15 =	vadd.f32 $1.000000000e+00, v46  }
0x49: {  	v13 =	vmul.f32 $2.560000000e+02, v13;
	v11 =	vadd.s32 v18, v11;
	v18 =	vadd.f32 $-1.000000000e+00, v56  }
0x4a: {  	vm4 =	vgt.s32 v11, $0x0;
	v48 =	vadd.s32 $0x1, v11;
	v15 =	vmul.f32 $2.560000000e+02, v15  }
0x4b: {  	v13 =	vadd.f32 $-1.000000000e+00, v13;
	v11 =	vnsel vm4, $0x0, v11;
	vm6 =	vgt.s32 v48, $0x0  }
0x4c: {  	v14 =	vnsel vm6, $0x0, v48;
	v11 =	vmin.u32 v11, $0xFF;
	v15 =	vadd.f32 $-1.000000000e+00, v15  }
0x4d: {  	v20 =	vmul.f32 v13, v0;
	v14 =	vmin.u32 v14, $0xFF;
	v11 =	vshll.u32 v11, $0x8  }
0x4e: {  	v58 =	vadd.f32 $1.000000000e+00, v18;
	v11 =	vor.u32 v1, v11;
	v50 =	vshll.u32 v14, $0x8  }
0x4f: {  	v15 =	vmul.f32 v15, v0;
	v52 =	vtrunc.f32 v20;
	v19 =	vor.u32 v1, v50  }
0x50: {  	v14 =	vor.u32 v47, v11;
	v13 =	vor.u32 v49, v11;
	v54 =	vcvt.f32.s32 v52  }
0x51: {  	vm7 =	vlt.f32 v20, v52;
	v20 =	vadd.f32 $-1.000000000e+00, v30;
	v12 =	vor.u32 v47, v19  }
0x52: {  	v11 =	vor.u32 v49, v19;
	v53 =	vtrunc.f32 v15;
	v16 =	vsel vm7, $0xFFFFFFFF, v2  }
0x53: {  	v22 =	vcvt.f32.s32 v53;
	vm8 =	vlt.f32 v15, v53;
	v16 =	vadd.s32 v54, v16  }
0x54: {  	v15 =	vadd.f32 $-1.000000000e+00, v55;
	v20 =	vadd.f32 $1.000000000e+00, v20;
	v17 =	vsel vm8, $0xFFFFFFFF, v2  }
0x55: {  	v19 =	vadd.s32 $0x1, v16;
	vm9 =	vgt.s32 v16, $0x0;
	v17 =	vadd.s32 v22, v17  }
0x56: {  	vm10 =	vgt.s32 v19, $0x0;
	v16 =	vnsel vm9, $0x0, v16;
	v15 =	vadd.f32 $1.000000000e+00, v15  }
0x57: {  	v20 =	vmul.f32 $2.560000000e+02, v20;
	v19 =	vnsel vm10, $0x0, v19;
	v57 =	vmin.u32 v16, $0xFF  }
0x58: {  	vm11 =	vgt.s32 v17, $0x0;
	v59 =	vadd.s32 $0x1, v17;
	v16 =	vmul.f32 $2.560000000e+02, v58  }
0x59: {  	v19 =	vmin.u32 v19, $0xFF;
	v15 =	vmul.f32 $2.560000000e+02, v15;
	v17 =	vnsel vm11, $0x0, v17  }
0x5a: {  	vm12 =	vgt.s32 v59, $0x0;
	v20 =	vadd.f32 $-1.000000000e+00, v20;
	v17 =	vmin.u32 v17, $0xFF  }
0x5b: {  	v18 =	vnsel vm12, $0x0, v59;
	v16 =	vadd.f32 $-1.000000000e+00, v16;
	v15 =	vadd.f32 $-1.000000000e+00, v15  }
0x5c: {  	v18 =	vmin.u32 v18, $0xFF;
	v17 =	vshll.u32 v17, $0x8;
	v38 =	vmul.f32 v20, v0  }
0x5d: {  	v61 =	vor.u32 v1, v17;
	v62 =	vshll.u32 v18, $0x8;
	v24 =	vmul.f32 v16, v0  }
0x5e: {  	v63 =	vmul.f32 v15, v0;
	v23 =	vor.u32 v1, v62;
	v17 =	vor.u32 v57, v61  }
0x5f: {  	v16 =	vor.u32 v19, v61;
	v42 =	vtrunc.f32 v38;
	v26 =	vtrunc.f32 v24  }
0x60: {  	v15 =	vor.u32 v57, v23;
	v28 =	vtrunc.f32 v63;
	vm14 =	vlt.f32 v24, v26  }
0x61: {  	v31 =	vcvt.f32.s32 v26;
	v29 =	vcvt.f32.s32 v28;
	vm13 =	vlt.f32 v63, v28  }
0x62: {  	vm7 =	vlt.f32 v38, v42;
	v24 =	vsel vm14, $0xFFFFFFFF, v2;
	v18 =	vsel vm13, $0xFFFFFFFF, v2  }
0x63: {  	v25 =	vsel vm7, $0xFFFFFFFF, v2;
	v32 =	vadd.s32 v31, v24;
	v22 =	vadd.s32 v29, v18  }
0x64: {  	v18 =	vor.u32 v19, v23;
	vm4 =	vgt.s32 v32, $0x0;
	v19 =	vadd.s32 $0x1, v32  }
0x65: {  	v28 =	vld [tilespmem:$0x160];
	v23 =	vadd.f32 $1.000000000e+00, v34;
	v29 =	vcvt.f32.s32 v42;
	vm15 =	vgt.s32 v22, $0x0  }
0x66: {  	v36 =	vadd.s32 $0x1, v22;
	v37 =	vnsel vm4, $0x0, v32;
	vm6 =	vgt.s32 v19, $0x0  }
0x67: {  	v33 =	vnsel vm15, $0x0, v22;
	vm5 =	vgt.s32 v36, $0x0;
	v22 =	vmin.u32 v37, $0xFF  }
0x68: {  	v49 =	vld [tilespmem:$0x70];
	v19 =	vnsel vm6, $0x0, v19;
	v23 =	vmul.f32 $2.560000000e+02, v23;
	v25 =	vadd.s32 v29, v25  }
0x69: {  	v61 =	vld [tilespmem:$0x80];
	v35 =	vmin.u32 v33, $0xFF;
	v21 =	vnsel vm5, $0x0, v36;
	v19 =	vmin.u32 v19, $0xFF  }
0x6a: {  	v34 =	vld [tilespmem:$0x170];
	v22 =	vshll.u32 v22, $0x8;
	vm9 =	vgt.s32 v25, $0x0;
	v28 =	vadd.f32 v28, v28  }
0x6b: {  	v19 =	vshll.u32 v19, $0x8;
	v23 =	vadd.f32 $-1.000000000e+00, v23;
	v27 =	vmin.u32 v21, $0xFF  }
0x6c: {  	v40 =	vor.u32 v1, v22;
	v29 =	vnsel vm9, $0x0, v25;
	v25 =	vadd.s32 $0x1, v25  }
0x6d: {  	v41 =	vor.u32 v1, v19;
	v20 =	vor.u32 v35, v40;
	v21 =	vor.u32 v27, v40  }
0x6e: {  	v46 =	vmin.u32 v29, $0xFF;
	v47 =	vadd.f32 $-1.000000000e+00, v28;
	v29 =	vadd.f32 v49, v49  }
0x6f: {  	vm12 =	vgt.s32 v25, $0x0;
	v57 =	vadd.f32 v34, v34;
	v34 =	vadd.f32 v61, v61  }
0x70: {  	v23 =	vmul.f32 v23, v0;
	v19 =	vor.u32 v35, v41;
	v25 =	vnsel vm12, $0x0, v25  }
0x71: {  	v22 =	vor.u32 v27, v41;
	v26 =	vadd.f32 $1.000000000e+00, v47;
	v31 =	vmin.u32 v25, $0xFF  }
0x72: {  	v29 =	vadd.f32 $-1.000000000e+00, v29;
	v34 =	vadd.f32 $-1.000000000e+00, v34;
	v43 =	vtrunc.f32 v23  }
0x73: {  	vm8 =	vlt.f32 v23, v43;
	v24 =	vcvt.f32.s32 v43;
	v23 =	vadd.f32 $-1.000000000e+00, v44  }
0x74: {  	v26 =	vmul.f32 $2.560000000e+02, v26;
	v29 =	vadd.f32 $1.000000000e+00, v29;
	v45 =	vsel vm8, $0xFFFFFFFF, v2  }
0x75: {  	v34 =	vadd.f32 $1.000000000e+00, v34;
	v24 =	vadd.s32 v24, v45;
	v23 =	vadd.f32 $1.000000000e+00, v23  }
0x76: {  	v50 =	vadd.f32 $-1.000000000e+00, v26;
	v29 =	vmul.f32 $2.560000000e+02, v29;
	vm10 =	vgt.s32 v24, $0x0  }
0x77: {  	v34 =	vmul.f32 $2.560000000e+02, v34;
	v48 =	vnsel vm10, $0x0, v24;
	v24 =	vadd.s32 $0x1, v24  }
0x78: {  	v23 =	vmul.f32 $2.560000000e+02, v23;
	v51 =	vmul.f32 v50, v0;
	v29 =	vadd.f32 $-1.000000000e+00, v29  }
0x79: {  	v34 =	vadd.f32 $-1.000000000e+00, v34;
	vm11 =	vgt.s32 v24, $0x0;
	v28 =	vmin.u32 v48, $0xFF  }
0x7a: {  	v24 =	vnsel vm11, $0x0, v24;
	v28 =	vshll.u32 v28, $0x8;
	v53 =	vtrunc.f32 v51  }
0x7b: {  	v23 =	vadd.f32 $-1.000000000e+00, v23;
	v60 =	vmul.f32 v29, v0;
	v49 =	vmul.f32 v34, v0  }
0x7c: {  	v24 =	vmin.u32 v24, $0xFF;
	v28 =	vor.u32 v1, v28;
	v54 =	vcvt.f32.s32 v53  }
0x7d: {  	v48 =	vld [tilespmem:$0x90];
	vm14 =	vlt.f32 v51, v53;
	v24 =	vshll.u32 v24, $0x8;
	v30 =	vmul.f32 v23, v0  }
0x7e: {  	v26 =	vor.u32 v46, v28;
	v36 =	vtrunc.f32 v60;
	v51 =	vtrunc.f32 v49  }
0x7f: {  	v32 =	vor.u32 v1, v24;
	v24 =	vor.u32 v31, v28;
	v28 =	vsel vm14, $0xFFFFFFFF, v2  }
0x80: {  	v38 =	vcvt.f32.s32 v36;
	vm7 =	vlt.f32 v60, v36;
	v33 =	vtrunc.f32 v30  }
0x81: {  	v25 =	vor.u32 v46, v32;
	v23 =	vor.u32 v31, v32;
	v28 =	vadd.s32 v54, v28  }
0x82: {  	v31 =	vadd.f32 $-1.000000000e+00, v57;
	v53 =	vadd.f32 v48, v48;
	v52 =	vcvt.f32.s32 v33  }
0x83: {  	vm13 =	vlt.f32 v30, v33;
	vm5 =	vgt.s32 v28, $0x0;
	v59 =	vadd.s32 $0x1, v28  }
0x84: {  	v33 =	vsel vm7, $0xFFFFFFFF, v2;
	v55 =	vsel vm13, $0xFFFFFFFF, v2;
	v31 =	vadd.f32 $1.000000000e+00, v31  }
0x85: {  	v28 =	vnsel vm5, $0x0, v28;
	vm6 =	vgt.s32 v59, $0x0;
	v33 =	vadd.s32 v38, v33  }
0x86: {  	vm13 =	vlt.f32 v49, v51;
	v27 =	vadd.s32 v52, v55;
	v28 =	vmin.u32 v28, $0xFF  }
0x87: {  	v40 =	vld [tilespmem:$0x180];
	vm9 =	vgt.s32 v33, $0x0;
	v52 =	vcvt.f32.s32 v51;
	v54 =	vsel vm13, $0xFFFFFFFF, v2  }
0x88: {  	v56 =	vadd.s32 $0x1, v27;
	vm15 =	vgt.s32 v27, $0x0;
	v31 =	vmul.f32 $2.560000000e+02, v31  }
0x89: {  	v28 =	vshll.u32 v28, $0x8;
	v43 =	vnsel vm9, $0x0, v33;
	v33 =	vadd.s32 $0x1, v33  }
0x8a: {  	vm4 =	vgt.s32 v56, $0x0;
	v27 =	vnsel vm15, $0x0, v27;
	v28 =	vor.u32 v1, v28  }
0x8b: {  	v44 =	vmin.u32 v43, $0xFF;
	vm11 =	vgt.s32 v33, $0x0;
	v30 =	vnsel vm4, $0x0, v56  }
0x8c: {  	v43 =	vld [tilespmem:$0x1A0];
	v27 =	vmin.u32 v27, $0xFF;
	v63 =	vadd.f32 $-1.000000000e+00, v31;
	v31 =	vadd.f32 v40, v40  }
0x8d: {  	v33 =	vnsel vm11, $0x0, v33;
	v58 =	vmin.u32 v30, $0xFF;
	v30 =	vnsel vm6, $0x0, v59  }
0x8e: {  	v29 =	vor.u32 v27, v28;
	v30 =	vmin.u32 v30, $0xFF;
	v37 =	vmul.f32 v63, v0  }
0x8f: {  	v40 =	vld [tilespmem:$0x190];
	v46 =	vmin.u32 v33, $0xFF;
	v31 =	vadd.f32 $-1.000000000e+00, v31;
	v62 =	vshll.u32 v30, $0x8  }
0x90: {  	v30 =	vor.u32 v58, v28;
	v35 =	vor.u32 v1, v62;
	v41 =	vtrunc.f32 v37  }
0x91: {  	v31 =	vadd.f32 $1.000000000e+00, v31;
	v43 =	vadd.f32 v43, v43;
	v28 =	vor.u32 v27, v35  }
0x92: {  	v27 =	vor.u32 v58, v35;
	vm8 =	vlt.f32 v37, v41;
	v32 =	vcvt.f32.s32 v41  }
0x93: {  	v35 =	vadd.f32 $-1.000000000e+00, v53;
	v42 =	vsel vm8, $0xFFFFFFFF, v2;
	v31 =	vmul.f32 $2.560000000e+02, v31  }
0x94: {  	v56 =	vadd.f32 v40, v40;
	v43 =	vadd.f32 $-1.000000000e+00, v43;
	v32 =	vadd.s32 v32, v42  }
0x95: {  	v35 =	vadd.f32 $1.000000000e+00, v35;
	vm10 =	vgt.s32 v32, $0x0;
	v31 =	vadd.f32 $-1.000000000e+00, v31  }
0x96: {  	v43 =	vadd.f32 $1.000000000e+00, v43;
	v45 =	vnsel vm10, $0x0, v32;
	v32 =	vadd.s32 $0x1, v32  }
0x97: {  	v35 =	vmul.f32 $2.560000000e+02, v35;
	vm12 =	vgt.s32 v32, $0x0;
	v36 =	vmin.u32 v45, $0xFF  }
0x98: {  	v39 =	vmul.f32 v31, v0;
	v43 =	vmul.f32 $2.560000000e+02, v43;
	v32 =	vnsel vm12, $0x0, v32  }
0x99: {  	v36 =	vshll.u32 v36, $0x8;
	v35 =	vadd.f32 $-1.000000000e+00, v35;
	v32 =	vmin.u32 v32, $0xFF  }
0x9a: {  	v47 =	vor.u32 v1, v36;
	v41 =	vtrunc.f32 v39;
	v36 =	vadd.s32 v52, v54  }
0x9b: {  	v43 =	vadd.f32 $-1.000000000e+00, v43;
	v32 =	vshll.u32 v32, $0x8;
	v34 =	vor.u32 v44, v47  }
0x9c: {  	v61 =	vld [tilespmem:$0xA0];
	v33 =	vor.u32 v46, v47;
	v42 =	vcvt.f32.s32 v41;
	vm14 =	vlt.f32 v39, v41  }
0x9d: {  	v53 =	vld [tilespmem:$0x1B0];
	vm15 =	vgt.s32 v36, $0x0;
	v58 =	vadd.s32 $0x1, v36;
	v39 =	vadd.f32 $-1.000000000e+00, v56  }
0x9e: {  	v60 =	vmul.f32 v35, v0;
	v50 =	vor.u32 v1, v32;
	v55 =	vsel vm14, $0xFFFFFFFF, v2  }
0x9f: {  	v36 =	vnsel vm15, $0x0, v36;
	vm4 =	vgt.s32 v58, $0x0;
	v43 =	vmul.f32 v43, v0  }
0xa0: {  	v32 =	vor.u32 v44, v50;
	v31 =	vor.u32 v46, v50;
	v57 =	vadd.s32 v42, v55  }
0xa1: {  	v36 =	vmin.u32 v36, $0xFF;
	v38 =	vnsel vm4, $0x0, v58;
	v39 =	vadd.f32 $1.000000000e+00, v39  }
0xa2: {  	v44 =	vtrunc.f32 v60;
	v42 =	vadd.f32 v61, v61;
	v55 =	vadd.f32 v53, v53  }
0xa3: {  	v38 =	vmin.u32 v38, $0xFF;
	v59 =	vadd.s32 $0x1, v57;
	vm5 =	vgt.s32 v57, $0x0  }
0xa4: {  	v45 =	vcvt.f32.s32 v44;
	vm7 =	vlt.f32 v60, v44;
	vm6 =	vgt.s32 v59, $0x0  }
0xa5: {  	v50 =	vld [tilespmem:$0xB0];
	v39 =	vmul.f32 $2.560000000e+02, v39;
	v37 =	vnsel vm5, $0x0, v57;
	v41 =	vsel vm7, $0xFFFFFFFF, v2  }
0xa6: {  	v42 =	vadd.f32 $-1.000000000e+00, v42;
	v40 =	vnsel vm6, $0x0, v59;
	v37 =	vmin.u32 v37, $0xFF  }
0xa7: {  	v41 =	vadd.s32 v45, v41;
	v40 =	vmin.u32 v40, $0xFF;
	v39 =	vadd.f32 $-1.000000000e+00, v39  }
0xa8: {  	v37 =	vshll.u32 v37, $0x8;
	vm9 =	vgt.s32 v41, $0x0;
	v42 =	vadd.f32 $1.000000000e+00, v42  }
0xa9: {  	v40 =	vshll.u32 v40, $0x8;
	v62 =	vor.u32 v1, v37;
	v49 =	vnsel vm9, $0x0, v41  }
0xaa: {  	v41 =	vadd.s32 $0x1, v41;
	v45 =	vadd.f32 v50, v50;
	v40 =	vor.u32 v1, v40  }
0xab: {  	v39 =	vmul.f32 v39, v0;
	v37 =	vor.u32 v36, v62;
	v35 =	vor.u32 v38, v62  }
0xac: {  	vm11 =	vgt.s32 v41, $0x0;
	v42 =	vmul.f32 $2.560000000e+02, v42;
	v36 =	vor.u32 v36, v40  }
0xad: {  	v38 =	vor.u32 v38, v40;
	v40 =	vmin.u32 v49, $0xFF;
	v45 =	vadd.f32 $-1.000000000e+00, v45  }
0xae: {  	v41 =	vnsel vm11, $0x0, v41;
	v46 =	vtrunc.f32 v39;
	v51 =	vadd.f32 $-1.000000000e+00, v42  }
0xaf: {  	vm8 =	vlt.f32 v39, v46;
	v63 =	vcvt.f32.s32 v46;
	v45 =	vadd.f32 $1.000000000e+00, v45  }
0xb0: {  	v47 =	vmin.u32 v41, $0xFF;
	v48 =	vsel vm8, $0xFFFFFFFF, v2;
	v46 =	vmul.f32 v51, v0  }
0xb1: {  	v39 =	vadd.s32 v63, v48;
	v48 =	vtrunc.f32 v43;
	v45 =	vmul.f32 $2.560000000e+02, v45  }
0xb2: {  	vm10 =	vgt.s32 v39, $0x0;
	v54 =	vtrunc.f32 v46;
	v50 =	vcvt.f32.s32 v48  }
0xb3: {  	vm14 =	vlt.f32 v43, v48;
	v43 =	vadd.f32 $-1.000000000e+00, v55;
	v44 =	vnsel vm10, $0x0, v39  }
0xb4: {  	v39 =	vadd.s32 $0x1, v39;
	v49 =	vcvt.f32.s32 v54;
	vm13 =	vlt.f32 v46, v54  }
0xb5: {  	v57 =	vsel vm14, $0xFFFFFFFF, v2;
	v45 =	vadd.f32 $-1.000000000e+00, v45;
	v44 =	vmin.u32 v44, $0xFF  }
0xb6: {  	vm12 =	vgt.s32 v39, $0x0;
	v56 =	vsel vm13, $0xFFFFFFFF, v2;
	v46 =	vadd.s32 v50, v57  }
0xb7: {  	v43 =	vadd.f32 $1.000000000e+00, v43;
	v39 =	vnsel vm12, $0x0, v39;
	v44 =	vshll.u32 v44, $0x8  }
0xb8: {  	vm5 =	vgt.s32 v46, $0x0;
	v45 =	vmul.f32 v45, v0;
	v39 =	vmin.u32 v39, $0xFF  }
0xb9: {  	v52 =	vor.u32 v1, v44;
	v44 =	vadd.s32 v49, v56;
	v43 =	vmul.f32 $2.560000000e+02, v43  }
0xba: {  	v59 =	vnsel vm5, $0x0, v46;
	v46 =	vadd.s32 $0x1, v46;
	v39 =	vshll.u32 v39, $0x8  }
0xbb: {  	v61 =	vld [tilespmem:$0xC0];
	v42 =	vor.u32 v40, v52;
	v41 =	vor.u32 v47, v52;
	vm15 =	vgt.s32 v44, $0x0  }
0xbc: {  	v58 =	vadd.s32 $0x1, v44;
	v48 =	vmin.u32 v59, $0xFF;
	vm6 =	vgt.s32 v46, $0x0  }
0xbd: {  	v50 =	vld [tilespmem:$0x1D0];
	v60 =	vtrunc.f32 v45;
	v39 =	vor.u32 v1, v39;
	v44 =	vnsel vm15, $0x0, v44  }
0xbe: {  	vm4 =	vgt.s32 v58, $0x0;
	v43 =	vadd.f32 $-1.000000000e+00, v43;
	v46 =	vnsel vm6, $0x0, v46  }
0xbf: {  	v48 =	vshll.u32 v48, $0x8;
	vm7 =	vlt.f32 v45, v60;
	v63 =	vcvt.f32.s32 v60  }
0xc0: {  	v60 =	vadd.f32 v61, v61;
	v40 =	vor.u32 v40, v39;
	v39 =	vor.u32 v47, v39  }
0xc1: {  	[tilespmem:$0x200] =	vst v5;
	v49 =	vld [tilespmem:$0xD0];
	v44 =	vmin.u32 v44, $0xFF;
	v47 =	vnsel vm4, $0x0, v58;
	v53 =	vmin.u32 v46, $0xFF  }
0xc2: {  	[tilespmem:$0x220] =	vst v14;
	v52 =	vld [tilespmem:$0x1C0];
	v54 =	vor.u32 v1, v48;
	v55 =	vsel vm7, $0xFFFFFFFF, v2;
	v14 =	vadd.f32 v50, v50  }
0xc3: {  	[tilespmem:$0x3E0] =	vst v3;
	v47 =	vmin.u32 v47, $0xFF;
	v62 =	vmul.f32 v43, v0;
	v3 =	vshll.u32 v53, $0x8  }
0xc4: {  	[tilespmem:$0x4D0] =	vst v6;
	v43 =	vadd.s32 v63, v55;
	v6 =	vor.u32 v44, v54;
	v63 =	vadd.f32 $-1.000000000e+00, v60  }
0xc5: {  	[tilespmem:$0x2F0] =	vst v4;
	v57 =	vor.u32 v1, v3;
	v4 =	vor.u32 v47, v54;
	vm9 =	vgt.s32 v43, $0x0  }
0xc6: {  	[tilespmem:$0x310] =	vst v13;
	v13 =	vadd.f32 v49, v49;
	v14 =	vadd.f32 $-1.000000000e+00, v14;
	v56 =	vtrunc.f32 v62  }
0xc7: {  	[tilespmem:$0x210] =	vst v9;
	v3 =	vor.u32 v44, v57;
	v45 =	vadd.f32 v52, v52;
	v5 =	vor.u32 v47, v57  }
0xc8: {  	[tilespmem:$0x3F0] =	vst v7;
	v60 =	vld [tilespmem:$0xE0];
	v9 =	vadd.f32 $1.000000000e+00, v63;
	vm8 =	vlt.f32 v62, v56;
	v58 =	vcvt.f32.s32 v56  }
0xc9: {  	[tilespmem:$0x300] =	vst v8;
	v62 =	vadd.s32 $0x1, v43;
	v13 =	vadd.f32 $-1.000000000e+00, v13;
	v14 =	vadd.f32 $1.000000000e+00, v14  }
0xca: {  	[tilespmem:$0x4E0] =	vst v10;
	v59 =	vsel vm8, $0xFFFFFFFF, v2;
	v44 =	vadd.f32 $-1.000000000e+00, v45;
	v45 =	vnsel vm9, $0x0, v43  }
0xcb: {  	[tilespmem:$0x400] =	vst v12;
	vm10 =	vgt.s32 v62, $0x0;
	v9 =	vmul.f32 $2.560000000e+02, v9;
	v61 =	vadd.s32 v58, v59  }
0xcc: {  	[tilespmem:$0x4F0] =	vst v11;
	v8 =	vnsel vm10, $0x0, v62;
	v48 =	vmin.u32 v45, $0xFF;
	v13 =	vadd.f32 $1.000000000e+00, v13  }
0xcd: {  	[tilespmem:$0x530] =	vst v27;
	v14 =	vmul.f32 $2.560000000e+02, v14;
	v27 =	vadd.f32 v60, v60;
	vm11 =	vgt.s32 v61, $0x0  }
0xce: {  	[tilespmem:$0x230] =	vst v17;
	v46 =	vadd.s32 $0x1, v61;
	v10 =	vadd.f32 $1.000000000e+00, v44;
	v9 =	vadd.f32 $-1.000000000e+00, v9  }
0xcf: {  	[tilespmem:$0x320] =	vst v16;
	v8 =	vmin.u32 v8, $0xFF;
	v7 =	vnsel vm11, $0x0, v61;
	vm12 =	vgt.s32 v46, $0x0  }
0xd0: {  	[tilespmem:$0x410] =	vst v15;
	v13 =	vmul.f32 $2.560000000e+02, v13;
	v14 =	vadd.f32 $-1.000000000e+00, v14;
	v47 =	vnsel vm12, $0x0, v46  }
0xd1: {  	[tilespmem:$0x500] =	vst v18;
	v10 =	vmul.f32 $2.560000000e+02, v10;
	v7 =	vmin.u32 v7, $0xFF;
	v9 =	vmul.f32 v9, v0  }
0xd2: {  	[tilespmem:$0x240] =	vst v20;
	v11 =	vmin.u32 v47, $0xFF;
	v7 =	vshll.u32 v7, $0x8;
	v13 =	vadd.f32 $-1.000000000e+00, v13  }
0xd3: {  	[tilespmem:$0x330] =	vst v21;
	v14 =	vmul.f32 v14, v0;
	v10 =	vadd.f32 $-1.000000000e+00, v10;
	v11 =	vshll.u32 v11, $0x8  }
0xd4: {  	[tilespmem:$0x420] =	vst v19;
	v61 =	vld [tilespmem:$0x1E0];
	v7 =	vor.u32 v1, v7;
	v52 =	vtrunc.f32 v9;
	v11 =	vor.u32 v1, v11  }
0xd5: {  	[tilespmem:$0x510] =	vst v22;
	v51 =	vor.u32 v48, v7;
	v7 =	vor.u32 v8, v7;
	v54 =	vcvt.f32.s32 v52  }
0xd6: {  	[tilespmem:$0x430] =	vst v25;
	vm13 =	vlt.f32 v9, v52;
	v13 =	vmul.f32 v13, v0;
	v25 =	vtrunc.f32 v14  }
0xd7: {  	[tilespmem:$0x250] =	vst v26;
	v10 =	vmul.f32 v10, v0;
	v12 =	vor.u32 v48, v11;
	v8 =	vor.u32 v8, v11  }
0xd8: {  	[tilespmem:$0x340] =	vst v24;
	v56 =	vsel vm13, $0xFFFFFFFF, v2;
	v26 =	vcvt.f32.s32 v25;
	vm8 =	vlt.f32 v14, v25  }
0xd9: {  	[tilespmem:$0x260] =	vst v29;
	v29 =	vadd.f32 v61, v61;
	v9 =	vadd.s32 v54, v56;
	v63 =	vtrunc.f32 v13  }
0xda: {  	[tilespmem:$0x350] =	vst v30;
	v30 =	vsel vm8, $0xFFFFFFFF, v2;
	v53 =	vtrunc.f32 v10;
	v58 =	vadd.s32 $0x1, v9  }
0xdb: {  	[tilespmem:$0x520] =	vst v23;
	vm15 =	vgt.s32 v9, $0x0;
	v24 =	vcvt.f32.s32 v63;
	vm7 =	vlt.f32 v13, v63  }
0xdc: {  	[tilespmem:$0x440] =	vst v28;
	v13 =	vadd.f32 $-1.000000000e+00, v27;
	v17 =	vadd.s32 v26, v30;
	v14 =	vadd.f32 $-1.000000000e+00, v29  }
0xdd: {  	[tilespmem:$0x270] =	vst v34;
	vm14 =	vlt.f32 v10, v53;
	v55 =	vcvt.f32.s32 v53;
	vm4 =	vgt.s32 v58, $0x0  }
0xde: {  	[tilespmem:$0x360] =	vst v33;
	v9 =	vnsel vm15, $0x0, v9;
	v28 =	vsel vm7, $0xFFFFFFFF, v2;
	vm11 =	vgt.s32 v17, $0x0  }
0xdf: {  	[tilespmem:$0x450] =	vst v32;
	v32 =	vadd.s32 $0x1, v17;
	v57 =	vsel vm14, $0xFFFFFFFF, v2;
	v11 =	vnsel vm4, $0x0, v58  }
0xe0: {  	[tilespmem:$0x540] =	vst v31;
	v9 =	vmin.u32 v9, $0xFF;
	v13 =	vadd.f32 $1.000000000e+00, v13;
	v14 =	vadd.f32 $1.000000000e+00, v14  }
0xe1: {  	[tilespmem:$0x280] =	vst v37;
	v33 =	vnsel vm11, $0x0, v17;
	vm12 =	vgt.s32 v32, $0x0;
	v10 =	vadd.s32 v55, v57  }
0xe2: {  	[tilespmem:$0x480] =	vst v3;
	v11 =	vmin.u32 v11, $0xFF;
	v3 =	vmin.u32 v33, $0xFF;
	v34 =	vnsel vm12, $0x0, v32  }
0xe3: {  	[tilespmem:$0x370] =	vst v35;
	vm5 =	vgt.s32 v10, $0x0;
	v59 =	vadd.s32 $0x1, v10;
	v13 =	vmul.f32 $2.560000000e+02, v13  }
0xe4: {  	[tilespmem:$0x390] =	vst v4;
	v14 =	vmul.f32 $2.560000000e+02, v14;
	v4 =	vmin.u32 v34, $0xFF;
	v3 =	vshll.u32 v3, $0x8  }
0xe5: {  	[tilespmem:$0x460] =	vst v36;
	v10 =	vnsel vm5, $0x0, v10;
	vm6 =	vgt.s32 v59, $0x0;
	v3 =	vor.u32 v1, v3  }
0xe6: {  	[tilespmem:$0x550] =	vst v38;
	v4 =	vshll.u32 v4, $0x8;
	v10 =	vmin.u32 v10, $0xFF;
	v16 =	vnsel vm6, $0x0, v59  }
0xe7: {  	[tilespmem:$0x290] =	vst v42;
	v13 =	vadd.f32 $-1.000000000e+00, v13;
	v35 =	vadd.f32 $-1.000000000e+00, v14;
	v10 =	vshll.u32 v10, $0x8  }
0xe8: {  	[tilespmem:$0x380] =	vst v41;
	v4 =	vor.u32 v1, v4;
	v16 =	vmin.u32 v16, $0xFF;
	v10 =	vor.u32 v1, v10  }
0xe9: {  	[tilespmem:$0x2A0] =	vst v6;
	v16 =	vshll.u32 v16, $0x8;
	v36 =	vmul.f32 v13, v0;
	v6 =	vmul.f32 v35, v0  }
0xea: {  	[tilespmem:$0x470] =	vst v40;
	v16 =	vor.u32 v1, v16;
	v62 =	vor.u32 v9, v10;
	v10 =	vor.u32 v11, v10  }
0xeb: {  	[tilespmem:$0x560] =	vst v39;
	v9 =	vor.u32 v9, v16;
	v11 =	vor.u32 v11, v16;
	v16 =	vadd.s32 v24, v28  }
0xec: {  	[tilespmem:$0x570] =	vst v5;
	v13 =	vtrunc.f32 v36;
	v39 =	vtrunc.f32 v6;
	v31 =	vadd.s32 $0x1, v16  }
0xed: {  	[tilespmem:$0x2B0] =	vst v51;
	vm9 =	vgt.s32 v16, $0x0;
	v38 =	vcvt.f32.s32 v13;
	vm13 =	vlt.f32 v36, v13  }
0xee: {  	[tilespmem:$0x3A0] =	vst v7;
	v40 =	vcvt.f32.s32 v39;
	vm14 =	vlt.f32 v6, v39;
	vm10 =	vgt.s32 v31, $0x0  }
0xef: {  	[tilespmem:$0x490] =	vst v12;
	v16 =	vnsel vm9, $0x0, v16;
	v41 =	vsel vm13, $0xFFFFFFFF, v2;
	v43 =	vsel vm14, $0xFFFFFFFF, v2  }
0xf0: {  	[tilespmem:$0x580] =	vst v8;
	v18 =	vnsel vm10, $0x0, v31;
	v16 =	vmin.u32 v16, $0xFF;
	v42 =	vadd.s32 v38, v41  }
0xf1: {  	[tilespmem:$0x2C0] =	vst v62;
	v5 =	vadd.s32 v40, v43;
	v18 =	vmin.u32 v18, $0xFF;
	v37 =	vor.u32 v16, v3  }
0xf2: {  	[tilespmem:$0x3B0] =	vst v10;
	v44 =	vor.u32 v16, v4;
	vm15 =	vgt.s32 v42, $0x0;
	vm4 =	vgt.s32 v5, $0x0  }
0xf3: {  	[tilespmem:$0x4A0] =	vst v9;
	v6 =	vadd.s32 $0x1, v42;
	v3 =	vor.u32 v18, v3;
	v4 =	vor.u32 v18, v4  }
0xf4: {  	[tilespmem:$0x590] =	vst v11;
	v45 =	vnsel vm15, $0x0, v42;
	v46 =	vnsel vm4, $0x0, v5;
	v5 =	vadd.s32 $0x1, v5  }
0xf5: {  	[tilespmem:$0x2D0] =	vst v37;
	vm6 =	vgt.s32 v6, $0x0;
	v47 =	vmin.u32 v46, $0xFF;
	vm5 =	vgt.s32 v5, $0x0  }
0xf6: {  	v8 =	vmin.u32 v45, $0xFF;
	[tilespmem:$0x3C0] =	vst v3;
	v3 =	vnsel vm5, $0x0, v5;
	v48 =	vshll.u32 v47, $0x8  }
0xf7: {  	[tilespmem:$0x4B0] =	vst v44;
	v6 =	vnsel vm6, $0x0, v6;
	v3 =	vmin.u32 v3, $0xFF;
	v5 =	vor.u32 v1, v48  }
0xf8: {  	[tilespmem:$0x5A0] =	vst v4;
	v49 =	vmin.u32 v6, $0xFF;
	v3 =	vshll.u32 v3, $0x8;
	v50 =	vor.u32 v8, v5  }
0xf9: {  	v5 =	vor.u32 v49, v5;
	v3 =	vor.u32 v1, v3;
	[tilespmem:$0x2E0] =	vst v50  }
0xfa: {  	[tilespmem:$0x3D0] =	vst v5;
	v51 =	vor.u32 v8, v3  }
0xfb: {  	v3 =	vor.u32 v49, v3;
	[tilespmem:$0x4C0] =	vst v51  }
0xfc: {  	[tilespmem:$0x5B0] =	vst v3  }
0xfd: {  	[tilespmem:s12], [sflag:$0x1] =	stream.indirect.gather [hbm4b:s1+s10], $0x1, s11, s10, $0xb8;
	[tilespmem:$0xB00] =	vst v63  }
0xfe: {  	_ =	swait.ge [sflag:s13], $0x3C0  }
0xff: {  	[sflag:s13] =	ssyncset.done $0x0  }
0x100: {  	[sflag:s13] =	ssyncadd.s32 $0xFFFFFC40  }
0x101: {  	v3 =	vld [tilespmem:$0x0]  }
0x102: {  	v52 =	vld [tilespmem:$0x100]  }
0x103: {  	v54 =	vld [tilespmem:$0x10]  }
0x104: {  	v57 =	vld [tilespmem:$0x110]  }
0x105: {  	v26 =	vld [tilespmem:$0x20]  }
0x106: {  	v28 =	vld [tilespmem:$0x120];
	_ =	sdelay $0x1  }
0x107: {  	v3 =	vadd.f32 v3, v3  }
0x108: {  	v4 =	vadd.f32 v52, v52;
	v6 =	vadd.f32 v54, v54  }
0x109: {  	v5 =	vadd.f32 v57, v57;
	v12 =	vadd.f32 v26, v26  }
0x10a: {  	v14 =	vadd.f32 v28, v28;
	v3 =	vadd.f32 $-1.000000000e+00, v3  }
0x10b: {  	v4 =	vadd.f32 $-1.000000000e+00, v4;
	v6 =	vadd.f32 $-1.000000000e+00, v6  }
0x10c: {  	v5 =	vadd.f32 $-1.000000000e+00, v5;
	v38 =	vadd.f32 $-1.000000000e+00, v12  }
0x10d: {  	v41 =	vadd.f32 $-1.000000000e+00, v14;
	v3 =	vadd.f32 $1.000000000e+00, v3  }
0x10e: {  	v4 =	vadd.f32 $1.000000000e+00, v4;
	v6 =	vadd.f32 $1.000000000e+00, v6  }
0x10f: {  	v5 =	vadd.f32 $1.000000000e+00, v5;
	v10 =	vadd.f32 $1.000000000e+00, v38;
	v3 =	vmul.f32 $2.560000000e+02, v3  }
0x110: {  	v13 =	vadd.f32 $1.000000000e+00, v41;
	v4 =	vmul.f32 $2.560000000e+02, v4;
	v6 =	vmul.f32 $2.560000000e+02, v6  }
0x111: {  	v5 =	vmul.f32 $2.560000000e+02, v5;
	v10 =	vmul.f32 $2.560000000e+02, v10;
	v3 =	vadd.f32 $-1.000000000e+00, v3  }
0x112: {  	v46 =	vmul.f32 $2.560000000e+02, v13;
	v4 =	vadd.f32 $-1.000000000e+00, v4;
	v6 =	vadd.f32 $-1.000000000e+00, v6  }
0x113: {  	v5 =	vadd.f32 $-1.000000000e+00, v5;
	v10 =	vadd.f32 $-1.000000000e+00, v10;
	v3 =	vmul.f32 v3, v0  }
0x114: {  	v4 =	vmul.f32 v4, v0;
	v6 =	vmul.f32 v6, v0  }
0x115: {  	v5 =	vmul.f32 v5, v0;
	v10 =	vmul.f32 v10, v0  }
0x116: {  	v53 =	vtrunc.f32 v3;
	v56 =	vtrunc.f32 v4  }
0x117: {  	v27 =	vtrunc.f32 v6;
	v30 =	vtrunc.f32 v5  }
0x118: {  	v49 =	vtrunc.f32 v10;
	v55 =	vcvt.f32.s32 v53  }
0x119: {  	vm7 =	vlt.f32 v3, v53;
	v58 =	vcvt.f32.s32 v56;
	vm8 =	vlt.f32 v4, v56  }
0x11a: {  	v29 =	vcvt.f32.s32 v27;
	vm12 =	vlt.f32 v6, v27;
	v32 =	vcvt.f32.s32 v30  }
0x11b: {  	vm13 =	vlt.f32 v5, v30;
	v50 =	vcvt.f32.s32 v49;
	v59 =	vsel vm7, $0xFFFFFFFF, v2  }
0x11c: {  	v8 =	vsel vm8, $0xFFFFFFFF, v2;
	v33 =	vsel vm12, $0xFFFFFFFF, v2;
	v35 =	vsel vm13, $0xFFFFFFFF, v2  }
0x11d: {  	v7 =	vadd.s32 v55, v59;
	v8 =	vadd.s32 v58, v8;
	v34 =	vadd.s32 v29, v33  }
0x11e: {  	v15 =	vadd.s32 v32, v35;
	v60 =	vcvt.s32.f32 v7;
	v61 =	vcvt.s32.f32 v8  }
0x11f: {  	v21 =	vadd.s32 $0x1, v7;
	vm9 =	vgt.s32 v7, $0xFFFFFFFF;
	vm2 =	vgt.s32 v8, $0xFFFFFFFF  }
0x120: {  	v62 =	vld [tilespmem:$0x600];
	v7 =	vor.u32 v7, v8;
	v8 =	vadd.s32 $0x1, v8;
	v36 =	vcvt.s32.f32 v34  }
0x121: {  	v22 =	vld [tilespmem:$0x6F0];
	v37 =	vcvt.s32.f32 v15;
	vm14 =	vgt.s32 v34, $0xFFFFFFFF;
	v44 =	vadd.s32 $0x1, v34  }
0x122: {  	v23 =	vld [tilespmem:$0x7E0];
	v11 =	vor.u32 v34, v15;
	vm7 =	vgt.s32 v15, $0xFFFFFFFF;
	v15 =	vadd.s32 $0x1, v15  }
0x123: {  	v31 =	vld [tilespmem:$0x8D0];
	vm10 =	vlt.s32 v21, $0x100;
	vm3 =	vgt.s32 v7, $0xFFFFFFFF;
	vm4 =	vlt.s32 v8, $0x100  }
0x124: {  	v45 =	vld [tilespmem:$0x700];
	vm15 =	vlt.s32 v44, $0x100;
	vm6 =	vgt.s32 v11, $0xFFFFFFFF;
	v11 =	vadd.f32 $-1.000000000e+00, v46  }
0x125: {  	vm8 =	vlt.s32 v15, $0x100;
	v3 =	vsub.f32 v3, v60;
	v4 =	vsub.f32 v4, v61  }
0x126: {  	v7 =	vnsel vm3, $0x0, v62;
	vm2 =	vmand vm10, vm2;
	vm0 =	vmand vm9, vm4  }
0x127: {  	vm11 =	vmand vm10, vm4;
	v6 =	vsub.f32 v6, v36;
	v5 =	vsub.f32 v5, v37  }
0x128: {  	v47 =	vld [tilespmem:$0x7F0];
	vm3 =	vmand vm15, vm7;
	vm9 =	vlt.f32 v10, v49;
	v24 =	vnsel vm2, $0x0, v22  }
0x129: {  	v55 =	vld [tilespmem:$0x8E0];
	v25 =	vnsel vm0, $0x0, v23;
	v39 =	vnsel vm11, $0x0, v31;
	v48 =	vnsel vm3, $0x0, v45  }
0x12a: {  	v59 =	vld [tilespmem:$0x30];
	v11 =	vmul.f32 v11, v0;
	vm2 =	vmand vm14, vm8;
	v53 =	vsel vm9, $0xFFFFFFFF, v2  }
0x12b: {  	v41 =	vld [tilespmem:$0x140];
	vm0 =	vmand vm15, vm8;
	v9 =	vsub.f32 $1.000000000e+00, v3;
	v63 =	vsub.f32 $1.000000000e+00, v4  }
0x12c: {  	v8 =	vmul.f32 v24, v3;
	v42 =	vsub.f32 $1.000000000e+00, v6;
	v43 =	vsub.f32 $1.000000000e+00, v5  }
0x12d: {  	v15 =	vmul.f32 v48, v6;
	v13 =	vnsel vm2, $0x0, v47;
	v56 =	vadd.s32 v50, v53  }
0x12e: {  	v3 =	vmul.f32 v39, v3;
	v21 =	vnsel vm0, $0x0, v55;
	v51 =	vtrunc.f32 v11  }
0x12f: {  	v18 =	vadd.f32 v59, v59;
	v58 =	vcvt.s32.f32 v56;
	v6 =	vmul.f32 v21, v6  }
0x130: {  	v47 =	vadd.f32 v41, v41;
	v7 =	vmul.f32 v7, v9;
	v8 =	vmul.f32 v8, v63  }
0x131: {  	v61 =	vld [tilespmem:$0x130];
	vm11 =	vgt.s32 v56, $0xFFFFFFFF;
	v9 =	vmul.f32 v25, v9;
	v52 =	vcvt.f32.s32 v51  }
0x132: {  	vm10 =	vlt.f32 v11, v51;
	v15 =	vmul.f32 v15, v43;
	v13 =	vmul.f32 v13, v42  }
0x133: {  	v40 =	vld [tilespmem:$0x610];
	v3 =	vmul.f32 v3, v4;
	v25 =	vadd.s32 $0x1, v56;
	v18 =	vadd.f32 $-1.000000000e+00, v18  }
0x134: {  	v54 =	vsel vm10, $0xFFFFFFFF, v2;
	vm12 =	vlt.s32 v25, $0x100;
	v6 =	vmul.f32 v6, v5  }
0x135: {  	v26 =	vld [tilespmem:$0x710];
	v7 =	vmul.f32 v7, v63;
	v9 =	vmul.f32 v9, v4;
	v57 =	vadd.s32 v52, v54  }
0x136: {  	v24 =	vld [tilespmem:$0x620];
	v60 =	vmul.f32 v13, v5;
	v13 =	vadd.f32 v61, v61;
	v29 =	vadd.f32 $1.000000000e+00, v18  }
0x137: {  	v28 =	vld [tilespmem:$0x800];
	v17 =	vcvt.s32.f32 v57;
	vm13 =	vgt.s32 v57, $0xFFFFFFFF;
	v27 =	vadd.s32 $0x1, v57  }
0x138: {  	v31 =	vld [tilespmem:$0x8F0];
	v14 =	vor.u32 v56, v57;
	v7 =	vadd.f32 v8, v7;
	v8 =	vnsel vm6, $0x0, v40  }
0x139: {  	vm14 =	vlt.s32 v27, $0x100;
	vm15 =	vgt.s32 v14, $0xFFFFFFFF;
	v13 =	vadd.f32 $-1.000000000e+00, v13  }
0x13a: {  	vm2 =	vmand vm12, vm13;
	v8 =	vmul.f32 v8, v42;
	v62 =	vsub.f32 v11, v17  }
0x13b: {  	v38 =	vld [tilespmem:$0x40];
	v14 =	vnsel vm15, $0x0, v24;
	v30 =	vnsel vm2, $0x0, v26;
	vm0 =	vmand vm11, vm14  }
0x13c: {  	vm8 =	vmand vm12, vm14;
	v7 =	vadd.f32 v9, v7;
	v9 =	vsub.f32 v10, v58  }
0x13d: {  	v13 =	vadd.f32 $1.000000000e+00, v13;
	v16 =	vnsel vm0, $0x0, v28;
	v34 =	vnsel vm8, $0x0, v31  }
0x13e: {  	v8 =	vmul.f32 v8, v43;
	v23 =	vsub.f32 $1.000000000e+00, v62;
	v17 =	vmul.f32 v30, v9  }
0x13f: {  	v22 =	vsub.f32 $1.000000000e+00, v9;
	v13 =	vmul.f32 $2.560000000e+02, v13;
	v5 =	vmul.f32 v34, v9  }
0x140: {  	v58 =	vld [tilespmem:$0x50];
	v9 =	vadd.f32 v38, v38;
	v8 =	vadd.f32 v15, v8;
	v15 =	vmul.f32 $2.560000000e+02, v29  }
0x141: {  	v14 =	vmul.f32 v14, v22;
	v12 =	vmul.f32 v17, v23;
	v32 =	vadd.f32 $-1.000000000e+00, v13  }
0x142: {  	v10 =	vmul.f32 v5, v62;
	v5 =	vadd.f32 v7, v3;
	v9 =	vadd.f32 $-1.000000000e+00, v9  }
0x143: {  	v11 =	vmul.f32 v16, v22;
	v63 =	vadd.f32 v60, v8;
	v15 =	vadd.f32 $-1.000000000e+00, v15  }
0x144: {  	v14 =	vmul.f32 v14, v23;
	v8 =	vmul.f32 v32, v0;
	v9 =	vadd.f32 $1.000000000e+00, v9  }
0x145: {  	v60 =	vld [tilespmem:$0x150];
	v11 =	vmul.f32 v11, v62;
	v33 =	vmul.f32 v15, v0;
	v15 =	vadd.f32 v58, v58  }
0x146: {  	v12 =	vadd.f32 v12, v14;
	v37 =	vtrunc.f32 v8;
	v9 =	vmul.f32 $2.560000000e+02, v9  }
0x147: {  	v4 =	vadd.f32 v63, v6;
	v35 =	vtrunc.f32 v33;
	v39 =	vcvt.f32.s32 v37  }
0x148: {  	vm10 =	vlt.f32 v8, v37;
	v15 =	vadd.f32 $-1.000000000e+00, v15;
	v11 =	vadd.f32 v11, v12  }
0x149: {  	v36 =	vcvt.f32.s32 v35;
	vm9 =	vlt.f32 v33, v35;
	v42 =	vsel vm10, $0xFFFFFFFF, v2  }
0x14a: {  	v9 =	vadd.f32 $-1.000000000e+00, v9;
	v16 =	vadd.f32 v60, v60;
	v40 =	vsel vm9, $0xFFFFFFFF, v2  }
0x14b: {  	v43 =	vadd.s32 v39, v42;
	v15 =	vadd.f32 $1.000000000e+00, v15;
	v12 =	vadd.s32 v36, v40  }
0x14c: {  	v3 =	vadd.f32 v11, v10;
	v45 =	vcvt.s32.f32 v43;
	vm13 =	vgt.s32 v43, $0xFFFFFFFF  }
0x14d: {  	v50 =	vld [tilespmem:$0x630];
	v53 =	vadd.s32 $0x1, v43;
	v9 =	vmul.f32 v9, v0;
	v16 =	vadd.f32 $-1.000000000e+00, v16  }
0x14e: {  	v54 =	vld [tilespmem:$0x810];
	v44 =	vcvt.s32.f32 v12;
	vm11 =	vgt.s32 v12, $0xFFFFFFFF;
	v51 =	vadd.s32 $0x1, v12  }
0x14f: {  	v7 =	vor.u32 v12, v43;
	vm14 =	vlt.s32 v53, $0x100;
	v15 =	vmul.f32 $2.560000000e+02, v15  }
0x150: {  	v52 =	vld [tilespmem:$0x720];
	v6 =	vsub.f32 v8, v45;
	v8 =	vadd.f32 $-1.000000000e+00, v47;
	vm12 =	vlt.s32 v51, $0x100  }
0x151: {  	v61 =	vld [tilespmem:$0x900];
	vm15 =	vgt.s32 v7, $0xFFFFFFFF;
	vm0 =	vmand vm11, vm14;
	v59 =	vtrunc.f32 v9  }
0x152: {  	v16 =	vadd.f32 $1.000000000e+00, v16;
	v46 =	vsub.f32 v33, v44;
	v56 =	vnsel vm15, $0x0, v50  }
0x153: {  	vm2 =	vmand vm12, vm13;
	v12 =	vnsel vm0, $0x0, v54;
	vm4 =	vmand vm12, vm14  }
0x154: {  	v62 =	vcvt.f32.s32 v59;
	vm5 =	vlt.f32 v9, v59;
	v15 =	vadd.f32 $-1.000000000e+00, v15  }
0x155: {  	v49 =	vsub.f32 $1.000000000e+00, v6;
	v8 =	vadd.f32 $1.000000000e+00, v8;
	v57 =	vnsel vm2, $0x0, v52  }
0x156: {  	v25 =	vsel vm5, $0xFFFFFFFF, v2;
	v17 =	vnsel vm4, $0x0, v61;
	v35 =	vmul.f32 $2.560000000e+02, v16  }
0x157: {  	v48 =	vsub.f32 $1.000000000e+00, v46;
	v14 =	vmul.f32 v57, v46;
	v10 =	vmul.f32 v17, v46  }
0x158: {  	v26 =	vadd.s32 v62, v25;
	v37 =	vmul.f32 v15, v0;
	v55 =	vmul.f32 $2.560000000e+02, v8  }
0x159: {  	v28 =	vcvt.s32.f32 v26;
	vm7 =	vgt.s32 v26, $0xFFFFFFFF;
	v8 =	vmul.f32 v56, v48  }
0x15a: {  	v33 =	vadd.s32 $0x1, v26;
	v13 =	vmul.f32 v14, v49;
	v11 =	vmul.f32 v12, v48  }
0x15b: {  	vm8 =	vlt.s32 v33, $0x100;
	v39 =	vtrunc.f32 v37;
	v7 =	vadd.f32 $-1.000000000e+00, v55  }
0x15c: {  	v9 =	vsub.f32 v9, v28;
	v40 =	vcvt.f32.s32 v39;
	vm12 =	vlt.f32 v37, v39  }
0x15d: {  	v8 =	vmul.f32 v8, v49;
	v11 =	vmul.f32 v11, v6;
	v43 =	vsel vm12, $0xFFFFFFFF, v2  }
0x15e: {  	v49 =	vld [tilespmem:$0x60];
	v6 =	vmul.f32 v10, v6;
	v7 =	vmul.f32 v7, v0;
	v46 =	vadd.s32 v40, v43  }
0x15f: {  	v31 =	vsub.f32 $1.000000000e+00, v9;
	v8 =	vadd.f32 v13, v8;
	v48 =	vcvt.s32.f32 v46  }
0x160: {  	vm14 =	vgt.s32 v46, $0xFFFFFFFF;
	v58 =	vadd.s32 $0x1, v46;
	v63 =	vtrunc.f32 v7  }
0x161: {  	v30 =	vld [tilespmem:$0x640];
	v24 =	vcvt.f32.s32 v63;
	vm6 =	vlt.f32 v7, v63;
	v8 =	vadd.f32 v11, v8  }
0x162: {  	v34 =	vld [tilespmem:$0x730];
	vm15 =	vlt.s32 v58, $0x100;
	v11 =	vsub.f32 v37, v48;
	v27 =	vsel vm6, $0xFFFFFFFF, v2  }
0x163: {  	v20 =	vadd.f32 v49, v49;
	v14 =	vadd.s32 v24, v27;
	v6 =	vadd.f32 v8, v6  }
0x164: {  	v36 =	vld [tilespmem:$0x820];
	v29 =	vcvt.s32.f32 v14;
	v13 =	vor.u32 v26, v14;
	vm10 =	vgt.s32 v14, $0xFFFFFFFF  }
0x165: {  	v45 =	vld [tilespmem:$0x910];
	v14 =	vadd.s32 $0x1, v14;
	v20 =	vadd.f32 $-1.000000000e+00, v20;
	vm9 =	vgt.s32 v13, $0xFFFFFFFF  }
0x166: {  	v13 =	vadd.f32 $-1.000000000e+00, v35;
	vm11 =	vlt.s32 v14, $0x100;
	vm3 =	vmand vm8, vm10  }
0x167: {  	v7 =	vsub.f32 v7, v29;
	v12 =	vnsel vm9, $0x0, v30;
	v38 =	vnsel vm3, $0x0, v34  }
0x168: {  	vm2 =	vmand vm7, vm11;
	vm0 =	vmand vm8, vm11;
	v12 =	vmul.f32 v12, v31  }
0x169: {  	v29 =	vld [tilespmem:$0x70];
	v13 =	vmul.f32 v13, v0;
	v15 =	vmul.f32 v38, v9;
	v16 =	vnsel vm2, $0x0, v36  }
0x16a: {  	v52 =	vld [tilespmem:$0x160];
	v54 =	vnsel vm0, $0x0, v45;
	v32 =	vsub.f32 $1.000000000e+00, v7;
	v16 =	vmul.f32 v16, v31  }
0x16b: {  	v55 =	vsub.f32 $1.000000000e+00, v11;
	v9 =	vmul.f32 v54, v9;
	v41 =	vtrunc.f32 v13  }
0x16c: {  	v62 =	vadd.f32 $1.000000000e+00, v20;
	v12 =	vmul.f32 v12, v32;
	v42 =	vcvt.f32.s32 v41  }
0x16d: {  	vm13 =	vlt.f32 v13, v41;
	v15 =	vmul.f32 v15, v32;
	v51 =	vmul.f32 v16, v7  }
0x16e: {  	v59 =	vld [tilespmem:$0x740];
	v7 =	vmul.f32 v9, v7;
	v44 =	vsel vm13, $0xFFFFFFFF, v2;
	v39 =	vadd.f32 v29, v29  }
0x16f: {  	v57 =	vld [tilespmem:$0x650];
	v47 =	vadd.s32 v42, v44;
	v50 =	vadd.f32 v15, v12;
	v15 =	vadd.f32 v52, v52  }
0x170: {  	v19 =	vcvt.s32.f32 v47;
	vm8 =	vgt.s32 v47, $0xFFFFFFFF;
	v60 =	vadd.s32 $0x1, v47  }
0x171: {  	v61 =	vld [tilespmem:$0x830];
	v17 =	vor.u32 v46, v47;
	v40 =	vadd.f32 $-1.000000000e+00, v39;
	v53 =	vadd.f32 v51, v50  }
0x172: {  	v24 =	vld [tilespmem:$0x920];
	vm9 =	vlt.s32 v60, $0x100;
	vm10 =	vgt.s32 v17, $0xFFFFFFFF;
	v15 =	vadd.f32 $-1.000000000e+00, v15  }
0x173: {  	vm2 =	vmand vm15, vm8;
	v17 =	vmul.f32 $2.560000000e+02, v62;
	v13 =	vsub.f32 v13, v19  }
0x174: {  	v32 =	vld [tilespmem:$0x170];
	v16 =	vnsel vm10, $0x0, v57;
	v63 =	vnsel vm2, $0x0, v59;
	vm0 =	vmand vm14, vm9  }
0x175: {  	v49 =	vld [tilespmem:$0x80];
	vm11 =	vmand vm15, vm9;
	v16 =	vmul.f32 v16, v55;
	v15 =	vadd.f32 $1.000000000e+00, v15  }
0x176: {  	v51 =	vld [tilespmem:$0x180];
	v19 =	vmul.f32 v63, v11;
	v18 =	vnsel vm0, $0x0, v61;
	v17 =	vadd.f32 $-1.000000000e+00, v17  }
0x177: {  	v27 =	vnsel vm11, $0x0, v24;
	v56 =	vsub.f32 $1.000000000e+00, v13;
	v12 =	vmul.f32 v18, v55  }
0x178: {  	v8 =	vadd.f32 v53, v7;
	v9 =	vmul.f32 v27, v11;
	v15 =	vmul.f32 $2.560000000e+02, v15  }
0x179: {  	v11 =	vadd.f32 v32, v32;
	v26 =	vmul.f32 v17, v0;
	v16 =	vmul.f32 v16, v56  }
0x17a: {  	v18 =	vadd.f32 v49, v49;
	v14 =	vmul.f32 v19, v56;
	v12 =	vmul.f32 v12, v13  }
0x17b: {  	v9 =	vmul.f32 v9, v13;
	v11 =	vadd.f32 $-1.000000000e+00, v11;
	v20 =	vadd.f32 v51, v51  }
0x17c: {  	v25 =	vadd.f32 $-1.000000000e+00, v15;
	v28 =	vtrunc.f32 v26;
	v14 =	vadd.f32 v14, v16  }
0x17d: {  	v30 =	vcvt.f32.s32 v28;
	vm12 =	vlt.f32 v26, v28;
	v11 =	vadd.f32 $1.000000000e+00, v11  }
0x17e: {  	v28 =	vadd.f32 $-1.000000000e+00, v20;
	v10 =	vmul.f32 v25, v0;
	v34 =	vsel vm12, $0xFFFFFFFF, v2  }
0x17f: {  	v61 =	vadd.f32 $-1.000000000e+00, v18;
	v12 =	vadd.f32 v12, v14;
	v35 =	vadd.s32 v30, v34  }
0x180: {  	v11 =	vmul.f32 $2.560000000e+02, v11;
	v19 =	vadd.f32 $1.000000000e+00, v28;
	v31 =	vtrunc.f32 v10  }
0x181: {  	v37 =	vcvt.s32.f32 v35;
	v44 =	vadd.s32 $0x1, v35;
	vm14 =	vgt.s32 v35, $0xFFFFFFFF  }
0x182: {  	v33 =	vcvt.f32.s32 v31;
	vm13 =	vlt.f32 v10, v31;
	v11 =	vadd.f32 $-1.000000000e+00, v11  }
0x183: {  	v45 =	vld [tilespmem:$0x750];
	v7 =	vadd.f32 v12, v9;
	v36 =	vsel vm13, $0xFFFFFFFF, v2;
	v14 =	vsub.f32 v26, v37  }
0x184: {  	v42 =	vld [tilespmem:$0x660];
	vm15 =	vlt.s32 v44, $0x100;
	v16 =	vadd.s32 v33, v36;
	v11 =	vmul.f32 v11, v0  }
0x185: {  	v33 =	vmul.f32 $2.560000000e+02, v19;
	v38 =	vcvt.s32.f32 v16;
	v41 =	vsub.f32 $1.000000000e+00, v14  }
0x186: {  	v46 =	vld [tilespmem:$0x840];
	vm8 =	vgt.s32 v16, $0xFFFFFFFF;
	v13 =	vor.u32 v35, v16;
	v16 =	vadd.s32 $0x1, v16  }
0x187: {  	v54 =	vld [tilespmem:$0x930];
	vm9 =	vgt.s32 v13, $0xFFFFFFFF;
	vm10 =	vlt.s32 v16, $0x100;
	vm2 =	vmand vm15, vm8  }
0x188: {  	v53 =	vtrunc.f32 v11;
	v16 =	vadd.f32 $1.000000000e+00, v61;
	v9 =	vsub.f32 v10, v38  }
0x189: {  	v10 =	vadd.f32 $1.000000000e+00, v40;
	v13 =	vnsel vm9, $0x0, v42;
	v47 =	vnsel vm2, $0x0, v45  }
0x18a: {  	vm0 =	vmand vm14, vm10;
	vm11 =	vmand vm15, vm10;
	v55 =	vcvt.f32.s32 v53  }
0x18b: {  	vm13 =	vlt.f32 v11, v53;
	v13 =	vmul.f32 v13, v41;
	v48 =	vnsel vm0, $0x0, v46  }
0x18c: {  	v15 =	vmul.f32 v47, v14;
	v58 =	vsel vm13, $0xFFFFFFFF, v2;
	v62 =	vnsel vm11, $0x0, v54  }
0x18d: {  	v16 =	vmul.f32 $2.560000000e+02, v16;
	v43 =	vsub.f32 $1.000000000e+00, v9;
	v10 =	vmul.f32 $2.560000000e+02, v10  }
0x18e: {  	v46 =	vld [tilespmem:$0x90];
	v21 =	vadd.s32 v55, v58;
	v12 =	vmul.f32 v48, v41;
	v14 =	vmul.f32 v62, v14  }
0x18f: {  	v60 =	vcvt.s32.f32 v21;
	vm7 =	vgt.s32 v21, $0xFFFFFFFF;
	v16 =	vadd.f32 $-1.000000000e+00, v16  }
0x190: {  	v10 =	vadd.f32 $-1.000000000e+00, v10;
	v13 =	vmul.f32 v13, v43;
	v15 =	vmul.f32 v15, v43  }
0x191: {  	v12 =	vmul.f32 v12, v9;
	v11 =	vsub.f32 v11, v60;
	v16 =	vmul.f32 v16, v0  }
0x192: {  	v9 =	vmul.f32 v14, v9;
	v10 =	vmul.f32 v10, v0;
	v13 =	vadd.f32 v15, v13  }
0x193: {  	v24 =	vadd.f32 v46, v46;
	v30 =	vsub.f32 $1.000000000e+00, v11;
	v36 =	vtrunc.f32 v16  }
0x194: {  	v50 =	vtrunc.f32 v10;
	v37 =	vcvt.f32.s32 v36;
	vm9 =	vlt.f32 v16, v36  }
0x195: {  	v52 =	vcvt.f32.s32 v50;
	vm12 =	vlt.f32 v10, v50;
	v40 =	vsel vm9, $0xFFFFFFFF, v2  }
0x196: {  	v12 =	vadd.f32 v12, v13;
	v56 =	vsel vm12, $0xFFFFFFFF, v2;
	v43 =	vadd.s32 v37, v40  }
0x197: {  	v63 =	vld [tilespmem:$0x670];
	v24 =	vadd.f32 $-1.000000000e+00, v24;
	v57 =	vadd.s32 v52, v56;
	v45 =	vcvt.s32.f32 v43  }
0x198: {  	vm11 =	vgt.s32 v43, $0xFFFFFFFF;
	v55 =	vadd.s32 $0x1, v43;
	v59 =	vcvt.s32.f32 v57  }
0x199: {  	v32 =	vld [tilespmem:$0x760];
	vm14 =	vgt.s32 v57, $0xFFFFFFFF;
	v31 =	vadd.s32 $0x1, v57;
	v17 =	vor.u32 v57, v21  }
0x19a: {  	v42 =	vld [tilespmem:$0x940];
	v21 =	vadd.s32 $0x1, v21;
	vm12 =	vlt.s32 v55, $0x100;
	vm15 =	vlt.s32 v31, $0x100  }
0x19b: {  	v34 =	vld [tilespmem:$0x850];
	vm6 =	vgt.s32 v17, $0xFFFFFFFF;
	v17 =	vadd.f32 $-1.000000000e+00, v33;
	vm8 =	vlt.s32 v21, $0x100  }
0x19c: {  	v13 =	vsub.f32 v16, v45;
	v10 =	vsub.f32 v10, v59;
	v15 =	vnsel vm6, $0x0, v63  }
0x19d: {  	vm3 =	vmand vm15, vm7;
	vm2 =	vmand vm14, vm8;
	vm0 =	vmand vm15, vm8  }
0x19e: {  	v59 =	vadd.f32 $1.000000000e+00, v24;
	v35 =	vnsel vm3, $0x0, v32;
	v17 =	vmul.f32 v17, v0  }
0x19f: {  	v48 =	vld [tilespmem:$0x190];
	v51 =	vnsel vm0, $0x0, v42;
	v29 =	vsub.f32 $1.000000000e+00, v10;
	v21 =	vmul.f32 v35, v10  }
0x1a0: {  	v19 =	vnsel vm2, $0x0, v34;
	v32 =	vld [tilespmem:$0x1A0];
	v10 =	vmul.f32 v51, v10;
	v38 =	vtrunc.f32 v17  }
0x1a1: {  	v52 =	vsub.f32 $1.000000000e+00, v13;
	v15 =	vmul.f32 v15, v29;
	v39 =	vcvt.f32.s32 v38  }
0x1a2: {  	vm10 =	vlt.f32 v17, v38;
	v21 =	vmul.f32 v21, v30;
	v19 =	vmul.f32 v19, v29  }
0x1a3: {  	v54 =	vld [tilespmem:$0x680];
	v10 =	vmul.f32 v10, v11;
	v41 =	vsel vm10, $0xFFFFFFFF, v2;
	v15 =	vmul.f32 v15, v30  }
0x1a4: {  	v56 =	vld [tilespmem:$0x770];
	v44 =	vadd.s32 v39, v41;
	v47 =	vmul.f32 v19, v11;
	v19 =	vadd.f32 v48, v48  }
0x1a5: {  	v38 =	vadd.f32 v32, v32;
	v23 =	vcvt.s32.f32 v44;
	vm13 =	vgt.s32 v44, $0xFFFFFFFF  }
0x1a6: {  	v58 =	vld [tilespmem:$0x860];
	v57 =	vadd.s32 $0x1, v44;
	v20 =	vor.u32 v43, v44;
	v15 =	vadd.f32 v21, v15  }
0x1a7: {  	v61 =	vld [tilespmem:$0x950];
	vm14 =	vlt.s32 v57, $0x100;
	vm15 =	vgt.s32 v20, $0xFFFFFFFF;
	v19 =	vadd.f32 $-1.000000000e+00, v19  }
0x1a8: {  	v29 =	vld [tilespmem:$0xA0];
	vm2 =	vmand vm12, vm13;
	v21 =	vmul.f32 $2.560000000e+02, v59;
	v49 =	vsub.f32 v17, v23  }
0x1a9: {  	v51 =	vld [tilespmem:$0xB0];
	v20 =	vnsel vm15, $0x0, v54;
	v60 =	vnsel vm2, $0x0, v56;
	vm0 =	vmand vm11, vm14  }
0x1aa: {  	vm8 =	vmand vm12, vm14;
	v50 =	vadd.f32 v47, v15;
	v20 =	vmul.f32 v20, v52  }
0x1ab: {  	v19 =	vadd.f32 $1.000000000e+00, v19;
	v23 =	vmul.f32 v60, v13;
	v22 =	vnsel vm0, $0x0, v58  }
0x1ac: {  	v21 =	vadd.f32 $-1.000000000e+00, v21;
	v25 =	vnsel vm8, $0x0, v61;
	v53 =	vsub.f32 $1.000000000e+00, v49  }
0x1ad: {  	v17 =	vmul.f32 v22, v52;
	v11 =	vmul.f32 v25, v13;
	v13 =	vadd.f32 v29, v29  }
0x1ae: {  	v22 =	vadd.f32 v51, v51;
	v19 =	vmul.f32 $2.560000000e+02, v19;
	v63 =	vmul.f32 v21, v0  }
0x1af: {  	v10 =	vadd.f32 v50, v10;
	v20 =	vmul.f32 v20, v53;
	v18 =	vmul.f32 v23, v53  }
0x1b0: {  	v17 =	vmul.f32 v17, v49;
	v16 =	vmul.f32 v11, v49;
	v13 =	vadd.f32 $-1.000000000e+00, v13  }
0x1b1: {  	v62 =	vadd.f32 $-1.000000000e+00, v19;
	v26 =	vtrunc.f32 v63;
	v18 =	vadd.f32 v18, v20  }
0x1b2: {  	v27 =	vcvt.f32.s32 v26;
	vm9 =	vlt.f32 v63, v26;
	v13 =	vadd.f32 $1.000000000e+00, v13  }
0x1b3: {  	v11 =	vadd.f32 v12, v9;
	v15 =	vmul.f32 v62, v0;
	v31 =	vsel vm9, $0xFFFFFFFF, v2  }
0x1b4: {  	v17 =	vadd.f32 v17, v18;
	v18 =	vadd.s32 v27, v31;
	v13 =	vmul.f32 $2.560000000e+02, v13  }
0x1b5: {  	v60 =	vadd.f32 $-1.000000000e+00, v22;
	v28 =	vtrunc.f32 v15;
	v35 =	vcvt.s32.f32 v18  }
0x1b6: {  	vm11 =	vgt.s32 v18, $0xFFFFFFFF;
	v30 =	vcvt.f32.s32 v28;
	vm10 =	vlt.f32 v15, v28  }
0x1b7: {  	v41 =	vld [tilespmem:$0x690];
	v42 =	vadd.s32 $0x1, v18;
	v13 =	vadd.f32 $-1.000000000e+00, v13;
	v33 =	vsel vm10, $0xFFFFFFFF, v2  }
0x1b8: {  	v43 =	vld [tilespmem:$0x780];
	v9 =	vadd.f32 v17, v16;
	v37 =	vsub.f32 v63, v35;
	v34 =	vadd.s32 v30, v33  }
0x1b9: {  	vm12 =	vlt.s32 v42, $0x100;
	v13 =	vmul.f32 v13, v0;
	v36 =	vcvt.s32.f32 v34  }
0x1ba: {  	v45 =	vld [tilespmem:$0x870];
	v39 =	vsub.f32 $1.000000000e+00, v37;
	v44 =	vadd.s32 $0x1, v34;
	v12 =	vor.u32 v18, v34  }
0x1bb: {  	v49 =	vld [tilespmem:$0x960];
	vm13 =	vgt.s32 v34, $0xFFFFFFFF;
	vm14 =	vlt.s32 v44, $0x100;
	vm15 =	vgt.s32 v12, $0xFFFFFFFF  }
0x1bc: {  	vm2 =	vmand vm12, vm13;
	v50 =	vtrunc.f32 v13;
	v14 =	vsub.f32 v15, v36  }
0x1bd: {  	v15 =	vadd.f32 $-1.000000000e+00, v38;
	v47 =	vnsel vm15, $0x0, v41;
	v48 =	vnsel vm2, $0x0, v43  }
0x1be: {  	vm0 =	vmand vm11, vm14;
	vm8 =	vmand vm12, vm14;
	v52 =	vcvt.f32.s32 v50  }
0x1bf: {  	v54 =	vld [tilespmem:$0x1B0];
	vm9 =	vlt.f32 v13, v50;
	v20 =	vmul.f32 v48, v37;
	v18 =	vnsel vm0, $0x0, v45  }
0x1c0: {  	v44 =	vld [tilespmem:$0x1C0];
	v56 =	vsel vm9, $0xFFFFFFFF, v2;
	v21 =	vnsel vm8, $0x0, v49;
	v40 =	vsub.f32 $1.000000000e+00, v14  }
0x1c1: {  	v15 =	vadd.f32 $1.000000000e+00, v15;
	v23 =	vadd.s32 v52, v56;
	v17 =	vmul.f32 v18, v39  }
0x1c2: {  	v16 =	vmul.f32 v21, v37;
	v18 =	vadd.f32 $1.000000000e+00, v60;
	v58 =	vcvt.s32.f32 v23  }
0x1c3: {  	v31 =	vadd.s32 $0x1, v23;
	vm11 =	vgt.s32 v23, $0xFFFFFFFF;
	v46 =	vmul.f32 $2.560000000e+02, v15  }
0x1c4: {  	v41 =	vld [tilespmem:$0xC0];
	v15 =	vmul.f32 v47, v39;
	v19 =	vmul.f32 v20, v40;
	v20 =	vadd.f32 v54, v54  }
0x1c5: {  	v17 =	vmul.f32 v17, v14;
	v18 =	vmul.f32 $2.560000000e+02, v18;
	v50 =	vadd.f32 v44, v44  }
0x1c6: {  	v14 =	vmul.f32 v16, v14;
	v12 =	vadd.f32 $-1.000000000e+00, v46;
	v20 =	vadd.f32 $-1.000000000e+00, v20  }
0x1c7: {  	vm12 =	vlt.s32 v31, $0x100;
	v13 =	vsub.f32 v13, v58;
	v18 =	vadd.f32 $-1.000000000e+00, v18  }
0x1c8: {  	v15 =	vmul.f32 v15, v40;
	v12 =	vmul.f32 v12, v0;
	v20 =	vadd.f32 $1.000000000e+00, v20  }
0x1c9: {  	v49 =	vadd.f32 v41, v41;
	v61 =	vsub.f32 $1.000000000e+00, v13;
	v18 =	vmul.f32 v18, v0  }
0x1ca: {  	v15 =	vadd.f32 v19, v15;
	v53 =	vtrunc.f32 v12;
	v20 =	vmul.f32 $2.560000000e+02, v20  }
0x1cb: {  	v38 =	vtrunc.f32 v18;
	v55 =	vcvt.f32.s32 v53;
	vm10 =	vlt.f32 v12, v53  }
0x1cc: {  	v39 =	vcvt.f32.s32 v38;
	vm7 =	vlt.f32 v18, v38;
	v24 =	vsel vm10, $0xFFFFFFFF, v2  }
0x1cd: {  	v32 =	vld [tilespmem:$0x790];
	v15 =	vadd.f32 v17, v15;
	v43 =	vsel vm7, $0xFFFFFFFF, v2;
	v57 =	vadd.s32 v55, v24  }
0x1ce: {  	v62 =	vld [tilespmem:$0x6A0];
	v20 =	vadd.f32 $-1.000000000e+00, v20;
	v45 =	vadd.s32 v39, v43;
	v59 =	vcvt.s32.f32 v57  }
0x1cf: {  	vm13 =	vgt.s32 v57, $0xFFFFFFFF;
	v23 =	vor.u32 v23, v57;
	v19 =	vadd.s32 $0x1, v57  }
0x1d0: {  	v33 =	vld [tilespmem:$0x880];
	v20 =	vmul.f32 v20, v0;
	v47 =	vcvt.s32.f32 v45;
	v54 =	vadd.s32 $0x1, v45  }
0x1d1: {  	vm9 =	vgt.s32 v45, $0xFFFFFFFF;
	vm14 =	vgt.s32 v23, $0xFFFFFFFF;
	vm15 =	vlt.s32 v19, $0x100  }
0x1d2: {  	v37 =	vld [tilespmem:$0x970];
	vm2 =	vmand vm12, vm13;
	v23 =	vadd.f32 $-1.000000000e+00, v49;
	vm10 =	vlt.s32 v54, $0x100  }
0x1d3: {  	v12 =	vsub.f32 v12, v59;
	v34 =	vnsel vm14, $0x0, v62;
	v35 =	vnsel vm2, $0x0, v32  }
0x1d4: {  	vm0 =	vmand vm11, vm15;
	vm6 =	vmand vm12, vm15;
	v40 =	vtrunc.f32 v20  }
0x1d5: {  	v18 =	vsub.f32 v18, v47;
	v19 =	vmul.f32 v34, v61;
	v36 =	vnsel vm0, $0x0, v33  }
0x1d6: {  	v21 =	vmul.f32 v35, v13;
	v42 =	vcvt.f32.s32 v40;
	vm8 =	vlt.f32 v20, v40  }
0x1d7: {  	v24 =	vnsel vm6, $0x0, v37;
	v23 =	vadd.f32 $1.000000000e+00, v23;
	v63 =	vsub.f32 $1.000000000e+00, v12  }
0x1d8: {  	v32 =	vld [tilespmem:$0xD0];
	v46 =	vsel vm8, $0xFFFFFFFF, v2;
	v16 =	vmul.f32 v36, v61;
	v13 =	vmul.f32 v24, v13  }
0x1d9: {  	v47 =	vld [tilespmem:$0xE0];
	v26 =	vadd.s32 v42, v46;
	v23 =	vmul.f32 $2.560000000e+02, v23;
	v19 =	vmul.f32 v19, v63  }
0x1da: {  	v52 =	vld [tilespmem:$0x6B0];
	v51 =	vsub.f32 $1.000000000e+00, v18;
	v21 =	vmul.f32 v21, v63;
	v48 =	vcvt.s32.f32 v26  }
0x1db: {  	v55 =	vld [tilespmem:$0x7A0];
	v16 =	vmul.f32 v16, v12;
	v12 =	vmul.f32 v13, v12;
	v22 =	vor.u32 v45, v26  }
0x1dc: {  	vm11 =	vgt.s32 v26, $0xFFFFFFFF;
	v26 =	vadd.s32 $0x1, v26;
	vm12 =	vgt.s32 v22, $0xFFFFFFFF  }
0x1dd: {  	v56 =	vld [tilespmem:$0x890];
	vm2 =	vmand vm10, vm11;
	v23 =	vadd.f32 $-1.000000000e+00, v23;
	v17 =	vadd.f32 v32, v32  }
0x1de: {  	v60 =	vld [tilespmem:$0x980];
	vm13 =	vlt.s32 v26, $0x100;
	v54 =	vadd.f32 v47, v47;
	v19 =	vadd.f32 v21, v19  }
0x1df: {  	v20 =	vsub.f32 v20, v48;
	v21 =	vadd.f32 $-1.000000000e+00, v50;
	v24 =	vnsel vm12, $0x0, v52  }
0x1e0: {  	v34 =	vld [tilespmem:$0x1D0];
	v57 =	vnsel vm2, $0x0, v55;
	vm1 =	vmand vm9, vm13;
	v24 =	vmul.f32 v24, v51  }
0x1e1: {  	vm0 =	vmand vm10, vm13;
	v58 =	vmul.f32 v57, v18;
	v23 =	vmul.f32 v23, v0  }
0x1e2: {  	v22 =	vnsel vm1, $0x0, v56;
	v53 =	vsub.f32 $1.000000000e+00, v20;
	v21 =	vadd.f32 $1.000000000e+00, v21  }
0x1e3: {  	v13 =	vmul.f32 v22, v51;
	v16 =	vadd.f32 v16, v19;
	v19 =	vnsel vm0, $0x0, v60  }
0x1e4: {  	v17 =	vadd.f32 $-1.000000000e+00, v17;
	v59 =	vtrunc.f32 v23;
	v18 =	vmul.f32 v19, v18  }
0x1e5: {  	v40 =	vadd.f32 v34, v34;
	v21 =	vmul.f32 $2.560000000e+02, v21;
	v24 =	vmul.f32 v24, v53  }
0x1e6: {  	v17 =	vadd.f32 $1.000000000e+00, v17;
	v25 =	vmul.f32 v58, v53;
	v61 =	vcvt.f32.s32 v59  }
0x1e7: {  	vm14 =	vlt.f32 v23, v59;
	v35 =	vmul.f32 v13, v20;
	v13 =	vadd.f32 v15, v14  }
0x1e8: {  	v12 =	vadd.f32 v16, v12;
	v33 =	vsel vm14, $0xFFFFFFFF, v2;
	v17 =	vmul.f32 $2.560000000e+02, v17  }
0x1e9: {  	v18 =	vmul.f32 v18, v20;
	v21 =	vadd.f32 $-1.000000000e+00, v21;
	v22 =	vadd.s32 v61, v33  }
0x1ea: {  	v24 =	vadd.f32 v25, v24;
	v37 =	vcvt.s32.f32 v22;
	vm6 =	vgt.s32 v22, $0xFFFFFFFF  }
0x1eb: {  	v43 =	vadd.s32 $0x1, v22;
	v17 =	vadd.f32 $-1.000000000e+00, v17;
	v21 =	vmul.f32 v21, v0  }
0x1ec: {  	v14 =	vadd.f32 v35, v24;
	vm7 =	vlt.s32 v43, $0x100;
	v15 =	vsub.f32 v23, v37  }
0x1ed: {  	v23 =	vadd.f32 $-1.000000000e+00, v40;
	v17 =	vmul.f32 v17, v0;
	v62 =	vtrunc.f32 v21  }
0x1ee: {  	v63 =	vcvt.f32.s32 v62;
	vm15 =	vlt.f32 v21, v62;
	v41 =	vsub.f32 $1.000000000e+00, v15  }
0x1ef: {  	v23 =	vadd.f32 $1.000000000e+00, v23;
	v50 =	vtrunc.f32 v17;
	v26 =	vsel vm15, $0xFFFFFFFF, v2  }
0x1f0: {  	v39 =	vld [tilespmem:$0x6C0];
	v52 =	vcvt.f32.s32 v50;
	vm12 =	vlt.f32 v17, v50;
	v36 =	vadd.s32 v63, v26  }
0x1f1: {  	v42 =	vld [tilespmem:$0x7B0];
	v23 =	vmul.f32 $2.560000000e+02, v23;
	v24 =	vsel vm12, $0xFFFFFFFF, v2;
	v26 =	vcvt.s32.f32 v36  }
0x1f2: {  	v44 =	vld [tilespmem:$0x8A0];
	vm8 =	vgt.s32 v36, $0xFFFFFFFF;
	v22 =	vor.u32 v22, v36;
	v25 =	vadd.s32 $0x1, v36  }
0x1f3: {  	v48 =	vld [tilespmem:$0x1E0];
	v24 =	vadd.s32 v52, v24;
	vm9 =	vgt.s32 v22, $0xFFFFFFFF;
	vm2 =	vmand vm7, vm8  }
0x1f4: {  	v45 =	vld [tilespmem:$0x990];
	vm10 =	vlt.s32 v25, $0x100;
	v23 =	vadd.f32 $-1.000000000e+00, v23;
	v28 =	vcvt.s32.f32 v24  }
0x1f5: {  	vm14 =	vgt.s32 v24, $0xFFFFFFFF;
	v62 =	vadd.s32 $0x1, v24;
	v38 =	vsub.f32 v21, v26  }
0x1f6: {  	v21 =	vnsel vm9, $0x0, v39;
	v27 =	vnsel vm2, $0x0, v42;
	vm0 =	vmand vm6, vm10  }
0x1f7: {  	vm11 =	vmand vm7, vm10;
	v21 =	vmul.f32 v21, v41;
	v46 =	vmul.f32 v27, v15  }
0x1f8: {  	v22 =	vnsel vm0, $0x0, v44;
	v23 =	vmul.f32 v23, v0;
	v27 =	vadd.f32 v48, v48  }
0x1f9: {  	v49 =	vnsel vm11, $0x0, v45;
	v17 =	vsub.f32 v17, v28;
	v26 =	vsub.f32 $1.000000000e+00, v38  }
0x1fa: {  	vm0 =	vlt.s32 v62, $0x100;
	v22 =	vmul.f32 v22, v41;
	v15 =	vmul.f32 v49, v15  }
0x1fb: {  	v51 =	vtrunc.f32 v23;
	v27 =	vadd.f32 $-1.000000000e+00, v27;
	v21 =	vmul.f32 v21, v26  }
0x1fc: {  	v25 =	vmul.f32 v46, v26;
	v53 =	vcvt.f32.s32 v51;
	vm13 =	vlt.f32 v23, v51  }
0x1fd: {  	v59 =	vsub.f32 $1.000000000e+00, v17;
	v22 =	vmul.f32 v22, v38;
	v55 =	vsel vm13, $0xFFFFFFFF, v2  }
0x1fe: {  	v58 =	vld [tilespmem:$0x6D0];
	v21 =	vadd.f32 v25, v21;
	v26 =	vadd.s32 v53, v55;
	v25 =	vadd.f32 $-1.000000000e+00, v54  }
0x1ff: {  	v61 =	vld [tilespmem:$0x7C0];
	v15 =	vmul.f32 v15, v38;
	v57 =	vadd.f32 $1.000000000e+00, v27;
	v29 =	vcvt.s32.f32 v26  }
0x200: {  	vm15 =	vgt.s32 v26, $0xFFFFFFFF;
	v63 =	vadd.s32 $0x1, v26;
	v56 =	vadd.f32 $1.000000000e+00, v25  }
0x201: {  	v50 =	vld [tilespmem:$0x9A0];
	v24 =	vor.u32 v24, v26;
	v20 =	vsub.f32 v23, v29;
	v23 =	vmul.f32 $2.560000000e+02, v57  }
0x202: {  	v44 =	vld [tilespmem:$0x8B0];
	v21 =	vadd.f32 v22, v21;
	vm6 =	vgt.s32 v24, $0xFFFFFFFF;
	v19 =	vmul.f32 $2.560000000e+02, v56  }
0x203: {  	vm2 =	vmand vm0, vm15;
	vm9 =	vlt.s32 v63, $0x100;
	v23 =	vadd.f32 $-1.000000000e+00, v23  }
0x204: {  	v16 =	vnsel vm6, $0x0, v58;
	v33 =	vnsel vm2, $0x0, v61;
	v19 =	vadd.f32 $-1.000000000e+00, v19  }
0x205: {  	vm1 =	vmand vm14, vm9;
	v16 =	vmul.f32 v16, v59;
	v23 =	vmul.f32 v23, v0  }
0x206: {  	vm0 =	vmand vm0, vm9;
	v24 =	vmul.f32 v33, v17;
	v19 =	vmul.f32 v19, v0  }
0x207: {  	v54 =	vnsel vm1, $0x0, v44;
	v57 =	vnsel vm0, $0x0, v50;
	v36 =	vtrunc.f32 v23  }
0x208: {  	v60 =	vsub.f32 $1.000000000e+00, v20;
	v34 =	vtrunc.f32 v19;
	v37 =	vcvt.f32.s32 v36  }
0x209: {  	vm8 =	vlt.f32 v23, v36;
	v35 =	vcvt.f32.s32 v34;
	vm7 =	vlt.f32 v19, v34  }
0x20a: {  	[tilespmem:$0xA30] =	vst v6;
	v6 =	vmul.f32 v54, v59;
	v29 =	vsel vm8, $0xFFFFFFFF, v2;
	v38 =	vsel vm7, $0xFFFFFFFF, v2  }
0x20b: {  	[tilespmem:$0xA50] =	vst v7;
	v42 =	vld [tilespmem:$0x7D0];
	v7 =	vmul.f32 v57, v17;
	v26 =	vadd.s32 v37, v29;
	v27 =	vadd.s32 v35, v38  }
0x20c: {  	v39 =	vld [tilespmem:$0x6E0];
	v41 =	vcvt.s32.f32 v26;
	vm12 =	vgt.s32 v26, $0xFFFFFFFF;
	v40 =	vcvt.s32.f32 v27  }
0x20d: {  	[tilespmem:$0xA20] =	vst v3;
	v3 =	vadd.s32 $0x1, v26;
	v43 =	vor.u32 v27, v26;
	v45 =	vadd.s32 $0x1, v27  }
0x20e: {  	v48 =	vld [tilespmem:$0x8C0];
	vm13 =	vgt.s32 v27, $0xFFFFFFFF;
	vm11 =	vlt.s32 v45, $0x100;
	v19 =	vsub.f32 v19, v40  }
0x20f: {  	vm14 =	vlt.s32 v3, $0x100;
	v23 =	vsub.f32 v23, v41;
	vm4 =	vmand vm11, vm12  }
0x210: {  	v53 =	vld [tilespmem:$0x9B0];
	vm10 =	vgt.s32 v43, $0xFFFFFFFF;
	v51 =	vnsel vm4, $0x0, v42;
	v47 =	vsub.f32 $1.000000000e+00, v19  }
0x211: {  	[tilespmem:$0xA00] =	vst v5;
	v46 =	vnsel vm10, $0x0, v39;
	v52 =	vsub.f32 $1.000000000e+00, v23;
	v3 =	vmul.f32 v51, v19  }
0x212: {  	[tilespmem:$0xA10] =	vst v4;
	v16 =	vmul.f32 v16, v60;
	vm4 =	vmand vm13, vm14;
	v25 =	vmul.f32 v46, v47  }
0x213: {  	[tilespmem:$0xA40] =	vst v8;
	v24 =	vmul.f32 v24, v60;
	v56 =	vnsel vm4, $0x0, v48;
	v3 =	vmul.f32 v3, v52  }
0x214: {  	[tilespmem:$0xA70] =	vst v10;
	vm15 =	vmand vm11, vm14;
	v5 =	vmul.f32 v56, v47;
	v55 =	vmul.f32 v25, v52  }
0x215: {  	[tilespmem:$0xA60] =	vst v11;
	v6 =	vmul.f32 v6, v20;
	v49 =	vadd.f32 v24, v16;
	v58 =	vnsel vm15, $0x0, v53  }
0x216: {  	[tilespmem:$0xA80] =	vst v9;
	v59 =	vmul.f32 v58, v19;
	v5 =	vmul.f32 v5, v23;
	v3 =	vadd.f32 v3, v55  }
0x217: {  	[tilespmem:$0xA90] =	vst v13;
	v62 =	vadd.f32 v21, v15;
	v61 =	vmul.f32 v7, v20;
	v4 =	vadd.f32 v6, v49  }
0x218: {  	[tilespmem:$0xAA0] =	vst v12;
	v60 =	vadd.f32 v14, v18;
	v63 =	vmul.f32 v59, v23;
	v3 =	vadd.f32 v5, v3  }
0x219: {  	[tilespmem:$0xAC0] =	vst v62;
	v4 =	vadd.f32 v4, v61  }
0x21a: {  	[tilespmem:$0xAB0] =	vst v60;
	v3 =	vadd.f32 v3, v63  }
0x21b: {  	p0 =	sne.s32 s7, $0x1;
	[tilespmem:$0xAD0] =	vst v4  }
.Ltmp0:
0x21c: {  	[tilespmem:$0xAE0] =	vst v3;
	(pc) =	sbr.rel @p0 .LBB2_1-.Ltmp0, $4  }
0x21d: {  	[hbm4b:s6+s2] =	stream.linear.scatter [tilespmem:s14], [sflag:$0x2], $0xF0, $0x38;
	[tilespmem:$0xB00] =	vst v63  }
0x21e: {  	_ =	swait.ge [sflag:s8], $0xF0  }
0x21f: {  	[sflag:s8] =	ssyncset.done $0x0  }
0x220: {  	s7 =	sadd.s32 $0xFFFFFFFF, s7;
	[sflag:s8] =	ssyncadd.s32 $0xFFFFFF10  }
0x221: {  	_ =	sfence.sel $0x180000  }
0x222: {  	[bflag:$0x0] =	sbarrier.arrive $0xFFFF  }
0x223: {  	p0 =	sne.s32 s3, $0x0;
	_ =	strace $0x90000047  }
0x224: {  	s0 =	sadd.s32 @!p0 $0x100000, s0;
	[bflag:$0x2] =	sbarrier.arrive $0xFFFF  }
0x225: {  	[sflag:s0] =	ssyncadd.tile.s32 @!p0 $0x1;
	_ =	shalt  }
.Lfunc_end2:
_tile_overlayer_lowered:
.L_overlay_start_2:
0x226: {  	(tag) =	ssettag $0x2  }
0x227: {  	s0 =	rddreg [dreg:$0x0];
	s2 =	stileid.u32  }
0x228: {  	s1 =	rddreg [dreg:$0x1];
	p0 =	sne.s32 s2, $0x0  }
0x229: {  	s3 =	rddreg [dreg:$0x2];
	[bflag:$0x3] =	sbarrier.arrive $0xFFFF;
	s2 =	simm.s32 @!p0 $0x1C02  }
0x22a: {  	[timem:s3], [sflag:s2] =	dma.local @!p0 [hbm:s0], s1  }
0x22b: {  	s0 =	simm.s32 @!p0 $0x2  }
0x22c: {  	_ =	swait.ge @!p0 [sflag:s0], s1  }
0x22d: {  	s1 =	ssub.s32 @!p0 $0x0, s1;
	[sflag:s0] =	ssyncset.done @!p0 $0x0  }
0x22e: {  	[sflag:s0] =	ssyncadd.s32 @!p0 s1  }
0x22f: {  	[bflag:$0x3] =	sbarrier.arrive $0xFFFF  }
0x230: {  	_ =	shalt  }

</sc_bundles>
